<compile_context>
chip_gen: v7x
topology: tpu7x:2x2x1
jax: 0.10.2.dev20260603
libtpu: 0.0.44.dev20260713+nightly
codegen_flags: <defaults>
</compile_context>

<pallas_src>
import functools
import jax
import jax.numpy as jnp
from jax import lax
from jax.experimental import pallas as pl
from jax.experimental.pallas import tpu as pltpu
from jax.experimental.pallas import tpu_sc as plsc

_B = 4
_S = 2048
_L = 16
_NC = 2
_NS = 16
_NW = _NC * _NS
_CH = 16
_TJ = 16
_NJB = _S // (_TJ * _L)


def _sc_rows(S_sc):
    WPB = _NW // _B
    RW = S_sc // WPB
    NCH = RW // _CH
    mesh = plsc.VectorSubcoreMesh(core_axis_name="c", subcore_axis_name="s")

    @functools.partial(
        pl.kernel,
        mesh=mesh,
        out_type=jax.ShapeDtypeStruct((_B, S_sc, _L), jnp.float32),
        scratch_types=[
            pltpu.VMEM((_S,), jnp.float32),
            pltpu.VMEM((_CH, _S), jnp.float32),
            pltpu.VMEM((_CH, _S), jnp.float32),
            pltpu.VMEM((RW, _L), jnp.float32),
            pltpu.SemaphoreType.DMA,
            pltpu.SemaphoreType.DMA,
        ],
    )
    def sc_kernel(inp_hbm, mask_hbm, out_hbm,
                  inp_v, buf0, buf1, part_v, sem0, sem1):
        wid = lax.axis_index("s") * _NC + lax.axis_index("c")
        b = wid // WPB
        i0 = (wid % WPB) * RW

        pltpu.sync_copy(inp_hbm.at[b], inp_v)

        def start(c, buf, sem):
            pltpu.make_async_copy(
                mask_hbm.at[b, pl.ds(i0 + c * _CH, _CH), :], buf, sem
            ).start()

        def wait(buf, sem):
            pltpu.make_async_copy(
                mask_hbm.at[b, pl.ds(i0, _CH), :], buf, sem
            ).wait()

        def compute(buf, c):
            for jb in range(_NJB):
                base = jb * _TJ * _L
                inp_regs = [inp_v[pl.ds(base + t * _L, _L)] for t in range(_TJ)]

                @plsc.parallel_loop(0, _CH, 1, unroll=2)
                def row_body(r, jb=jb, base=base, inp_regs=inp_regs):
                    na = 8
                    accs = [inp_regs[a] * buf[r, pl.ds(base + a * _L, _L)]
                            for a in range(na)]
                    for t in range(na, _TJ):
                        a = t % na
                        accs[a] = accs[a] + inp_regs[t] * buf[r, pl.ds(base + t * _L, _L)]
                    while len(accs) > 1:
                        accs = [accs[i] + accs[i + 1]
                                for i in range(0, len(accs), 2)]
                    if jb == 0:
                        part_v[c * _CH + r] = accs[0]
                    else:
                        plsc.addupdate(part_v.at[c * _CH + r], accs[0])

        start(0, buf0, sem0)

        def pair_body(p, _):
            c0 = 2 * p
            start(c0 + 1, buf1, sem1)
            wait(buf0, sem0)
            compute(buf0, c0)

            @pl.when(c0 + 2 < NCH)
            def _():
                start(c0 + 2, buf0, sem0)

            wait(buf1, sem1)
            compute(buf1, c0 + 1)
            return 0

        lax.fori_loop(0, NCH // 2, pair_body, 0)
        pltpu.sync_copy(part_v, out_hbm.at[b, pl.ds(i0, RW), :])

    return sc_kernel


def _finish_kernel(p_ref, o_ref):
    o_ref[...] = jnp.sum(p_ref[...], axis=-1)


def _tc_finish(partials, S_sc):
    TS = min(512, S_sc)
    return pl.pallas_call(
        _finish_kernel,
        grid=(S_sc // TS,),
        in_specs=[pl.BlockSpec((_B, TS, _L), lambda i: (0, i, 0))],
        out_specs=pl.BlockSpec((_B, TS), lambda i: (0, i)),
        out_shape=jax.ShapeDtypeStruct((_B, S_sc), jnp.float32),
    )(partials)


def _tc_matvec_kernel(inp_ref, mask_ref, out_ref):
    v = inp_ref[...]
    out_ref[...] = jnp.sum(mask_ref[...] * v[:, None, :], axis=-1)


def _tc_rows(S_sc):
    TS = 256
    n_rows = _S - S_sc
    off = S_sc // TS
    return pl.pallas_call(
        _tc_matvec_kernel,
        grid=(n_rows // TS,),
        in_specs=[
            pl.BlockSpec((_B, _S), lambda i: (0, 0)),
            pl.BlockSpec((_B, TS, _S), lambda i: (0, off + i, 0)),
        ],
        out_specs=pl.BlockSpec((_B, TS), lambda i: (0, i)),
        out_shape=jax.ShapeDtypeStruct((_B, n_rows), jnp.float32),
    )


_S_SC = 512


def kernel(input, attention_mask):
    partials = _sc_rows(_S_SC)(input, attention_mask)
    tc_out = _tc_rows(_S_SC)(input, attention_mask)
    sc_out = _tc_finish(partials, _S_SC)
    return jnp.concatenate([sc_out, tc_out], axis=1)

# --- scband reference (transcript-rebuilt; emitter-appended) ---
"""Pipeline reference for scband-attention-61383672594716 (READ-ONLY COPY).

The authoritative reference and input builder live on the scoring server;
editing this copy changes nothing except your own understanding.
"""

import jax, jax.numpy as jnp
import numpy as np


def setup_inputs(seed: int = 0) -> dict:
    key = jax.random.key(seed)
    k1, k2 = jax.random.split(key)
    B, S = 4, 2048
    inp = jax.random.normal(k1, (B, S), dtype=jnp.float32)
    attention_mask = jax.random.uniform(k2, (B, S, S), dtype=jnp.float32)
    return {"input": inp, "attention_mask": attention_mask}


def reference(input, attention_mask):
    # slice_attention: each query position i gets a masked view of all key tokens j:
    #   sliced[b, i, j] = input[b, j] * attention_mask[b, i, j]
    # (return_view=False semantics -> materialized copy; same math)
    sliced = input[:, None, :] * attention_mask  # (B, S, S)
    # merge(axis=-1): each output token is the merged (summed) representation
    # of all tokens it attends to.
    out = jnp.sum(sliced, axis=-1)  # (B, S)
    return out

if __name__ == "__main__":
    import jax
    _d = setup_inputs()
    print(jax.jit(kernel)(*tuple(_d.values())))

</pallas_src>

<mosaic_0001>
#map = affine_map<(d0, d1) -> (0, 0)>
#map1 = affine_map<(d0, d1) -> (0, 0, 0)>
module attributes {stable_mosaic.version = 14 : i64} {
  func.func @sc_kernel(%arg0: i32, %arg1: i32, %arg2: memref<4x2048xf32, #tpu.memory_space<hbm>>, %arg3: memref<4x2048x2048xf32, #tpu.memory_space<hbm>>, %arg4: memref<4x512x16xf32, #tpu.memory_space<hbm>>, %arg5: memref<2048xf32, #tpu.memory_space<vmem>>, %arg6: memref<16x2048xf32, #tpu.memory_space<vmem>>, %arg7: memref<16x2048xf32, #tpu.memory_space<vmem>>, %arg8: memref<64x16xf32, #tpu.memory_space<vmem>>, %arg9: memref<!tpu.dma_semaphore, #tpu.memory_space<semaphore_mem>>, %arg10: memref<!tpu.dma_semaphore, #tpu.memory_space<semaphore_mem>>) attributes {dimension_semantics = [#tpu.dimension_semantics<core_parallel>, #tpu.dimension_semantics<subcore_parallel>], iteration_bounds = array<i64: 2, 16>, scalar_prefetch = 0 : i64, scratch_operands = 6 : i64, tpu.core_type = #tpu.core_type<sc_vector_subcore>, window_params = [{transform_indices = #map}, {transform_indices = #map1}, {transform_indices = #map1}]} {
    %mul3A = arith.constant 2 : i32
    %mul3A_0 = arith.muli %arg1, %mul3A : i32
    %add3A = arith.addi %mul3A_0, %arg0 : i32
    %jit3A = arith.constant 8 : i32
    %div3A = arith.divsi %add3A, %jit3A : i32
    %sign3A = arith.constant 0 : i32
    %sign3A_1 = arith.cmpi sgt, %add3A, %sign3A : i32
    %sign3A_2 = arith.extui %sign3A_1 : i1 to i32
    %sign3A_3 = arith.constant 0 : i32
    %sign3A_4 = arith.cmpi slt, %add3A, %sign3A_3 : i32
    %sign3A_5 = arith.extui %sign3A_4 : i1 to i32
    %sign3A_6 = arith.subi %sign3A_2, %sign3A_5 : i32
    %sign3A_7 = arith.constant 0 : i32
    %sign3A_8 = arith.cmpi sgt, %jit3A, %sign3A_7 : i32
    %sign3A_9 = arith.extui %sign3A_8 : i1 to i32
    %sign3A_10 = arith.constant 0 : i32
    %sign3A_11 = arith.cmpi slt, %jit3A, %sign3A_10 : i32
    %sign3A_12 = arith.extui %sign3A_11 : i1 to i32
    %sign3A_13 = arith.subi %sign3A_9, %sign3A_12 : i32
    %ne3A = arith.cmpi ne, %sign3A_6, %sign3A_13 : i32
    %rem3A = arith.remsi %add3A, %jit3A : i32
    %ne3A_14 = arith.constant 0 : i32
    %ne3A_15 = arith.cmpi ne, %rem3A, %ne3A_14 : i32
    %and3A = arith.andi %ne3A, %ne3A_15 : i1
    %sub3A = arith.constant 1 : i32
    %sub3A_16 = arith.subi %div3A, %sub3A : i32
    %select_n3A = arith.select %and3A, %sub3A_16, %div3A : i32
    %jit3A_17 = arith.constant 8 : i32
    %eq3A = arith.constant 0 : i32
    %eq3A_18 = arith.cmpi eq, %jit3A_17, %eq3A : i32
    %jit3A_19 = arith.constant 1 : i32
    %select_n3A_20 = arith.select %eq3A_18, %jit3A_19, %jit3A_17 : i32
    %rem3A_21 = arith.remsi %add3A, %select_n3A_20 : i32
    %ne3A_22 = arith.constant 0 : i32
    %ne3A_23 = arith.cmpi ne, %rem3A_21, %ne3A_22 : i32
    %lt3A = arith.constant 0 : i32
    %lt3A_24 = arith.cmpi slt, %rem3A_21, %lt3A : i32
    %lt3A_25 = arith.constant 0 : i32
    %lt3A_26 = arith.cmpi slt, %select_n3A_20, %lt3A_25 : i32
    %ne3A_27 = arith.xori %lt3A_24, %lt3A_26 : i1
    %and3A_28 = arith.andi %ne3A_27, %ne3A_23 : i1
    %add3A_29 = arith.addi %rem3A_21, %select_n3A_20 : i32
    %select_n3A_30 = arith.select %and3A_28, %add3A_29, %rem3A_21 : i32
    %mul3A_31 = arith.constant 64 : i32
    %mul3A_32 = arith.muli %select_n3A_30, %mul3A_31 : i32
    "tpu.region"() ({
      %run_scoped3A = tpu.sem_alloc : memref<!tpu.dma_semaphore, #tpu.memory_space<semaphore_mem>>
      %dma_start3A_46 = arith.constant 0 : i32
      %dma_start3A_47 = tpu.memref_slice %arg2[%select_n3A, %dma_start3A_46] : memref<4x2048xf32, #tpu.memory_space<hbm>> -> memref<1x2048xf32, #tpu.memory_space<hbm>>
      %dma_start3A_48 = tpu.memref_squeeze %dma_start3A_47 : memref<1x2048xf32, #tpu.memory_space<hbm>> -> memref<2048xf32, #tpu.memory_space<hbm>>
      %dma_start3A_49 = arith.constant 0 : i32
      %dma_start3A_50 = tpu.memref_slice %arg2[%select_n3A, %dma_start3A_49] : memref<4x2048xf32, #tpu.memory_space<hbm>> -> memref<1x2048xf32, #tpu.memory_space<hbm>>
      %dma_start3A_51 = tpu.memref_squeeze %dma_start3A_50 : memref<1x2048xf32, #tpu.memory_space<hbm>> -> memref<2048xf32, #tpu.memory_space<hbm>>
      tpu.enqueue_dma source(%dma_start3A_51 : memref<2048xf32, #tpu.memory_space<hbm>>) target(%arg5 : memref<2048xf32, #tpu.memory_space<vmem>>) target_semaphore(%run_scoped3A : memref<!tpu.dma_semaphore, #tpu.memory_space<semaphore_mem>>)
      %dma_wait3A = arith.constant 0 : i32
      %dma_wait3A_52 = tpu.memref_slice %arg2[%select_n3A, %dma_wait3A] : memref<4x2048xf32, #tpu.memory_space<hbm>> -> memref<1x2048xf32, #tpu.memory_space<hbm>>
      %dma_wait3A_53 = tpu.memref_squeeze %dma_wait3A_52 : memref<1x2048xf32, #tpu.memory_space<hbm>> -> memref<2048xf32, #tpu.memory_space<hbm>>
      %dma_wait3A_54 = arith.constant 0 : i32
      %dma_wait3A_55 = tpu.memref_slice %arg2[%select_n3A, %dma_wait3A_54] : memref<4x2048xf32, #tpu.memory_space<hbm>> -> memref<1x2048xf32, #tpu.memory_space<hbm>>
      %dma_wait3A_56 = tpu.memref_squeeze %dma_wait3A_55 : memref<1x2048xf32, #tpu.memory_space<hbm>> -> memref<2048xf32, #tpu.memory_space<hbm>>
      tpu.wait_dma2 semaphore(%run_scoped3A : memref<!tpu.dma_semaphore, #tpu.memory_space<semaphore_mem>>) src(%dma_wait3A_56 : memref<2048xf32, #tpu.memory_space<hbm>>) dst(%arg5 : memref<2048xf32, #tpu.memory_space<vmem>>)
      tpu.yield
    }) : () -> ()
    %add3A_33 = arith.constant 0 : i32
    %add3A_34 = arith.addi %mul3A_32, %add3A_33 : i32
    %dma_start3A = arith.constant 0 : i32
    %dma_start3A_35 = tpu.memref_slice %arg3[%select_n3A, %add3A_34, %dma_start3A] : memref<4x2048x2048xf32, #tpu.memory_space<hbm>> -> memref<1x16x2048xf32, #tpu.memory_space<hbm>>
    %dma_start3A_36 = tpu.memref_squeeze %dma_start3A_35 : memref<1x16x2048xf32, #tpu.memory_space<hbm>> -> memref<16x2048xf32, #tpu.memory_space<hbm>>
    %dma_start3A_37 = arith.constant 0 : i32
    %dma_start3A_38 = tpu.memref_slice %arg3[%select_n3A, %add3A_34, %dma_start3A_37] : memref<4x2048x2048xf32, #tpu.memory_space<hbm>> -> memref<1x16x2048xf32, #tpu.memory_space<hbm>>
    %dma_start3A_39 = tpu.memref_squeeze %dma_start3A_38 : memref<1x16x2048xf32, #tpu.memory_space<hbm>> -> memref<16x2048xf32, #tpu.memory_space<hbm>>
    tpu.enqueue_dma source(%dma_start3A_39 : memref<16x2048xf32, #tpu.memory_space<hbm>>) target(%arg6 : memref<16x2048xf32, #tpu.memory_space<vmem>>) target_semaphore(%arg9 : memref<!tpu.dma_semaphore, #tpu.memory_space<semaphore_mem>>)
    %scan3A = arith.constant 0 : i32
    %scan3A_40 = arith.constant 0 : i32
    %scan3A_41 = arith.constant 2 : i32
    %scan3A_42 = arith.addi %scan3A_40, %scan3A_41 : i32
    %scan3A_43 = arith.constant 1 : i32
    %scan3A_44 = scf.for %scan3A_46 = %scan3A_40 to %scan3A_42 step %scan3A_43 iter_args(%scan3A_47 = %scan3A) -> (i32)  : i32 {
      %mul3A_48 = arith.constant 2 : i32
      %mul3A_49 = arith.muli %mul3A_48, %scan3A_46 : i32
      %add3A_50 = arith.constant 1 : i32
      %add3A_51 = arith.addi %mul3A_49, %add3A_50 : i32
      %mul3A_52 = arith.constant 16 : i32
      %mul3A_53 = arith.muli %add3A_51, %mul3A_52 : i32
      %add3A_54 = arith.addi %mul3A_32, %mul3A_53 : i32
      %dma_start3A_55 = arith.constant 0 : i32
      %dma_start3A_56 = tpu.memref_slice %arg3[%select_n3A, %add3A_54, %dma_start3A_55] : memref<4x2048x2048xf32, #tpu.memory_space<hbm>> -> memref<1x16x2048xf32, #tpu.memory_space<hbm>>
      %dma_start3A_57 = tpu.memref_squeeze %dma_start3A_56 : memref<1x16x2048xf32, #tpu.memory_space<hbm>> -> memref<16x2048xf32, #tpu.memory_space<hbm>>
      %dma_start3A_58 = arith.constant 0 : i32
      %dma_start3A_59 = tpu.memref_slice %arg3[%select_n3A, %add3A_54, %dma_start3A_58] : memref<4x2048x2048xf32, #tpu.memory_space<hbm>> -> memref<1x16x2048xf32, #tpu.memory_space<hbm>>
      %dma_start3A_60 = tpu.memref_squeeze %dma_start3A_59 : memref<1x16x2048xf32, #tpu.memory_space<hbm>> -> memref<16x2048xf32, #tpu.memory_space<hbm>>
      tpu.enqueue_dma source(%dma_start3A_60 : memref<16x2048xf32, #tpu.memory_space<hbm>>) target(%arg7 : memref<16x2048xf32, #tpu.memory_space<vmem>>) target_semaphore(%arg10 : memref<!tpu.dma_semaphore, #tpu.memory_space<semaphore_mem>>)
      %dma_wait3A = arith.constant 0 : i32
      %dma_wait3A_61 = tpu.memref_slice %arg3[%select_n3A, %mul3A_32, %dma_wait3A] : memref<4x2048x2048xf32, #tpu.memory_space<hbm>> -> memref<1x16x2048xf32, #tpu.memory_space<hbm>>
      %dma_wait3A_62 = tpu.memref_squeeze %dma_wait3A_61 : memref<1x16x2048xf32, #tpu.memory_space<hbm>> -> memref<16x2048xf32, #tpu.memory_space<hbm>>
      %dma_wait3A_63 = arith.constant 0 : i32
      %dma_wait3A_64 = tpu.memref_slice %arg3[%select_n3A, %mul3A_32, %dma_wait3A_63] : memref<4x2048x2048xf32, #tpu.memory_space<hbm>> -> memref<1x16x2048xf32, #tpu.memory_space<hbm>>
      %dma_wait3A_65 = tpu.memref_squeeze %dma_wait3A_64 : memref<1x16x2048xf32, #tpu.memory_space<hbm>> -> memref<16x2048xf32, #tpu.memory_space<hbm>>
      tpu.wait_dma2 semaphore(%arg9 : memref<!tpu.dma_semaphore, #tpu.memory_space<semaphore_mem>>) src(%dma_wait3A_65 : memref<16x2048xf32, #tpu.memory_space<hbm>>) dst(%arg6 : memref<16x2048xf32, #tpu.memory_space<vmem>>)
      %get3A = arith.constant 0 : index
      %get3A_66 = tpu.vector_load %arg5[%get3A] {strides = array<i32>} : memref<2048xf32, #tpu.memory_space<vmem>>, vector<16xf32>,
      %get3A_67 = vector.shape_cast %get3A_66 : vector<16xf32> to vector<16xf32>
      %get3A_68 = arith.constant 16 : index
      %get3A_69 = tpu.vector_load %arg5[%get3A_68] {strides = array<i32>} : memref<2048xf32, #tpu.memory_space<vmem>>, vector<16xf32>,
      %get3A_70 = vector.shape_cast %get3A_69 : vector<16xf32> to vector<16xf32>
      %get3A_71 = arith.constant 32 : index
      %get3A_72 = tpu.vector_load %arg5[%get3A_71] {strides = array<i32>} : memref<2048xf32, #tpu.memory_space<vmem>>, vector<16xf32>,
      %get3A_73 = vector.shape_cast %get3A_72 : vector<16xf32> to vector<16xf32>
      %get3A_74 = arith.constant 48 : index
      %get3A_75 = tpu.vector_load %arg5[%get3A_74] {strides = array<i32>} : memref<2048xf32, #tpu.memory_space<vmem>>, vector<16xf32>,
      %get3A_76 = vector.shape_cast %get3A_75 : vector<16xf32> to vector<16xf32>
      %get3A_77 = arith.constant 64 : index
      %get3A_78 = tpu.vector_load %arg5[%get3A_77] {strides = array<i32>} : memref<2048xf32, #tpu.memory_space<vmem>>, vector<16xf32>,
      %get3A_79 = vector.shape_cast %get3A_78 : vector<16xf32> to vector<16xf32>
      %get3A_80 = arith.constant 80 : index
      %get3A_81 = tpu.vector_load %arg5[%get3A_80] {strides = array<i32>} : memref<2048xf32, #tpu.memory_space<vmem>>, vector<16xf32>,
      %get3A_82 = vector.shape_cast %get3A_81 : vector<16xf32> to vector<16xf32>
      %get3A_83 = arith.constant 96 : index
      %get3A_84 = tpu.vector_load %arg5[%get3A_83] {strides = array<i32>} : memref<2048xf32, #tpu.memory_space<vmem>>, vector<16xf32>,
      %get3A_85 = vector.shape_cast %get3A_84 : vector<16xf32> to vector<16xf32>
      %get3A_86 = arith.constant 112 : index
      %get3A_87 = tpu.vector_load %arg5[%get3A_86] {strides = array<i32>} : memref<2048xf32, #tpu.memory_space<vmem>>, vector<16xf32>,
      %get3A_88 = vector.shape_cast %get3A_87 : vector<16xf32> to vector<16xf32>
      %get3A_89 = arith.constant 128 : index
      %get3A_90 = tpu.vector_load %arg5[%get3A_89] {strides = array<i32>} : memref<2048xf32, #tpu.memory_space<vmem>>, vector<16xf32>,
      %get3A_91 = vector.shape_cast %get3A_90 : vector<16xf32> to vector<16xf32>
      %get3A_92 = arith.constant 144 : index
      %get3A_93 = tpu.vector_load %arg5[%get3A_92] {strides = array<i32>} : memref<2048xf32, #tpu.memory_space<vmem>>, vector<16xf32>,
      %get3A_94 = vector.shape_cast %get3A_93 : vector<16xf32> to vector<16xf32>
      %get3A_95 = arith.constant 160 : index
      %get3A_96 = tpu.vector_load %arg5[%get3A_95] {strides = array<i32>} : memref<2048xf32, #tpu.memory_space<vmem>>, vector<16xf32>,
      %get3A_97 = vector.shape_cast %get3A_96 : vector<16xf32> to vector<16xf32>
      %get3A_98 = arith.constant 176 : index
      %get3A_99 = tpu.vector_load %arg5[%get3A_98] {strides = array<i32>} : memref<2048xf32, #tpu.memory_space<vmem>>, vector<16xf32>,
      %get3A_100 = vector.shape_cast %get3A_99 : vector<16xf32> to vector<16xf32>
      %get3A_101 = arith.constant 192 : index
      %get3A_102 = tpu.vector_load %arg5[%get3A_101] {strides = array<i32>} : memref<2048xf32, #tpu.memory_space<vmem>>, vector<16xf32>,
      %get3A_103 = vector.shape_cast %get3A_102 : vector<16xf32> to vector<16xf32>
      %get3A_104 = arith.constant 208 : index
      %get3A_105 = tpu.vector_load %arg5[%get3A_104] {strides = array<i32>} : memref<2048xf32, #tpu.memory_space<vmem>>, vector<16xf32>,
      %get3A_106 = vector.shape_cast %get3A_105 : vector<16xf32> to vector<16xf32>
      %get3A_107 = arith.constant 224 : index
      %get3A_108 = tpu.vector_load %arg5[%get3A_107] {strides = array<i32>} : memref<2048xf32, #tpu.memory_space<vmem>>, vector<16xf32>,
      %get3A_109 = vector.shape_cast %get3A_108 : vector<16xf32> to vector<16xf32>
      %get3A_110 = arith.constant 240 : index
      %get3A_111 = tpu.vector_load %arg5[%get3A_110] {strides = array<i32>} : memref<2048xf32, #tpu.memory_space<vmem>>, vector<16xf32>,
      %get3A_112 = vector.shape_cast %get3A_111 : vector<16xf32> to vector<16xf32>
      %parallel_loop3A = arith.constant 0 : i32
      %parallel_loop3A_113 = arith.constant 16 : i32
      %parallel_loop3A_114 = arith.constant 1 : i32
      scf.for %parallel_loop3A_894 = %parallel_loop3A to %parallel_loop3A_113 step %parallel_loop3A_114  : i32 {
        %parallel_loop3A_895 = arith.index_cast %parallel_loop3A_894 : i32 to index
        %parallel_loop3A_896 = arith.constant 0 : index
        %parallel_loop3A_897 = tpu.vector_load %arg6[%parallel_loop3A_895, %parallel_loop3A_896] {strides = array<i32>} : memref<16x2048xf32, #tpu.memory_space<vmem>>, vector<1x16xf32>,
        %parallel_loop3A_898 = vector.shape_cast %parallel_loop3A_897 : vector<1x16xf32> to vector<16xf32>
        %parallel_loop3A_899 = arith.mulf %get3A_67, %parallel_loop3A_898 : vector<16xf32>
        %parallel_loop3A_900 = arith.index_cast %parallel_loop3A_894 : i32 to index
        %parallel_loop3A_901 = arith.constant 16 : index
        %parallel_loop3A_902 = tpu.vector_load %arg6[%parallel_loop3A_900, %parallel_loop3A_901] {strides = array<i32>} : memref<16x2048xf32, #tpu.memory_space<vmem>>, vector<1x16xf32>,
        %parallel_loop3A_903 = vector.shape_cast %parallel_loop3A_902 : vector<1x16xf32> to vector<16xf32>
        %parallel_loop3A_904 = arith.mulf %get3A_70, %parallel_loop3A_903 : vector<16xf32>
        %parallel_loop3A_905 = arith.index_cast %parallel_loop3A_894 : i32 to index
        %parallel_loop3A_906 = arith.constant 32 : index
        %parallel_loop3A_907 = tpu.vector_load %arg6[%parallel_loop3A_905, %parallel_loop3A_906] {strides = array<i32>} : memref<16x2048xf32, #tpu.memory_space<vmem>>, vector<1x16xf32>,
        %parallel_loop3A_908 = vector.shape_cast %parallel_loop3A_907 : vector<1x16xf32> to vector<16xf32>
        %parallel_loop3A_909 = arith.mulf %get3A_73, %parallel_loop3A_908 : vector<16xf32>
        %parallel_loop3A_910 = arith.index_cast %parallel_loop3A_894 : i32 to index
        %parallel_loop3A_911 = arith.constant 48 : index
        %parallel_loop3A_912 = tpu.vector_load %arg6[%parallel_loop3A_910, %parallel_loop3A_911] {strides = array<i32>} : memref<16x2048xf32, #tpu.memory_space<vmem>>, vector<1x16xf32>,
        %parallel_loop3A_913 = vector.shape_cast %parallel_loop3A_912 : vector<1x16xf32> to vector<16xf32>
        %parallel_loop3A_914 = arith.mulf %get3A_76, %parallel_loop3A_913 : vector<16xf32>
        %parallel_loop3A_915 = arith.index_cast %parallel_loop3A_894 : i32 to index
        %parallel_loop3A_916 = arith.constant 64 : index
        %parallel_loop3A_917 = tpu.vector_load %arg6[%parallel_loop3A_915, %parallel_loop3A_916] {strides = array<i32>} : memref<16x2048xf32, #tpu.memory_space<vmem>>, vector<1x16xf32>,
        %parallel_loop3A_918 = vector.shape_cast %parallel_loop3A_917 : vector<1x16xf32> to vector<16xf32>
        %parallel_loop3A_919 = arith.mulf %get3A_79, %parallel_loop3A_918 : vector<16xf32>
        %parallel_loop3A_920 = arith.index_cast %parallel_loop3A_894 : i32 to index
        %parallel_loop3A_921 = arith.constant 80 : index
        %parallel_loop3A_922 = tpu.vector_load %arg6[%parallel_loop3A_920, %parallel_loop3A_921] {strides = array<i32>} : memref<16x2048xf32, #tpu.memory_space<vmem>>, vector<1x16xf32>,
        %parallel_loop3A_923 = vector.shape_cast %parallel_loop3A_922 : vector<1x16xf32> to vector<16xf32>
        %parallel_loop3A_924 = arith.mulf %get3A_82, %parallel_loop3A_923 : vector<16xf32>
        %parallel_loop3A_925 = arith.index_cast %parallel_loop3A_894 : i32 to index
        %parallel_loop3A_926 = arith.constant 96 : index
        %parallel_loop3A_927 = tpu.vector_load %arg6[%parallel_loop3A_925, %parallel_loop3A_926] {strides = array<i32>} : memref<16x2048xf32, #tpu.memory_space<vmem>>, vector<1x16xf32>,
        %parallel_loop3A_928 = vector.shape_cast %parallel_loop3A_927 : vector<1x16xf32> to vector<16xf32>
        %parallel_loop3A_929 = arith.mulf %get3A_85, %parallel_loop3A_928 : vector<16xf32>
        %parallel_loop3A_930 = arith.index_cast %parallel_loop3A_894 : i32 to index
        %parallel_loop3A_931 = arith.constant 112 : index
        %parallel_loop3A_932 = tpu.vector_load %arg6[%parallel_loop3A_930, %parallel_loop3A_931] {strides = array<i32>} : memref<16x2048xf32, #tpu.memory_space<vmem>>, vector<1x16xf32>,
        %parallel_loop3A_933 = vector.shape_cast %parallel_loop3A_932 : vector<1x16xf32> to vector<16xf32>
        %parallel_loop3A_934 = arith.mulf %get3A_88, %parallel_loop3A_933 : vector<16xf32>
        %parallel_loop3A_935 = arith.index_cast %parallel_loop3A_894 : i32 to index
        %parallel_loop3A_936 = arith.constant 128 : index
        %parallel_loop3A_937 = tpu.vector_load %arg6[%parallel_loop3A_935, %parallel_loop3A_936] {strides = array<i32>} : memref<16x2048xf32, #tpu.memory_space<vmem>>, vector<1x16xf32>,
        %parallel_loop3A_938 = vector.shape_cast %parallel_loop3A_937 : vector<1x16xf32> to vector<16xf32>
        %parallel_loop3A_939 = arith.mulf %get3A_91, %parallel_loop3A_938 : vector<16xf32>
        %parallel_loop3A_940 = arith.addf %parallel_loop3A_899, %parallel_loop3A_939 : vector<16xf32>
        %parallel_loop3A_941 = arith.index_cast %parallel_loop3A_894 : i32 to index
        %parallel_loop3A_942 = arith.constant 144 : index
        %parallel_loop3A_943 = tpu.vector_load %arg6[%parallel_loop3A_941, %parallel_loop3A_942] {strides = array<i32>} : memref<16x2048xf32, #tpu.memory_space<vmem>>, vector<1x16xf32>,
        %parallel_loop3A_944 = vector.shape_cast %parallel_loop3A_943 : vector<1x16xf32> to vector<16xf32>
        %parallel_loop3A_945 = arith.mulf %get3A_94, %parallel_loop3A_944 : vector<16xf32>
        %parallel_loop3A_946 = arith.addf %parallel_loop3A_904, %parallel_loop3A_945 : vector<16xf32>
        %parallel_loop3A_947 = arith.index_cast %parallel_loop3A_894 : i32 to index
        %parallel_loop3A_948 = arith.constant 160 : index
        %parallel_loop3A_949 = tpu.vector_load %arg6[%parallel_loop3A_947, %parallel_loop3A_948] {strides = array<i32>} : memref<16x2048xf32, #tpu.memory_space<vmem>>, vector<1x16xf32>,
        %parallel_loop3A_950 = vector.shape_cast %parallel_loop3A_949 : vector<1x16xf32> to vector<16xf32>
        %parallel_loop3A_951 = arith.mulf %get3A_97, %parallel_loop3A_950 : vector<16xf32>
        %parallel_loop3A_952 = arith.addf %parallel_loop3A_909, %parallel_loop3A_951 : vector<16xf32>
        %parallel_loop3A_953 = arith.index_cast %parallel_loop3A_894 : i32 to index
        %parallel_loop3A_954 = arith.constant 176 : index
        %parallel_loop3A_955 = tpu.vector_load %arg6[%parallel_loop3A_953, %parallel_loop3A_954] {strides = array<i32>} : memref<16x2048xf32, #tpu.memory_space<vmem>>, vector<1x16xf32>,
        %parallel_loop3A_956 = vector.shape_cast %parallel_loop3A_955 : vector<1x16xf32> to vector<16xf32>
        %parallel_loop3A_957 = arith.mulf %get3A_100, %parallel_loop3A_956 : vector<16xf32>
        %parallel_loop3A_958 = arith.addf %parallel_loop3A_914, %parallel_loop3A_957 : vector<16xf32>
        %parallel_loop3A_959 = arith.index_cast %parallel_loop3A_894 : i32 to index
        %parallel_loop3A_960 = arith.constant 192 : index
        %parallel_loop3A_961 = tpu.vector_load %arg6[%parallel_loop3A_959, %parallel_loop3A_960] {strides = array<i32>} : memref<16x2048xf32, #tpu.memory_space<vmem>>, vector<1x16xf32>,
        %parallel_loop3A_962 = vector.shape_cast %parallel_loop3A_961 : vector<1x16xf32> to vector<16xf32>
        %parallel_loop3A_963 = arith.mulf %get3A_103, %parallel_loop3A_962 : vector<16xf32>
        %parallel_loop3A_964 = arith.addf %parallel_loop3A_919, %parallel_loop3A_963 : vector<16xf32>
        %parallel_loop3A_965 = arith.index_cast %parallel_loop3A_894 : i32 to index
        %parallel_loop3A_966 = arith.constant 208 : index
        %parallel_loop3A_967 = tpu.vector_load %arg6[%parallel_loop3A_965, %parallel_loop3A_966] {strides = array<i32>} : memref<16x2048xf32, #tpu.memory_space<vmem>>, vector<1x16xf32>,
        %parallel_loop3A_968 = vector.shape_cast %parallel_loop3A_967 : vector<1x16xf32> to vector<16xf32>
        %parallel_loop3A_969 = arith.mulf %get3A_106, %parallel_loop3A_968 : vector<16xf32>
        %parallel_loop3A_970 = arith.addf %parallel_loop3A_924, %parallel_loop3A_969 : vector<16xf32>
        %parallel_loop3A_971 = arith.index_cast %parallel_loop3A_894 : i32 to index
        %parallel_loop3A_972 = arith.constant 224 : index
        %parallel_loop3A_973 = tpu.vector_load %arg6[%parallel_loop3A_971, %parallel_loop3A_972] {strides = array<i32>} : memref<16x2048xf32, #tpu.memory_space<vmem>>, vector<1x16xf32>,
        %parallel_loop3A_974 = vector.shape_cast %parallel_loop3A_973 : vector<1x16xf32> to vector<16xf32>
        %parallel_loop3A_975 = arith.mulf %get3A_109, %parallel_loop3A_974 : vector<16xf32>
        %parallel_loop3A_976 = arith.addf %parallel_loop3A_929, %parallel_loop3A_975 : vector<16xf32>
        %parallel_loop3A_977 = arith.index_cast %parallel_loop3A_894 : i32 to index
        %parallel_loop3A_978 = arith.constant 240 : index
        %parallel_loop3A_979 = tpu.vector_load %arg6[%parallel_loop3A_977, %parallel_loop3A_978] {strides = array<i32>} : memref<16x2048xf32, #tpu.memory_space<vmem>>, vector<1x16xf32>,
        %parallel_loop3A_980 = vector.shape_cast %parallel_loop3A_979 : vector<1x16xf32> to vector<16xf32>
        %parallel_loop3A_981 = arith.mulf %get3A_112, %parallel_loop3A_980 : vector<16xf32>
        %parallel_loop3A_982 = arith.addf %parallel_loop3A_934, %parallel_loop3A_981 : vector<16xf32>
        %parallel_loop3A_983 = arith.addf %parallel_loop3A_940, %parallel_loop3A_946 : vector<16xf32>
        %parallel_loop3A_984 = arith.addf %parallel_loop3A_952, %parallel_loop3A_958 : vector<16xf32>
        %parallel_loop3A_985 = arith.addf %parallel_loop3A_964, %parallel_loop3A_970 : vector<16xf32>
        %parallel_loop3A_986 = arith.addf %parallel_loop3A_976, %parallel_loop3A_982 : vector<16xf32>
        %parallel_loop3A_987 = arith.addf %parallel_loop3A_983, %parallel_loop3A_984 : vector<16xf32>
        %parallel_loop3A_988 = arith.addf %parallel_loop3A_985, %parallel_loop3A_986 : vector<16xf32>
        %parallel_loop3A_989 = arith.addf %parallel_loop3A_987, %parallel_loop3A_988 : vector<16xf32>
        %parallel_loop3A_990 = arith.constant 16 : i32
        %parallel_loop3A_991 = arith.muli %mul3A_49, %parallel_loop3A_990 : i32
        %parallel_loop3A_992 = arith.addi %parallel_loop3A_991, %parallel_loop3A_894 : i32
        %parallel_loop3A_993 = arith.index_cast %parallel_loop3A_992 : i32 to index
        %parallel_loop3A_994 = arith.constant 0 : index
        %parallel_loop3A_995 = tpu.vector_load %arg8[%parallel_loop3A_993, %parallel_loop3A_994] {strides = array<i32>} : memref<64x16xf32, #tpu.memory_space<vmem>>, vector<1x16xf32>,
        %parallel_loop3A_996 = vector.shape_cast %parallel_loop3A_995 : vector<1x16xf32> to vector<16xf32>
        %parallel_loop3A_997 = vector.shape_cast %parallel_loop3A_989 : vector<16xf32> to vector<1x16xf32>
        tpu.vector_store %arg8[%parallel_loop3A_993, %parallel_loop3A_994], %parallel_loop3A_997 {strides = array<i32>} : memref<64x16xf32, #tpu.memory_space<vmem>>, vector<1x16xf32>,
      } {sc.loop_unroll_factor = 2 : i64, sc.parallel_access}
      %get3A_115 = arith.constant 256 : index
      %get3A_116 = tpu.vector_load %arg5[%get3A_115] {strides = array<i32>} : memref<2048xf32, #tpu.memory_space<vmem>>, vector<16xf32>,
      %get3A_117 = vector.shape_cast %get3A_116 : vector<16xf32> to vector<16xf32>
      %get3A_118 = arith.constant 272 : index
      %get3A_119 = tpu.vector_load %arg5[%get3A_118] {strides = array<i32>} : memref<2048xf32, #tpu.memory_space<vmem>>, vector<16xf32>,
      %get3A_120 = vector.shape_cast %get3A_119 : vector<16xf32> to vector<16xf32>
      %get3A_121 = arith.constant 288 : index
      %get3A_122 = tpu.vector_load %arg5[%get3A_121] {strides = array<i32>} : memref<2048xf32, #tpu.memory_space<vmem>>, vector<16xf32>,
      %get3A_123 = vector.shape_cast %get3A_122 : vector<16xf32> to vector<16xf32>
      %get3A_124 = arith.constant 304 : index
      %get3A_125 = tpu.vector_load %arg5[%get3A_124] {strides = array<i32>} : memref<2048xf32, #tpu.memory_space<vmem>>, vector<16xf32>,
      %get3A_126 = vector.shape_cast %get3A_125 : vector<16xf32> to vector<16xf32>
      %get3A_127 = arith.constant 320 : index
      %get3A_128 = tpu.vector_load %arg5[%get3A_127] {strides = array<i32>} : memref<2048xf32, #tpu.memory_space<vmem>>, vector<16xf32>,
      %get3A_129 = vector.shape_cast %get3A_128 : vector<16xf32> to vector<16xf32>
      %get3A_130 = arith.constant 336 : index
      %get3A_131 = tpu.vector_load %arg5[%get3A_130] {strides = array<i32>} : memref<2048xf32, #tpu.memory_space<vmem>>, vector<16xf32>,
      %get3A_132 = vector.shape_cast %get3A_131 : vector<16xf32> to vector<16xf32>
      %get3A_133 = arith.constant 352 : index
      %get3A_134 = tpu.vector_load %arg5[%get3A_133] {strides = array<i32>} : memref<2048xf32, #tpu.memory_space<vmem>>, vector<16xf32>,
      %get3A_135 = vector.shape_cast %get3A_134 : vector<16xf32> to vector<16xf32>
      %get3A_136 = arith.constant 368 : index
      %get3A_137 = tpu.vector_load %arg5[%get3A_136] {strides = array<i32>} : memref<2048xf32, #tpu.memory_space<vmem>>, vector<16xf32>,
      %get3A_138 = vector.shape_cast %get3A_137 : vector<16xf32> to vector<16xf32>
      %get3A_139 = arith.constant 384 : index
      %get3A_140 = tpu.vector_load %arg5[%get3A_139] {strides = array<i32>} : memref<2048xf32, #tpu.memory_space<vmem>>, vector<16xf32>,
      %get3A_141 = vector.shape_cast %get3A_140 : vector<16xf32> to vector<16xf32>
      %get3A_142 = arith.constant 400 : index
      %get3A_143 = tpu.vector_load %arg5[%get3A_142] {strides = array<i32>} : memref<2048xf32, #tpu.memory_space<vmem>>, vector<16xf32>,
      %get3A_144 = vector.shape_cast %get3A_143 : vector<16xf32> to vector<16xf32>
      %get3A_145 = arith.constant 416 : index
      %get3A_146 = tpu.vector_load %arg5[%get3A_145] {strides = array<i32>} : memref<2048xf32, #tpu.memory_space<vmem>>, vector<16xf32>,
      %get3A_147 = vector.shape_cast %get3A_146 : vector<16xf32> to vector<16xf32>
      %get3A_148 = arith.constant 432 : index
      %get3A_149 = tpu.vector_load %arg5[%get3A_148] {strides = array<i32>} : memref<2048xf32, #tpu.memory_space<vmem>>, vector<16xf32>,
      %get3A_150 = vector.shape_cast %get3A_149 : vector<16xf32> to vector<16xf32>
      %get3A_151 = arith.constant 448 : index
      %get3A_152 = tpu.vector_load %arg5[%get3A_151] {strides = array<i32>} : memref<2048xf32, #tpu.memory_space<vmem>>, vector<16xf32>,
      %get3A_153 = vector.shape_cast %get3A_152 : vector<16xf32> to vector<16xf32>
      %get3A_154 = arith.constant 464 : index
      %get3A_155 = tpu.vector_load %arg5[%get3A_154] {strides = array<i32>} : memref<2048xf32, #tpu.memory_space<vmem>>, vector<16xf32>,
      %get3A_156 = vector.shape_cast %get3A_155 : vector<16xf32> to vector<16xf32>
      %get3A_157 = arith.constant 480 : index
      %get3A_158 = tpu.vector_load %arg5[%get3A_157] {strides = array<i32>} : memref<2048xf32, #tpu.memory_space<vmem>>, vector<16xf32>,
      %get3A_159 = vector.shape_cast %get3A_158 : vector<16xf32> to vector<16xf32>
      %get3A_160 = arith.constant 496 : index
      %get3A_161 = tpu.vector_load %arg5[%get3A_160] {strides = array<i32>} : memref<2048xf32, #tpu.memory_space<vmem>>, vector<16xf32>,
      %get3A_162 = vector.shape_cast %get3A_161 : vector<16xf32> to vector<16xf32>
      %parallel_loop3A_163 = arith.constant 0 : i32
      %parallel_loop3A_164 = arith.constant 16 : i32
      %parallel_loop3A_165 = arith.constant 1 : i32
      scf.for %parallel_loop3A_894 = %parallel_loop3A_163 to %parallel_loop3A_164 step %parallel_loop3A_165  : i32 {
        %parallel_loop3A_895 = arith.index_cast %parallel_loop3A_894 : i32 to index
        %parallel_loop3A_896 = arith.constant 256 : index
        %parallel_loop3A_897 = tpu.vector_load %arg6[%parallel_loop3A_895, %parallel_loop3A_896] {strides = array<i32>} : memref<16x2048xf32, #tpu.memory_space<vmem>>, vector<1x16xf32>,
        %parallel_loop3A_898 = vector.shape_cast %parallel_loop3A_897 : vector<1x16xf32> to vector<16xf32>
        %parallel_loop3A_899 = arith.mulf %get3A_117, %parallel_loop3A_898 : vector<16xf32>
        %parallel_loop3A_900 = arith.index_cast %parallel_loop3A_894 : i32 to index
        %parallel_loop3A_901 = arith.constant 272 : index
        %parallel_loop3A_902 = tpu.vector_load %arg6[%parallel_loop3A_900, %parallel_loop3A_901] {strides = array<i32>} : memref<16x2048xf32, #tpu.memory_space<vmem>>, vector<1x16xf32>,
        %parallel_loop3A_903 = vector.shape_cast %parallel_loop3A_902 : vector<1x16xf32> to vector<16xf32>
        %parallel_loop3A_904 = arith.mulf %get3A_120, %parallel_loop3A_903 : vector<16xf32>
        %parallel_loop3A_905 = arith.index_cast %parallel_loop3A_894 : i32 to index
        %parallel_loop3A_906 = arith.constant 288 : index
        %parallel_loop3A_907 = tpu.vector_load %arg6[%parallel_loop3A_905, %parallel_loop3A_906] {strides = array<i32>} : memref<16x2048xf32, #tpu.memory_space<vmem>>, vector<1x16xf32>,
        %parallel_loop3A_908 = vector.shape_cast %parallel_loop3A_907 : vector<1x16xf32> to vector<16xf32>
        %parallel_loop3A_909 = arith.mulf %get3A_123, %parallel_loop3A_908 : vector<16xf32>
        %parallel_loop3A_910 = arith.index_cast %parallel_loop3A_894 : i32 to index
        %parallel_loop3A_911 = arith.constant 304 : index
        %parallel_loop3A_912 = tpu.vector_load %arg6[%parallel_loop3A_910, %parallel_loop3A_911] {strides = array<i32>} : memref<16x2048xf32, #tpu.memory_space<vmem>>, vector<1x16xf32>,
        %parallel_loop3A_913 = vector.shape_cast %parallel_loop3A_912 : vector<1x16xf32> to vector<16xf32>
        %parallel_loop3A_914 = arith.mulf %get3A_126, %parallel_loop3A_913 : vector<16xf32>
        %parallel_loop3A_915 = arith.index_cast %parallel_loop3A_894 : i32 to index
        %parallel_loop3A_916 = arith.constant 320 : index
        %parallel_loop3A_917 = tpu.vector_load %arg6[%parallel_loop3A_915, %parallel_loop3A_916] {strides = array<i32>} : memref<16x2048xf32, #tpu.memory_space<vmem>>, vector<1x16xf32>,
        %parallel_loop3A_918 = vector.shape_cast %parallel_loop3A_917 : vector<1x16xf32> to vector<16xf32>
        %parallel_loop3A_919 = arith.mulf %get3A_129, %parallel_loop3A_918 : vector<16xf32>
        %parallel_loop3A_920 = arith.index_cast %parallel_loop3A_894 : i32 to index
        %parallel_loop3A_921 = arith.constant 336 : index
        %parallel_loop3A_922 = tpu.vector_load %arg6[%parallel_loop3A_920, %parallel_loop3A_921] {strides = array<i32>} : memref<16x2048xf32, #tpu.memory_space<vmem>>, vector<1x16xf32>,
        %parallel_loop3A_923 = vector.shape_cast %parallel_loop3A_922 : vector<1x16xf32> to vector<16xf32>
        %parallel_loop3A_924 = arith.mulf %get3A_132, %parallel_loop3A_923 : vector<16xf32>
        %parallel_loop3A_925 = arith.index_cast %parallel_loop3A_894 : i32 to index
        %parallel_loop3A_926 = arith.constant 352 : index
        %parallel_loop3A_927 = tpu.vector_load %arg6[%parallel_loop3A_925, %parallel_loop3A_926] {strides = array<i32>} : memref<16x2048xf32, #tpu.memory_space<vmem>>, vector<1x16xf32>,
        %parallel_loop3A_928 = vector.shape_cast %parallel_loop3A_927 : vector<1x16xf32> to vector<16xf32>
        %parallel_loop3A_929 = arith.mulf %get3A_135, %parallel_loop3A_928 : vector<16xf32>
        %parallel_loop3A_930 = arith.index_cast %parallel_loop3A_894 : i32 to index
        %parallel_loop3A_931 = arith.constant 368 : index
        %parallel_loop3A_932 = tpu.vector_load %arg6[%parallel_loop3A_930, %parallel_loop3A_931] {strides = array<i32>} : memref<16x2048xf32, #tpu.memory_space<vmem>>, vector<1x16xf32>,
        %parallel_loop3A_933 = vector.shape_cast %parallel_loop3A_932 : vector<1x16xf32> to vector<16xf32>
        %parallel_loop3A_934 = arith.mulf %get3A_138, %parallel_loop3A_933 : vector<16xf32>
        %parallel_loop3A_935 = arith.index_cast %parallel_loop3A_894 : i32 to index
        %parallel_loop3A_936 = arith.constant 384 : index
        %parallel_loop3A_937 = tpu.vector_load %arg6[%parallel_loop3A_935, %parallel_loop3A_936] {strides = array<i32>} : memref<16x2048xf32, #tpu.memory_space<vmem>>, vector<1x16xf32>,
        %parallel_loop3A_938 = vector.shape_cast %parallel_loop3A_937 : vector<1x16xf32> to vector<16xf32>
        %parallel_loop3A_939 = arith.mulf %get3A_141, %parallel_loop3A_938 : vector<16xf32>
        %parallel_loop3A_940 = arith.addf %parallel_loop3A_899, %parallel_loop3A_939 : vector<16xf32>
        %parallel_loop3A_941 = arith.index_cast %parallel_loop3A_894 : i32 to index
        %parallel_loop3A_942 = arith.constant 400 : index
        %parallel_loop3A_943 = tpu.vector_load %arg6[%parallel_loop3A_941, %parallel_loop3A_942] {strides = array<i32>} : memref<16x2048xf32, #tpu.memory_space<vmem>>, vector<1x16xf32>,
        %parallel_loop3A_944 = vector.shape_cast %parallel_loop3A_943 : vector<1x16xf32> to vector<16xf32>
        %parallel_loop3A_945 = arith.mulf %get3A_144, %parallel_loop3A_944 : vector<16xf32>
        %parallel_loop3A_946 = arith.addf %parallel_loop3A_904, %parallel_loop3A_945 : vector<16xf32>
        %parallel_loop3A_947 = arith.index_cast %parallel_loop3A_894 : i32 to index
        %parallel_loop3A_948 = arith.constant 416 : index
        %parallel_loop3A_949 = tpu.vector_load %arg6[%parallel_loop3A_947, %parallel_loop3A_948] {strides = array<i32>} : memref<16x2048xf32, #tpu.memory_space<vmem>>, vector<1x16xf32>,
        %parallel_loop3A_950 = vector.shape_cast %parallel_loop3A_949 : vector<1x16xf32> to vector<16xf32>
        %parallel_loop3A_951 = arith.mulf %get3A_147, %parallel_loop3A_950 : vector<16xf32>
        %parallel_loop3A_952 = arith.addf %parallel_loop3A_909, %parallel_loop3A_951 : vector<16xf32>
        %parallel_loop3A_953 = arith.index_cast %parallel_loop3A_894 : i32 to index
        %parallel_loop3A_954 = arith.constant 432 : index
        %parallel_loop3A_955 = tpu.vector_load %arg6[%parallel_loop3A_953, %parallel_loop3A_954] {strides = array<i32>} : memref<16x2048xf32, #tpu.memory_space<vmem>>, vector<1x16xf32>,
        %parallel_loop3A_956 = vector.shape_cast %parallel_loop3A_955 : vector<1x16xf32> to vector<16xf32>
        %parallel_loop3A_957 = arith.mulf %get3A_150, %parallel_loop3A_956 : vector<16xf32>
        %parallel_loop3A_958 = arith.addf %parallel_loop3A_914, %parallel_loop3A_957 : vector<16xf32>
        %parallel_loop3A_959 = arith.index_cast %parallel_loop3A_894 : i32 to index
        %parallel_loop3A_960 = arith.constant 448 : index
        %parallel_loop3A_961 = tpu.vector_load %arg6[%parallel_loop3A_959, %parallel_loop3A_960] {strides = array<i32>} : memref<16x2048xf32, #tpu.memory_space<vmem>>, vector<1x16xf32>,
        %parallel_loop3A_962 = vector.shape_cast %parallel_loop3A_961 : vector<1x16xf32> to vector<16xf32>
        %parallel_loop3A_963 = arith.mulf %get3A_153, %parallel_loop3A_962 : vector<16xf32>
        %parallel_loop3A_964 = arith.addf %parallel_loop3A_919, %parallel_loop3A_963 : vector<16xf32>
        %parallel_loop3A_965 = arith.index_cast %parallel_loop3A_894 : i32 to index
        %parallel_loop3A_966 = arith.constant 464 : index
        %parallel_loop3A_967 = tpu.vector_load %arg6[%parallel_loop3A_965, %parallel_loop3A_966] {strides = array<i32>} : memref<16x2048xf32, #tpu.memory_space<vmem>>, vector<1x16xf32>,
        %parallel_loop3A_968 = vector.shape_cast %parallel_loop3A_967 : vector<1x16xf32> to vector<16xf32>
        %parallel_loop3A_969 = arith.mulf %get3A_156, %parallel_loop3A_968 : vector<16xf32>
        %parallel_loop3A_970 = arith.addf %parallel_loop3A_924, %parallel_loop3A_969 : vector<16xf32>
        %parallel_loop3A_971 = arith.index_cast %parallel_loop3A_894 : i32 to index
        %parallel_loop3A_972 = arith.constant 480 : index
        %parallel_loop3A_973 = tpu.vector_load %arg6[%parallel_loop3A_971, %parallel_loop3A_972] {strides = array<i32>} : memref<16x2048xf32, #tpu.memory_space<vmem>>, vector<1x16xf32>,
        %parallel_loop3A_974 = vector.shape_cast %parallel_loop3A_973 : vector<1x16xf32> to vector<16xf32>
        %parallel_loop3A_975 = arith.mulf %get3A_159, %parallel_loop3A_974 : vector<16xf32>
        %parallel_loop3A_976 = arith.addf %parallel_loop3A_929, %parallel_loop3A_975 : vector<16xf32>
        %parallel_loop3A_977 = arith.index_cast %parallel_loop3A_894 : i32 to index
        %parallel_loop3A_978 = arith.constant 496 : index
        %parallel_loop3A_979 = tpu.vector_load %arg6[%parallel_loop3A_977, %parallel_loop3A_978] {strides = array<i32>} : memref<16x2048xf32, #tpu.memory_space<vmem>>, vector<1x16xf32>,
        %parallel_loop3A_980 = vector.shape_cast %parallel_loop3A_979 : vector<1x16xf32> to vector<16xf32>
        %parallel_loop3A_981 = arith.mulf %get3A_162, %parallel_loop3A_980 : vector<16xf32>
        %parallel_loop3A_982 = arith.addf %parallel_loop3A_934, %parallel_loop3A_981 : vector<16xf32>
        %parallel_loop3A_983 = arith.addf %parallel_loop3A_940, %parallel_loop3A_946 : vector<16xf32>
        %parallel_loop3A_984 = arith.addf %parallel_loop3A_952, %parallel_loop3A_958 : vector<16xf32>
        %parallel_loop3A_985 = arith.addf %parallel_loop3A_964, %parallel_loop3A_970 : vector<16xf32>
        %parallel_loop3A_986 = arith.addf %parallel_loop3A_976, %parallel_loop3A_982 : vector<16xf32>
        %parallel_loop3A_987 = arith.addf %parallel_loop3A_983, %parallel_loop3A_984 : vector<16xf32>
        %parallel_loop3A_988 = arith.addf %parallel_loop3A_985, %parallel_loop3A_986 : vector<16xf32>
        %parallel_loop3A_989 = arith.addf %parallel_loop3A_987, %parallel_loop3A_988 : vector<16xf32>
        %parallel_loop3A_990 = arith.constant 16 : i32
        %parallel_loop3A_991 = arith.muli %mul3A_49, %parallel_loop3A_990 : i32
        %parallel_loop3A_992 = arith.addi %parallel_loop3A_991, %parallel_loop3A_894 : i32
        %parallel_loop3A_993 = arith.index_cast %parallel_loop3A_992 : i32 to index
        %parallel_loop3A_994 = arith.constant 0 : index
        %parallel_loop3A_995 = tpu.vector_load %arg8[%parallel_loop3A_993, %parallel_loop3A_994] {strides = array<i32>} : memref<64x16xf32, #tpu.memory_space<vmem>>, vector<1x16xf32>,
        %parallel_loop3A_996 = vector.shape_cast %parallel_loop3A_995 : vector<1x16xf32> to vector<16xf32>
        %parallel_loop3A_997 = vector.shape_cast %parallel_loop3A_989 : vector<16xf32> to vector<1x16xf32>
        tpu.vector_store %arg8[%parallel_loop3A_993, %parallel_loop3A_994], %parallel_loop3A_997 {add = true, strides = array<i32>} : memref<64x16xf32, #tpu.memory_space<vmem>>, vector<1x16xf32>,
      } {sc.loop_unroll_factor = 2 : i64, sc.parallel_access}
      %get3A_166 = arith.constant 512 : index
      %get3A_167 = tpu.vector_load %arg5[%get3A_166] {strides = array<i32>} : memref<2048xf32, #tpu.memory_space<vmem>>, vector<16xf32>,
      %get3A_168 = vector.shape_cast %get3A_167 : vector<16xf32> to vector<16xf32>
      %get3A_169 = arith.constant 528 : index
      %get3A_170 = tpu.vector_load %arg5[%get3A_169] {strides = array<i32>} : memref<2048xf32, #tpu.memory_space<vmem>>, vector<16xf32>,
      %get3A_171 = vector.shape_cast %get3A_170 : vector<16xf32> to vector<16xf32>
      %get3A_172 = arith.constant 544 : index
      %get3A_173 = tpu.vector_load %arg5[%get3A_172] {strides = array<i32>} : memref<2048xf32, #tpu.memory_space<vmem>>, vector<16xf32>,
      %get3A_174 = vector.shape_cast %get3A_173 : vector<16xf32> to vector<16xf32>
      %get3A_175 = arith.constant 560 : index
      %get3A_176 = tpu.vector_load %arg5[%get3A_175] {strides = array<i32>} : memref<2048xf32, #tpu.memory_space<vmem>>, vector<16xf32>,
      %get3A_177 = vector.shape_cast %get3A_176 : vector<16xf32> to vector<16xf32>
      %get3A_178 = arith.constant 576 : index
      %get3A_179 = tpu.vector_load %arg5[%get3A_178] {strides = array<i32>} : memref<2048xf32, #tpu.memory_space<vmem>>, vector<16xf32>,
      %get3A_180 = vector.shape_cast %get3A_179 : vector<16xf32> to vector<16xf32>
      %get3A_181 = arith.constant 592 : index
      %get3A_182 = tpu.vector_load %arg5[%get3A_181] {strides = array<i32>} : memref<2048xf32, #tpu.memory_space<vmem>>, vector<16xf32>,
      %get3A_183 = vector.shape_cast %get3A_182 : vector<16xf32> to vector<16xf32>
      %get3A_184 = arith.constant 608 : index
      %get3A_185 = tpu.vector_load %arg5[%get3A_184] {strides = array<i32>} : memref<2048xf32, #tpu.memory_space<vmem>>, vector<16xf32>,
      %get3A_186 = vector.shape_cast %get3A_185 : vector<16xf32> to vector<16xf32>
      %get3A_187 = arith.constant 624 : index
      %get3A_188 = tpu.vector_load %arg5[%get3A_187] {strides = array<i32>} : memref<2048xf32, #tpu.memory_space<vmem>>, vector<16xf32>,
      %get3A_189 = vector.shape_cast %get3A_188 : vector<16xf32> to vector<16xf32>
      %get3A_190 = arith.constant 640 : index
      %get3A_191 = tpu.vector_load %arg5[%get3A_190] {strides = array<i32>} : memref<2048xf32, #tpu.memory_space<vmem>>, vector<16xf32>,
      %get3A_192 = vector.shape_cast %get3A_191 : vector<16xf32> to vector<16xf32>
      %get3A_193 = arith.constant 656 : index
      %get3A_194 = tpu.vector_load %arg5[%get3A_193] {strides = array<i32>} : memref<2048xf32, #tpu.memory_space<vmem>>, vector<16xf32>,
      %get3A_195 = vector.shape_cast %get3A_194 : vector<16xf32> to vector<16xf32>
      %get3A_196 = arith.constant 672 : index
      %get3A_197 = tpu.vector_load %arg5[%get3A_196] {strides = array<i32>} : memref<2048xf32, #tpu.memory_space<vmem>>, vector<16xf32>,
      %get3A_198 = vector.shape_cast %get3A_197 : vector<16xf32> to vector<16xf32>
      %get3A_199 = arith.constant 688 : index
      %get3A_200 = tpu.vector_load %arg5[%get3A_199] {strides = array<i32>} : memref<2048xf32, #tpu.memory_space<vmem>>, vector<16xf32>,
      %get3A_201 = vector.shape_cast %get3A_200 : vector<16xf32> to vector<16xf32>
      %get3A_202 = arith.constant 704 : index
      %get3A_203 = tpu.vector_load %arg5[%get3A_202] {strides = array<i32>} : memref<2048xf32, #tpu.memory_space<vmem>>, vector<16xf32>,
      %get3A_204 = vector.shape_cast %get3A_203 : vector<16xf32> to vector<16xf32>
      %get3A_205 = arith.constant 720 : index
      %get3A_206 = tpu.vector_load %arg5[%get3A_205] {strides = array<i32>} : memref<2048xf32, #tpu.memory_space<vmem>>, vector<16xf32>,
      %get3A_207 = vector.shape_cast %get3A_206 : vector<16xf32> to vector<16xf32>
      %get3A_208 = arith.constant 736 : index
      %get3A_209 = tpu.vector_load %arg5[%get3A_208] {strides = array<i32>} : memref<2048xf32, #tpu.memory_space<vmem>>, vector<16xf32>,
      %get3A_210 = vector.shape_cast %get3A_209 : vector<16xf32> to vector<16xf32>
      %get3A_211 = arith.constant 752 : index
      %get3A_212 = tpu.vector_load %arg5[%get3A_211] {strides = array<i32>} : memref<2048xf32, #tpu.memory_space<vmem>>, vector<16xf32>,
      %get3A_213 = vector.shape_cast %get3A_212 : vector<16xf32> to vector<16xf32>
      %parallel_loop3A_214 = arith.constant 0 : i32
      %parallel_loop3A_215 = arith.constant 16 : i32
      %parallel_loop3A_216 = arith.constant 1 : i32
      scf.for %parallel_loop3A_894 = %parallel_loop3A_214 to %parallel_loop3A_215 step %parallel_loop3A_216  : i32 {
        %parallel_loop3A_895 = arith.index_cast %parallel_loop3A_894 : i32 to index
        %parallel_loop3A_896 = arith.constant 512 : index
        %parallel_loop3A_897 = tpu.vector_load %arg6[%parallel_loop3A_895, %parallel_loop3A_896] {strides = array<i32>} : memref<16x2048xf32, #tpu.memory_space<vmem>>, vector<1x16xf32>,
        %parallel_loop3A_898 = vector.shape_cast %parallel_loop3A_897 : vector<1x16xf32> to vector<16xf32>
        %parallel_loop3A_899 = arith.mulf %get3A_168, %parallel_loop3A_898 : vector<16xf32>
        %parallel_loop3A_900 = arith.index_cast %parallel_loop3A_894 : i32 to index
        %parallel_loop3A_901 = arith.constant 528 : index
        %parallel_loop3A_902 = tpu.vector_load %arg6[%parallel_loop3A_900, %parallel_loop3A_901] {strides = array<i32>} : memref<16x2048xf32, #tpu.memory_space<vmem>>, vector<1x16xf32>,
        %parallel_loop3A_903 = vector.shape_cast %parallel_loop3A_902 : vector<1x16xf32> to vector<16xf32>
        %parallel_loop3A_904 = arith.mulf %get3A_171, %parallel_loop3A_903 : vector<16xf32>
        %parallel_loop3A_905 = arith.index_cast %parallel_loop3A_894 : i32 to index
        %parallel_loop3A_906 = arith.constant 544 : index
        %parallel_loop3A_907 = tpu.vector_load %arg6[%parallel_loop3A_905, %parallel_loop3A_906] {strides = array<i32>} : memref<16x2048xf32, #tpu.memory_space<vmem>>, vector<1x16xf32>,
        %parallel_loop3A_908 = vector.shape_cast %parallel_loop3A_907 : vector<1x16xf32> to vector<16xf32>
        %parallel_loop3A_909 = arith.mulf %get3A_174, %parallel_loop3A_908 : vector<16xf32>
        %parallel_loop3A_910 = arith.index_cast %parallel_loop3A_894 : i32 to index
        %parallel_loop3A_911 = arith.constant 560 : index
        %parallel_loop3A_912 = tpu.vector_load %arg6[%parallel_loop3A_910, %parallel_loop3A_911] {strides = array<i32>} : memref<16x2048xf32, #tpu.memory_space<vmem>>, vector<1x16xf32>,
        %parallel_loop3A_913 = vector.shape_cast %parallel_loop3A_912 : vector<1x16xf32> to vector<16xf32>
        %parallel_loop3A_914 = arith.mulf %get3A_177, %parallel_loop3A_913 : vector<16xf32>
        %parallel_loop3A_915 = arith.index_cast %parallel_loop3A_894 : i32 to index
        %parallel_loop3A_916 = arith.constant 576 : index
        %parallel_loop3A_917 = tpu.vector_load %arg6[%parallel_loop3A_915, %parallel_loop3A_916] {strides = array<i32>} : memref<16x2048xf32, #tpu.memory_space<vmem>>, vector<1x16xf32>,
        %parallel_loop3A_918 = vector.shape_cast %parallel_loop3A_917 : vector<1x16xf32> to vector<16xf32>
        %parallel_loop3A_919 = arith.mulf %get3A_180, %parallel_loop3A_918 : vector<16xf32>
        %parallel_loop3A_920 = arith.index_cast %parallel_loop3A_894 : i32 to index
        %parallel_loop3A_921 = arith.constant 592 : index
        %parallel_loop3A_922 = tpu.vector_load %arg6[%parallel_loop3A_920, %parallel_loop3A_921] {strides = array<i32>} : memref<16x2048xf32, #tpu.memory_space<vmem>>, vector<1x16xf32>,
        %parallel_loop3A_923 = vector.shape_cast %parallel_loop3A_922 : vector<1x16xf32> to vector<16xf32>
        %parallel_loop3A_924 = arith.mulf %get3A_183, %parallel_loop3A_923 : vector<16xf32>
        %parallel_loop3A_925 = arith.index_cast %parallel_loop3A_894 : i32 to index
        %parallel_loop3A_926 = arith.constant 608 : index
        %parallel_loop3A_927 = tpu.vector_load %arg6[%parallel_loop3A_925, %parallel_loop3A_926] {strides = array<i32>} : memref<16x2048xf32, #tpu.memory_space<vmem>>, vector<1x16xf32>,
        %parallel_loop3A_928 = vector.shape_cast %parallel_loop3A_927 : vector<1x16xf32> to vector<16xf32>
        %parallel_loop3A_929 = arith.mulf %get3A_186, %parallel_loop3A_928 : vector<16xf32>
        %parallel_loop3A_930 = arith.index_cast %parallel_loop3A_894 : i32 to index
        %parallel_loop3A_931 = arith.constant 624 : index
        %parallel_loop3A_932 = tpu.vector_load %arg6[%parallel_loop3A_930, %parallel_loop3A_931] {strides = array<i32>} : memref<16x2048xf32, #tpu.memory_space<vmem>>, vector<1x16xf32>,
        %parallel_loop3A_933 = vector.shape_cast %parallel_loop3A_932 : vector<1x16xf32> to vector<16xf32>
        %parallel_loop3A_934 = arith.mulf %get3A_189, %parallel_loop3A_933 : vector<16xf32>
        %parallel_loop3A_935 = arith.index_cast %parallel_loop3A_894 : i32 to index
        %parallel_loop3A_936 = arith.constant 640 : index
        %parallel_loop3A_937 = tpu.vector_load %arg6[%parallel_loop3A_935, %parallel_loop3A_936] {strides = array<i32>} : memref<16x2048xf32, #tpu.memory_space<vmem>>, vector<1x16xf32>,
        %parallel_loop3A_938 = vector.shape_cast %parallel_loop3A_937 : vector<1x16xf32> to vector<16xf32>
        %parallel_loop3A_939 = arith.mulf %get3A_192, %parallel_loop3A_938 : vector<16xf32>
        %parallel_loop3A_940 = arith.addf %parallel_loop3A_899, %parallel_loop3A_939 : vector<16xf32>
        %parallel_loop3A_941 = arith.index_cast %parallel_loop3A_894 : i32 to index
        %parallel_loop3A_942 = arith.constant 656 : index
        %parallel_loop3A_943 = tpu.vector_load %arg6[%parallel_loop3A_941, %parallel_loop3A_942] {strides = array<i32>} : memref<16x2048xf32, #tpu.memory_space<vmem>>, vector<1x16xf32>,
        %parallel_loop3A_944 = vector.shape_cast %parallel_loop3A_943 : vector<1x16xf32> to vector<16xf32>
        %parallel_loop3A_945 = arith.mulf %get3A_195, %parallel_loop3A_944 : vector<16xf32>
        %parallel_loop3A_946 = arith.addf %parallel_loop3A_904, %parallel_loop3A_945 : vector<16xf32>
        %parallel_loop3A_947 = arith.index_cast %parallel_loop3A_894 : i32 to index
        %parallel_loop3A_948 = arith.constant 672 : index
        %parallel_loop3A_949 = tpu.vector_load %arg6[%parallel_loop3A_947, %parallel_loop3A_948] {strides = array<i32>} : memref<16x2048xf32, #tpu.memory_space<vmem>>, vector<1x16xf32>,
        %parallel_loop3A_950 = vector.shape_cast %parallel_loop3A_949 : vector<1x16xf32> to vector<16xf32>
        %parallel_loop3A_951 = arith.mulf %get3A_198, %parallel_loop3A_950 : vector<16xf32>
        %parallel_loop3A_952 = arith.addf %parallel_loop3A_909, %parallel_loop3A_951 : vector<16xf32>
        %parallel_loop3A_953 = arith.index_cast %parallel_loop3A_894 : i32 to index
        %parallel_loop3A_954 = arith.constant 688 : index
        %parallel_loop3A_955 = tpu.vector_load %arg6[%parallel_loop3A_953, %parallel_loop3A_954] {strides = array<i32>} : memref<16x2048xf32, #tpu.memory_space<vmem>>, vector<1x16xf32>,
        %parallel_loop3A_956 = vector.shape_cast %parallel_loop3A_955 : vector<1x16xf32> to vector<16xf32>
        %parallel_loop3A_957 = arith.mulf %get3A_201, %parallel_loop3A_956 : vector<16xf32>
        %parallel_loop3A_958 = arith.addf %parallel_loop3A_914, %parallel_loop3A_957 : vector<16xf32>
        %parallel_loop3A_959 = arith.index_cast %parallel_loop3A_894 : i32 to index
        %parallel_loop3A_960 = arith.constant 704 : index
        %parallel_loop3A_961 = tpu.vector_load %arg6[%parallel_loop3A_959, %parallel_loop3A_960] {strides = array<i32>} : memref<16x2048xf32, #tpu.memory_space<vmem>>, vector<1x16xf32>,
        %parallel_loop3A_962 = vector.shape_cast %parallel_loop3A_961 : vector<1x16xf32> to vector<16xf32>
        %parallel_loop3A_963 = arith.mulf %get3A_204, %parallel_loop3A_962 : vector<16xf32>
        %parallel_loop3A_964 = arith.addf %parallel_loop3A_919, %parallel_loop3A_963 : vector<16xf32>
        %parallel_loop3A_965 = arith.index_cast %parallel_loop3A_894 : i32 to index
        %parallel_loop3A_966 = arith.constant 720 : index
        %parallel_loop3A_967 = tpu.vector_load %arg6[%parallel_loop3A_965, %parallel_loop3A_966] {strides = array<i32>} : memref<16x2048xf32, #tpu.memory_space<vmem>>, vector<1x16xf32>,
        %parallel_loop3A_968 = vector.shape_cast %parallel_loop3A_967 : vector<1x16xf32> to vector<16xf32>
        %parallel_loop3A_969 = arith.mulf %get3A_207, %parallel_loop3A_968 : vector<16xf32>
        %parallel_loop3A_970 = arith.addf %parallel_loop3A_924, %parallel_loop3A_969 : vector<16xf32>
        %parallel_loop3A_971 = arith.index_cast %parallel_loop3A_894 : i32 to index
        %parallel_loop3A_972 = arith.constant 736 : index
        %parallel_loop3A_973 = tpu.vector_load %arg6[%parallel_loop3A_971, %parallel_loop3A_972] {strides = array<i32>} : memref<16x2048xf32, #tpu.memory_space<vmem>>, vector<1x16xf32>,
        %parallel_loop3A_974 = vector.shape_cast %parallel_loop3A_973 : vector<1x16xf32> to vector<16xf32>
        %parallel_loop3A_975 = arith.mulf %get3A_210, %parallel_loop3A_974 : vector<16xf32>
        %parallel_loop3A_976 = arith.addf %parallel_loop3A_929, %parallel_loop3A_975 : vector<16xf32>
        %parallel_loop3A_977 = arith.index_cast %parallel_loop3A_894 : i32 to index
        %parallel_loop3A_978 = arith.constant 752 : index
        %parallel_loop3A_979 = tpu.vector_load %arg6[%parallel_loop3A_977, %parallel_loop3A_978] {strides = array<i32>} : memref<16x2048xf32, #tpu.memory_space<vmem>>, vector<1x16xf32>,
        %parallel_loop3A_980 = vector.shape_cast %parallel_loop3A_979 : vector<1x16xf32> to vector<16xf32>
        %parallel_loop3A_981 = arith.mulf %get3A_213, %parallel_loop3A_980 : vector<16xf32>
        %parallel_loop3A_982 = arith.addf %parallel_loop3A_934, %parallel_loop3A_981 : vector<16xf32>
        %parallel_loop3A_983 = arith.addf %parallel_loop3A_940, %parallel_loop3A_946 : vector<16xf32>
        %parallel_loop3A_984 = arith.addf %parallel_loop3A_952, %parallel_loop3A_958 : vector<16xf32>
        %parallel_loop3A_985 = arith.addf %parallel_loop3A_964, %parallel_loop3A_970 : vector<16xf32>
        %parallel_loop3A_986 = arith.addf %parallel_loop3A_976, %parallel_loop3A_982 : vector<16xf32>
        %parallel_loop3A_987 = arith.addf %parallel_loop3A_983, %parallel_loop3A_984 : vector<16xf32>
        %parallel_loop3A_988 = arith.addf %parallel_loop3A_985, %parallel_loop3A_986 : vector<16xf32>
        %parallel_loop3A_989 = arith.addf %parallel_loop3A_987, %parallel_loop3A_988 : vector<16xf32>
        %parallel_loop3A_990 = arith.constant 16 : i32
        %parallel_loop3A_991 = arith.muli %mul3A_49, %parallel_loop3A_990 : i32
        %parallel_loop3A_992 = arith.addi %parallel_loop3A_991, %parallel_loop3A_894 : i32
        %parallel_loop3A_993 = arith.index_cast %parallel_loop3A_992 : i32 to index
        %parallel_loop3A_994 = arith.constant 0 : index
        %parallel_loop3A_995 = tpu.vector_load %arg8[%parallel_loop3A_993, %parallel_loop3A_994] {strides = array<i32>} : memref<64x16xf32, #tpu.memory_space<vmem>>, vector<1x16xf32>,
        %parallel_loop3A_996 = vector.shape_cast %parallel_loop3A_995 : vector<1x16xf32> to vector<16xf32>
        %parallel_loop3A_997 = vector.shape_cast %parallel_loop3A_989 : vector<16xf32> to vector<1x16xf32>
        tpu.vector_store %arg8[%parallel_loop3A_993, %parallel_loop3A_994], %parallel_loop3A_997 {add = true, strides = array<i32>} : memref<64x16xf32, #tpu.memory_space<vmem>>, vector<1x16xf32>,
      } {sc.loop_unroll_factor = 2 : i64, sc.parallel_access}
      %get3A_217 = arith.constant 768 : index
      %get3A_218 = tpu.vector_load %arg5[%get3A_217] {strides = array<i32>} : memref<2048xf32, #tpu.memory_space<vmem>>, vector<16xf32>,
      %get3A_219 = vector.shape_cast %get3A_218 : vector<16xf32> to vector<16xf32>
      %get3A_220 = arith.constant 784 : index
      %get3A_221 = tpu.vector_load %arg5[%get3A_220] {strides = array<i32>} : memref<2048xf32, #tpu.memory_space<vmem>>, vector<16xf32>,
      %get3A_222 = vector.shape_cast %get3A_221 : vector<16xf32> to vector<16xf32>
      %get3A_223 = arith.constant 800 : index
      %get3A_224 = tpu.vector_load %arg5[%get3A_223] {strides = array<i32>} : memref<2048xf32, #tpu.memory_space<vmem>>, vector<16xf32>,
      %get3A_225 = vector.shape_cast %get3A_224 : vector<16xf32> to vector<16xf32>
      %get3A_226 = arith.constant 816 : index
      %get3A_227 = tpu.vector_load %arg5[%get3A_226] {strides = array<i32>} : memref<2048xf32, #tpu.memory_space<vmem>>, vector<16xf32>,
      %get3A_228 = vector.shape_cast %get3A_227 : vector<16xf32> to vector<16xf32>
      %get3A_229 = arith.constant 832 : index
      %get3A_230 = tpu.vector_load %arg5[%get3A_229] {strides = array<i32>} : memref<2048xf32, #tpu.memory_space<vmem>>, vector<16xf32>,
      %get3A_231 = vector.shape_cast %get3A_230 : vector<16xf32> to vector<16xf32>
      %get3A_232 = arith.constant 848 : index
      %get3A_233 = tpu.vector_load %arg5[%get3A_232] {strides = array<i32>} : memref<2048xf32, #tpu.memory_space<vmem>>, vector<16xf32>,
      %get3A_234 = vector.shape_cast %get3A_233 : vector<16xf32> to vector<16xf32>
      %get3A_235 = arith.constant 864 : index
      %get3A_236 = tpu.vector_load %arg5[%get3A_235] {strides = array<i32>} : memref<2048xf32, #tpu.memory_space<vmem>>, vector<16xf32>,
      %get3A_237 = vector.shape_cast %get3A_236 : vector<16xf32> to vector<16xf32>
      %get3A_238 = arith.constant 880 : index
      %get3A_239 = tpu.vector_load %arg5[%get3A_238] {strides = array<i32>} : memref<2048xf32, #tpu.memory_space<vmem>>, vector<16xf32>,
      %get3A_240 = vector.shape_cast %get3A_239 : vector<16xf32> to vector<16xf32>
      %get3A_241 = arith.constant 896 : index
      %get3A_242 = tpu.vector_load %arg5[%get3A_241] {strides = array<i32>} : memref<2048xf32, #tpu.memory_space<vmem>>, vector<16xf32>,
      %get3A_243 = vector.shape_cast %get3A_242 : vector<16xf32> to vector<16xf32>
      %get3A_244 = arith.constant 912 : index
      %get3A_245 = tpu.vector_load %arg5[%get3A_244] {strides = array<i32>} : memref<2048xf32, #tpu.memory_space<vmem>>, vector<16xf32>,
      %get3A_246 = vector.shape_cast %get3A_245 : vector<16xf32> to vector<16xf32>
      %get3A_247 = arith.constant 928 : index
      %get3A_248 = tpu.vector_load %arg5[%get3A_247] {strides = array<i32>} : memref<2048xf32, #tpu.memory_space<vmem>>, vector<16xf32>,
      %get3A_249 = vector.shape_cast %get3A_248 : vector<16xf32> to vector<16xf32>
      %get3A_250 = arith.constant 944 : index
      %get3A_251 = tpu.vector_load %arg5[%get3A_250] {strides = array<i32>} : memref<2048xf32, #tpu.memory_space<vmem>>, vector<16xf32>,
      %get3A_252 = vector.shape_cast %get3A_251 : vector<16xf32> to vector<16xf32>
      %get3A_253 = arith.constant 960 : index
      %get3A_254 = tpu.vector_load %arg5[%get3A_253] {strides = array<i32>} : memref<2048xf32, #tpu.memory_space<vmem>>, vector<16xf32>,
      %get3A_255 = vector.shape_cast %get3A_254 : vector<16xf32> to vector<16xf32>
      %get3A_256 = arith.constant 976 : index
      %get3A_257 = tpu.vector_load %arg5[%get3A_256] {strides = array<i32>} : memref<2048xf32, #tpu.memory_space<vmem>>, vector<16xf32>,
      %get3A_258 = vector.shape_cast %get3A_257 : vector<16xf32> to vector<16xf32>
      %get3A_259 = arith.constant 992 : index
      %get3A_260 = tpu.vector_load %arg5[%get3A_259] {strides = array<i32>} : memref<2048xf32, #tpu.memory_space<vmem>>, vector<16xf32>,
      %get3A_261 = vector.shape_cast %get3A_260 : vector<16xf32> to vector<16xf32>
      %get3A_262 = arith.constant 1008 : index
      %get3A_263 = tpu.vector_load %arg5[%get3A_262] {strides = array<i32>} : memref<2048xf32, #tpu.memory_space<vmem>>, vector<16xf32>,
      %get3A_264 = vector.shape_cast %get3A_263 : vector<16xf32> to vector<16xf32>
      %parallel_loop3A_265 = arith.constant 0 : i32
      %parallel_loop3A_266 = arith.constant 16 : i32
      %parallel_loop3A_267 = arith.constant 1 : i32
      scf.for %parallel_loop3A_894 = %parallel_loop3A_265 to %parallel_loop3A_266 step %parallel_loop3A_267  : i32 {
        %parallel_loop3A_895 = arith.index_cast %parallel_loop3A_894 : i32 to index
        %parallel_loop3A_896 = arith.constant 768 : index
        %parallel_loop3A_897 = tpu.vector_load %arg6[%parallel_loop3A_895, %parallel_loop3A_896] {strides = array<i32>} : memref<16x2048xf32, #tpu.memory_space<vmem>>, vector<1x16xf32>,
        %parallel_loop3A_898 = vector.shape_cast %parallel_loop3A_897 : vector<1x16xf32> to vector<16xf32>
        %parallel_loop3A_899 = arith.mulf %get3A_219, %parallel_loop3A_898 : vector<16xf32>
        %parallel_loop3A_900 = arith.index_cast %parallel_loop3A_894 : i32 to index
        %parallel_loop3A_901 = arith.constant 784 : index
        %parallel_loop3A_902 = tpu.vector_load %arg6[%parallel_loop3A_900, %parallel_loop3A_901] {strides = array<i32>} : memref<16x2048xf32, #tpu.memory_space<vmem>>, vector<1x16xf32>,
        %parallel_loop3A_903 = vector.shape_cast %parallel_loop3A_902 : vector<1x16xf32> to vector<16xf32>
        %parallel_loop3A_904 = arith.mulf %get3A_222, %parallel_loop3A_903 : vector<16xf32>
        %parallel_loop3A_905 = arith.index_cast %parallel_loop3A_894 : i32 to index
        %parallel_loop3A_906 = arith.constant 800 : index
        %parallel_loop3A_907 = tpu.vector_load %arg6[%parallel_loop3A_905, %parallel_loop3A_906] {strides = array<i32>} : memref<16x2048xf32, #tpu.memory_space<vmem>>, vector<1x16xf32>,
        %parallel_loop3A_908 = vector.shape_cast %parallel_loop3A_907 : vector<1x16xf32> to vector<16xf32>
        %parallel_loop3A_909 = arith.mulf %get3A_225, %parallel_loop3A_908 : vector<16xf32>
        %parallel_loop3A_910 = arith.index_cast %parallel_loop3A_894 : i32 to index
        %parallel_loop3A_911 = arith.constant 816 : index
        %parallel_loop3A_912 = tpu.vector_load %arg6[%parallel_loop3A_910, %parallel_loop3A_911] {strides = array<i32>} : memref<16x2048xf32, #tpu.memory_space<vmem>>, vector<1x16xf32>,
        %parallel_loop3A_913 = vector.shape_cast %parallel_loop3A_912 : vector<1x16xf32> to vector<16xf32>
        %parallel_loop3A_914 = arith.mulf %get3A_228, %parallel_loop3A_913 : vector<16xf32>
        %parallel_loop3A_915 = arith.index_cast %parallel_loop3A_894 : i32 to index
        %parallel_loop3A_916 = arith.constant 832 : index
        %parallel_loop3A_917 = tpu.vector_load %arg6[%parallel_loop3A_915, %parallel_loop3A_916] {strides = array<i32>} : memref<16x2048xf32, #tpu.memory_space<vmem>>, vector<1x16xf32>,
        %parallel_loop3A_918 = vector.shape_cast %parallel_loop3A_917 : vector<1x16xf32> to vector<16xf32>
        %parallel_loop3A_919 = arith.mulf %get3A_231, %parallel_loop3A_918 : vector<16xf32>
        %parallel_loop3A_920 = arith.index_cast %parallel_loop3A_894 : i32 to index
        %parallel_loop3A_921 = arith.constant 848 : index
        %parallel_loop3A_922 = tpu.vector_load %arg6[%parallel_loop3A_920, %parallel_loop3A_921] {strides = array<i32>} : memref<16x2048xf32, #tpu.memory_space<vmem>>, vector<1x16xf32>,
        %parallel_loop3A_923 = vector.shape_cast %parallel_loop3A_922 : vector<1x16xf32> to vector<16xf32>
        %parallel_loop3A_924 = arith.mulf %get3A_234, %parallel_loop3A_923 : vector<16xf32>
        %parallel_loop3A_925 = arith.index_cast %parallel_loop3A_894 : i32 to index
        %parallel_loop3A_926 = arith.constant 864 : index
        %parallel_loop3A_927 = tpu.vector_load %arg6[%parallel_loop3A_925, %parallel_loop3A_926] {strides = array<i32>} : memref<16x2048xf32, #tpu.memory_space<vmem>>, vector<1x16xf32>,
        %parallel_loop3A_928 = vector.shape_cast %parallel_loop3A_927 : vector<1x16xf32> to vector<16xf32>
        %parallel_loop3A_929 = arith.mulf %get3A_237, %parallel_loop3A_928 : vector<16xf32>
        %parallel_loop3A_930 = arith.index_cast %parallel_loop3A_894 : i32 to index
        %parallel_loop3A_931 = arith.constant 880 : index
        %parallel_loop3A_932 = tpu.vector_load %arg6[%parallel_loop3A_930, %parallel_loop3A_931] {strides = array<i32>} : memref<16x2048xf32, #tpu.memory_space<vmem>>, vector<1x16xf32>,
        %parallel_loop3A_933 = vector.shape_cast %parallel_loop3A_932 : vector<1x16xf32> to vector<16xf32>
        %parallel_loop3A_934 = arith.mulf %get3A_240, %parallel_loop3A_933 : vector<16xf32>
        %parallel_loop3A_935 = arith.index_cast %parallel_loop3A_894 : i32 to index
        %parallel_loop3A_936 = arith.constant 896 : index
        %parallel_loop3A_937 = tpu.vector_load %arg6[%parallel_loop3A_935, %parallel_loop3A_936] {strides = array<i32>} : memref<16x2048xf32, #tpu.memory_space<vmem>>, vector<1x16xf32>,
        %parallel_loop3A_938 = vector.shape_cast %parallel_loop3A_937 : vector<1x16xf32> to vector<16xf32>
        %parallel_loop3A_939 = arith.mulf %get3A_243, %parallel_loop3A_938 : vector<16xf32>
        %parallel_loop3A_940 = arith.addf %parallel_loop3A_899, %parallel_loop3A_939 : vector<16xf32>
        %parallel_loop3A_941 = arith.index_cast %parallel_loop3A_894 : i32 to index
        %parallel_loop3A_942 = arith.constant 912 : index
        %parallel_loop3A_943 = tpu.vector_load %arg6[%parallel_loop3A_941, %parallel_loop3A_942] {strides = array<i32>} : memref<16x2048xf32, #tpu.memory_space<vmem>>, vector<1x16xf32>,
        %parallel_loop3A_944 = vector.shape_cast %parallel_loop3A_943 : vector<1x16xf32> to vector<16xf32>
        %parallel_loop3A_945 = arith.mulf %get3A_246, %parallel_loop3A_944 : vector<16xf32>
        %parallel_loop3A_946 = arith.addf %parallel_loop3A_904, %parallel_loop3A_945 : vector<16xf32>
        %parallel_loop3A_947 = arith.index_cast %parallel_loop3A_894 : i32 to index
        %parallel_loop3A_948 = arith.constant 928 : index
        %parallel_loop3A_949 = tpu.vector_load %arg6[%parallel_loop3A_947, %parallel_loop3A_948] {strides = array<i32>} : memref<16x2048xf32, #tpu.memory_space<vmem>>, vector<1x16xf32>,
        %parallel_loop3A_950 = vector.shape_cast %parallel_loop3A_949 : vector<1x16xf32> to vector<16xf32>
        %parallel_loop3A_951 = arith.mulf %get3A_249, %parallel_loop3A_950 : vector<16xf32>
        %parallel_loop3A_952 = arith.addf %parallel_loop3A_909, %parallel_loop3A_951 : vector<16xf32>
        %parallel_loop3A_953 = arith.index_cast %parallel_loop3A_894 : i32 to index
        %parallel_loop3A_954 = arith.constant 944 : index
        %parallel_loop3A_955 = tpu.vector_load %arg6[%parallel_loop3A_953, %parallel_loop3A_954] {strides = array<i32>} : memref<16x2048xf32, #tpu.memory_space<vmem>>, vector<1x16xf32>,
        %parallel_loop3A_956 = vector.shape_cast %parallel_loop3A_955 : vector<1x16xf32> to vector<16xf32>
        %parallel_loop3A_957 = arith.mulf %get3A_252, %parallel_loop3A_956 : vector<16xf32>
        %parallel_loop3A_958 = arith.addf %parallel_loop3A_914, %parallel_loop3A_957 : vector<16xf32>
        %parallel_loop3A_959 = arith.index_cast %parallel_loop3A_894 : i32 to index
        %parallel_loop3A_960 = arith.constant 960 : index
        %parallel_loop3A_961 = tpu.vector_load %arg6[%parallel_loop3A_959, %parallel_loop3A_960] {strides = array<i32>} : memref<16x2048xf32, #tpu.memory_space<vmem>>, vector<1x16xf32>,
        %parallel_loop3A_962 = vector.shape_cast %parallel_loop3A_961 : vector<1x16xf32> to vector<16xf32>
        %parallel_loop3A_963 = arith.mulf %get3A_255, %parallel_loop3A_962 : vector<16xf32>
        %parallel_loop3A_964 = arith.addf %parallel_loop3A_919, %parallel_loop3A_963 : vector<16xf32>
        %parallel_loop3A_965 = arith.index_cast %parallel_loop3A_894 : i32 to index
        %parallel_loop3A_966 = arith.constant 976 : index
        %parallel_loop3A_967 = tpu.vector_load %arg6[%parallel_loop3A_965, %parallel_loop3A_966] {strides = array<i32>} : memref<16x2048xf32, #tpu.memory_space<vmem>>, vector<1x16xf32>,
        %parallel_loop3A_968 = vector.shape_cast %parallel_loop3A_967 : vector<1x16xf32> to vector<16xf32>
        %parallel_loop3A_969 = arith.mulf %get3A_258, %parallel_loop3A_968 : vector<16xf32>
        %parallel_loop3A_970 = arith.addf %parallel_loop3A_924, %parallel_loop3A_969 : vector<16xf32>
        %parallel_loop3A_971 = arith.index_cast %parallel_loop3A_894 : i32 to index
        %parallel_loop3A_972 = arith.constant 992 : index
        %parallel_loop3A_973 = tpu.vector_load %arg6[%parallel_loop3A_971, %parallel_loop3A_972] {strides = array<i32>} : memref<16x2048xf32, #tpu.memory_space<vmem>>, vector<1x16xf32>,
        %parallel_loop3A_974 = vector.shape_cast %parallel_loop3A_973 : vector<1x16xf32> to vector<16xf32>
        %parallel_loop3A_975 = arith.mulf %get3A_261, %parallel_loop3A_974 : vector<16xf32>
        %parallel_loop3A_976 = arith.addf %parallel_loop3A_929, %parallel_loop3A_975 : vector<16xf32>
        %parallel_loop3A_977 = arith.index_cast %parallel_loop3A_894 : i32 to index
        %parallel_loop3A_978 = arith.constant 1008 : index
        %parallel_loop3A_979 = tpu.vector_load %arg6[%parallel_loop3A_977, %parallel_loop3A_978] {strides = array<i32>} : memref<16x2048xf32, #tpu.memory_space<vmem>>, vector<1x16xf32>,
        %parallel_loop3A_980 = vector.shape_cast %parallel_loop3A_979 : vector<1x16xf32> to vector<16xf32>
        %parallel_loop3A_981 = arith.mulf %get3A_264, %parallel_loop3A_980 : vector<16xf32>
        %parallel_loop3A_982 = arith.addf %parallel_loop3A_934, %parallel_loop3A_981 : vector<16xf32>
        %parallel_loop3A_983 = arith.addf %parallel_loop3A_940, %parallel_loop3A_946 : vector<16xf32>
        %parallel_loop3A_984 = arith.addf %parallel_loop3A_952, %parallel_loop3A_958 : vector<16xf32>
        %parallel_loop3A_985 = arith.addf %parallel_loop3A_964, %parallel_loop3A_970 : vector<16xf32>
        %parallel_loop3A_986 = arith.addf %parallel_loop3A_976, %parallel_loop3A_982 : vector<16xf32>
        %parallel_loop3A_987 = arith.addf %parallel_loop3A_983, %parallel_loop3A_984 : vector<16xf32>
        %parallel_loop3A_988 = arith.addf %parallel_loop3A_985, %parallel_loop3A_986 : vector<16xf32>
        %parallel_loop3A_989 = arith.addf %parallel_loop3A_987, %parallel_loop3A_988 : vector<16xf32>
        %parallel_loop3A_990 = arith.constant 16 : i32
        %parallel_loop3A_991 = arith.muli %mul3A_49, %parallel_loop3A_990 : i32
        %parallel_loop3A_992 = arith.addi %parallel_loop3A_991, %parallel_loop3A_894 : i32
        %parallel_loop3A_993 = arith.index_cast %parallel_loop3A_992 : i32 to index
        %parallel_loop3A_994 = arith.constant 0 : index
        %parallel_loop3A_995 = tpu.vector_load %arg8[%parallel_loop3A_993, %parallel_loop3A_994] {strides = array<i32>} : memref<64x16xf32, #tpu.memory_space<vmem>>, vector<1x16xf32>,
        %parallel_loop3A_996 = vector.shape_cast %parallel_loop3A_995 : vector<1x16xf32> to vector<16xf32>
        %parallel_loop3A_997 = vector.shape_cast %parallel_loop3A_989 : vector<16xf32> to vector<1x16xf32>
        tpu.vector_store %arg8[%parallel_loop3A_993, %parallel_loop3A_994], %parallel_loop3A_997 {add = true, strides = array<i32>} : memref<64x16xf32, #tpu.memory_space<vmem>>, vector<1x16xf32>,
      } {sc.loop_unroll_factor = 2 : i64, sc.parallel_access}
      %get3A_268 = arith.constant 1024 : index
      %get3A_269 = tpu.vector_load %arg5[%get3A_268] {strides = array<i32>} : memref<2048xf32, #tpu.memory_space<vmem>>, vector<16xf32>,
      %get3A_270 = vector.shape_cast %get3A_269 : vector<16xf32> to vector<16xf32>
      %get3A_271 = arith.constant 1040 : index
      %get3A_272 = tpu.vector_load %arg5[%get3A_271] {strides = array<i32>} : memref<2048xf32, #tpu.memory_space<vmem>>, vector<16xf32>,
      %get3A_273 = vector.shape_cast %get3A_272 : vector<16xf32> to vector<16xf32>
      %get3A_274 = arith.constant 1056 : index
      %get3A_275 = tpu.vector_load %arg5[%get3A_274] {strides = array<i32>} : memref<2048xf32, #tpu.memory_space<vmem>>, vector<16xf32>,
      %get3A_276 = vector.shape_cast %get3A_275 : vector<16xf32> to vector<16xf32>
      %get3A_277 = arith.constant 1072 : index
      %get3A_278 = tpu.vector_load %arg5[%get3A_277] {strides = array<i32>} : memref<2048xf32, #tpu.memory_space<vmem>>, vector<16xf32>,
      %get3A_279 = vector.shape_cast %get3A_278 : vector<16xf32> to vector<16xf32>
      %get3A_280 = arith.constant 1088 : index
      %get3A_281 = tpu.vector_load %arg5[%get3A_280] {strides = array<i32>} : memref<2048xf32, #tpu.memory_space<vmem>>, vector<16xf32>,
      %get3A_282 = vector.shape_cast %get3A_281 : vector<16xf32> to vector<16xf32>
      %get3A_283 = arith.constant 1104 : index
      %get3A_284 = tpu.vector_load %arg5[%get3A_283] {strides = array<i32>} : memref<2048xf32, #tpu.memory_space<vmem>>, vector<16xf32>,
      %get3A_285 = vector.shape_cast %get3A_284 : vector<16xf32> to vector<16xf32>
      %get3A_286 = arith.constant 1120 : index
      %get3A_287 = tpu.vector_load %arg5[%get3A_286] {strides = array<i32>} : memref<2048xf32, #tpu.memory_space<vmem>>, vector<16xf32>,
      %get3A_288 = vector.shape_cast %get3A_287 : vector<16xf32> to vector<16xf32>
      %get3A_289 = arith.constant 1136 : index
      %get3A_290 = tpu.vector_load %arg5[%get3A_289] {strides = array<i32>} : memref<2048xf32, #tpu.memory_space<vmem>>, vector<16xf32>,
      %get3A_291 = vector.shape_cast %get3A_290 : vector<16xf32> to vector<16xf32>
      %get3A_292 = arith.constant 1152 : index
      %get3A_293 = tpu.vector_load %arg5[%get3A_292] {strides = array<i32>} : memref<2048xf32, #tpu.memory_space<vmem>>, vector<16xf32>,
      %get3A_294 = vector.shape_cast %get3A_293 : vector<16xf32> to vector<16xf32>
      %get3A_295 = arith.constant 1168 : index
      %get3A_296 = tpu.vector_load %arg5[%get3A_295] {strides = array<i32>} : memref<2048xf32, #tpu.memory_space<vmem>>, vector<16xf32>,
      %get3A_297 = vector.shape_cast %get3A_296 : vector<16xf32> to vector<16xf32>
      %get3A_298 = arith.constant 1184 : index
      %get3A_299 = tpu.vector_load %arg5[%get3A_298] {strides = array<i32>} : memref<2048xf32, #tpu.memory_space<vmem>>, vector<16xf32>,
      %get3A_300 = vector.shape_cast %get3A_299 : vector<16xf32> to vector<16xf32>
      %get3A_301 = arith.constant 1200 : index
      %get3A_302 = tpu.vector_load %arg5[%get3A_301] {strides = array<i32>} : memref<2048xf32, #tpu.memory_space<vmem>>, vector<16xf32>,
      %get3A_303 = vector.shape_cast %get3A_302 : vector<16xf32> to vector<16xf32>
      %get3A_304 = arith.constant 1216 : index
      %get3A_305 = tpu.vector_load %arg5[%get3A_304] {strides = array<i32>} : memref<2048xf32, #tpu.memory_space<vmem>>, vector<16xf32>,
      %get3A_306 = vector.shape_cast %get3A_305 : vector<16xf32> to vector<16xf32>
      %get3A_307 = arith.constant 1232 : index
      %get3A_308 = tpu.vector_load %arg5[%get3A_307] {strides = array<i32>} : memref<2048xf32, #tpu.memory_space<vmem>>, vector<16xf32>,
      %get3A_309 = vector.shape_cast %get3A_308 : vector<16xf32> to vector<16xf32>
      %get3A_310 = arith.constant 1248 : index
      %get3A_311 = tpu.vector_load %arg5[%get3A_310] {strides = array<i32>} : memref<2048xf32, #tpu.memory_space<vmem>>, vector<16xf32>,
      %get3A_312 = vector.shape_cast %get3A_311 : vector<16xf32> to vector<16xf32>
      %get3A_313 = arith.constant 1264 : index
      %get3A_314 = tpu.vector_load %arg5[%get3A_313] {strides = array<i32>} : memref<2048xf32, #tpu.memory_space<vmem>>, vector<16xf32>,
      %get3A_315 = vector.shape_cast %get3A_314 : vector<16xf32> to vector<16xf32>
      %parallel_loop3A_316 = arith.constant 0 : i32
      %parallel_loop3A_317 = arith.constant 16 : i32
      %parallel_loop3A_318 = arith.constant 1 : i32
      scf.for %parallel_loop3A_894 = %parallel_loop3A_316 to %parallel_loop3A_317 step %parallel_loop3A_318  : i32 {
        %parallel_loop3A_895 = arith.index_cast %parallel_loop3A_894 : i32 to index
        %parallel_loop3A_896 = arith.constant 1024 : index
        %parallel_loop3A_897 = tpu.vector_load %arg6[%parallel_loop3A_895, %parallel_loop3A_896] {strides = array<i32>} : memref<16x2048xf32, #tpu.memory_space<vmem>>, vector<1x16xf32>,
        %parallel_loop3A_898 = vector.shape_cast %parallel_loop3A_897 : vector<1x16xf32> to vector<16xf32>
        %parallel_loop3A_899 = arith.mulf %get3A_270, %parallel_loop3A_898 : vector<16xf32>
        %parallel_loop3A_900 = arith.index_cast %parallel_loop3A_894 : i32 to index
        %parallel_loop3A_901 = arith.constant 1040 : index
        %parallel_loop3A_902 = tpu.vector_load %arg6[%parallel_loop3A_900, %parallel_loop3A_901] {strides = array<i32>} : memref<16x2048xf32, #tpu.memory_space<vmem>>, vector<1x16xf32>,
        %parallel_loop3A_903 = vector.shape_cast %parallel_loop3A_902 : vector<1x16xf32> to vector<16xf32>
        %parallel_loop3A_904 = arith.mulf %get3A_273, %parallel_loop3A_903 : vector<16xf32>
        %parallel_loop3A_905 = arith.index_cast %parallel_loop3A_894 : i32 to index
        %parallel_loop3A_906 = arith.constant 1056 : index
        %parallel_loop3A_907 = tpu.vector_load %arg6[%parallel_loop3A_905, %parallel_loop3A_906] {strides = array<i32>} : memref<16x2048xf32, #tpu.memory_space<vmem>>, vector<1x16xf32>,
        %parallel_loop3A_908 = vector.shape_cast %parallel_loop3A_907 : vector<1x16xf32> to vector<16xf32>
        %parallel_loop3A_909 = arith.mulf %get3A_276, %parallel_loop3A_908 : vector<16xf32>
        %parallel_loop3A_910 = arith.index_cast %parallel_loop3A_894 : i32 to index
        %parallel_loop3A_911 = arith.constant 1072 : index
        %parallel_loop3A_912 = tpu.vector_load %arg6[%parallel_loop3A_910, %parallel_loop3A_911] {strides = array<i32>} : memref<16x2048xf32, #tpu.memory_space<vmem>>, vector<1x16xf32>,
        %parallel_loop3A_913 = vector.shape_cast %parallel_loop3A_912 : vector<1x16xf32> to vector<16xf32>
        %parallel_loop3A_914 = arith.mulf %get3A_279, %parallel_loop3A_913 : vector<16xf32>
        %parallel_loop3A_915 = arith.index_cast %parallel_loop3A_894 : i32 to index
        %parallel_loop3A_916 = arith.constant 1088 : index
        %parallel_loop3A_917 = tpu.vector_load %arg6[%parallel_loop3A_915, %parallel_loop3A_916] {strides = array<i32>} : memref<16x2048xf32, #tpu.memory_space<vmem>>, vector<1x16xf32>,
        %parallel_loop3A_918 = vector.shape_cast %parallel_loop3A_917 : vector<1x16xf32> to vector<16xf32>
        %parallel_loop3A_919 = arith.mulf %get3A_282, %parallel_loop3A_918 : vector<16xf32>
        %parallel_loop3A_920 = arith.index_cast %parallel_loop3A_894 : i32 to index
        %parallel_loop3A_921 = arith.constant 1104 : index
        %parallel_loop3A_922 = tpu.vector_load %arg6[%parallel_loop3A_920, %parallel_loop3A_921] {strides = array<i32>} : memref<16x2048xf32, #tpu.memory_space<vmem>>, vector<1x16xf32>,
        %parallel_loop3A_923 = vector.shape_cast %parallel_loop3A_922 : vector<1x16xf32> to vector<16xf32>
        %parallel_loop3A_924 = arith.mulf %get3A_285, %parallel_loop3A_923 : vector<16xf32>
        %parallel_loop3A_925 = arith.index_cast %parallel_loop3A_894 : i32 to index
        %parallel_loop3A_926 = arith.constant 1120 : index
        %parallel_loop3A_927 = tpu.vector_load %arg6[%parallel_loop3A_925, %parallel_loop3A_926] {strides = array<i32>} : memref<16x2048xf32, #tpu.memory_space<vmem>>, vector<1x16xf32>,
        %parallel_loop3A_928 = vector.shape_cast %parallel_loop3A_927 : vector<1x16xf32> to vector<16xf32>
        %parallel_loop3A_929 = arith.mulf %get3A_288, %parallel_loop3A_928 : vector<16xf32>
        %parallel_loop3A_930 = arith.index_cast %parallel_loop3A_894 : i32 to index
        %parallel_loop3A_931 = arith.constant 1136 : index
        %parallel_loop3A_932 = tpu.vector_load %arg6[%parallel_loop3A_930, %parallel_loop3A_931] {strides = array<i32>} : memref<16x2048xf32, #tpu.memory_space<vmem>>, vector<1x16xf32>,
        %parallel_loop3A_933 = vector.shape_cast %parallel_loop3A_932 : vector<1x16xf32> to vector<16xf32>
        %parallel_loop3A_934 = arith.mulf %get3A_291, %parallel_loop3A_933 : vector<16xf32>
        %parallel_loop3A_935 = arith.index_cast %parallel_loop3A_894 : i32 to index
        %parallel_loop3A_936 = arith.constant 1152 : index
        %parallel_loop3A_937 = tpu.vector_load %arg6[%parallel_loop3A_935, %parallel_loop3A_936] {strides = array<i32>} : memref<16x2048xf32, #tpu.memory_space<vmem>>, vector<1x16xf32>,
        %parallel_loop3A_938 = vector.shape_cast %parallel_loop3A_937 : vector<1x16xf32> to vector<16xf32>
        %parallel_loop3A_939 = arith.mulf %get3A_294, %parallel_loop3A_938 : vector<16xf32>
        %parallel_loop3A_940 = arith.addf %parallel_loop3A_899, %parallel_loop3A_939 : vector<16xf32>
        %parallel_loop3A_941 = arith.index_cast %parallel_loop3A_894 : i32 to index
        %parallel_loop3A_942 = arith.constant 1168 : index
        %parallel_loop3A_943 = tpu.vector_load %arg6[%parallel_loop3A_941, %parallel_loop3A_942] {strides = array<i32>} : memref<16x2048xf32, #tpu.memory_space<vmem>>, vector<1x16xf32>,
        %parallel_loop3A_944 = vector.shape_cast %parallel_loop3A_943 : vector<1x16xf32> to vector<16xf32>
        %parallel_loop3A_945 = arith.mulf %get3A_297, %parallel_loop3A_944 : vector<16xf32>
        %parallel_loop3A_946 = arith.addf %parallel_loop3A_904, %parallel_loop3A_945 : vector<16xf32>
        %parallel_loop3A_947 = arith.index_cast %parallel_loop3A_894 : i32 to index
        %parallel_loop3A_948 = arith.constant 1184 : index
        %parallel_loop3A_949 = tpu.vector_load %arg6[%parallel_loop3A_947, %parallel_loop3A_948] {strides = array<i32>} : memref<16x2048xf32, #tpu.memory_space<vmem>>, vector<1x16xf32>,
        %parallel_loop3A_950 = vector.shape_cast %parallel_loop3A_949 : vector<1x16xf32> to vector<16xf32>
        %parallel_loop3A_951 = arith.mulf %get3A_300, %parallel_loop3A_950 : vector<16xf32>
        %parallel_loop3A_952 = arith.addf %parallel_loop3A_909, %parallel_loop3A_951 : vector<16xf32>
        %parallel_loop3A_953 = arith.index_cast %parallel_loop3A_894 : i32 to index
        %parallel_loop3A_954 = arith.constant 1200 : index
        %parallel_loop3A_955 = tpu.vector_load %arg6[%parallel_loop3A_953, %parallel_loop3A_954] {strides = array<i32>} : memref<16x2048xf32, #tpu.memory_space<vmem>>, vector<1x16xf32>,
        %parallel_loop3A_956 = vector.shape_cast %parallel_loop3A_955 : vector<1x16xf32> to vector<16xf32>
        %parallel_loop3A_957 = arith.mulf %get3A_303, %parallel_loop3A_956 : vector<16xf32>
        %parallel_loop3A_958 = arith.addf %parallel_loop3A_914, %parallel_loop3A_957 : vector<16xf32>
        %parallel_loop3A_959 = arith.index_cast %parallel_loop3A_894 : i32 to index
        %parallel_loop3A_960 = arith.constant 1216 : index
        %parallel_loop3A_961 = tpu.vector_load %arg6[%parallel_loop3A_959, %parallel_loop3A_960] {strides = array<i32>} : memref<16x2048xf32, #tpu.memory_space<vmem>>, vector<1x16xf32>,
        %parallel_loop3A_962 = vector.shape_cast %parallel_loop3A_961 : vector<1x16xf32> to vector<16xf32>
        %parallel_loop3A_963 = arith.mulf %get3A_306, %parallel_loop3A_962 : vector<16xf32>
        %parallel_loop3A_964 = arith.addf %parallel_loop3A_919, %parallel_loop3A_963 : vector<16xf32>
        %parallel_loop3A_965 = arith.index_cast %parallel_loop3A_894 : i32 to index
        %parallel_loop3A_966 = arith.constant 1232 : index
        %parallel_loop3A_967 = tpu.vector_load %arg6[%parallel_loop3A_965, %parallel_loop3A_966] {strides = array<i32>} : memref<16x2048xf32, #tpu.memory_space<vmem>>, vector<1x16xf32>,
        %parallel_loop3A_968 = vector.shape_cast %parallel_loop3A_967 : vector<1x16xf32> to vector<16xf32>
        %parallel_loop3A_969 = arith.mulf %get3A_309, %parallel_loop3A_968 : vector<16xf32>
        %parallel_loop3A_970 = arith.addf %parallel_loop3A_924, %parallel_loop3A_969 : vector<16xf32>
        %parallel_loop3A_971 = arith.index_cast %parallel_loop3A_894 : i32 to index
        %parallel_loop3A_972 = arith.constant 1248 : index
        %parallel_loop3A_973 = tpu.vector_load %arg6[%parallel_loop3A_971, %parallel_loop3A_972] {strides = array<i32>} : memref<16x2048xf32, #tpu.memory_space<vmem>>, vector<1x16xf32>,
        %parallel_loop3A_974 = vector.shape_cast %parallel_loop3A_973 : vector<1x16xf32> to vector<16xf32>
        %parallel_loop3A_975 = arith.mulf %get3A_312, %parallel_loop3A_974 : vector<16xf32>
        %parallel_loop3A_976 = arith.addf %parallel_loop3A_929, %parallel_loop3A_975 : vector<16xf32>
        %parallel_loop3A_977 = arith.index_cast %parallel_loop3A_894 : i32 to index
        %parallel_loop3A_978 = arith.constant 1264 : index
        %parallel_loop3A_979 = tpu.vector_load %arg6[%parallel_loop3A_977, %parallel_loop3A_978] {strides = array<i32>} : memref<16x2048xf32, #tpu.memory_space<vmem>>, vector<1x16xf32>,
        %parallel_loop3A_980 = vector.shape_cast %parallel_loop3A_979 : vector<1x16xf32> to vector<16xf32>
        %parallel_loop3A_981 = arith.mulf %get3A_315, %parallel_loop3A_980 : vector<16xf32>
        %parallel_loop3A_982 = arith.addf %parallel_loop3A_934, %parallel_loop3A_981 : vector<16xf32>
        %parallel_loop3A_983 = arith.addf %parallel_loop3A_940, %parallel_loop3A_946 : vector<16xf32>
        %parallel_loop3A_984 = arith.addf %parallel_loop3A_952, %parallel_loop3A_958 : vector<16xf32>
        %parallel_loop3A_985 = arith.addf %parallel_loop3A_964, %parallel_loop3A_970 : vector<16xf32>
        %parallel_loop3A_986 = arith.addf %parallel_loop3A_976, %parallel_loop3A_982 : vector<16xf32>
        %parallel_loop3A_987 = arith.addf %parallel_loop3A_983, %parallel_loop3A_984 : vector<16xf32>
        %parallel_loop3A_988 = arith.addf %parallel_loop3A_985, %parallel_loop3A_986 : vector<16xf32>
        %parallel_loop3A_989 = arith.addf %parallel_loop3A_987, %parallel_loop3A_988 : vector<16xf32>
        %parallel_loop3A_990 = arith.constant 16 : i32
        %parallel_loop3A_991 = arith.muli %mul3A_49, %parallel_loop3A_990 : i32
        %parallel_loop3A_992 = arith.addi %parallel_loop3A_991, %parallel_loop3A_894 : i32
        %parallel_loop3A_993 = arith.index_cast %parallel_loop3A_992 : i32 to index
        %parallel_loop3A_994 = arith.constant 0 : index
        %parallel_loop3A_995 = tpu.vector_load %arg8[%parallel_loop3A_993, %parallel_loop3A_994] {strides = array<i32>} : memref<64x16xf32, #tpu.memory_space<vmem>>, vector<1x16xf32>,
        %parallel_loop3A_996 = vector.shape_cast %parallel_loop3A_995 : vector<1x16xf32> to vector<16xf32>
        %parallel_loop3A_997 = vector.shape_cast %parallel_loop3A_989 : vector<16xf32> to vector<1x16xf32>
        tpu.vector_store %arg8[%parallel_loop3A_993, %parallel_loop3A_994], %parallel_loop3A_997 {add = true, strides = array<i32>} : memref<64x16xf32, #tpu.memory_space<vmem>>, vector<1x16xf32>,
      } {sc.loop_unroll_factor = 2 : i64, sc.parallel_access}
      %get3A_319 = arith.constant 1280 : index
      %get3A_320 = tpu.vector_load %arg5[%get3A_319] {strides = array<i32>} : memref<2048xf32, #tpu.memory_space<vmem>>, vector<16xf32>,
      %get3A_321 = vector.shape_cast %get3A_320 : vector<16xf32> to vector<16xf32>
      %get3A_322 = arith.constant 1296 : index
      %get3A_323 = tpu.vector_load %arg5[%get3A_322] {strides = array<i32>} : memref<2048xf32, #tpu.memory_space<vmem>>, vector<16xf32>,
      %get3A_324 = vector.shape_cast %get3A_323 : vector<16xf32> to vector<16xf32>
      %get3A_325 = arith.constant 1312 : index
      %get3A_326 = tpu.vector_load %arg5[%get3A_325] {strides = array<i32>} : memref<2048xf32, #tpu.memory_space<vmem>>, vector<16xf32>,
      %get3A_327 = vector.shape_cast %get3A_326 : vector<16xf32> to vector<16xf32>
      %get3A_328 = arith.constant 1328 : index
      %get3A_329 = tpu.vector_load %arg5[%get3A_328] {strides = array<i32>} : memref<2048xf32, #tpu.memory_space<vmem>>, vector<16xf32>,
      %get3A_330 = vector.shape_cast %get3A_329 : vector<16xf32> to vector<16xf32>
      %get3A_331 = arith.constant 1344 : index
      %get3A_332 = tpu.vector_load %arg5[%get3A_331] {strides = array<i32>} : memref<2048xf32, #tpu.memory_space<vmem>>, vector<16xf32>,
      %get3A_333 = vector.shape_cast %get3A_332 : vector<16xf32> to vector<16xf32>
      %get3A_334 = arith.constant 1360 : index
      %get3A_335 = tpu.vector_load %arg5[%get3A_334] {strides = array<i32>} : memref<2048xf32, #tpu.memory_space<vmem>>, vector<16xf32>,
      %get3A_336 = vector.shape_cast %get3A_335 : vector<16xf32> to vector<16xf32>
      %get3A_337 = arith.constant 1376 : index
      %get3A_338 = tpu.vector_load %arg5[%get3A_337] {strides = array<i32>} : memref<2048xf32, #tpu.memory_space<vmem>>, vector<16xf32>,
      %get3A_339 = vector.shape_cast %get3A_338 : vector<16xf32> to vector<16xf32>
      %get3A_340 = arith.constant 1392 : index
      %get3A_341 = tpu.vector_load %arg5[%get3A_340] {strides = array<i32>} : memref<2048xf32, #tpu.memory_space<vmem>>, vector<16xf32>,
      %get3A_342 = vector.shape_cast %get3A_341 : vector<16xf32> to vector<16xf32>
      %get3A_343 = arith.constant 1408 : index
      %get3A_344 = tpu.vector_load %arg5[%get3A_343] {strides = array<i32>} : memref<2048xf32, #tpu.memory_space<vmem>>, vector<16xf32>,
      %get3A_345 = vector.shape_cast %get3A_344 : vector<16xf32> to vector<16xf32>
      %get3A_346 = arith.constant 1424 : index
      %get3A_347 = tpu.vector_load %arg5[%get3A_346] {strides = array<i32>} : memref<2048xf32, #tpu.memory_space<vmem>>, vector<16xf32>,
      %get3A_348 = vector.shape_cast %get3A_347 : vector<16xf32> to vector<16xf32>
      %get3A_349 = arith.constant 1440 : index
      %get3A_350 = tpu.vector_load %arg5[%get3A_349] {strides = array<i32>} : memref<2048xf32, #tpu.memory_space<vmem>>, vector<16xf32>,
      %get3A_351 = vector.shape_cast %get3A_350 : vector<16xf32> to vector<16xf32>
      %get3A_352 = arith.constant 1456 : index
      %get3A_353 = tpu.vector_load %arg5[%get3A_352] {strides = array<i32>} : memref<2048xf32, #tpu.memory_space<vmem>>, vector<16xf32>,
      %get3A_354 = vector.shape_cast %get3A_353 : vector<16xf32> to vector<16xf32>
      %get3A_355 = arith.constant 1472 : index
      %get3A_356 = tpu.vector_load %arg5[%get3A_355] {strides = array<i32>} : memref<2048xf32, #tpu.memory_space<vmem>>, vector<16xf32>,
      %get3A_357 = vector.shape_cast %get3A_356 : vector<16xf32> to vector<16xf32>
      %get3A_358 = arith.constant 1488 : index
      %get3A_359 = tpu.vector_load %arg5[%get3A_358] {strides = array<i32>} : memref<2048xf32, #tpu.memory_space<vmem>>, vector<16xf32>,
      %get3A_360 = vector.shape_cast %get3A_359 : vector<16xf32> to vector<16xf32>
      %get3A_361 = arith.constant 1504 : index
      %get3A_362 = tpu.vector_load %arg5[%get3A_361] {strides = array<i32>} : memref<2048xf32, #tpu.memory_space<vmem>>, vector<16xf32>,
      %get3A_363 = vector.shape_cast %get3A_362 : vector<16xf32> to vector<16xf32>
      %get3A_364 = arith.constant 1520 : index
      %get3A_365 = tpu.vector_load %arg5[%get3A_364] {strides = array<i32>} : memref<2048xf32, #tpu.memory_space<vmem>>, vector<16xf32>,
      %get3A_366 = vector.shape_cast %get3A_365 : vector<16xf32> to vector<16xf32>
      %parallel_loop3A_367 = arith.constant 0 : i32
      %parallel_loop3A_368 = arith.constant 16 : i32
      %parallel_loop3A_369 = arith.constant 1 : i32
      scf.for %parallel_loop3A_894 = %parallel_loop3A_367 to %parallel_loop3A_368 step %parallel_loop3A_369  : i32 {
        %parallel_loop3A_895 = arith.index_cast %parallel_loop3A_894 : i32 to index
        %parallel_loop3A_896 = arith.constant 1280 : index
        %parallel_loop3A_897 = tpu.vector_load %arg6[%parallel_loop3A_895, %parallel_loop3A_896] {strides = array<i32>} : memref<16x2048xf32, #tpu.memory_space<vmem>>, vector<1x16xf32>,
        %parallel_loop3A_898 = vector.shape_cast %parallel_loop3A_897 : vector<1x16xf32> to vector<16xf32>
        %parallel_loop3A_899 = arith.mulf %get3A_321, %parallel_loop3A_898 : vector<16xf32>
        %parallel_loop3A_900 = arith.index_cast %parallel_loop3A_894 : i32 to index
        %parallel_loop3A_901 = arith.constant 1296 : index
        %parallel_loop3A_902 = tpu.vector_load %arg6[%parallel_loop3A_900, %parallel_loop3A_901] {strides = array<i32>} : memref<16x2048xf32, #tpu.memory_space<vmem>>, vector<1x16xf32>,
        %parallel_loop3A_903 = vector.shape_cast %parallel_loop3A_902 : vector<1x16xf32> to vector<16xf32>
        %parallel_loop3A_904 = arith.mulf %get3A_324, %parallel_loop3A_903 : vector<16xf32>
        %parallel_loop3A_905 = arith.index_cast %parallel_loop3A_894 : i32 to index
        %parallel_loop3A_906 = arith.constant 1312 : index
        %parallel_loop3A_907 = tpu.vector_load %arg6[%parallel_loop3A_905, %parallel_loop3A_906] {strides = array<i32>} : memref<16x2048xf32, #tpu.memory_space<vmem>>, vector<1x16xf32>,
        %parallel_loop3A_908 = vector.shape_cast %parallel_loop3A_907 : vector<1x16xf32> to vector<16xf32>
        %parallel_loop3A_909 = arith.mulf %get3A_327, %parallel_loop3A_908 : vector<16xf32>
        %parallel_loop3A_910 = arith.index_cast %parallel_loop3A_894 : i32 to index
        %parallel_loop3A_911 = arith.constant 1328 : index
        %parallel_loop3A_912 = tpu.vector_load %arg6[%parallel_loop3A_910, %parallel_loop3A_911] {strides = array<i32>} : memref<16x2048xf32, #tpu.memory_space<vmem>>, vector<1x16xf32>,
        %parallel_loop3A_913 = vector.shape_cast %parallel_loop3A_912 : vector<1x16xf32> to vector<16xf32>
        %parallel_loop3A_914 = arith.mulf %get3A_330, %parallel_loop3A_913 : vector<16xf32>
        %parallel_loop3A_915 = arith.index_cast %parallel_loop3A_894 : i32 to index
        %parallel_loop3A_916 = arith.constant 1344 : index
        %parallel_loop3A_917 = tpu.vector_load %arg6[%parallel_loop3A_915, %parallel_loop3A_916] {strides = array<i32>} : memref<16x2048xf32, #tpu.memory_space<vmem>>, vector<1x16xf32>,
        %parallel_loop3A_918 = vector.shape_cast %parallel_loop3A_917 : vector<1x16xf32> to vector<16xf32>
        %parallel_loop3A_919 = arith.mulf %get3A_333, %parallel_loop3A_918 : vector<16xf32>
        %parallel_loop3A_920 = arith.index_cast %parallel_loop3A_894 : i32 to index
        %parallel_loop3A_921 = arith.constant 1360 : index
        %parallel_loop3A_922 = tpu.vector_load %arg6[%parallel_loop3A_920, %parallel_loop3A_921] {strides = array<i32>} : memref<16x2048xf32, #tpu.memory_space<vmem>>, vector<1x16xf32>,
        %parallel_loop3A_923 = vector.shape_cast %parallel_loop3A_922 : vector<1x16xf32> to vector<16xf32>
        %parallel_loop3A_924 = arith.mulf %get3A_336, %parallel_loop3A_923 : vector<16xf32>
        %parallel_loop3A_925 = arith.index_cast %parallel_loop3A_894 : i32 to index
        %parallel_loop3A_926 = arith.constant 1376 : index
        %parallel_loop3A_927 = tpu.vector_load %arg6[%parallel_loop3A_925, %parallel_loop3A_926] {strides = array<i32>} : memref<16x2048xf32, #tpu.memory_space<vmem>>, vector<1x16xf32>,
        %parallel_loop3A_928 = vector.shape_cast %parallel_loop3A_927 : vector<1x16xf32> to vector<16xf32>
        %parallel_loop3A_929 = arith.mulf %get3A_339, %parallel_loop3A_928 : vector<16xf32>
        %parallel_loop3A_930 = arith.index_cast %parallel_loop3A_894 : i32 to index
        %parallel_loop3A_931 = arith.constant 1392 : index
        %parallel_loop3A_932 = tpu.vector_load %arg6[%parallel_loop3A_930, %parallel_loop3A_931] {strides = array<i32>} : memref<16x2048xf32, #tpu.memory_space<vmem>>, vector<1x16xf32>,
        %parallel_loop3A_933 = vector.shape_cast %parallel_loop3A_932 : vector<1x16xf32> to vector<16xf32>
        %parallel_loop3A_934 = arith.mulf %get3A_342, %parallel_loop3A_933 : vector<16xf32>
        %parallel_loop3A_935 = arith.index_cast %parallel_loop3A_894 : i32 to index
        %parallel_loop3A_936 = arith.constant 1408 : index
        %parallel_loop3A_937 = tpu.vector_load %arg6[%parallel_loop3A_935, %parallel_loop3A_936] {strides = array<i32>} : memref<16x2048xf32, #tpu.memory_space<vmem>>, vector<1x16xf32>,
        %parallel_loop3A_938 = vector.shape_cast %parallel_loop3A_937 : vector<1x16xf32> to vector<16xf32>
        %parallel_loop3A_939 = arith.mulf %get3A_345, %parallel_loop3A_938 : vector<16xf32>
        %parallel_loop3A_940 = arith.addf %parallel_loop3A_899, %parallel_loop3A_939 : vector<16xf32>
        %parallel_loop3A_941 = arith.index_cast %parallel_loop3A_894 : i32 to index
        %parallel_loop3A_942 = arith.constant 1424 : index
        %parallel_loop3A_943 = tpu.vector_load %arg6[%parallel_loop3A_941, %parallel_loop3A_942] {strides = array<i32>} : memref<16x2048xf32, #tpu.memory_space<vmem>>, vector<1x16xf32>,
        %parallel_loop3A_944 = vector.shape_cast %parallel_loop3A_943 : vector<1x16xf32> to vector<16xf32>
        %parallel_loop3A_945 = arith.mulf %get3A_348, %parallel_loop3A_944 : vector<16xf32>
        %parallel_loop3A_946 = arith.addf %parallel_loop3A_904, %parallel_loop3A_945 : vector<16xf32>
        %parallel_loop3A_947 = arith.index_cast %parallel_loop3A_894 : i32 to index
        %parallel_loop3A_948 = arith.constant 1440 : index
        %parallel_loop3A_949 = tpu.vector_load %arg6[%parallel_loop3A_947, %parallel_loop3A_948] {strides = array<i32>} : memref<16x2048xf32, #tpu.memory_space<vmem>>, vector<1x16xf32>,
        %parallel_loop3A_950 = vector.shape_cast %parallel_loop3A_949 : vector<1x16xf32> to vector<16xf32>
        %parallel_loop3A_951 = arith.mulf %get3A_351, %parallel_loop3A_950 : vector<16xf32>
        %parallel_loop3A_952 = arith.addf %parallel_loop3A_909, %parallel_loop3A_951 : vector<16xf32>
        %parallel_loop3A_953 = arith.index_cast %parallel_loop3A_894 : i32 to index
        %parallel_loop3A_954 = arith.constant 1456 : index
        %parallel_loop3A_955 = tpu.vector_load %arg6[%parallel_loop3A_953, %parallel_loop3A_954] {strides = array<i32>} : memref<16x2048xf32, #tpu.memory_space<vmem>>, vector<1x16xf32>,
        %parallel_loop3A_956 = vector.shape_cast %parallel_loop3A_955 : vector<1x16xf32> to vector<16xf32>
        %parallel_loop3A_957 = arith.mulf %get3A_354, %parallel_loop3A_956 : vector<16xf32>
        %parallel_loop3A_958 = arith.addf %parallel_loop3A_914, %parallel_loop3A_957 : vector<16xf32>
        %parallel_loop3A_959 = arith.index_cast %parallel_loop3A_894 : i32 to index
        %parallel_loop3A_960 = arith.constant 1472 : index
        %parallel_loop3A_961 = tpu.vector_load %arg6[%parallel_loop3A_959, %parallel_loop3A_960] {strides = array<i32>} : memref<16x2048xf32, #tpu.memory_space<vmem>>, vector<1x16xf32>,
        %parallel_loop3A_962 = vector.shape_cast %parallel_loop3A_961 : vector<1x16xf32> to vector<16xf32>
        %parallel_loop3A_963 = arith.mulf %get3A_357, %parallel_loop3A_962 : vector<16xf32>
        %parallel_loop3A_964 = arith.addf %parallel_loop3A_919, %parallel_loop3A_963 : vector<16xf32>
        %parallel_loop3A_965 = arith.index_cast %parallel_loop3A_894 : i32 to index
        %parallel_loop3A_966 = arith.constant 1488 : index
        %parallel_loop3A_967 = tpu.vector_load %arg6[%parallel_loop3A_965, %parallel_loop3A_966] {strides = array<i32>} : memref<16x2048xf32, #tpu.memory_space<vmem>>, vector<1x16xf32>,
        %parallel_loop3A_968 = vector.shape_cast %parallel_loop3A_967 : vector<1x16xf32> to vector<16xf32>
        %parallel_loop3A_969 = arith.mulf %get3A_360, %parallel_loop3A_968 : vector<16xf32>
        %parallel_loop3A_970 = arith.addf %parallel_loop3A_924, %parallel_loop3A_969 : vector<16xf32>
        %parallel_loop3A_971 = arith.index_cast %parallel_loop3A_894 : i32 to index
        %parallel_loop3A_972 = arith.constant 1504 : index
        %parallel_loop3A_973 = tpu.vector_load %arg6[%parallel_loop3A_971, %parallel_loop3A_972] {strides = array<i32>} : memref<16x2048xf32, #tpu.memory_space<vmem>>, vector<1x16xf32>,
        %parallel_loop3A_974 = vector.shape_cast %parallel_loop3A_973 : vector<1x16xf32> to vector<16xf32>
        %parallel_loop3A_975 = arith.mulf %get3A_363, %parallel_loop3A_974 : vector<16xf32>
        %parallel_loop3A_976 = arith.addf %parallel_loop3A_929, %parallel_loop3A_975 : vector<16xf32>
        %parallel_loop3A_977 = arith.index_cast %parallel_loop3A_894 : i32 to index
        %parallel_loop3A_978 = arith.constant 1520 : index
        %parallel_loop3A_979 = tpu.vector_load %arg6[%parallel_loop3A_977, %parallel_loop3A_978] {strides = array<i32>} : memref<16x2048xf32, #tpu.memory_space<vmem>>, vector<1x16xf32>,
        %parallel_loop3A_980 = vector.shape_cast %parallel_loop3A_979 : vector<1x16xf32> to vector<16xf32>
        %parallel_loop3A_981 = arith.mulf %get3A_366, %parallel_loop3A_980 : vector<16xf32>
        %parallel_loop3A_982 = arith.addf %parallel_loop3A_934, %parallel_loop3A_981 : vector<16xf32>
        %parallel_loop3A_983 = arith.addf %parallel_loop3A_940, %parallel_loop3A_946 : vector<16xf32>
        %parallel_loop3A_984 = arith.addf %parallel_loop3A_952, %parallel_loop3A_958 : vector<16xf32>
        %parallel_loop3A_985 = arith.addf %parallel_loop3A_964, %parallel_loop3A_970 : vector<16xf32>
        %parallel_loop3A_986 = arith.addf %parallel_loop3A_976, %parallel_loop3A_982 : vector<16xf32>
        %parallel_loop3A_987 = arith.addf %parallel_loop3A_983, %parallel_loop3A_984 : vector<16xf32>
        %parallel_loop3A_988 = arith.addf %parallel_loop3A_985, %parallel_loop3A_986 : vector<16xf32>
        %parallel_loop3A_989 = arith.addf %parallel_loop3A_987, %parallel_loop3A_988 : vector<16xf32>
        %parallel_loop3A_990 = arith.constant 16 : i32
        %parallel_loop3A_991 = arith.muli %mul3A_49, %parallel_loop3A_990 : i32
        %parallel_loop3A_992 = arith.addi %parallel_loop3A_991, %parallel_loop3A_894 : i32
        %parallel_loop3A_993 = arith.index_cast %parallel_loop3A_992 : i32 to index
        %parallel_loop3A_994 = arith.constant 0 : index
        %parallel_loop3A_995 = tpu.vector_load %arg8[%parallel_loop3A_993, %parallel_loop3A_994] {strides = array<i32>} : memref<64x16xf32, #tpu.memory_space<vmem>>, vector<1x16xf32>,
        %parallel_loop3A_996 = vector.shape_cast %parallel_loop3A_995 : vector<1x16xf32> to vector<16xf32>
        %parallel_loop3A_997 = vector.shape_cast %parallel_loop3A_989 : vector<16xf32> to vector<1x16xf32>
        tpu.vector_store %arg8[%parallel_loop3A_993, %parallel_loop3A_994], %parallel_loop3A_997 {add = true, strides = array<i32>} : memref<64x16xf32, #tpu.memory_space<vmem>>, vector<1x16xf32>,
      } {sc.loop_unroll_factor = 2 : i64, sc.parallel_access}
      %get3A_370 = arith.constant 1536 : index
      %get3A_371 = tpu.vector_load %arg5[%get3A_370] {strides = array<i32>} : memref<2048xf32, #tpu.memory_space<vmem>>, vector<16xf32>,
      %get3A_372 = vector.shape_cast %get3A_371 : vector<16xf32> to vector<16xf32>
      %get3A_373 = arith.constant 1552 : index
      %get3A_374 = tpu.vector_load %arg5[%get3A_373] {strides = array<i32>} : memref<2048xf32, #tpu.memory_space<vmem>>, vector<16xf32>,
      %get3A_375 = vector.shape_cast %get3A_374 : vector<16xf32> to vector<16xf32>
      %get3A_376 = arith.constant 1568 : index
      %get3A_377 = tpu.vector_load %arg5[%get3A_376] {strides = array<i32>} : memref<2048xf32, #tpu.memory_space<vmem>>, vector<16xf32>,
      %get3A_378 = vector.shape_cast %get3A_377 : vector<16xf32> to vector<16xf32>
      %get3A_379 = arith.constant 1584 : index
      %get3A_380 = tpu.vector_load %arg5[%get3A_379] {strides = array<i32>} : memref<2048xf32, #tpu.memory_space<vmem>>, vector<16xf32>,
      %get3A_381 = vector.shape_cast %get3A_380 : vector<16xf32> to vector<16xf32>
      %get3A_382 = arith.constant 1600 : index
      %get3A_383 = tpu.vector_load %arg5[%get3A_382] {strides = array<i32>} : memref<2048xf32, #tpu.memory_space<vmem>>, vector<16xf32>,
      %get3A_384 = vector.shape_cast %get3A_383 : vector<16xf32> to vector<16xf32>
      %get3A_385 = arith.constant 1616 : index
      %get3A_386 = tpu.vector_load %arg5[%get3A_385] {strides = array<i32>} : memref<2048xf32, #tpu.memory_space<vmem>>, vector<16xf32>,
      %get3A_387 = vector.shape_cast %get3A_386 : vector<16xf32> to vector<16xf32>
      %get3A_388 = arith.constant 1632 : index
      %get3A_389 = tpu.vector_load %arg5[%get3A_388] {strides = array<i32>} : memref<2048xf32, #tpu.memory_space<vmem>>, vector<16xf32>,
      %get3A_390 = vector.shape_cast %get3A_389 : vector<16xf32> to vector<16xf32>
      %get3A_391 = arith.constant 1648 : index
      %get3A_392 = tpu.vector_load %arg5[%get3A_391] {strides = array<i32>} : memref<2048xf32, #tpu.memory_space<vmem>>, vector<16xf32>,
      %get3A_393 = vector.shape_cast %get3A_392 : vector<16xf32> to vector<16xf32>
      %get3A_394 = arith.constant 1664 : index
      %get3A_395 = tpu.vector_load %arg5[%get3A_394] {strides = array<i32>} : memref<2048xf32, #tpu.memory_space<vmem>>, vector<16xf32>,
      %get3A_396 = vector.shape_cast %get3A_395 : vector<16xf32> to vector<16xf32>
      %get3A_397 = arith.constant 1680 : index
      %get3A_398 = tpu.vector_load %arg5[%get3A_397] {strides = array<i32>} : memref<2048xf32, #tpu.memory_space<vmem>>, vector<16xf32>,
      %get3A_399 = vector.shape_cast %get3A_398 : vector<16xf32> to vector<16xf32>
      %get3A_400 = arith.constant 1696 : index
      %get3A_401 = tpu.vector_load %arg5[%get3A_400] {strides = array<i32>} : memref<2048xf32, #tpu.memory_space<vmem>>, vector<16xf32>,
      %get3A_402 = vector.shape_cast %get3A_401 : vector<16xf32> to vector<16xf32>
      %get3A_403 = arith.constant 1712 : index
      %get3A_404 = tpu.vector_load %arg5[%get3A_403] {strides = array<i32>} : memref<2048xf32, #tpu.memory_space<vmem>>, vector<16xf32>,
      %get3A_405 = vector.shape_cast %get3A_404 : vector<16xf32> to vector<16xf32>
      %get3A_406 = arith.constant 1728 : index
      %get3A_407 = tpu.vector_load %arg5[%get3A_406] {strides = array<i32>} : memref<2048xf32, #tpu.memory_space<vmem>>, vector<16xf32>,
      %get3A_408 = vector.shape_cast %get3A_407 : vector<16xf32> to vector<16xf32>
      %get3A_409 = arith.constant 1744 : index
      %get3A_410 = tpu.vector_load %arg5[%get3A_409] {strides = array<i32>} : memref<2048xf32, #tpu.memory_space<vmem>>, vector<16xf32>,
      %get3A_411 = vector.shape_cast %get3A_410 : vector<16xf32> to vector<16xf32>
      %get3A_412 = arith.constant 1760 : index
      %get3A_413 = tpu.vector_load %arg5[%get3A_412] {strides = array<i32>} : memref<2048xf32, #tpu.memory_space<vmem>>, vector<16xf32>,
      %get3A_414 = vector.shape_cast %get3A_413 : vector<16xf32> to vector<16xf32>
      %get3A_415 = arith.constant 1776 : index
      %get3A_416 = tpu.vector_load %arg5[%get3A_415] {strides = array<i32>} : memref<2048xf32, #tpu.memory_space<vmem>>, vector<16xf32>,
      %get3A_417 = vector.shape_cast %get3A_416 : vector<16xf32> to vector<16xf32>
      %parallel_loop3A_418 = arith.constant 0 : i32
      %parallel_loop3A_419 = arith.constant 16 : i32
      %parallel_loop3A_420 = arith.constant 1 : i32
      scf.for %parallel_loop3A_894 = %parallel_loop3A_418 to %parallel_loop3A_419 step %parallel_loop3A_420  : i32 {
        %parallel_loop3A_895 = arith.index_cast %parallel_loop3A_894 : i32 to index
        %parallel_loop3A_896 = arith.constant 1536 : index
        %parallel_loop3A_897 = tpu.vector_load %arg6[%parallel_loop3A_895, %parallel_loop3A_896] {strides = array<i32>} : memref<16x2048xf32, #tpu.memory_space<vmem>>, vector<1x16xf32>,
        %parallel_loop3A_898 = vector.shape_cast %parallel_loop3A_897 : vector<1x16xf32> to vector<16xf32>
        %parallel_loop3A_899 = arith.mulf %get3A_372, %parallel_loop3A_898 : vector<16xf32>
        %parallel_loop3A_900 = arith.index_cast %parallel_loop3A_894 : i32 to index
        %parallel_loop3A_901 = arith.constant 1552 : index
        %parallel_loop3A_902 = tpu.vector_load %arg6[%parallel_loop3A_900, %parallel_loop3A_901] {strides = array<i32>} : memref<16x2048xf32, #tpu.memory_space<vmem>>, vector<1x16xf32>,
        %parallel_loop3A_903 = vector.shape_cast %parallel_loop3A_902 : vector<1x16xf32> to vector<16xf32>
        %parallel_loop3A_904 = arith.mulf %get3A_375, %parallel_loop3A_903 : vector<16xf32>
        %parallel_loop3A_905 = arith.index_cast %parallel_loop3A_894 : i32 to index
        %parallel_loop3A_906 = arith.constant 1568 : index
        %parallel_loop3A_907 = tpu.vector_load %arg6[%parallel_loop3A_905, %parallel_loop3A_906] {strides = array<i32>} : memref<16x2048xf32, #tpu.memory_space<vmem>>, vector<1x16xf32>,
        %parallel_loop3A_908 = vector.shape_cast %parallel_loop3A_907 : vector<1x16xf32> to vector<16xf32>
        %parallel_loop3A_909 = arith.mulf %get3A_378, %parallel_loop3A_908 : vector<16xf32>
        %parallel_loop3A_910 = arith.index_cast %parallel_loop3A_894 : i32 to index
        %parallel_loop3A_911 = arith.constant 1584 : index
        %parallel_loop3A_912 = tpu.vector_load %arg6[%parallel_loop3A_910, %parallel_loop3A_911] {strides = array<i32>} : memref<16x2048xf32, #tpu.memory_space<vmem>>, vector<1x16xf32>,
        %parallel_loop3A_913 = vector.shape_cast %parallel_loop3A_912 : vector<1x16xf32> to vector<16xf32>
        %parallel_loop3A_914 = arith.mulf %get3A_381, %parallel_loop3A_913 : vector<16xf32>
        %parallel_loop3A_915 = arith.index_cast %parallel_loop3A_894 : i32 to index
        %parallel_loop3A_916 = arith.constant 1600 : index
        %parallel_loop3A_917 = tpu.vector_load %arg6[%parallel_loop3A_915, %parallel_loop3A_916] {strides = array<i32>} : memref<16x2048xf32, #tpu.memory_space<vmem>>, vector<1x16xf32>,
        %parallel_loop3A_918 = vector.shape_cast %parallel_loop3A_917 : vector<1x16xf32> to vector<16xf32>
        %parallel_loop3A_919 = arith.mulf %get3A_384, %parallel_loop3A_918 : vector<16xf32>
        %parallel_loop3A_920 = arith.index_cast %parallel_loop3A_894 : i32 to index
        %parallel_loop3A_921 = arith.constant 1616 : index
        %parallel_loop3A_922 = tpu.vector_load %arg6[%parallel_loop3A_920, %parallel_loop3A_921] {strides = array<i32>} : memref<16x2048xf32, #tpu.memory_space<vmem>>, vector<1x16xf32>,
        %parallel_loop3A_923 = vector.shape_cast %parallel_loop3A_922 : vector<1x16xf32> to vector<16xf32>
        %parallel_loop3A_924 = arith.mulf %get3A_387, %parallel_loop3A_923 : vector<16xf32>
        %parallel_loop3A_925 = arith.index_cast %parallel_loop3A_894 : i32 to index
        %parallel_loop3A_926 = arith.constant 1632 : index
        %parallel_loop3A_927 = tpu.vector_load %arg6[%parallel_loop3A_925, %parallel_loop3A_926] {strides = array<i32>} : memref<16x2048xf32, #tpu.memory_space<vmem>>, vector<1x16xf32>,
        %parallel_loop3A_928 = vector.shape_cast %parallel_loop3A_927 : vector<1x16xf32> to vector<16xf32>
        %parallel_loop3A_929 = arith.mulf %get3A_390, %parallel_loop3A_928 : vector<16xf32>
        %parallel_loop3A_930 = arith.index_cast %parallel_loop3A_894 : i32 to index
        %parallel_loop3A_931 = arith.constant 1648 : index
        %parallel_loop3A_932 = tpu.vector_load %arg6[%parallel_loop3A_930, %parallel_loop3A_931] {strides = array<i32>} : memref<16x2048xf32, #tpu.memory_space<vmem>>, vector<1x16xf32>,
        %parallel_loop3A_933 = vector.shape_cast %parallel_loop3A_932 : vector<1x16xf32> to vector<16xf32>
        %parallel_loop3A_934 = arith.mulf %get3A_393, %parallel_loop3A_933 : vector<16xf32>
        %parallel_loop3A_935 = arith.index_cast %parallel_loop3A_894 : i32 to index
        %parallel_loop3A_936 = arith.constant 1664 : index
        %parallel_loop3A_937 = tpu.vector_load %arg6[%parallel_loop3A_935, %parallel_loop3A_936] {strides = array<i32>} : memref<16x2048xf32, #tpu.memory_space<vmem>>, vector<1x16xf32>,
        %parallel_loop3A_938 = vector.shape_cast %parallel_loop3A_937 : vector<1x16xf32> to vector<16xf32>
        %parallel_loop3A_939 = arith.mulf %get3A_396, %parallel_loop3A_938 : vector<16xf32>
        %parallel_loop3A_940 = arith.addf %parallel_loop3A_899, %parallel_loop3A_939 : vector<16xf32>
        %parallel_loop3A_941 = arith.index_cast %parallel_loop3A_894 : i32 to index
        %parallel_loop3A_942 = arith.constant 1680 : index
        %parallel_loop3A_943 = tpu.vector_load %arg6[%parallel_loop3A_941, %parallel_loop3A_942] {strides = array<i32>} : memref<16x2048xf32, #tpu.memory_space<vmem>>, vector<1x16xf32>,
        %parallel_loop3A_944 = vector.shape_cast %parallel_loop3A_943 : vector<1x16xf32> to vector<16xf32>
        %parallel_loop3A_945 = arith.mulf %get3A_399, %parallel_loop3A_944 : vector<16xf32>
        %parallel_loop3A_946 = arith.addf %parallel_loop3A_904, %parallel_loop3A_945 : vector<16xf32>
        %parallel_loop3A_947 = arith.index_cast %parallel_loop3A_894 : i32 to index
        %parallel_loop3A_948 = arith.constant 1696 : index
        %parallel_loop3A_949 = tpu.vector_load %arg6[%parallel_loop3A_947, %parallel_loop3A_948] {strides = array<i32>} : memref<16x2048xf32, #tpu.memory_space<vmem>>, vector<1x16xf32>,
        %parallel_loop3A_950 = vector.shape_cast %parallel_loop3A_949 : vector<1x16xf32> to vector<16xf32>
        %parallel_loop3A_951 = arith.mulf %get3A_402, %parallel_loop3A_950 : vector<16xf32>
        %parallel_loop3A_952 = arith.addf %parallel_loop3A_909, %parallel_loop3A_951 : vector<16xf32>
        %parallel_loop3A_953 = arith.index_cast %parallel_loop3A_894 : i32 to index
        %parallel_loop3A_954 = arith.constant 1712 : index
        %parallel_loop3A_955 = tpu.vector_load %arg6[%parallel_loop3A_953, %parallel_loop3A_954] {strides = array<i32>} : memref<16x2048xf32, #tpu.memory_space<vmem>>, vector<1x16xf32>,
        %parallel_loop3A_956 = vector.shape_cast %parallel_loop3A_955 : vector<1x16xf32> to vector<16xf32>
        %parallel_loop3A_957 = arith.mulf %get3A_405, %parallel_loop3A_956 : vector<16xf32>
        %parallel_loop3A_958 = arith.addf %parallel_loop3A_914, %parallel_loop3A_957 : vector<16xf32>
        %parallel_loop3A_959 = arith.index_cast %parallel_loop3A_894 : i32 to index
        %parallel_loop3A_960 = arith.constant 1728 : index
        %parallel_loop3A_961 = tpu.vector_load %arg6[%parallel_loop3A_959, %parallel_loop3A_960] {strides = array<i32>} : memref<16x2048xf32, #tpu.memory_space<vmem>>, vector<1x16xf32>,
        %parallel_loop3A_962 = vector.shape_cast %parallel_loop3A_961 : vector<1x16xf32> to vector<16xf32>
        %parallel_loop3A_963 = arith.mulf %get3A_408, %parallel_loop3A_962 : vector<16xf32>
        %parallel_loop3A_964 = arith.addf %parallel_loop3A_919, %parallel_loop3A_963 : vector<16xf32>
        %parallel_loop3A_965 = arith.index_cast %parallel_loop3A_894 : i32 to index
        %parallel_loop3A_966 = arith.constant 1744 : index
        %parallel_loop3A_967 = tpu.vector_load %arg6[%parallel_loop3A_965, %parallel_loop3A_966] {strides = array<i32>} : memref<16x2048xf32, #tpu.memory_space<vmem>>, vector<1x16xf32>,
        %parallel_loop3A_968 = vector.shape_cast %parallel_loop3A_967 : vector<1x16xf32> to vector<16xf32>
        %parallel_loop3A_969 = arith.mulf %get3A_411, %parallel_loop3A_968 : vector<16xf32>
        %parallel_loop3A_970 = arith.addf %parallel_loop3A_924, %parallel_loop3A_969 : vector<16xf32>
        %parallel_loop3A_971 = arith.index_cast %parallel_loop3A_894 : i32 to index
        %parallel_loop3A_972 = arith.constant 1760 : index
        %parallel_loop3A_973 = tpu.vector_load %arg6[%parallel_loop3A_971, %parallel_loop3A_972] {strides = array<i32>} : memref<16x2048xf32, #tpu.memory_space<vmem>>, vector<1x16xf32>,
        %parallel_loop3A_974 = vector.shape_cast %parallel_loop3A_973 : vector<1x16xf32> to vector<16xf32>
        %parallel_loop3A_975 = arith.mulf %get3A_414, %parallel_loop3A_974 : vector<16xf32>
        %parallel_loop3A_976 = arith.addf %parallel_loop3A_929, %parallel_loop3A_975 : vector<16xf32>
        %parallel_loop3A_977 = arith.index_cast %parallel_loop3A_894 : i32 to index
        %parallel_loop3A_978 = arith.constant 1776 : index
        %parallel_loop3A_979 = tpu.vector_load %arg6[%parallel_loop3A_977, %parallel_loop3A_978] {strides = array<i32>} : memref<16x2048xf32, #tpu.memory_space<vmem>>, vector<1x16xf32>,
        %parallel_loop3A_980 = vector.shape_cast %parallel_loop3A_979 : vector<1x16xf32> to vector<16xf32>
        %parallel_loop3A_981 = arith.mulf %get3A_417, %parallel_loop3A_980 : vector<16xf32>
        %parallel_loop3A_982 = arith.addf %parallel_loop3A_934, %parallel_loop3A_981 : vector<16xf32>
        %parallel_loop3A_983 = arith.addf %parallel_loop3A_940, %parallel_loop3A_946 : vector<16xf32>
        %parallel_loop3A_984 = arith.addf %parallel_loop3A_952, %parallel_loop3A_958 : vector<16xf32>
        %parallel_loop3A_985 = arith.addf %parallel_loop3A_964, %parallel_loop3A_970 : vector<16xf32>
        %parallel_loop3A_986 = arith.addf %parallel_loop3A_976, %parallel_loop3A_982 : vector<16xf32>
        %parallel_loop3A_987 = arith.addf %parallel_loop3A_983, %parallel_loop3A_984 : vector<16xf32>
        %parallel_loop3A_988 = arith.addf %parallel_loop3A_985, %parallel_loop3A_986 : vector<16xf32>
        %parallel_loop3A_989 = arith.addf %parallel_loop3A_987, %parallel_loop3A_988 : vector<16xf32>
        %parallel_loop3A_990 = arith.constant 16 : i32
        %parallel_loop3A_991 = arith.muli %mul3A_49, %parallel_loop3A_990 : i32
        %parallel_loop3A_992 = arith.addi %parallel_loop3A_991, %parallel_loop3A_894 : i32
        %parallel_loop3A_993 = arith.index_cast %parallel_loop3A_992 : i32 to index
        %parallel_loop3A_994 = arith.constant 0 : index
        %parallel_loop3A_995 = tpu.vector_load %arg8[%parallel_loop3A_993, %parallel_loop3A_994] {strides = array<i32>} : memref<64x16xf32, #tpu.memory_space<vmem>>, vector<1x16xf32>,
        %parallel_loop3A_996 = vector.shape_cast %parallel_loop3A_995 : vector<1x16xf32> to vector<16xf32>
        %parallel_loop3A_997 = vector.shape_cast %parallel_loop3A_989 : vector<16xf32> to vector<1x16xf32>
        tpu.vector_store %arg8[%parallel_loop3A_993, %parallel_loop3A_994], %parallel_loop3A_997 {add = true, strides = array<i32>} : memref<64x16xf32, #tpu.memory_space<vmem>>, vector<1x16xf32>,
      } {sc.loop_unroll_factor = 2 : i64, sc.parallel_access}
      %get3A_421 = arith.constant 1792 : index
      %get3A_422 = tpu.vector_load %arg5[%get3A_421] {strides = array<i32>} : memref<2048xf32, #tpu.memory_space<vmem>>, vector<16xf32>,
      %get3A_423 = vector.shape_cast %get3A_422 : vector<16xf32> to vector<16xf32>
      %get3A_424 = arith.constant 1808 : index
      %get3A_425 = tpu.vector_load %arg5[%get3A_424] {strides = array<i32>} : memref<2048xf32, #tpu.memory_space<vmem>>, vector<16xf32>,
      %get3A_426 = vector.shape_cast %get3A_425 : vector<16xf32> to vector<16xf32>
      %get3A_427 = arith.constant 1824 : index
      %get3A_428 = tpu.vector_load %arg5[%get3A_427] {strides = array<i32>} : memref<2048xf32, #tpu.memory_space<vmem>>, vector<16xf32>,
      %get3A_429 = vector.shape_cast %get3A_428 : vector<16xf32> to vector<16xf32>
      %get3A_430 = arith.constant 1840 : index
      %get3A_431 = tpu.vector_load %arg5[%get3A_430] {strides = array<i32>} : memref<2048xf32, #tpu.memory_space<vmem>>, vector<16xf32>,
      %get3A_432 = vector.shape_cast %get3A_431 : vector<16xf32> to vector<16xf32>
      %get3A_433 = arith.constant 1856 : index
      %get3A_434 = tpu.vector_load %arg5[%get3A_433] {strides = array<i32>} : memref<2048xf32, #tpu.memory_space<vmem>>, vector<16xf32>,
      %get3A_435 = vector.shape_cast %get3A_434 : vector<16xf32> to vector<16xf32>
      %get3A_436 = arith.constant 1872 : index
      %get3A_437 = tpu.vector_load %arg5[%get3A_436] {strides = array<i32>} : memref<2048xf32, #tpu.memory_space<vmem>>, vector<16xf32>,
      %get3A_438 = vector.shape_cast %get3A_437 : vector<16xf32> to vector<16xf32>
      %get3A_439 = arith.constant 1888 : index
      %get3A_440 = tpu.vector_load %arg5[%get3A_439] {strides = array<i32>} : memref<2048xf32, #tpu.memory_space<vmem>>, vector<16xf32>,
      %get3A_441 = vector.shape_cast %get3A_440 : vector<16xf32> to vector<16xf32>
      %get3A_442 = arith.constant 1904 : index
      %get3A_443 = tpu.vector_load %arg5[%get3A_442] {strides = array<i32>} : memref<2048xf32, #tpu.memory_space<vmem>>, vector<16xf32>,
      %get3A_444 = vector.shape_cast %get3A_443 : vector<16xf32> to vector<16xf32>
      %get3A_445 = arith.constant 1920 : index
      %get3A_446 = tpu.vector_load %arg5[%get3A_445] {strides = array<i32>} : memref<2048xf32, #tpu.memory_space<vmem>>, vector<16xf32>,
      %get3A_447 = vector.shape_cast %get3A_446 : vector<16xf32> to vector<16xf32>
      %get3A_448 = arith.constant 1936 : index
      %get3A_449 = tpu.vector_load %arg5[%get3A_448] {strides = array<i32>} : memref<2048xf32, #tpu.memory_space<vmem>>, vector<16xf32>,
      %get3A_450 = vector.shape_cast %get3A_449 : vector<16xf32> to vector<16xf32>
      %get3A_451 = arith.constant 1952 : index
      %get3A_452 = tpu.vector_load %arg5[%get3A_451] {strides = array<i32>} : memref<2048xf32, #tpu.memory_space<vmem>>, vector<16xf32>,
      %get3A_453 = vector.shape_cast %get3A_452 : vector<16xf32> to vector<16xf32>
      %get3A_454 = arith.constant 1968 : index
      %get3A_455 = tpu.vector_load %arg5[%get3A_454] {strides = array<i32>} : memref<2048xf32, #tpu.memory_space<vmem>>, vector<16xf32>,
      %get3A_456 = vector.shape_cast %get3A_455 : vector<16xf32> to vector<16xf32>
      %get3A_457 = arith.constant 1984 : index
      %get3A_458 = tpu.vector_load %arg5[%get3A_457] {strides = array<i32>} : memref<2048xf32, #tpu.memory_space<vmem>>, vector<16xf32>,
      %get3A_459 = vector.shape_cast %get3A_458 : vector<16xf32> to vector<16xf32>
      %get3A_460 = arith.constant 2000 : index
      %get3A_461 = tpu.vector_load %arg5[%get3A_460] {strides = array<i32>} : memref<2048xf32, #tpu.memory_space<vmem>>, vector<16xf32>,
      %get3A_462 = vector.shape_cast %get3A_461 : vector<16xf32> to vector<16xf32>
      %get3A_463 = arith.constant 2016 : index
      %get3A_464 = tpu.vector_load %arg5[%get3A_463] {strides = array<i32>} : memref<2048xf32, #tpu.memory_space<vmem>>, vector<16xf32>,
      %get3A_465 = vector.shape_cast %get3A_464 : vector<16xf32> to vector<16xf32>
      %get3A_466 = arith.constant 2032 : index
      %get3A_467 = tpu.vector_load %arg5[%get3A_466] {strides = array<i32>} : memref<2048xf32, #tpu.memory_space<vmem>>, vector<16xf32>,
      %get3A_468 = vector.shape_cast %get3A_467 : vector<16xf32> to vector<16xf32>
      %parallel_loop3A_469 = arith.constant 0 : i32
      %parallel_loop3A_470 = arith.constant 16 : i32
      %parallel_loop3A_471 = arith.constant 1 : i32
      scf.for %parallel_loop3A_894 = %parallel_loop3A_469 to %parallel_loop3A_470 step %parallel_loop3A_471  : i32 {
        %parallel_loop3A_895 = arith.index_cast %parallel_loop3A_894 : i32 to index
        %parallel_loop3A_896 = arith.constant 1792 : index
        %parallel_loop3A_897 = tpu.vector_load %arg6[%parallel_loop3A_895, %parallel_loop3A_896] {strides = array<i32>} : memref<16x2048xf32, #tpu.memory_space<vmem>>, vector<1x16xf32>,
        %parallel_loop3A_898 = vector.shape_cast %parallel_loop3A_897 : vector<1x16xf32> to vector<16xf32>
        %parallel_loop3A_899 = arith.mulf %get3A_423, %parallel_loop3A_898 : vector<16xf32>
        %parallel_loop3A_900 = arith.index_cast %parallel_loop3A_894 : i32 to index
        %parallel_loop3A_901 = arith.constant 1808 : index
        %parallel_loop3A_902 = tpu.vector_load %arg6[%parallel_loop3A_900, %parallel_loop3A_901] {strides = array<i32>} : memref<16x2048xf32, #tpu.memory_space<vmem>>, vector<1x16xf32>,
        %parallel_loop3A_903 = vector.shape_cast %parallel_loop3A_902 : vector<1x16xf32> to vector<16xf32>
        %parallel_loop3A_904 = arith.mulf %get3A_426, %parallel_loop3A_903 : vector<16xf32>
        %parallel_loop3A_905 = arith.index_cast %parallel_loop3A_894 : i32 to index
        %parallel_loop3A_906 = arith.constant 1824 : index
        %parallel_loop3A_907 = tpu.vector_load %arg6[%parallel_loop3A_905, %parallel_loop3A_906] {strides = array<i32>} : memref<16x2048xf32, #tpu.memory_space<vmem>>, vector<1x16xf32>,
        %parallel_loop3A_908 = vector.shape_cast %parallel_loop3A_907 : vector<1x16xf32> to vector<16xf32>
        %parallel_loop3A_909 = arith.mulf %get3A_429, %parallel_loop3A_908 : vector<16xf32>
        %parallel_loop3A_910 = arith.index_cast %parallel_loop3A_894 : i32 to index
        %parallel_loop3A_911 = arith.constant 1840 : index
        %parallel_loop3A_912 = tpu.vector_load %arg6[%parallel_loop3A_910, %parallel_loop3A_911] {strides = array<i32>} : memref<16x2048xf32, #tpu.memory_space<vmem>>, vector<1x16xf32>,
        %parallel_loop3A_913 = vector.shape_cast %parallel_loop3A_912 : vector<1x16xf32> to vector<16xf32>
        %parallel_loop3A_914 = arith.mulf %get3A_432, %parallel_loop3A_913 : vector<16xf32>
        %parallel_loop3A_915 = arith.index_cast %parallel_loop3A_894 : i32 to index
        %parallel_loop3A_916 = arith.constant 1856 : index
        %parallel_loop3A_917 = tpu.vector_load %arg6[%parallel_loop3A_915, %parallel_loop3A_916] {strides = array<i32>} : memref<16x2048xf32, #tpu.memory_space<vmem>>, vector<1x16xf32>,
        %parallel_loop3A_918 = vector.shape_cast %parallel_loop3A_917 : vector<1x16xf32> to vector<16xf32>
        %parallel_loop3A_919 = arith.mulf %get3A_435, %parallel_loop3A_918 : vector<16xf32>
        %parallel_loop3A_920 = arith.index_cast %parallel_loop3A_894 : i32 to index
        %parallel_loop3A_921 = arith.constant 1872 : index
        %parallel_loop3A_922 = tpu.vector_load %arg6[%parallel_loop3A_920, %parallel_loop3A_921] {strides = array<i32>} : memref<16x2048xf32, #tpu.memory_space<vmem>>, vector<1x16xf32>,
        %parallel_loop3A_923 = vector.shape_cast %parallel_loop3A_922 : vector<1x16xf32> to vector<16xf32>
        %parallel_loop3A_924 = arith.mulf %get3A_438, %parallel_loop3A_923 : vector<16xf32>
        %parallel_loop3A_925 = arith.index_cast %parallel_loop3A_894 : i32 to index
        %parallel_loop3A_926 = arith.constant 1888 : index
        %parallel_loop3A_927 = tpu.vector_load %arg6[%parallel_loop3A_925, %parallel_loop3A_926] {strides = array<i32>} : memref<16x2048xf32, #tpu.memory_space<vmem>>, vector<1x16xf32>,
        %parallel_loop3A_928 = vector.shape_cast %parallel_loop3A_927 : vector<1x16xf32> to vector<16xf32>
        %parallel_loop3A_929 = arith.mulf %get3A_441, %parallel_loop3A_928 : vector<16xf32>
        %parallel_loop3A_930 = arith.index_cast %parallel_loop3A_894 : i32 to index
        %parallel_loop3A_931 = arith.constant 1904 : index
        %parallel_loop3A_932 = tpu.vector_load %arg6[%parallel_loop3A_930, %parallel_loop3A_931] {strides = array<i32>} : memref<16x2048xf32, #tpu.memory_space<vmem>>, vector<1x16xf32>,
        %parallel_loop3A_933 = vector.shape_cast %parallel_loop3A_932 : vector<1x16xf32> to vector<16xf32>
        %parallel_loop3A_934 = arith.mulf %get3A_444, %parallel_loop3A_933 : vector<16xf32>
        %parallel_loop3A_935 = arith.index_cast %parallel_loop3A_894 : i32 to index
        %parallel_loop3A_936 = arith.constant 1920 : index
        %parallel_loop3A_937 = tpu.vector_load %arg6[%parallel_loop3A_935, %parallel_loop3A_936] {strides = array<i32>} : memref<16x2048xf32, #tpu.memory_space<vmem>>, vector<1x16xf32>,
        %parallel_loop3A_938 = vector.shape_cast %parallel_loop3A_937 : vector<1x16xf32> to vector<16xf32>
        %parallel_loop3A_939 = arith.mulf %get3A_447, %parallel_loop3A_938 : vector<16xf32>
        %parallel_loop3A_940 = arith.addf %parallel_loop3A_899, %parallel_loop3A_939 : vector<16xf32>
        %parallel_loop3A_941 = arith.index_cast %parallel_loop3A_894 : i32 to index
        %parallel_loop3A_942 = arith.constant 1936 : index
        %parallel_loop3A_943 = tpu.vector_load %arg6[%parallel_loop3A_941, %parallel_loop3A_942] {strides = array<i32>} : memref<16x2048xf32, #tpu.memory_space<vmem>>, vector<1x16xf32>,
        %parallel_loop3A_944 = vector.shape_cast %parallel_loop3A_943 : vector<1x16xf32> to vector<16xf32>
        %parallel_loop3A_945 = arith.mulf %get3A_450, %parallel_loop3A_944 : vector<16xf32>
        %parallel_loop3A_946 = arith.addf %parallel_loop3A_904, %parallel_loop3A_945 : vector<16xf32>
        %parallel_loop3A_947 = arith.index_cast %parallel_loop3A_894 : i32 to index
        %parallel_loop3A_948 = arith.constant 1952 : index
        %parallel_loop3A_949 = tpu.vector_load %arg6[%parallel_loop3A_947, %parallel_loop3A_948] {strides = array<i32>} : memref<16x2048xf32, #tpu.memory_space<vmem>>, vector<1x16xf32>,
        %parallel_loop3A_950 = vector.shape_cast %parallel_loop3A_949 : vector<1x16xf32> to vector<16xf32>
        %parallel_loop3A_951 = arith.mulf %get3A_453, %parallel_loop3A_950 : vector<16xf32>
        %parallel_loop3A_952 = arith.addf %parallel_loop3A_909, %parallel_loop3A_951 : vector<16xf32>
        %parallel_loop3A_953 = arith.index_cast %parallel_loop3A_894 : i32 to index
        %parallel_loop3A_954 = arith.constant 1968 : index
        %parallel_loop3A_955 = tpu.vector_load %arg6[%parallel_loop3A_953, %parallel_loop3A_954] {strides = array<i32>} : memref<16x2048xf32, #tpu.memory_space<vmem>>, vector<1x16xf32>,
        %parallel_loop3A_956 = vector.shape_cast %parallel_loop3A_955 : vector<1x16xf32> to vector<16xf32>
        %parallel_loop3A_957 = arith.mulf %get3A_456, %parallel_loop3A_956 : vector<16xf32>
        %parallel_loop3A_958 = arith.addf %parallel_loop3A_914, %parallel_loop3A_957 : vector<16xf32>
        %parallel_loop3A_959 = arith.index_cast %parallel_loop3A_894 : i32 to index
        %parallel_loop3A_960 = arith.constant 1984 : index
        %parallel_loop3A_961 = tpu.vector_load %arg6[%parallel_loop3A_959, %parallel_loop3A_960] {strides = array<i32>} : memref<16x2048xf32, #tpu.memory_space<vmem>>, vector<1x16xf32>,
        %parallel_loop3A_962 = vector.shape_cast %parallel_loop3A_961 : vector<1x16xf32> to vector<16xf32>
        %parallel_loop3A_963 = arith.mulf %get3A_459, %parallel_loop3A_962 : vector<16xf32>
        %parallel_loop3A_964 = arith.addf %parallel_loop3A_919, %parallel_loop3A_963 : vector<16xf32>
        %parallel_loop3A_965 = arith.index_cast %parallel_loop3A_894 : i32 to index
        %parallel_loop3A_966 = arith.constant 2000 : index
        %parallel_loop3A_967 = tpu.vector_load %arg6[%parallel_loop3A_965, %parallel_loop3A_966] {strides = array<i32>} : memref<16x2048xf32, #tpu.memory_space<vmem>>, vector<1x16xf32>,
        %parallel_loop3A_968 = vector.shape_cast %parallel_loop3A_967 : vector<1x16xf32> to vector<16xf32>
        %parallel_loop3A_969 = arith.mulf %get3A_462, %parallel_loop3A_968 : vector<16xf32>
        %parallel_loop3A_970 = arith.addf %parallel_loop3A_924, %parallel_loop3A_969 : vector<16xf32>
        %parallel_loop3A_971 = arith.index_cast %parallel_loop3A_894 : i32 to index
        %parallel_loop3A_972 = arith.constant 2016 : index
        %parallel_loop3A_973 = tpu.vector_load %arg6[%parallel_loop3A_971, %parallel_loop3A_972] {strides = array<i32>} : memref<16x2048xf32, #tpu.memory_space<vmem>>, vector<1x16xf32>,
        %parallel_loop3A_974 = vector.shape_cast %parallel_loop3A_973 : vector<1x16xf32> to vector<16xf32>
        %parallel_loop3A_975 = arith.mulf %get3A_465, %parallel_loop3A_974 : vector<16xf32>
        %parallel_loop3A_976 = arith.addf %parallel_loop3A_929, %parallel_loop3A_975 : vector<16xf32>
        %parallel_loop3A_977 = arith.index_cast %parallel_loop3A_894 : i32 to index
        %parallel_loop3A_978 = arith.constant 2032 : index
        %parallel_loop3A_979 = tpu.vector_load %arg6[%parallel_loop3A_977, %parallel_loop3A_978] {strides = array<i32>} : memref<16x2048xf32, #tpu.memory_space<vmem>>, vector<1x16xf32>,
        %parallel_loop3A_980 = vector.shape_cast %parallel_loop3A_979 : vector<1x16xf32> to vector<16xf32>
        %parallel_loop3A_981 = arith.mulf %get3A_468, %parallel_loop3A_980 : vector<16xf32>
        %parallel_loop3A_982 = arith.addf %parallel_loop3A_934, %parallel_loop3A_981 : vector<16xf32>
        %parallel_loop3A_983 = arith.addf %parallel_loop3A_940, %parallel_loop3A_946 : vector<16xf32>
        %parallel_loop3A_984 = arith.addf %parallel_loop3A_952, %parallel_loop3A_958 : vector<16xf32>
        %parallel_loop3A_985 = arith.addf %parallel_loop3A_964, %parallel_loop3A_970 : vector<16xf32>
        %parallel_loop3A_986 = arith.addf %parallel_loop3A_976, %parallel_loop3A_982 : vector<16xf32>
        %parallel_loop3A_987 = arith.addf %parallel_loop3A_983, %parallel_loop3A_984 : vector<16xf32>
        %parallel_loop3A_988 = arith.addf %parallel_loop3A_985, %parallel_loop3A_986 : vector<16xf32>
        %parallel_loop3A_989 = arith.addf %parallel_loop3A_987, %parallel_loop3A_988 : vector<16xf32>
        %parallel_loop3A_990 = arith.constant 16 : i32
        %parallel_loop3A_991 = arith.muli %mul3A_49, %parallel_loop3A_990 : i32
        %parallel_loop3A_992 = arith.addi %parallel_loop3A_991, %parallel_loop3A_894 : i32
        %parallel_loop3A_993 = arith.index_cast %parallel_loop3A_992 : i32 to index
        %parallel_loop3A_994 = arith.constant 0 : index
        %parallel_loop3A_995 = tpu.vector_load %arg8[%parallel_loop3A_993, %parallel_loop3A_994] {strides = array<i32>} : memref<64x16xf32, #tpu.memory_space<vmem>>, vector<1x16xf32>,
        %parallel_loop3A_996 = vector.shape_cast %parallel_loop3A_995 : vector<1x16xf32> to vector<16xf32>
        %parallel_loop3A_997 = vector.shape_cast %parallel_loop3A_989 : vector<16xf32> to vector<1x16xf32>
        tpu.vector_store %arg8[%parallel_loop3A_993, %parallel_loop3A_994], %parallel_loop3A_997 {add = true, strides = array<i32>} : memref<64x16xf32, #tpu.memory_space<vmem>>, vector<1x16xf32>,
      } {sc.loop_unroll_factor = 2 : i64, sc.parallel_access}
      %add3A_472 = arith.constant 2 : i32
      %add3A_473 = arith.addi %mul3A_49, %add3A_472 : i32
      %lt3A_474 = arith.constant 4 : i32
      %lt3A_475 = arith.cmpi slt, %add3A_473, %lt3A_474 : i32
      %convert_element_type3A = arith.extui %lt3A_475 : i1 to i32
      %cond3A = arith.constant 0 : i32
      %cond3A_476 = arith.cmpi ne, %convert_element_type3A, %cond3A : i32
      scf.if %cond3A_476 {
        %add3A_894 = arith.constant 2 : i32
        %add3A_895 = arith.addi %mul3A_49, %add3A_894 : i32
        %mul3A_896 = arith.constant 16 : i32
        %mul3A_897 = arith.muli %add3A_895, %mul3A_896 : i32
        %add3A_898 = arith.addi %mul3A_32, %mul3A_897 : i32
        %dma_start3A_899 = arith.constant 0 : i32
        %dma_start3A_900 = tpu.memref_slice %arg3[%select_n3A, %add3A_898, %dma_start3A_899] : memref<4x2048x2048xf32, #tpu.memory_space<hbm>> -> memref<1x16x2048xf32, #tpu.memory_space<hbm>>
        %dma_start3A_901 = tpu.memref_squeeze %dma_start3A_900 : memref<1x16x2048xf32, #tpu.memory_space<hbm>> -> memref<16x2048xf32, #tpu.memory_space<hbm>>
        %dma_start3A_902 = arith.constant 0 : i32
        %dma_start3A_903 = tpu.memref_slice %arg3[%select_n3A, %add3A_898, %dma_start3A_902] : memref<4x2048x2048xf32, #tpu.memory_space<hbm>> -> memref<1x16x2048xf32, #tpu.memory_space<hbm>>
        %dma_start3A_904 = tpu.memref_squeeze %dma_start3A_903 : memref<1x16x2048xf32, #tpu.memory_space<hbm>> -> memref<16x2048xf32, #tpu.memory_space<hbm>>
        tpu.enqueue_dma source(%dma_start3A_904 : memref<16x2048xf32, #tpu.memory_space<hbm>>) target(%arg6 : memref<16x2048xf32, #tpu.memory_space<vmem>>) target_semaphore(%arg9 : memref<!tpu.dma_semaphore, #tpu.memory_space<semaphore_mem>>)
      } else {
      }
      %dma_wait3A_477 = arith.constant 0 : i32
      %dma_wait3A_478 = tpu.memref_slice %arg3[%select_n3A, %mul3A_32, %dma_wait3A_477] : memref<4x2048x2048xf32, #tpu.memory_space<hbm>> -> memref<1x16x2048xf32, #tpu.memory_space<hbm>>
      %dma_wait3A_479 = tpu.memref_squeeze %dma_wait3A_478 : memref<1x16x2048xf32, #tpu.memory_space<hbm>> -> memref<16x2048xf32, #tpu.memory_space<hbm>>
      %dma_wait3A_480 = arith.constant 0 : i32
      %dma_wait3A_481 = tpu.memref_slice %arg3[%select_n3A, %mul3A_32, %dma_wait3A_480] : memref<4x2048x2048xf32, #tpu.memory_space<hbm>> -> memref<1x16x2048xf32, #tpu.memory_space<hbm>>
      %dma_wait3A_482 = tpu.memref_squeeze %dma_wait3A_481 : memref<1x16x2048xf32, #tpu.memory_space<hbm>> -> memref<16x2048xf32, #tpu.memory_space<hbm>>
      tpu.wait_dma2 semaphore(%arg10 : memref<!tpu.dma_semaphore, #tpu.memory_space<semaphore_mem>>) src(%dma_wait3A_482 : memref<16x2048xf32, #tpu.memory_space<hbm>>) dst(%arg7 : memref<16x2048xf32, #tpu.memory_space<vmem>>)
      %add3A_483 = arith.constant 1 : i32
      %add3A_484 = arith.addi %mul3A_49, %add3A_483 : i32
      %get3A_485 = arith.constant 0 : index
      %get3A_486 = tpu.vector_load %arg5[%get3A_485] {strides = array<i32>} : memref<2048xf32, #tpu.memory_space<vmem>>, vector<16xf32>,
      %get3A_487 = vector.shape_cast %get3A_486 : vector<16xf32> to vector<16xf32>
      %get3A_488 = arith.constant 16 : index
      %get3A_489 = tpu.vector_load %arg5[%get3A_488] {strides = array<i32>} : memref<2048xf32, #tpu.memory_space<vmem>>, vector<16xf32>,
      %get3A_490 = vector.shape_cast %get3A_489 : vector<16xf32> to vector<16xf32>
      %get3A_491 = arith.constant 32 : index
      %get3A_492 = tpu.vector_load %arg5[%get3A_491] {strides = array<i32>} : memref<2048xf32, #tpu.memory_space<vmem>>, vector<16xf32>,
      %get3A_493 = vector.shape_cast %get3A_492 : vector<16xf32> to vector<16xf32>
      %get3A_494 = arith.constant 48 : index
      %get3A_495 = tpu.vector_load %arg5[%get3A_494] {strides = array<i32>} : memref<2048xf32, #tpu.memory_space<vmem>>, vector<16xf32>,
      %get3A_496 = vector.shape_cast %get3A_495 : vector<16xf32> to vector<16xf32>
      %get3A_497 = arith.constant 64 : index
      %get3A_498 = tpu.vector_load %arg5[%get3A_497] {strides = array<i32>} : memref<2048xf32, #tpu.memory_space<vmem>>, vector<16xf32>,
      %get3A_499 = vector.shape_cast %get3A_498 : vector<16xf32> to vector<16xf32>
      %get3A_500 = arith.constant 80 : index
      %get3A_501 = tpu.vector_load %arg5[%get3A_500] {strides = array<i32>} : memref<2048xf32, #tpu.memory_space<vmem>>, vector<16xf32>,
      %get3A_502 = vector.shape_cast %get3A_501 : vector<16xf32> to vector<16xf32>
      %get3A_503 = arith.constant 96 : index
      %get3A_504 = tpu.vector_load %arg5[%get3A_503] {strides = array<i32>} : memref<2048xf32, #tpu.memory_space<vmem>>, vector<16xf32>,
      %get3A_505 = vector.shape_cast %get3A_504 : vector<16xf32> to vector<16xf32>
      %get3A_506 = arith.constant 112 : index
      %get3A_507 = tpu.vector_load %arg5[%get3A_506] {strides = array<i32>} : memref<2048xf32, #tpu.memory_space<vmem>>, vector<16xf32>,
      %get3A_508 = vector.shape_cast %get3A_507 : vector<16xf32> to vector<16xf32>
      %get3A_509 = arith.constant 128 : index
      %get3A_510 = tpu.vector_load %arg5[%get3A_509] {strides = array<i32>} : memref<2048xf32, #tpu.memory_space<vmem>>, vector<16xf32>,
      %get3A_511 = vector.shape_cast %get3A_510 : vector<16xf32> to vector<16xf32>
      %get3A_512 = arith.constant 144 : index
      %get3A_513 = tpu.vector_load %arg5[%get3A_512] {strides = array<i32>} : memref<2048xf32, #tpu.memory_space<vmem>>, vector<16xf32>,
      %get3A_514 = vector.shape_cast %get3A_513 : vector<16xf32> to vector<16xf32>
      %get3A_515 = arith.constant 160 : index
      %get3A_516 = tpu.vector_load %arg5[%get3A_515] {strides = array<i32>} : memref<2048xf32, #tpu.memory_space<vmem>>, vector<16xf32>,
      %get3A_517 = vector.shape_cast %get3A_516 : vector<16xf32> to vector<16xf32>
      %get3A_518 = arith.constant 176 : index
      %get3A_519 = tpu.vector_load %arg5[%get3A_518] {strides = array<i32>} : memref<2048xf32, #tpu.memory_space<vmem>>, vector<16xf32>,
      %get3A_520 = vector.shape_cast %get3A_519 : vector<16xf32> to vector<16xf32>
      %get3A_521 = arith.constant 192 : index
      %get3A_522 = tpu.vector_load %arg5[%get3A_521] {strides = array<i32>} : memref<2048xf32, #tpu.memory_space<vmem>>, vector<16xf32>,
      %get3A_523 = vector.shape_cast %get3A_522 : vector<16xf32> to vector<16xf32>
      %get3A_524 = arith.constant 208 : index
      %get3A_525 = tpu.vector_load %arg5[%get3A_524] {strides = array<i32>} : memref<2048xf32, #tpu.memory_space<vmem>>, vector<16xf32>,
      %get3A_526 = vector.shape_cast %get3A_525 : vector<16xf32> to vector<16xf32>
      %get3A_527 = arith.constant 224 : index
      %get3A_528 = tpu.vector_load %arg5[%get3A_527] {strides = array<i32>} : memref<2048xf32, #tpu.memory_space<vmem>>, vector<16xf32>,
      %get3A_529 = vector.shape_cast %get3A_528 : vector<16xf32> to vector<16xf32>
      %get3A_530 = arith.constant 240 : index
      %get3A_531 = tpu.vector_load %arg5[%get3A_530] {strides = array<i32>} : memref<2048xf32, #tpu.memory_space<vmem>>, vector<16xf32>,
      %get3A_532 = vector.shape_cast %get3A_531 : vector<16xf32> to vector<16xf32>
      %parallel_loop3A_533 = arith.constant 0 : i32
      %parallel_loop3A_534 = arith.constant 16 : i32
      %parallel_loop3A_535 = arith.constant 1 : i32
      scf.for %parallel_loop3A_894 = %parallel_loop3A_533 to %parallel_loop3A_534 step %parallel_loop3A_535  : i32 {
        %parallel_loop3A_895 = arith.index_cast %parallel_loop3A_894 : i32 to index
        %parallel_loop3A_896 = arith.constant 0 : index
        %parallel_loop3A_897 = tpu.vector_load %arg7[%parallel_loop3A_895, %parallel_loop3A_896] {strides = array<i32>} : memref<16x2048xf32, #tpu.memory_space<vmem>>, vector<1x16xf32>,
        %parallel_loop3A_898 = vector.shape_cast %parallel_loop3A_897 : vector<1x16xf32> to vector<16xf32>
        %parallel_loop3A_899 = arith.mulf %get3A_487, %parallel_loop3A_898 : vector<16xf32>
        %parallel_loop3A_900 = arith.index_cast %parallel_loop3A_894 : i32 to index
        %parallel_loop3A_901 = arith.constant 16 : index
        %parallel_loop3A_902 = tpu.vector_load %arg7[%parallel_loop3A_900, %parallel_loop3A_901] {strides = array<i32>} : memref<16x2048xf32, #tpu.memory_space<vmem>>, vector<1x16xf32>,
        %parallel_loop3A_903 = vector.shape_cast %parallel_loop3A_902 : vector<1x16xf32> to vector<16xf32>
        %parallel_loop3A_904 = arith.mulf %get3A_490, %parallel_loop3A_903 : vector<16xf32>
        %parallel_loop3A_905 = arith.index_cast %parallel_loop3A_894 : i32 to index
        %parallel_loop3A_906 = arith.constant 32 : index
        %parallel_loop3A_907 = tpu.vector_load %arg7[%parallel_loop3A_905, %parallel_loop3A_906] {strides = array<i32>} : memref<16x2048xf32, #tpu.memory_space<vmem>>, vector<1x16xf32>,
        %parallel_loop3A_908 = vector.shape_cast %parallel_loop3A_907 : vector<1x16xf32> to vector<16xf32>
        %parallel_loop3A_909 = arith.mulf %get3A_493, %parallel_loop3A_908 : vector<16xf32>
        %parallel_loop3A_910 = arith.index_cast %parallel_loop3A_894 : i32 to index
        %parallel_loop3A_911 = arith.constant 48 : index
        %parallel_loop3A_912 = tpu.vector_load %arg7[%parallel_loop3A_910, %parallel_loop3A_911] {strides = array<i32>} : memref<16x2048xf32, #tpu.memory_space<vmem>>, vector<1x16xf32>,
        %parallel_loop3A_913 = vector.shape_cast %parallel_loop3A_912 : vector<1x16xf32> to vector<16xf32>
        %parallel_loop3A_914 = arith.mulf %get3A_496, %parallel_loop3A_913 : vector<16xf32>
        %parallel_loop3A_915 = arith.index_cast %parallel_loop3A_894 : i32 to index
        %parallel_loop3A_916 = arith.constant 64 : index
        %parallel_loop3A_917 = tpu.vector_load %arg7[%parallel_loop3A_915, %parallel_loop3A_916] {strides = array<i32>} : memref<16x2048xf32, #tpu.memory_space<vmem>>, vector<1x16xf32>,
        %parallel_loop3A_918 = vector.shape_cast %parallel_loop3A_917 : vector<1x16xf32> to vector<16xf32>
        %parallel_loop3A_919 = arith.mulf %get3A_499, %parallel_loop3A_918 : vector<16xf32>
        %parallel_loop3A_920 = arith.index_cast %parallel_loop3A_894 : i32 to index
        %parallel_loop3A_921 = arith.constant 80 : index
        %parallel_loop3A_922 = tpu.vector_load %arg7[%parallel_loop3A_920, %parallel_loop3A_921] {strides = array<i32>} : memref<16x2048xf32, #tpu.memory_space<vmem>>, vector<1x16xf32>,
        %parallel_loop3A_923 = vector.shape_cast %parallel_loop3A_922 : vector<1x16xf32> to vector<16xf32>
        %parallel_loop3A_924 = arith.mulf %get3A_502, %parallel_loop3A_923 : vector<16xf32>
        %parallel_loop3A_925 = arith.index_cast %parallel_loop3A_894 : i32 to index
        %parallel_loop3A_926 = arith.constant 96 : index
        %parallel_loop3A_927 = tpu.vector_load %arg7[%parallel_loop3A_925, %parallel_loop3A_926] {strides = array<i32>} : memref<16x2048xf32, #tpu.memory_space<vmem>>, vector<1x16xf32>,
        %parallel_loop3A_928 = vector.shape_cast %parallel_loop3A_927 : vector<1x16xf32> to vector<16xf32>
        %parallel_loop3A_929 = arith.mulf %get3A_505, %parallel_loop3A_928 : vector<16xf32>
        %parallel_loop3A_930 = arith.index_cast %parallel_loop3A_894 : i32 to index
        %parallel_loop3A_931 = arith.constant 112 : index
        %parallel_loop3A_932 = tpu.vector_load %arg7[%parallel_loop3A_930, %parallel_loop3A_931] {strides = array<i32>} : memref<16x2048xf32, #tpu.memory_space<vmem>>, vector<1x16xf32>,
        %parallel_loop3A_933 = vector.shape_cast %parallel_loop3A_932 : vector<1x16xf32> to vector<16xf32>
        %parallel_loop3A_934 = arith.mulf %get3A_508, %parallel_loop3A_933 : vector<16xf32>
        %parallel_loop3A_935 = arith.index_cast %parallel_loop3A_894 : i32 to index
        %parallel_loop3A_936 = arith.constant 128 : index
        %parallel_loop3A_937 = tpu.vector_load %arg7[%parallel_loop3A_935, %parallel_loop3A_936] {strides = array<i32>} : memref<16x2048xf32, #tpu.memory_space<vmem>>, vector<1x16xf32>,
        %parallel_loop3A_938 = vector.shape_cast %parallel_loop3A_937 : vector<1x16xf32> to vector<16xf32>
        %parallel_loop3A_939 = arith.mulf %get3A_511, %parallel_loop3A_938 : vector<16xf32>
        %parallel_loop3A_940 = arith.addf %parallel_loop3A_899, %parallel_loop3A_939 : vector<16xf32>
        %parallel_loop3A_941 = arith.index_cast %parallel_loop3A_894 : i32 to index
        %parallel_loop3A_942 = arith.constant 144 : index
        %parallel_loop3A_943 = tpu.vector_load %arg7[%parallel_loop3A_941, %parallel_loop3A_942] {strides = array<i32>} : memref<16x2048xf32, #tpu.memory_space<vmem>>, vector<1x16xf32>,
        %parallel_loop3A_944 = vector.shape_cast %parallel_loop3A_943 : vector<1x16xf32> to vector<16xf32>
        %parallel_loop3A_945 = arith.mulf %get3A_514, %parallel_loop3A_944 : vector<16xf32>
        %parallel_loop3A_946 = arith.addf %parallel_loop3A_904, %parallel_loop3A_945 : vector<16xf32>
        %parallel_loop3A_947 = arith.index_cast %parallel_loop3A_894 : i32 to index
        %parallel_loop3A_948 = arith.constant 160 : index
        %parallel_loop3A_949 = tpu.vector_load %arg7[%parallel_loop3A_947, %parallel_loop3A_948] {strides = array<i32>} : memref<16x2048xf32, #tpu.memory_space<vmem>>, vector<1x16xf32>,
        %parallel_loop3A_950 = vector.shape_cast %parallel_loop3A_949 : vector<1x16xf32> to vector<16xf32>
        %parallel_loop3A_951 = arith.mulf %get3A_517, %parallel_loop3A_950 : vector<16xf32>
        %parallel_loop3A_952 = arith.addf %parallel_loop3A_909, %parallel_loop3A_951 : vector<16xf32>
        %parallel_loop3A_953 = arith.index_cast %parallel_loop3A_894 : i32 to index
        %parallel_loop3A_954 = arith.constant 176 : index
        %parallel_loop3A_955 = tpu.vector_load %arg7[%parallel_loop3A_953, %parallel_loop3A_954] {strides = array<i32>} : memref<16x2048xf32, #tpu.memory_space<vmem>>, vector<1x16xf32>,
        %parallel_loop3A_956 = vector.shape_cast %parallel_loop3A_955 : vector<1x16xf32> to vector<16xf32>
        %parallel_loop3A_957 = arith.mulf %get3A_520, %parallel_loop3A_956 : vector<16xf32>
        %parallel_loop3A_958 = arith.addf %parallel_loop3A_914, %parallel_loop3A_957 : vector<16xf32>
        %parallel_loop3A_959 = arith.index_cast %parallel_loop3A_894 : i32 to index
        %parallel_loop3A_960 = arith.constant 192 : index
        %parallel_loop3A_961 = tpu.vector_load %arg7[%parallel_loop3A_959, %parallel_loop3A_960] {strides = array<i32>} : memref<16x2048xf32, #tpu.memory_space<vmem>>, vector<1x16xf32>,
        %parallel_loop3A_962 = vector.shape_cast %parallel_loop3A_961 : vector<1x16xf32> to vector<16xf32>
        %parallel_loop3A_963 = arith.mulf %get3A_523, %parallel_loop3A_962 : vector<16xf32>
        %parallel_loop3A_964 = arith.addf %parallel_loop3A_919, %parallel_loop3A_963 : vector<16xf32>
        %parallel_loop3A_965 = arith.index_cast %parallel_loop3A_894 : i32 to index
        %parallel_loop3A_966 = arith.constant 208 : index
        %parallel_loop3A_967 = tpu.vector_load %arg7[%parallel_loop3A_965, %parallel_loop3A_966] {strides = array<i32>} : memref<16x2048xf32, #tpu.memory_space<vmem>>, vector<1x16xf32>,
        %parallel_loop3A_968 = vector.shape_cast %parallel_loop3A_967 : vector<1x16xf32> to vector<16xf32>
        %parallel_loop3A_969 = arith.mulf %get3A_526, %parallel_loop3A_968 : vector<16xf32>
        %parallel_loop3A_970 = arith.addf %parallel_loop3A_924, %parallel_loop3A_969 : vector<16xf32>
        %parallel_loop3A_971 = arith.index_cast %parallel_loop3A_894 : i32 to index
        %parallel_loop3A_972 = arith.constant 224 : index
        %parallel_loop3A_973 = tpu.vector_load %arg7[%parallel_loop3A_971, %parallel_loop3A_972] {strides = array<i32>} : memref<16x2048xf32, #tpu.memory_space<vmem>>, vector<1x16xf32>,
        %parallel_loop3A_974 = vector.shape_cast %parallel_loop3A_973 : vector<1x16xf32> to vector<16xf32>
        %parallel_loop3A_975 = arith.mulf %get3A_529, %parallel_loop3A_974 : vector<16xf32>
        %parallel_loop3A_976 = arith.addf %parallel_loop3A_929, %parallel_loop3A_975 : vector<16xf32>
        %parallel_loop3A_977 = arith.index_cast %parallel_loop3A_894 : i32 to index
        %parallel_loop3A_978 = arith.constant 240 : index
        %parallel_loop3A_979 = tpu.vector_load %arg7[%parallel_loop3A_977, %parallel_loop3A_978] {strides = array<i32>} : memref<16x2048xf32, #tpu.memory_space<vmem>>, vector<1x16xf32>,
        %parallel_loop3A_980 = vector.shape_cast %parallel_loop3A_979 : vector<1x16xf32> to vector<16xf32>
        %parallel_loop3A_981 = arith.mulf %get3A_532, %parallel_loop3A_980 : vector<16xf32>
        %parallel_loop3A_982 = arith.addf %parallel_loop3A_934, %parallel_loop3A_981 : vector<16xf32>
        %parallel_loop3A_983 = arith.addf %parallel_loop3A_940, %parallel_loop3A_946 : vector<16xf32>
        %parallel_loop3A_984 = arith.addf %parallel_loop3A_952, %parallel_loop3A_958 : vector<16xf32>
        %parallel_loop3A_985 = arith.addf %parallel_loop3A_964, %parallel_loop3A_970 : vector<16xf32>
        %parallel_loop3A_986 = arith.addf %parallel_loop3A_976, %parallel_loop3A_982 : vector<16xf32>
        %parallel_loop3A_987 = arith.addf %parallel_loop3A_983, %parallel_loop3A_984 : vector<16xf32>
        %parallel_loop3A_988 = arith.addf %parallel_loop3A_985, %parallel_loop3A_986 : vector<16xf32>
        %parallel_loop3A_989 = arith.addf %parallel_loop3A_987, %parallel_loop3A_988 : vector<16xf32>
        %parallel_loop3A_990 = arith.constant 16 : i32
        %parallel_loop3A_991 = arith.muli %add3A_484, %parallel_loop3A_990 : i32
        %parallel_loop3A_992 = arith.addi %parallel_loop3A_991, %parallel_loop3A_894 : i32
        %parallel_loop3A_993 = arith.index_cast %parallel_loop3A_992 : i32 to index
        %parallel_loop3A_994 = arith.constant 0 : index
        %parallel_loop3A_995 = tpu.vector_load %arg8[%parallel_loop3A_993, %parallel_loop3A_994] {strides = array<i32>} : memref<64x16xf32, #tpu.memory_space<vmem>>, vector<1x16xf32>,
        %parallel_loop3A_996 = vector.shape_cast %parallel_loop3A_995 : vector<1x16xf32> to vector<16xf32>
        %parallel_loop3A_997 = vector.shape_cast %parallel_loop3A_989 : vector<16xf32> to vector<1x16xf32>
        tpu.vector_store %arg8[%parallel_loop3A_993, %parallel_loop3A_994], %parallel_loop3A_997 {strides = array<i32>} : memref<64x16xf32, #tpu.memory_space<vmem>>, vector<1x16xf32>,
      } {sc.loop_unroll_factor = 2 : i64, sc.parallel_access}
      %get3A_536 = arith.constant 256 : index
      %get3A_537 = tpu.vector_load %arg5[%get3A_536] {strides = array<i32>} : memref<2048xf32, #tpu.memory_space<vmem>>, vector<16xf32>,
      %get3A_538 = vector.shape_cast %get3A_537 : vector<16xf32> to vector<16xf32>
      %get3A_539 = arith.constant 272 : index
      %get3A_540 = tpu.vector_load %arg5[%get3A_539] {strides = array<i32>} : memref<2048xf32, #tpu.memory_space<vmem>>, vector<16xf32>,
      %get3A_541 = vector.shape_cast %get3A_540 : vector<16xf32> to vector<16xf32>
      %get3A_542 = arith.constant 288 : index
      %get3A_543 = tpu.vector_load %arg5[%get3A_542] {strides = array<i32>} : memref<2048xf32, #tpu.memory_space<vmem>>, vector<16xf32>,
      %get3A_544 = vector.shape_cast %get3A_543 : vector<16xf32> to vector<16xf32>
      %get3A_545 = arith.constant 304 : index
      %get3A_546 = tpu.vector_load %arg5[%get3A_545] {strides = array<i32>} : memref<2048xf32, #tpu.memory_space<vmem>>, vector<16xf32>,
      %get3A_547 = vector.shape_cast %get3A_546 : vector<16xf32> to vector<16xf32>
      %get3A_548 = arith.constant 320 : index
      %get3A_549 = tpu.vector_load %arg5[%get3A_548] {strides = array<i32>} : memref<2048xf32, #tpu.memory_space<vmem>>, vector<16xf32>,
      %get3A_550 = vector.shape_cast %get3A_549 : vector<16xf32> to vector<16xf32>
      %get3A_551 = arith.constant 336 : index
      %get3A_552 = tpu.vector_load %arg5[%get3A_551] {strides = array<i32>} : memref<2048xf32, #tpu.memory_space<vmem>>, vector<16xf32>,
      %get3A_553 = vector.shape_cast %get3A_552 : vector<16xf32> to vector<16xf32>
      %get3A_554 = arith.constant 352 : index
      %get3A_555 = tpu.vector_load %arg5[%get3A_554] {strides = array<i32>} : memref<2048xf32, #tpu.memory_space<vmem>>, vector<16xf32>,
      %get3A_556 = vector.shape_cast %get3A_555 : vector<16xf32> to vector<16xf32>
      %get3A_557 = arith.constant 368 : index
      %get3A_558 = tpu.vector_load %arg5[%get3A_557] {strides = array<i32>} : memref<2048xf32, #tpu.memory_space<vmem>>, vector<16xf32>,
      %get3A_559 = vector.shape_cast %get3A_558 : vector<16xf32> to vector<16xf32>
      %get3A_560 = arith.constant 384 : index
      %get3A_561 = tpu.vector_load %arg5[%get3A_560] {strides = array<i32>} : memref<2048xf32, #tpu.memory_space<vmem>>, vector<16xf32>,
      %get3A_562 = vector.shape_cast %get3A_561 : vector<16xf32> to vector<16xf32>
      %get3A_563 = arith.constant 400 : index
      %get3A_564 = tpu.vector_load %arg5[%get3A_563] {strides = array<i32>} : memref<2048xf32, #tpu.memory_space<vmem>>, vector<16xf32>,
      %get3A_565 = vector.shape_cast %get3A_564 : vector<16xf32> to vector<16xf32>
      %get3A_566 = arith.constant 416 : index
      %get3A_567 = tpu.vector_load %arg5[%get3A_566] {strides = array<i32>} : memref<2048xf32, #tpu.memory_space<vmem>>, vector<16xf32>,
      %get3A_568 = vector.shape_cast %get3A_567 : vector<16xf32> to vector<16xf32>
      %get3A_569 = arith.constant 432 : index
      %get3A_570 = tpu.vector_load %arg5[%get3A_569] {strides = array<i32>} : memref<2048xf32, #tpu.memory_space<vmem>>, vector<16xf32>,
      %get3A_571 = vector.shape_cast %get3A_570 : vector<16xf32> to vector<16xf32>
      %get3A_572 = arith.constant 448 : index
      %get3A_573 = tpu.vector_load %arg5[%get3A_572] {strides = array<i32>} : memref<2048xf32, #tpu.memory_space<vmem>>, vector<16xf32>,
      %get3A_574 = vector.shape_cast %get3A_573 : vector<16xf32> to vector<16xf32>
      %get3A_575 = arith.constant 464 : index
      %get3A_576 = tpu.vector_load %arg5[%get3A_575] {strides = array<i32>} : memref<2048xf32, #tpu.memory_space<vmem>>, vector<16xf32>,
      %get3A_577 = vector.shape_cast %get3A_576 : vector<16xf32> to vector<16xf32>
      %get3A_578 = arith.constant 480 : index
      %get3A_579 = tpu.vector_load %arg5[%get3A_578] {strides = array<i32>} : memref<2048xf32, #tpu.memory_space<vmem>>, vector<16xf32>,
      %get3A_580 = vector.shape_cast %get3A_579 : vector<16xf32> to vector<16xf32>
      %get3A_581 = arith.constant 496 : index
      %get3A_582 = tpu.vector_load %arg5[%get3A_581] {strides = array<i32>} : memref<2048xf32, #tpu.memory_space<vmem>>, vector<16xf32>,
      %get3A_583 = vector.shape_cast %get3A_582 : vector<16xf32> to vector<16xf32>
      %parallel_loop3A_584 = arith.constant 0 : i32
      %parallel_loop3A_585 = arith.constant 16 : i32
      %parallel_loop3A_586 = arith.constant 1 : i32
      scf.for %parallel_loop3A_894 = %parallel_loop3A_584 to %parallel_loop3A_585 step %parallel_loop3A_586  : i32 {
        %parallel_loop3A_895 = arith.index_cast %parallel_loop3A_894 : i32 to index
        %parallel_loop3A_896 = arith.constant 256 : index
        %parallel_loop3A_897 = tpu.vector_load %arg7[%parallel_loop3A_895, %parallel_loop3A_896] {strides = array<i32>} : memref<16x2048xf32, #tpu.memory_space<vmem>>, vector<1x16xf32>,
        %parallel_loop3A_898 = vector.shape_cast %parallel_loop3A_897 : vector<1x16xf32> to vector<16xf32>
        %parallel_loop3A_899 = arith.mulf %get3A_538, %parallel_loop3A_898 : vector<16xf32>
        %parallel_loop3A_900 = arith.index_cast %parallel_loop3A_894 : i32 to index
        %parallel_loop3A_901 = arith.constant 272 : index
        %parallel_loop3A_902 = tpu.vector_load %arg7[%parallel_loop3A_900, %parallel_loop3A_901] {strides = array<i32>} : memref<16x2048xf32, #tpu.memory_space<vmem>>, vector<1x16xf32>,
        %parallel_loop3A_903 = vector.shape_cast %parallel_loop3A_902 : vector<1x16xf32> to vector<16xf32>
        %parallel_loop3A_904 = arith.mulf %get3A_541, %parallel_loop3A_903 : vector<16xf32>
        %parallel_loop3A_905 = arith.index_cast %parallel_loop3A_894 : i32 to index
        %parallel_loop3A_906 = arith.constant 288 : index
        %parallel_loop3A_907 = tpu.vector_load %arg7[%parallel_loop3A_905, %parallel_loop3A_906] {strides = array<i32>} : memref<16x2048xf32, #tpu.memory_space<vmem>>, vector<1x16xf32>,
        %parallel_loop3A_908 = vector.shape_cast %parallel_loop3A_907 : vector<1x16xf32> to vector<16xf32>
        %parallel_loop3A_909 = arith.mulf %get3A_544, %parallel_loop3A_908 : vector<16xf32>
        %parallel_loop3A_910 = arith.index_cast %parallel_loop3A_894 : i32 to index
        %parallel_loop3A_911 = arith.constant 304 : index
        %parallel_loop3A_912 = tpu.vector_load %arg7[%parallel_loop3A_910, %parallel_loop3A_911] {strides = array<i32>} : memref<16x2048xf32, #tpu.memory_space<vmem>>, vector<1x16xf32>,
        %parallel_loop3A_913 = vector.shape_cast %parallel_loop3A_912 : vector<1x16xf32> to vector<16xf32>
        %parallel_loop3A_914 = arith.mulf %get3A_547, %parallel_loop3A_913 : vector<16xf32>
        %parallel_loop3A_915 = arith.index_cast %parallel_loop3A_894 : i32 to index
        %parallel_loop3A_916 = arith.constant 320 : index
        %parallel_loop3A_917 = tpu.vector_load %arg7[%parallel_loop3A_915, %parallel_loop3A_916] {strides = array<i32>} : memref<16x2048xf32, #tpu.memory_space<vmem>>, vector<1x16xf32>,
        %parallel_loop3A_918 = vector.shape_cast %parallel_loop3A_917 : vector<1x16xf32> to vector<16xf32>
        %parallel_loop3A_919 = arith.mulf %get3A_550, %parallel_loop3A_918 : vector<16xf32>
        %parallel_loop3A_920 = arith.index_cast %parallel_loop3A_894 : i32 to index
        %parallel_loop3A_921 = arith.constant 336 : index
        %parallel_loop3A_922 = tpu.vector_load %arg7[%parallel_loop3A_920, %parallel_loop3A_921] {strides = array<i32>} : memref<16x2048xf32, #tpu.memory_space<vmem>>, vector<1x16xf32>,
        %parallel_loop3A_923 = vector.shape_cast %parallel_loop3A_922 : vector<1x16xf32> to vector<16xf32>
        %parallel_loop3A_924 = arith.mulf %get3A_553, %parallel_loop3A_923 : vector<16xf32>
        %parallel_loop3A_925 = arith.index_cast %parallel_loop3A_894 : i32 to index
        %parallel_loop3A_926 = arith.constant 352 : index
        %parallel_loop3A_927 = tpu.vector_load %arg7[%parallel_loop3A_925, %parallel_loop3A_926] {strides = array<i32>} : memref<16x2048xf32, #tpu.memory_space<vmem>>, vector<1x16xf32>,
        %parallel_loop3A_928 = vector.shape_cast %parallel_loop3A_927 : vector<1x16xf32> to vector<16xf32>
        %parallel_loop3A_929 = arith.mulf %get3A_556, %parallel_loop3A_928 : vector<16xf32>
        %parallel_loop3A_930 = arith.index_cast %parallel_loop3A_894 : i32 to index
        %parallel_loop3A_931 = arith.constant 368 : index
        %parallel_loop3A_932 = tpu.vector_load %arg7[%parallel_loop3A_930, %parallel_loop3A_931] {strides = array<i32>} : memref<16x2048xf32, #tpu.memory_space<vmem>>, vector<1x16xf32>,
        %parallel_loop3A_933 = vector.shape_cast %parallel_loop3A_932 : vector<1x16xf32> to vector<16xf32>
        %parallel_loop3A_934 = arith.mulf %get3A_559, %parallel_loop3A_933 : vector<16xf32>
        %parallel_loop3A_935 = arith.index_cast %parallel_loop3A_894 : i32 to index
        %parallel_loop3A_936 = arith.constant 384 : index
        %parallel_loop3A_937 = tpu.vector_load %arg7[%parallel_loop3A_935, %parallel_loop3A_936] {strides = array<i32>} : memref<16x2048xf32, #tpu.memory_space<vmem>>, vector<1x16xf32>,
        %parallel_loop3A_938 = vector.shape_cast %parallel_loop3A_937 : vector<1x16xf32> to vector<16xf32>
        %parallel_loop3A_939 = arith.mulf %get3A_562, %parallel_loop3A_938 : vector<16xf32>
        %parallel_loop3A_940 = arith.addf %parallel_loop3A_899, %parallel_loop3A_939 : vector<16xf32>
        %parallel_loop3A_941 = arith.index_cast %parallel_loop3A_894 : i32 to index
        %parallel_loop3A_942 = arith.constant 400 : index
        %parallel_loop3A_943 = tpu.vector_load %arg7[%parallel_loop3A_941, %parallel_loop3A_942] {strides = array<i32>} : memref<16x2048xf32, #tpu.memory_space<vmem>>, vector<1x16xf32>,
        %parallel_loop3A_944 = vector.shape_cast %parallel_loop3A_943 : vector<1x16xf32> to vector<16xf32>
        %parallel_loop3A_945 = arith.mulf %get3A_565, %parallel_loop3A_944 : vector<16xf32>
        %parallel_loop3A_946 = arith.addf %parallel_loop3A_904, %parallel_loop3A_945 : vector<16xf32>
        %parallel_loop3A_947 = arith.index_cast %parallel_loop3A_894 : i32 to index
        %parallel_loop3A_948 = arith.constant 416 : index
        %parallel_loop3A_949 = tpu.vector_load %arg7[%parallel_loop3A_947, %parallel_loop3A_948] {strides = array<i32>} : memref<16x2048xf32, #tpu.memory_space<vmem>>, vector<1x16xf32>,
        %parallel_loop3A_950 = vector.shape_cast %parallel_loop3A_949 : vector<1x16xf32> to vector<16xf32>
        %parallel_loop3A_951 = arith.mulf %get3A_568, %parallel_loop3A_950 : vector<16xf32>
        %parallel_loop3A_952 = arith.addf %parallel_loop3A_909, %parallel_loop3A_951 : vector<16xf32>
        %parallel_loop3A_953 = arith.index_cast %parallel_loop3A_894 : i32 to index
        %parallel_loop3A_954 = arith.constant 432 : index
        %parallel_loop3A_955 = tpu.vector_load %arg7[%parallel_loop3A_953, %parallel_loop3A_954] {strides = array<i32>} : memref<16x2048xf32, #tpu.memory_space<vmem>>, vector<1x16xf32>,
        %parallel_loop3A_956 = vector.shape_cast %parallel_loop3A_955 : vector<1x16xf32> to vector<16xf32>
        %parallel_loop3A_957 = arith.mulf %get3A_571, %parallel_loop3A_956 : vector<16xf32>
        %parallel_loop3A_958 = arith.addf %parallel_loop3A_914, %parallel_loop3A_957 : vector<16xf32>
        %parallel_loop3A_959 = arith.index_cast %parallel_loop3A_894 : i32 to index
        %parallel_loop3A_960 = arith.constant 448 : index
        %parallel_loop3A_961 = tpu.vector_load %arg7[%parallel_loop3A_959, %parallel_loop3A_960] {strides = array<i32>} : memref<16x2048xf32, #tpu.memory_space<vmem>>, vector<1x16xf32>,
        %parallel_loop3A_962 = vector.shape_cast %parallel_loop3A_961 : vector<1x16xf32> to vector<16xf32>
        %parallel_loop3A_963 = arith.mulf %get3A_574, %parallel_loop3A_962 : vector<16xf32>
        %parallel_loop3A_964 = arith.addf %parallel_loop3A_919, %parallel_loop3A_963 : vector<16xf32>
        %parallel_loop3A_965 = arith.index_cast %parallel_loop3A_894 : i32 to index
        %parallel_loop3A_966 = arith.constant 464 : index
        %parallel_loop3A_967 = tpu.vector_load %arg7[%parallel_loop3A_965, %parallel_loop3A_966] {strides = array<i32>} : memref<16x2048xf32, #tpu.memory_space<vmem>>, vector<1x16xf32>,
        %parallel_loop3A_968 = vector.shape_cast %parallel_loop3A_967 : vector<1x16xf32> to vector<16xf32>
        %parallel_loop3A_969 = arith.mulf %get3A_577, %parallel_loop3A_968 : vector<16xf32>
        %parallel_loop3A_970 = arith.addf %parallel_loop3A_924, %parallel_loop3A_969 : vector<16xf32>
        %parallel_loop3A_971 = arith.index_cast %parallel_loop3A_894 : i32 to index
        %parallel_loop3A_972 = arith.constant 480 : index
        %parallel_loop3A_973 = tpu.vector_load %arg7[%parallel_loop3A_971, %parallel_loop3A_972] {strides = array<i32>} : memref<16x2048xf32, #tpu.memory_space<vmem>>, vector<1x16xf32>,
        %parallel_loop3A_974 = vector.shape_cast %parallel_loop3A_973 : vector<1x16xf32> to vector<16xf32>
        %parallel_loop3A_975 = arith.mulf %get3A_580, %parallel_loop3A_974 : vector<16xf32>
        %parallel_loop3A_976 = arith.addf %parallel_loop3A_929, %parallel_loop3A_975 : vector<16xf32>
        %parallel_loop3A_977 = arith.index_cast %parallel_loop3A_894 : i32 to index
        %parallel_loop3A_978 = arith.constant 496 : index
        %parallel_loop3A_979 = tpu.vector_load %arg7[%parallel_loop3A_977, %parallel_loop3A_978] {strides = array<i32>} : memref<16x2048xf32, #tpu.memory_space<vmem>>, vector<1x16xf32>,
        %parallel_loop3A_980 = vector.shape_cast %parallel_loop3A_979 : vector<1x16xf32> to vector<16xf32>
        %parallel_loop3A_981 = arith.mulf %get3A_583, %parallel_loop3A_980 : vector<16xf32>
        %parallel_loop3A_982 = arith.addf %parallel_loop3A_934, %parallel_loop3A_981 : vector<16xf32>
        %parallel_loop3A_983 = arith.addf %parallel_loop3A_940, %parallel_loop3A_946 : vector<16xf32>
        %parallel_loop3A_984 = arith.addf %parallel_loop3A_952, %parallel_loop3A_958 : vector<16xf32>
        %parallel_loop3A_985 = arith.addf %parallel_loop3A_964, %parallel_loop3A_970 : vector<16xf32>
        %parallel_loop3A_986 = arith.addf %parallel_loop3A_976, %parallel_loop3A_982 : vector<16xf32>
        %parallel_loop3A_987 = arith.addf %parallel_loop3A_983, %parallel_loop3A_984 : vector<16xf32>
        %parallel_loop3A_988 = arith.addf %parallel_loop3A_985, %parallel_loop3A_986 : vector<16xf32>
        %parallel_loop3A_989 = arith.addf %parallel_loop3A_987, %parallel_loop3A_988 : vector<16xf32>
        %parallel_loop3A_990 = arith.constant 16 : i32
        %parallel_loop3A_991 = arith.muli %add3A_484, %parallel_loop3A_990 : i32
        %parallel_loop3A_992 = arith.addi %parallel_loop3A_991, %parallel_loop3A_894 : i32
        %parallel_loop3A_993 = arith.index_cast %parallel_loop3A_992 : i32 to index
        %parallel_loop3A_994 = arith.constant 0 : index
        %parallel_loop3A_995 = tpu.vector_load %arg8[%parallel_loop3A_993, %parallel_loop3A_994] {strides = array<i32>} : memref<64x16xf32, #tpu.memory_space<vmem>>, vector<1x16xf32>,
        %parallel_loop3A_996 = vector.shape_cast %parallel_loop3A_995 : vector<1x16xf32> to vector<16xf32>
        %parallel_loop3A_997 = vector.shape_cast %parallel_loop3A_989 : vector<16xf32> to vector<1x16xf32>
        tpu.vector_store %arg8[%parallel_loop3A_993, %parallel_loop3A_994], %parallel_loop3A_997 {add = true, strides = array<i32>} : memref<64x16xf32, #tpu.memory_space<vmem>>, vector<1x16xf32>,
      } {sc.loop_unroll_factor = 2 : i64, sc.parallel_access}
      %get3A_587 = arith.constant 512 : index
      %get3A_588 = tpu.vector_load %arg5[%get3A_587] {strides = array<i32>} : memref<2048xf32, #tpu.memory_space<vmem>>, vector<16xf32>,
      %get3A_589 = vector.shape_cast %get3A_588 : vector<16xf32> to vector<16xf32>
      %get3A_590 = arith.constant 528 : index
      %get3A_591 = tpu.vector_load %arg5[%get3A_590] {strides = array<i32>} : memref<2048xf32, #tpu.memory_space<vmem>>, vector<16xf32>,
      %get3A_592 = vector.shape_cast %get3A_591 : vector<16xf32> to vector<16xf32>
      %get3A_593 = arith.constant 544 : index
      %get3A_594 = tpu.vector_load %arg5[%get3A_593] {strides = array<i32>} : memref<2048xf32, #tpu.memory_space<vmem>>, vector<16xf32>,
      %get3A_595 = vector.shape_cast %get3A_594 : vector<16xf32> to vector<16xf32>
      %get3A_596 = arith.constant 560 : index
      %get3A_597 = tpu.vector_load %arg5[%get3A_596] {strides = array<i32>} : memref<2048xf32, #tpu.memory_space<vmem>>, vector<16xf32>,
      %get3A_598 = vector.shape_cast %get3A_597 : vector<16xf32> to vector<16xf32>
      %get3A_599 = arith.constant 576 : index
      %get3A_600 = tpu.vector_load %arg5[%get3A_599] {strides = array<i32>} : memref<2048xf32, #tpu.memory_space<vmem>>, vector<16xf32>,
      %get3A_601 = vector.shape_cast %get3A_600 : vector<16xf32> to vector<16xf32>
      %get3A_602 = arith.constant 592 : index
      %get3A_603 = tpu.vector_load %arg5[%get3A_602] {strides = array<i32>} : memref<2048xf32, #tpu.memory_space<vmem>>, vector<16xf32>,
      %get3A_604 = vector.shape_cast %get3A_603 : vector<16xf32> to vector<16xf32>
      %get3A_605 = arith.constant 608 : index
      %get3A_606 = tpu.vector_load %arg5[%get3A_605] {strides = array<i32>} : memref<2048xf32, #tpu.memory_space<vmem>>, vector<16xf32>,
      %get3A_607 = vector.shape_cast %get3A_606 : vector<16xf32> to vector<16xf32>
      %get3A_608 = arith.constant 624 : index
      %get3A_609 = tpu.vector_load %arg5[%get3A_608] {strides = array<i32>} : memref<2048xf32, #tpu.memory_space<vmem>>, vector<16xf32>,
      %get3A_610 = vector.shape_cast %get3A_609 : vector<16xf32> to vector<16xf32>
      %get3A_611 = arith.constant 640 : index
      %get3A_612 = tpu.vector_load %arg5[%get3A_611] {strides = array<i32>} : memref<2048xf32, #tpu.memory_space<vmem>>, vector<16xf32>,
      %get3A_613 = vector.shape_cast %get3A_612 : vector<16xf32> to vector<16xf32>
      %get3A_614 = arith.constant 656 : index
      %get3A_615 = tpu.vector_load %arg5[%get3A_614] {strides = array<i32>} : memref<2048xf32, #tpu.memory_space<vmem>>, vector<16xf32>,
      %get3A_616 = vector.shape_cast %get3A_615 : vector<16xf32> to vector<16xf32>
      %get3A_617 = arith.constant 672 : index
      %get3A_618 = tpu.vector_load %arg5[%get3A_617] {strides = array<i32>} : memref<2048xf32, #tpu.memory_space<vmem>>, vector<16xf32>,
      %get3A_619 = vector.shape_cast %get3A_618 : vector<16xf32> to vector<16xf32>
      %get3A_620 = arith.constant 688 : index
      %get3A_621 = tpu.vector_load %arg5[%get3A_620] {strides = array<i32>} : memref<2048xf32, #tpu.memory_space<vmem>>, vector<16xf32>,
      %get3A_622 = vector.shape_cast %get3A_621 : vector<16xf32> to vector<16xf32>
      %get3A_623 = arith.constant 704 : index
      %get3A_624 = tpu.vector_load %arg5[%get3A_623] {strides = array<i32>} : memref<2048xf32, #tpu.memory_space<vmem>>, vector<16xf32>,
      %get3A_625 = vector.shape_cast %get3A_624 : vector<16xf32> to vector<16xf32>
      %get3A_626 = arith.constant 720 : index
      %get3A_627 = tpu.vector_load %arg5[%get3A_626] {strides = array<i32>} : memref<2048xf32, #tpu.memory_space<vmem>>, vector<16xf32>,
      %get3A_628 = vector.shape_cast %get3A_627 : vector<16xf32> to vector<16xf32>
      %get3A_629 = arith.constant 736 : index
      %get3A_630 = tpu.vector_load %arg5[%get3A_629] {strides = array<i32>} : memref<2048xf32, #tpu.memory_space<vmem>>, vector<16xf32>,
      %get3A_631 = vector.shape_cast %get3A_630 : vector<16xf32> to vector<16xf32>
      %get3A_632 = arith.constant 752 : index
      %get3A_633 = tpu.vector_load %arg5[%get3A_632] {strides = array<i32>} : memref<2048xf32, #tpu.memory_space<vmem>>, vector<16xf32>,
      %get3A_634 = vector.shape_cast %get3A_633 : vector<16xf32> to vector<16xf32>
      %parallel_loop3A_635 = arith.constant 0 : i32
      %parallel_loop3A_636 = arith.constant 16 : i32
      %parallel_loop3A_637 = arith.constant 1 : i32
      scf.for %parallel_loop3A_894 = %parallel_loop3A_635 to %parallel_loop3A_636 step %parallel_loop3A_637  : i32 {
        %parallel_loop3A_895 = arith.index_cast %parallel_loop3A_894 : i32 to index
        %parallel_loop3A_896 = arith.constant 512 : index
        %parallel_loop3A_897 = tpu.vector_load %arg7[%parallel_loop3A_895, %parallel_loop3A_896] {strides = array<i32>} : memref<16x2048xf32, #tpu.memory_space<vmem>>, vector<1x16xf32>,
        %parallel_loop3A_898 = vector.shape_cast %parallel_loop3A_897 : vector<1x16xf32> to vector<16xf32>
        %parallel_loop3A_899 = arith.mulf %get3A_589, %parallel_loop3A_898 : vector<16xf32>
        %parallel_loop3A_900 = arith.index_cast %parallel_loop3A_894 : i32 to index
        %parallel_loop3A_901 = arith.constant 528 : index
        %parallel_loop3A_902 = tpu.vector_load %arg7[%parallel_loop3A_900, %parallel_loop3A_901] {strides = array<i32>} : memref<16x2048xf32, #tpu.memory_space<vmem>>, vector<1x16xf32>,
        %parallel_loop3A_903 = vector.shape_cast %parallel_loop3A_902 : vector<1x16xf32> to vector<16xf32>
        %parallel_loop3A_904 = arith.mulf %get3A_592, %parallel_loop3A_903 : vector<16xf32>
        %parallel_loop3A_905 = arith.index_cast %parallel_loop3A_894 : i32 to index
        %parallel_loop3A_906 = arith.constant 544 : index
        %parallel_loop3A_907 = tpu.vector_load %arg7[%parallel_loop3A_905, %parallel_loop3A_906] {strides = array<i32>} : memref<16x2048xf32, #tpu.memory_space<vmem>>, vector<1x16xf32>,
        %parallel_loop3A_908 = vector.shape_cast %parallel_loop3A_907 : vector<1x16xf32> to vector<16xf32>
        %parallel_loop3A_909 = arith.mulf %get3A_595, %parallel_loop3A_908 : vector<16xf32>
        %parallel_loop3A_910 = arith.index_cast %parallel_loop3A_894 : i32 to index
        %parallel_loop3A_911 = arith.constant 560 : index
        %parallel_loop3A_912 = tpu.vector_load %arg7[%parallel_loop3A_910, %parallel_loop3A_911] {strides = array<i32>} : memref<16x2048xf32, #tpu.memory_space<vmem>>, vector<1x16xf32>,
        %parallel_loop3A_913 = vector.shape_cast %parallel_loop3A_912 : vector<1x16xf32> to vector<16xf32>
        %parallel_loop3A_914 = arith.mulf %get3A_598, %parallel_loop3A_913 : vector<16xf32>
        %parallel_loop3A_915 = arith.index_cast %parallel_loop3A_894 : i32 to index
        %parallel_loop3A_916 = arith.constant 576 : index
        %parallel_loop3A_917 = tpu.vector_load %arg7[%parallel_loop3A_915, %parallel_loop3A_916] {strides = array<i32>} : memref<16x2048xf32, #tpu.memory_space<vmem>>, vector<1x16xf32>,
        %parallel_loop3A_918 = vector.shape_cast %parallel_loop3A_917 : vector<1x16xf32> to vector<16xf32>
        %parallel_loop3A_919 = arith.mulf %get3A_601, %parallel_loop3A_918 : vector<16xf32>
        %parallel_loop3A_920 = arith.index_cast %parallel_loop3A_894 : i32 to index
        %parallel_loop3A_921 = arith.constant 592 : index
        %parallel_loop3A_922 = tpu.vector_load %arg7[%parallel_loop3A_920, %parallel_loop3A_921] {strides = array<i32>} : memref<16x2048xf32, #tpu.memory_space<vmem>>, vector<1x16xf32>,
        %parallel_loop3A_923 = vector.shape_cast %parallel_loop3A_922 : vector<1x16xf32> to vector<16xf32>
        %parallel_loop3A_924 = arith.mulf %get3A_604, %parallel_loop3A_923 : vector<16xf32>
        %parallel_loop3A_925 = arith.index_cast %parallel_loop3A_894 : i32 to index
        %parallel_loop3A_926 = arith.constant 608 : index
        %parallel_loop3A_927 = tpu.vector_load %arg7[%parallel_loop3A_925, %parallel_loop3A_926] {strides = array<i32>} : memref<16x2048xf32, #tpu.memory_space<vmem>>, vector<1x16xf32>,
        %parallel_loop3A_928 = vector.shape_cast %parallel_loop3A_927 : vector<1x16xf32> to vector<16xf32>
        %parallel_loop3A_929 = arith.mulf %get3A_607, %parallel_loop3A_928 : vector<16xf32>
        %parallel_loop3A_930 = arith.index_cast %parallel_loop3A_894 : i32 to index
        %parallel_loop3A_931 = arith.constant 624 : index
        %parallel_loop3A_932 = tpu.vector_load %arg7[%parallel_loop3A_930, %parallel_loop3A_931] {strides = array<i32>} : memref<16x2048xf32, #tpu.memory_space<vmem>>, vector<1x16xf32>,
        %parallel_loop3A_933 = vector.shape_cast %parallel_loop3A_932 : vector<1x16xf32> to vector<16xf32>
        %parallel_loop3A_934 = arith.mulf %get3A_610, %parallel_loop3A_933 : vector<16xf32>
        %parallel_loop3A_935 = arith.index_cast %parallel_loop3A_894 : i32 to index
        %parallel_loop3A_936 = arith.constant 640 : index
        %parallel_loop3A_937 = tpu.vector_load %arg7[%parallel_loop3A_935, %parallel_loop3A_936] {strides = array<i32>} : memref<16x2048xf32, #tpu.memory_space<vmem>>, vector<1x16xf32>,
        %parallel_loop3A_938 = vector.shape_cast %parallel_loop3A_937 : vector<1x16xf32> to vector<16xf32>
        %parallel_loop3A_939 = arith.mulf %get3A_613, %parallel_loop3A_938 : vector<16xf32>
        %parallel_loop3A_940 = arith.addf %parallel_loop3A_899, %parallel_loop3A_939 : vector<16xf32>
        %parallel_loop3A_941 = arith.index_cast %parallel_loop3A_894 : i32 to index
        %parallel_loop3A_942 = arith.constant 656 : index
        %parallel_loop3A_943 = tpu.vector_load %arg7[%parallel_loop3A_941, %parallel_loop3A_942] {strides = array<i32>} : memref<16x2048xf32, #tpu.memory_space<vmem>>, vector<1x16xf32>,
        %parallel_loop3A_944 = vector.shape_cast %parallel_loop3A_943 : vector<1x16xf32> to vector<16xf32>
        %parallel_loop3A_945 = arith.mulf %get3A_616, %parallel_loop3A_944 : vector<16xf32>
        %parallel_loop3A_946 = arith.addf %parallel_loop3A_904, %parallel_loop3A_945 : vector<16xf32>
        %parallel_loop3A_947 = arith.index_cast %parallel_loop3A_894 : i32 to index
        %parallel_loop3A_948 = arith.constant 672 : index
        %parallel_loop3A_949 = tpu.vector_load %arg7[%parallel_loop3A_947, %parallel_loop3A_948] {strides = array<i32>} : memref<16x2048xf32, #tpu.memory_space<vmem>>, vector<1x16xf32>,
        %parallel_loop3A_950 = vector.shape_cast %parallel_loop3A_949 : vector<1x16xf32> to vector<16xf32>
        %parallel_loop3A_951 = arith.mulf %get3A_619, %parallel_loop3A_950 : vector<16xf32>
        %parallel_loop3A_952 = arith.addf %parallel_loop3A_909, %parallel_loop3A_951 : vector<16xf32>
        %parallel_loop3A_953 = arith.index_cast %parallel_loop3A_894 : i32 to index
        %parallel_loop3A_954 = arith.constant 688 : index
        %parallel_loop3A_955 = tpu.vector_load %arg7[%parallel_loop3A_953, %parallel_loop3A_954] {strides = array<i32>} : memref<16x2048xf32, #tpu.memory_space<vmem>>, vector<1x16xf32>,
        %parallel_loop3A_956 = vector.shape_cast %parallel_loop3A_955 : vector<1x16xf32> to vector<16xf32>
        %parallel_loop3A_957 = arith.mulf %get3A_622, %parallel_loop3A_956 : vector<16xf32>
        %parallel_loop3A_958 = arith.addf %parallel_loop3A_914, %parallel_loop3A_957 : vector<16xf32>
        %parallel_loop3A_959 = arith.index_cast %parallel_loop3A_894 : i32 to index
        %parallel_loop3A_960 = arith.constant 704 : index
        %parallel_loop3A_961 = tpu.vector_load %arg7[%parallel_loop3A_959, %parallel_loop3A_960] {strides = array<i32>} : memref<16x2048xf32, #tpu.memory_space<vmem>>, vector<1x16xf32>,
        %parallel_loop3A_962 = vector.shape_cast %parallel_loop3A_961 : vector<1x16xf32> to vector<16xf32>
        %parallel_loop3A_963 = arith.mulf %get3A_625, %parallel_loop3A_962 : vector<16xf32>
        %parallel_loop3A_964 = arith.addf %parallel_loop3A_919, %parallel_loop3A_963 : vector<16xf32>
        %parallel_loop3A_965 = arith.index_cast %parallel_loop3A_894 : i32 to index
        %parallel_loop3A_966 = arith.constant 720 : index
        %parallel_loop3A_967 = tpu.vector_load %arg7[%parallel_loop3A_965, %parallel_loop3A_966] {strides = array<i32>} : memref<16x2048xf32, #tpu.memory_space<vmem>>, vector<1x16xf32>,
        %parallel_loop3A_968 = vector.shape_cast %parallel_loop3A_967 : vector<1x16xf32> to vector<16xf32>
        %parallel_loop3A_969 = arith.mulf %get3A_628, %parallel_loop3A_968 : vector<16xf32>
        %parallel_loop3A_970 = arith.addf %parallel_loop3A_924, %parallel_loop3A_969 : vector<16xf32>
        %parallel_loop3A_971 = arith.index_cast %parallel_loop3A_894 : i32 to index
        %parallel_loop3A_972 = arith.constant 736 : index
        %parallel_loop3A_973 = tpu.vector_load %arg7[%parallel_loop3A_971, %parallel_loop3A_972] {strides = array<i32>} : memref<16x2048xf32, #tpu.memory_space<vmem>>, vector<1x16xf32>,
        %parallel_loop3A_974 = vector.shape_cast %parallel_loop3A_973 : vector<1x16xf32> to vector<16xf32>
        %parallel_loop3A_975 = arith.mulf %get3A_631, %parallel_loop3A_974 : vector<16xf32>
        %parallel_loop3A_976 = arith.addf %parallel_loop3A_929, %parallel_loop3A_975 : vector<16xf32>
        %parallel_loop3A_977 = arith.index_cast %parallel_loop3A_894 : i32 to index
        %parallel_loop3A_978 = arith.constant 752 : index
        %parallel_loop3A_979 = tpu.vector_load %arg7[%parallel_loop3A_977, %parallel_loop3A_978] {strides = array<i32>} : memref<16x2048xf32, #tpu.memory_space<vmem>>, vector<1x16xf32>,
        %parallel_loop3A_980 = vector.shape_cast %parallel_loop3A_979 : vector<1x16xf32> to vector<16xf32>
        %parallel_loop3A_981 = arith.mulf %get3A_634, %parallel_loop3A_980 : vector<16xf32>
        %parallel_loop3A_982 = arith.addf %parallel_loop3A_934, %parallel_loop3A_981 : vector<16xf32>
        %parallel_loop3A_983 = arith.addf %parallel_loop3A_940, %parallel_loop3A_946 : vector<16xf32>
        %parallel_loop3A_984 = arith.addf %parallel_loop3A_952, %parallel_loop3A_958 : vector<16xf32>
        %parallel_loop3A_985 = arith.addf %parallel_loop3A_964, %parallel_loop3A_970 : vector<16xf32>
        %parallel_loop3A_986 = arith.addf %parallel_loop3A_976, %parallel_loop3A_982 : vector<16xf32>
        %parallel_loop3A_987 = arith.addf %parallel_loop3A_983, %parallel_loop3A_984 : vector<16xf32>
        %parallel_loop3A_988 = arith.addf %parallel_loop3A_985, %parallel_loop3A_986 : vector<16xf32>
        %parallel_loop3A_989 = arith.addf %parallel_loop3A_987, %parallel_loop3A_988 : vector<16xf32>
        %parallel_loop3A_990 = arith.constant 16 : i32
        %parallel_loop3A_991 = arith.muli %add3A_484, %parallel_loop3A_990 : i32
        %parallel_loop3A_992 = arith.addi %parallel_loop3A_991, %parallel_loop3A_894 : i32
        %parallel_loop3A_993 = arith.index_cast %parallel_loop3A_992 : i32 to index
        %parallel_loop3A_994 = arith.constant 0 : index
        %parallel_loop3A_995 = tpu.vector_load %arg8[%parallel_loop3A_993, %parallel_loop3A_994] {strides = array<i32>} : memref<64x16xf32, #tpu.memory_space<vmem>>, vector<1x16xf32>,
        %parallel_loop3A_996 = vector.shape_cast %parallel_loop3A_995 : vector<1x16xf32> to vector<16xf32>
        %parallel_loop3A_997 = vector.shape_cast %parallel_loop3A_989 : vector<16xf32> to vector<1x16xf32>
        tpu.vector_store %arg8[%parallel_loop3A_993, %parallel_loop3A_994], %parallel_loop3A_997 {add = true, strides = array<i32>} : memref<64x16xf32, #tpu.memory_space<vmem>>, vector<1x16xf32>,
      } {sc.loop_unroll_factor = 2 : i64, sc.parallel_access}
      %get3A_638 = arith.constant 768 : index
      %get3A_639 = tpu.vector_load %arg5[%get3A_638] {strides = array<i32>} : memref<2048xf32, #tpu.memory_space<vmem>>, vector<16xf32>,
      %get3A_640 = vector.shape_cast %get3A_639 : vector<16xf32> to vector<16xf32>
      %get3A_641 = arith.constant 784 : index
      %get3A_642 = tpu.vector_load %arg5[%get3A_641] {strides = array<i32>} : memref<2048xf32, #tpu.memory_space<vmem>>, vector<16xf32>,
      %get3A_643 = vector.shape_cast %get3A_642 : vector<16xf32> to vector<16xf32>
      %get3A_644 = arith.constant 800 : index
      %get3A_645 = tpu.vector_load %arg5[%get3A_644] {strides = array<i32>} : memref<2048xf32, #tpu.memory_space<vmem>>, vector<16xf32>,
      %get3A_646 = vector.shape_cast %get3A_645 : vector<16xf32> to vector<16xf32>
      %get3A_647 = arith.constant 816 : index
      %get3A_648 = tpu.vector_load %arg5[%get3A_647] {strides = array<i32>} : memref<2048xf32, #tpu.memory_space<vmem>>, vector<16xf32>,
      %get3A_649 = vector.shape_cast %get3A_648 : vector<16xf32> to vector<16xf32>
      %get3A_650 = arith.constant 832 : index
      %get3A_651 = tpu.vector_load %arg5[%get3A_650] {strides = array<i32>} : memref<2048xf32, #tpu.memory_space<vmem>>, vector<16xf32>,
      %get3A_652 = vector.shape_cast %get3A_651 : vector<16xf32> to vector<16xf32>
      %get3A_653 = arith.constant 848 : index
      %get3A_654 = tpu.vector_load %arg5[%get3A_653] {strides = array<i32>} : memref<2048xf32, #tpu.memory_space<vmem>>, vector<16xf32>,
      %get3A_655 = vector.shape_cast %get3A_654 : vector<16xf32> to vector<16xf32>
      %get3A_656 = arith.constant 864 : index
      %get3A_657 = tpu.vector_load %arg5[%get3A_656] {strides = array<i32>} : memref<2048xf32, #tpu.memory_space<vmem>>, vector<16xf32>,
      %get3A_658 = vector.shape_cast %get3A_657 : vector<16xf32> to vector<16xf32>
      %get3A_659 = arith.constant 880 : index
      %get3A_660 = tpu.vector_load %arg5[%get3A_659] {strides = array<i32>} : memref<2048xf32, #tpu.memory_space<vmem>>, vector<16xf32>,
      %get3A_661 = vector.shape_cast %get3A_660 : vector<16xf32> to vector<16xf32>
      %get3A_662 = arith.constant 896 : index
      %get3A_663 = tpu.vector_load %arg5[%get3A_662] {strides = array<i32>} : memref<2048xf32, #tpu.memory_space<vmem>>, vector<16xf32>,
      %get3A_664 = vector.shape_cast %get3A_663 : vector<16xf32> to vector<16xf32>
      %get3A_665 = arith.constant 912 : index
      %get3A_666 = tpu.vector_load %arg5[%get3A_665] {strides = array<i32>} : memref<2048xf32, #tpu.memory_space<vmem>>, vector<16xf32>,
      %get3A_667 = vector.shape_cast %get3A_666 : vector<16xf32> to vector<16xf32>
      %get3A_668 = arith.constant 928 : index
      %get3A_669 = tpu.vector_load %arg5[%get3A_668] {strides = array<i32>} : memref<2048xf32, #tpu.memory_space<vmem>>, vector<16xf32>,
      %get3A_670 = vector.shape_cast %get3A_669 : vector<16xf32> to vector<16xf32>
      %get3A_671 = arith.constant 944 : index
      %get3A_672 = tpu.vector_load %arg5[%get3A_671] {strides = array<i32>} : memref<2048xf32, #tpu.memory_space<vmem>>, vector<16xf32>,
      %get3A_673 = vector.shape_cast %get3A_672 : vector<16xf32> to vector<16xf32>
      %get3A_674 = arith.constant 960 : index
      %get3A_675 = tpu.vector_load %arg5[%get3A_674] {strides = array<i32>} : memref<2048xf32, #tpu.memory_space<vmem>>, vector<16xf32>,
      %get3A_676 = vector.shape_cast %get3A_675 : vector<16xf32> to vector<16xf32>
      %get3A_677 = arith.constant 976 : index
      %get3A_678 = tpu.vector_load %arg5[%get3A_677] {strides = array<i32>} : memref<2048xf32, #tpu.memory_space<vmem>>, vector<16xf32>,
      %get3A_679 = vector.shape_cast %get3A_678 : vector<16xf32> to vector<16xf32>
      %get3A_680 = arith.constant 992 : index
      %get3A_681 = tpu.vector_load %arg5[%get3A_680] {strides = array<i32>} : memref<2048xf32, #tpu.memory_space<vmem>>, vector<16xf32>,
      %get3A_682 = vector.shape_cast %get3A_681 : vector<16xf32> to vector<16xf32>
      %get3A_683 = arith.constant 1008 : index
      %get3A_684 = tpu.vector_load %arg5[%get3A_683] {strides = array<i32>} : memref<2048xf32, #tpu.memory_space<vmem>>, vector<16xf32>,
      %get3A_685 = vector.shape_cast %get3A_684 : vector<16xf32> to vector<16xf32>
      %parallel_loop3A_686 = arith.constant 0 : i32
      %parallel_loop3A_687 = arith.constant 16 : i32
      %parallel_loop3A_688 = arith.constant 1 : i32
      scf.for %parallel_loop3A_894 = %parallel_loop3A_686 to %parallel_loop3A_687 step %parallel_loop3A_688  : i32 {
        %parallel_loop3A_895 = arith.index_cast %parallel_loop3A_894 : i32 to index
        %parallel_loop3A_896 = arith.constant 768 : index
        %parallel_loop3A_897 = tpu.vector_load %arg7[%parallel_loop3A_895, %parallel_loop3A_896] {strides = array<i32>} : memref<16x2048xf32, #tpu.memory_space<vmem>>, vector<1x16xf32>,
        %parallel_loop3A_898 = vector.shape_cast %parallel_loop3A_897 : vector<1x16xf32> to vector<16xf32>
        %parallel_loop3A_899 = arith.mulf %get3A_640, %parallel_loop3A_898 : vector<16xf32>
        %parallel_loop3A_900 = arith.index_cast %parallel_loop3A_894 : i32 to index
        %parallel_loop3A_901 = arith.constant 784 : index
        %parallel_loop3A_902 = tpu.vector_load %arg7[%parallel_loop3A_900, %parallel_loop3A_901] {strides = array<i32>} : memref<16x2048xf32, #tpu.memory_space<vmem>>, vector<1x16xf32>,
        %parallel_loop3A_903 = vector.shape_cast %parallel_loop3A_902 : vector<1x16xf32> to vector<16xf32>
        %parallel_loop3A_904 = arith.mulf %get3A_643, %parallel_loop3A_903 : vector<16xf32>
        %parallel_loop3A_905 = arith.index_cast %parallel_loop3A_894 : i32 to index
        %parallel_loop3A_906 = arith.constant 800 : index
        %parallel_loop3A_907 = tpu.vector_load %arg7[%parallel_loop3A_905, %parallel_loop3A_906] {strides = array<i32>} : memref<16x2048xf32, #tpu.memory_space<vmem>>, vector<1x16xf32>,
        %parallel_loop3A_908 = vector.shape_cast %parallel_loop3A_907 : vector<1x16xf32> to vector<16xf32>
        %parallel_loop3A_909 = arith.mulf %get3A_646, %parallel_loop3A_908 : vector<16xf32>
        %parallel_loop3A_910 = arith.index_cast %parallel_loop3A_894 : i32 to index
        %parallel_loop3A_911 = arith.constant 816 : index
        %parallel_loop3A_912 = tpu.vector_load %arg7[%parallel_loop3A_910, %parallel_loop3A_911] {strides = array<i32>} : memref<16x2048xf32, #tpu.memory_space<vmem>>, vector<1x16xf32>,
        %parallel_loop3A_913 = vector.shape_cast %parallel_loop3A_912 : vector<1x16xf32> to vector<16xf32>
        %parallel_loop3A_914 = arith.mulf %get3A_649, %parallel_loop3A_913 : vector<16xf32>
        %parallel_loop3A_915 = arith.index_cast %parallel_loop3A_894 : i32 to index
        %parallel_loop3A_916 = arith.constant 832 : index
        %parallel_loop3A_917 = tpu.vector_load %arg7[%parallel_loop3A_915, %parallel_loop3A_916] {strides = array<i32>} : memref<16x2048xf32, #tpu.memory_space<vmem>>, vector<1x16xf32>,
        %parallel_loop3A_918 = vector.shape_cast %parallel_loop3A_917 : vector<1x16xf32> to vector<16xf32>
        %parallel_loop3A_919 = arith.mulf %get3A_652, %parallel_loop3A_918 : vector<16xf32>
        %parallel_loop3A_920 = arith.index_cast %parallel_loop3A_894 : i32 to index
        %parallel_loop3A_921 = arith.constant 848 : index
        %parallel_loop3A_922 = tpu.vector_load %arg7[%parallel_loop3A_920, %parallel_loop3A_921] {strides = array<i32>} : memref<16x2048xf32, #tpu.memory_space<vmem>>, vector<1x16xf32>,
        %parallel_loop3A_923 = vector.shape_cast %parallel_loop3A_922 : vector<1x16xf32> to vector<16xf32>
        %parallel_loop3A_924 = arith.mulf %get3A_655, %parallel_loop3A_923 : vector<16xf32>
        %parallel_loop3A_925 = arith.index_cast %parallel_loop3A_894 : i32 to index
        %parallel_loop3A_926 = arith.constant 864 : index
        %parallel_loop3A_927 = tpu.vector_load %arg7[%parallel_loop3A_925, %parallel_loop3A_926] {strides = array<i32>} : memref<16x2048xf32, #tpu.memory_space<vmem>>, vector<1x16xf32>,
        %parallel_loop3A_928 = vector.shape_cast %parallel_loop3A_927 : vector<1x16xf32> to vector<16xf32>
        %parallel_loop3A_929 = arith.mulf %get3A_658, %parallel_loop3A_928 : vector<16xf32>
        %parallel_loop3A_930 = arith.index_cast %parallel_loop3A_894 : i32 to index
        %parallel_loop3A_931 = arith.constant 880 : index
        %parallel_loop3A_932 = tpu.vector_load %arg7[%parallel_loop3A_930, %parallel_loop3A_931] {strides = array<i32>} : memref<16x2048xf32, #tpu.memory_space<vmem>>, vector<1x16xf32>,
        %parallel_loop3A_933 = vector.shape_cast %parallel_loop3A_932 : vector<1x16xf32> to vector<16xf32>
        %parallel_loop3A_934 = arith.mulf %get3A_661, %parallel_loop3A_933 : vector<16xf32>
        %parallel_loop3A_935 = arith.index_cast %parallel_loop3A_894 : i32 to index
        %parallel_loop3A_936 = arith.constant 896 : index
        %parallel_loop3A_937 = tpu.vector_load %arg7[%parallel_loop3A_935, %parallel_loop3A_936] {strides = array<i32>} : memref<16x2048xf32, #tpu.memory_space<vmem>>, vector<1x16xf32>,
        %parallel_loop3A_938 = vector.shape_cast %parallel_loop3A_937 : vector<1x16xf32> to vector<16xf32>
        %parallel_loop3A_939 = arith.mulf %get3A_664, %parallel_loop3A_938 : vector<16xf32>
        %parallel_loop3A_940 = arith.addf %parallel_loop3A_899, %parallel_loop3A_939 : vector<16xf32>
        %parallel_loop3A_941 = arith.index_cast %parallel_loop3A_894 : i32 to index
        %parallel_loop3A_942 = arith.constant 912 : index
        %parallel_loop3A_943 = tpu.vector_load %arg7[%parallel_loop3A_941, %parallel_loop3A_942] {strides = array<i32>} : memref<16x2048xf32, #tpu.memory_space<vmem>>, vector<1x16xf32>,
        %parallel_loop3A_944 = vector.shape_cast %parallel_loop3A_943 : vector<1x16xf32> to vector<16xf32>
        %parallel_loop3A_945 = arith.mulf %get3A_667, %parallel_loop3A_944 : vector<16xf32>
        %parallel_loop3A_946 = arith.addf %parallel_loop3A_904, %parallel_loop3A_945 : vector<16xf32>
        %parallel_loop3A_947 = arith.index_cast %parallel_loop3A_894 : i32 to index
        %parallel_loop3A_948 = arith.constant 928 : index
        %parallel_loop3A_949 = tpu.vector_load %arg7[%parallel_loop3A_947, %parallel_loop3A_948] {strides = array<i32>} : memref<16x2048xf32, #tpu.memory_space<vmem>>, vector<1x16xf32>,
        %parallel_loop3A_950 = vector.shape_cast %parallel_loop3A_949 : vector<1x16xf32> to vector<16xf32>
        %parallel_loop3A_951 = arith.mulf %get3A_670, %parallel_loop3A_950 : vector<16xf32>
        %parallel_loop3A_952 = arith.addf %parallel_loop3A_909, %parallel_loop3A_951 : vector<16xf32>
        %parallel_loop3A_953 = arith.index_cast %parallel_loop3A_894 : i32 to index
        %parallel_loop3A_954 = arith.constant 944 : index
        %parallel_loop3A_955 = tpu.vector_load %arg7[%parallel_loop3A_953, %parallel_loop3A_954] {strides = array<i32>} : memref<16x2048xf32, #tpu.memory_space<vmem>>, vector<1x16xf32>,
        %parallel_loop3A_956 = vector.shape_cast %parallel_loop3A_955 : vector<1x16xf32> to vector<16xf32>
        %parallel_loop3A_957 = arith.mulf %get3A_673, %parallel_loop3A_956 : vector<16xf32>
        %parallel_loop3A_958 = arith.addf %parallel_loop3A_914, %parallel_loop3A_957 : vector<16xf32>
        %parallel_loop3A_959 = arith.index_cast %parallel_loop3A_894 : i32 to index
        %parallel_loop3A_960 = arith.constant 960 : index
        %parallel_loop3A_961 = tpu.vector_load %arg7[%parallel_loop3A_959, %parallel_loop3A_960] {strides = array<i32>} : memref<16x2048xf32, #tpu.memory_space<vmem>>, vector<1x16xf32>,
        %parallel_loop3A_962 = vector.shape_cast %parallel_loop3A_961 : vector<1x16xf32> to vector<16xf32>
        %parallel_loop3A_963 = arith.mulf %get3A_676, %parallel_loop3A_962 : vector<16xf32>
        %parallel_loop3A_964 = arith.addf %parallel_loop3A_919, %parallel_loop3A_963 : vector<16xf32>
        %parallel_loop3A_965 = arith.index_cast %parallel_loop3A_894 : i32 to index
        %parallel_loop3A_966 = arith.constant 976 : index
        %parallel_loop3A_967 = tpu.vector_load %arg7[%parallel_loop3A_965, %parallel_loop3A_966] {strides = array<i32>} : memref<16x2048xf32, #tpu.memory_space<vmem>>, vector<1x16xf32>,
        %parallel_loop3A_968 = vector.shape_cast %parallel_loop3A_967 : vector<1x16xf32> to vector<16xf32>
        %parallel_loop3A_969 = arith.mulf %get3A_679, %parallel_loop3A_968 : vector<16xf32>
        %parallel_loop3A_970 = arith.addf %parallel_loop3A_924, %parallel_loop3A_969 : vector<16xf32>
        %parallel_loop3A_971 = arith.index_cast %parallel_loop3A_894 : i32 to index
        %parallel_loop3A_972 = arith.constant 992 : index
        %parallel_loop3A_973 = tpu.vector_load %arg7[%parallel_loop3A_971, %parallel_loop3A_972] {strides = array<i32>} : memref<16x2048xf32, #tpu.memory_space<vmem>>, vector<1x16xf32>,
        %parallel_loop3A_974 = vector.shape_cast %parallel_loop3A_973 : vector<1x16xf32> to vector<16xf32>
        %parallel_loop3A_975 = arith.mulf %get3A_682, %parallel_loop3A_974 : vector<16xf32>
        %parallel_loop3A_976 = arith.addf %parallel_loop3A_929, %parallel_loop3A_975 : vector<16xf32>
        %parallel_loop3A_977 = arith.index_cast %parallel_loop3A_894 : i32 to index
        %parallel_loop3A_978 = arith.constant 1008 : index
        %parallel_loop3A_979 = tpu.vector_load %arg7[%parallel_loop3A_977, %parallel_loop3A_978] {strides = array<i32>} : memref<16x2048xf32, #tpu.memory_space<vmem>>, vector<1x16xf32>,
        %parallel_loop3A_980 = vector.shape_cast %parallel_loop3A_979 : vector<1x16xf32> to vector<16xf32>
        %parallel_loop3A_981 = arith.mulf %get3A_685, %parallel_loop3A_980 : vector<16xf32>
        %parallel_loop3A_982 = arith.addf %parallel_loop3A_934, %parallel_loop3A_981 : vector<16xf32>
        %parallel_loop3A_983 = arith.addf %parallel_loop3A_940, %parallel_loop3A_946 : vector<16xf32>
        %parallel_loop3A_984 = arith.addf %parallel_loop3A_952, %parallel_loop3A_958 : vector<16xf32>
        %parallel_loop3A_985 = arith.addf %parallel_loop3A_964, %parallel_loop3A_970 : vector<16xf32>
        %parallel_loop3A_986 = arith.addf %parallel_loop3A_976, %parallel_loop3A_982 : vector<16xf32>
        %parallel_loop3A_987 = arith.addf %parallel_loop3A_983, %parallel_loop3A_984 : vector<16xf32>
        %parallel_loop3A_988 = arith.addf %parallel_loop3A_985, %parallel_loop3A_986 : vector<16xf32>
        %parallel_loop3A_989 = arith.addf %parallel_loop3A_987, %parallel_loop3A_988 : vector<16xf32>
        %parallel_loop3A_990 = arith.constant 16 : i32
        %parallel_loop3A_991 = arith.muli %add3A_484, %parallel_loop3A_990 : i32
        %parallel_loop3A_992 = arith.addi %parallel_loop3A_991, %parallel_loop3A_894 : i32
        %parallel_loop3A_993 = arith.index_cast %parallel_loop3A_992 : i32 to index
        %parallel_loop3A_994 = arith.constant 0 : index
        %parallel_loop3A_995 = tpu.vector_load %arg8[%parallel_loop3A_993, %parallel_loop3A_994] {strides = array<i32>} : memref<64x16xf32, #tpu.memory_space<vmem>>, vector<1x16xf32>,
        %parallel_loop3A_996 = vector.shape_cast %parallel_loop3A_995 : vector<1x16xf32> to vector<16xf32>
        %parallel_loop3A_997 = vector.shape_cast %parallel_loop3A_989 : vector<16xf32> to vector<1x16xf32>
        tpu.vector_store %arg8[%parallel_loop3A_993, %parallel_loop3A_994], %parallel_loop3A_997 {add = true, strides = array<i32>} : memref<64x16xf32, #tpu.memory_space<vmem>>, vector<1x16xf32>,
      } {sc.loop_unroll_factor = 2 : i64, sc.parallel_access}
      %get3A_689 = arith.constant 1024 : index
      %get3A_690 = tpu.vector_load %arg5[%get3A_689] {strides = array<i32>} : memref<2048xf32, #tpu.memory_space<vmem>>, vector<16xf32>,
      %get3A_691 = vector.shape_cast %get3A_690 : vector<16xf32> to vector<16xf32>
      %get3A_692 = arith.constant 1040 : index
      %get3A_693 = tpu.vector_load %arg5[%get3A_692] {strides = array<i32>} : memref<2048xf32, #tpu.memory_space<vmem>>, vector<16xf32>,
      %get3A_694 = vector.shape_cast %get3A_693 : vector<16xf32> to vector<16xf32>
      %get3A_695 = arith.constant 1056 : index
      %get3A_696 = tpu.vector_load %arg5[%get3A_695] {strides = array<i32>} : memref<2048xf32, #tpu.memory_space<vmem>>, vector<16xf32>,
      %get3A_697 = vector.shape_cast %get3A_696 : vector<16xf32> to vector<16xf32>
      %get3A_698 = arith.constant 1072 : index
      %get3A_699 = tpu.vector_load %arg5[%get3A_698] {strides = array<i32>} : memref<2048xf32, #tpu.memory_space<vmem>>, vector<16xf32>,
      %get3A_700 = vector.shape_cast %get3A_699 : vector<16xf32> to vector<16xf32>
      %get3A_701 = arith.constant 1088 : index
      %get3A_702 = tpu.vector_load %arg5[%get3A_701] {strides = array<i32>} : memref<2048xf32, #tpu.memory_space<vmem>>, vector<16xf32>,
      %get3A_703 = vector.shape_cast %get3A_702 : vector<16xf32> to vector<16xf32>
      %get3A_704 = arith.constant 1104 : index
      %get3A_705 = tpu.vector_load %arg5[%get3A_704] {strides = array<i32>} : memref<2048xf32, #tpu.memory_space<vmem>>, vector<16xf32>,
      %get3A_706 = vector.shape_cast %get3A_705 : vector<16xf32> to vector<16xf32>
      %get3A_707 = arith.constant 1120 : index
      %get3A_708 = tpu.vector_load %arg5[%get3A_707] {strides = array<i32>} : memref<2048xf32, #tpu.memory_space<vmem>>, vector<16xf32>,
      %get3A_709 = vector.shape_cast %get3A_708 : vector<16xf32> to vector<16xf32>
      %get3A_710 = arith.constant 1136 : index
      %get3A_711 = tpu.vector_load %arg5[%get3A_710] {strides = array<i32>} : memref<2048xf32, #tpu.memory_space<vmem>>, vector<16xf32>,
      %get3A_712 = vector.shape_cast %get3A_711 : vector<16xf32> to vector<16xf32>
      %get3A_713 = arith.constant 1152 : index
      %get3A_714 = tpu.vector_load %arg5[%get3A_713] {strides = array<i32>} : memref<2048xf32, #tpu.memory_space<vmem>>, vector<16xf32>,
      %get3A_715 = vector.shape_cast %get3A_714 : vector<16xf32> to vector<16xf32>
      %get3A_716 = arith.constant 1168 : index
      %get3A_717 = tpu.vector_load %arg5[%get3A_716] {strides = array<i32>} : memref<2048xf32, #tpu.memory_space<vmem>>, vector<16xf32>,
      %get3A_718 = vector.shape_cast %get3A_717 : vector<16xf32> to vector<16xf32>
      %get3A_719 = arith.constant 1184 : index
      %get3A_720 = tpu.vector_load %arg5[%get3A_719] {strides = array<i32>} : memref<2048xf32, #tpu.memory_space<vmem>>, vector<16xf32>,
      %get3A_721 = vector.shape_cast %get3A_720 : vector<16xf32> to vector<16xf32>
      %get3A_722 = arith.constant 1200 : index
      %get3A_723 = tpu.vector_load %arg5[%get3A_722] {strides = array<i32>} : memref<2048xf32, #tpu.memory_space<vmem>>, vector<16xf32>,
      %get3A_724 = vector.shape_cast %get3A_723 : vector<16xf32> to vector<16xf32>
      %get3A_725 = arith.constant 1216 : index
      %get3A_726 = tpu.vector_load %arg5[%get3A_725] {strides = array<i32>} : memref<2048xf32, #tpu.memory_space<vmem>>, vector<16xf32>,
      %get3A_727 = vector.shape_cast %get3A_726 : vector<16xf32> to vector<16xf32>
      %get3A_728 = arith.constant 1232 : index
      %get3A_729 = tpu.vector_load %arg5[%get3A_728] {strides = array<i32>} : memref<2048xf32, #tpu.memory_space<vmem>>, vector<16xf32>,
      %get3A_730 = vector.shape_cast %get3A_729 : vector<16xf32> to vector<16xf32>
      %get3A_731 = arith.constant 1248 : index
      %get3A_732 = tpu.vector_load %arg5[%get3A_731] {strides = array<i32>} : memref<2048xf32, #tpu.memory_space<vmem>>, vector<16xf32>,
      %get3A_733 = vector.shape_cast %get3A_732 : vector<16xf32> to vector<16xf32>
      %get3A_734 = arith.constant 1264 : index
      %get3A_735 = tpu.vector_load %arg5[%get3A_734] {strides = array<i32>} : memref<2048xf32, #tpu.memory_space<vmem>>, vector<16xf32>,
      %get3A_736 = vector.shape_cast %get3A_735 : vector<16xf32> to vector<16xf32>
      %parallel_loop3A_737 = arith.constant 0 : i32
      %parallel_loop3A_738 = arith.constant 16 : i32
      %parallel_loop3A_739 = arith.constant 1 : i32
      scf.for %parallel_loop3A_894 = %parallel_loop3A_737 to %parallel_loop3A_738 step %parallel_loop3A_739  : i32 {
        %parallel_loop3A_895 = arith.index_cast %parallel_loop3A_894 : i32 to index
        %parallel_loop3A_896 = arith.constant 1024 : index
        %parallel_loop3A_897 = tpu.vector_load %arg7[%parallel_loop3A_895, %parallel_loop3A_896] {strides = array<i32>} : memref<16x2048xf32, #tpu.memory_space<vmem>>, vector<1x16xf32>,
        %parallel_loop3A_898 = vector.shape_cast %parallel_loop3A_897 : vector<1x16xf32> to vector<16xf32>
        %parallel_loop3A_899 = arith.mulf %get3A_691, %parallel_loop3A_898 : vector<16xf32>
        %parallel_loop3A_900 = arith.index_cast %parallel_loop3A_894 : i32 to index
        %parallel_loop3A_901 = arith.constant 1040 : index
        %parallel_loop3A_902 = tpu.vector_load %arg7[%parallel_loop3A_900, %parallel_loop3A_901] {strides = array<i32>} : memref<16x2048xf32, #tpu.memory_space<vmem>>, vector<1x16xf32>,
        %parallel_loop3A_903 = vector.shape_cast %parallel_loop3A_902 : vector<1x16xf32> to vector<16xf32>
        %parallel_loop3A_904 = arith.mulf %get3A_694, %parallel_loop3A_903 : vector<16xf32>
        %parallel_loop3A_905 = arith.index_cast %parallel_loop3A_894 : i32 to index
        %parallel_loop3A_906 = arith.constant 1056 : index
        %parallel_loop3A_907 = tpu.vector_load %arg7[%parallel_loop3A_905, %parallel_loop3A_906] {strides = array<i32>} : memref<16x2048xf32, #tpu.memory_space<vmem>>, vector<1x16xf32>,
        %parallel_loop3A_908 = vector.shape_cast %parallel_loop3A_907 : vector<1x16xf32> to vector<16xf32>
        %parallel_loop3A_909 = arith.mulf %get3A_697, %parallel_loop3A_908 : vector<16xf32>
        %parallel_loop3A_910 = arith.index_cast %parallel_loop3A_894 : i32 to index
        %parallel_loop3A_911 = arith.constant 1072 : index
        %parallel_loop3A_912 = tpu.vector_load %arg7[%parallel_loop3A_910, %parallel_loop3A_911] {strides = array<i32>} : memref<16x2048xf32, #tpu.memory_space<vmem>>, vector<1x16xf32>,
        %parallel_loop3A_913 = vector.shape_cast %parallel_loop3A_912 : vector<1x16xf32> to vector<16xf32>
        %parallel_loop3A_914 = arith.mulf %get3A_700, %parallel_loop3A_913 : vector<16xf32>
        %parallel_loop3A_915 = arith.index_cast %parallel_loop3A_894 : i32 to index
        %parallel_loop3A_916 = arith.constant 1088 : index
        %parallel_loop3A_917 = tpu.vector_load %arg7[%parallel_loop3A_915, %parallel_loop3A_916] {strides = array<i32>} : memref<16x2048xf32, #tpu.memory_space<vmem>>, vector<1x16xf32>,
        %parallel_loop3A_918 = vector.shape_cast %parallel_loop3A_917 : vector<1x16xf32> to vector<16xf32>
        %parallel_loop3A_919 = arith.mulf %get3A_703, %parallel_loop3A_918 : vector<16xf32>
        %parallel_loop3A_920 = arith.index_cast %parallel_loop3A_894 : i32 to index
        %parallel_loop3A_921 = arith.constant 1104 : index
        %parallel_loop3A_922 = tpu.vector_load %arg7[%parallel_loop3A_920, %parallel_loop3A_921] {strides = array<i32>} : memref<16x2048xf32, #tpu.memory_space<vmem>>, vector<1x16xf32>,
        %parallel_loop3A_923 = vector.shape_cast %parallel_loop3A_922 : vector<1x16xf32> to vector<16xf32>
        %parallel_loop3A_924 = arith.mulf %get3A_706, %parallel_loop3A_923 : vector<16xf32>
        %parallel_loop3A_925 = arith.index_cast %parallel_loop3A_894 : i32 to index
        %parallel_loop3A_926 = arith.constant 1120 : index
        %parallel_loop3A_927 = tpu.vector_load %arg7[%parallel_loop3A_925, %parallel_loop3A_926] {strides = array<i32>} : memref<16x2048xf32, #tpu.memory_space<vmem>>, vector<1x16xf32>,
        %parallel_loop3A_928 = vector.shape_cast %parallel_loop3A_927 : vector<1x16xf32> to vector<16xf32>
        %parallel_loop3A_929 = arith.mulf %get3A_709, %parallel_loop3A_928 : vector<16xf32>
        %parallel_loop3A_930 = arith.index_cast %parallel_loop3A_894 : i32 to index
        %parallel_loop3A_931 = arith.constant 1136 : index
        %parallel_loop3A_932 = tpu.vector_load %arg7[%parallel_loop3A_930, %parallel_loop3A_931] {strides = array<i32>} : memref<16x2048xf32, #tpu.memory_space<vmem>>, vector<1x16xf32>,
        %parallel_loop3A_933 = vector.shape_cast %parallel_loop3A_932 : vector<1x16xf32> to vector<16xf32>
        %parallel_loop3A_934 = arith.mulf %get3A_712, %parallel_loop3A_933 : vector<16xf32>
        %parallel_loop3A_935 = arith.index_cast %parallel_loop3A_894 : i32 to index
        %parallel_loop3A_936 = arith.constant 1152 : index
        %parallel_loop3A_937 = tpu.vector_load %arg7[%parallel_loop3A_935, %parallel_loop3A_936] {strides = array<i32>} : memref<16x2048xf32, #tpu.memory_space<vmem>>, vector<1x16xf32>,
        %parallel_loop3A_938 = vector.shape_cast %parallel_loop3A_937 : vector<1x16xf32> to vector<16xf32>
        %parallel_loop3A_939 = arith.mulf %get3A_715, %parallel_loop3A_938 : vector<16xf32>
        %parallel_loop3A_940 = arith.addf %parallel_loop3A_899, %parallel_loop3A_939 : vector<16xf32>
        %parallel_loop3A_941 = arith.index_cast %parallel_loop3A_894 : i32 to index
        %parallel_loop3A_942 = arith.constant 1168 : index
        %parallel_loop3A_943 = tpu.vector_load %arg7[%parallel_loop3A_941, %parallel_loop3A_942] {strides = array<i32>} : memref<16x2048xf32, #tpu.memory_space<vmem>>, vector<1x16xf32>,
        %parallel_loop3A_944 = vector.shape_cast %parallel_loop3A_943 : vector<1x16xf32> to vector<16xf32>
        %parallel_loop3A_945 = arith.mulf %get3A_718, %parallel_loop3A_944 : vector<16xf32>
        %parallel_loop3A_946 = arith.addf %parallel_loop3A_904, %parallel_loop3A_945 : vector<16xf32>
        %parallel_loop3A_947 = arith.index_cast %parallel_loop3A_894 : i32 to index
        %parallel_loop3A_948 = arith.constant 1184 : index
        %parallel_loop3A_949 = tpu.vector_load %arg7[%parallel_loop3A_947, %parallel_loop3A_948] {strides = array<i32>} : memref<16x2048xf32, #tpu.memory_space<vmem>>, vector<1x16xf32>,
        %parallel_loop3A_950 = vector.shape_cast %parallel_loop3A_949 : vector<1x16xf32> to vector<16xf32>
        %parallel_loop3A_951 = arith.mulf %get3A_721, %parallel_loop3A_950 : vector<16xf32>
        %parallel_loop3A_952 = arith.addf %parallel_loop3A_909, %parallel_loop3A_951 : vector<16xf32>
        %parallel_loop3A_953 = arith.index_cast %parallel_loop3A_894 : i32 to index
        %parallel_loop3A_954 = arith.constant 1200 : index
        %parallel_loop3A_955 = tpu.vector_load %arg7[%parallel_loop3A_953, %parallel_loop3A_954] {strides = array<i32>} : memref<16x2048xf32, #tpu.memory_space<vmem>>, vector<1x16xf32>,
        %parallel_loop3A_956 = vector.shape_cast %parallel_loop3A_955 : vector<1x16xf32> to vector<16xf32>
        %parallel_loop3A_957 = arith.mulf %get3A_724, %parallel_loop3A_956 : vector<16xf32>
        %parallel_loop3A_958 = arith.addf %parallel_loop3A_914, %parallel_loop3A_957 : vector<16xf32>
        %parallel_loop3A_959 = arith.index_cast %parallel_loop3A_894 : i32 to index
        %parallel_loop3A_960 = arith.constant 1216 : index
        %parallel_loop3A_961 = tpu.vector_load %arg7[%parallel_loop3A_959, %parallel_loop3A_960] {strides = array<i32>} : memref<16x2048xf32, #tpu.memory_space<vmem>>, vector<1x16xf32>,
        %parallel_loop3A_962 = vector.shape_cast %parallel_loop3A_961 : vector<1x16xf32> to vector<16xf32>
        %parallel_loop3A_963 = arith.mulf %get3A_727, %parallel_loop3A_962 : vector<16xf32>
        %parallel_loop3A_964 = arith.addf %parallel_loop3A_919, %parallel_loop3A_963 : vector<16xf32>
        %parallel_loop3A_965 = arith.index_cast %parallel_loop3A_894 : i32 to index
        %parallel_loop3A_966 = arith.constant 1232 : index
        %parallel_loop3A_967 = tpu.vector_load %arg7[%parallel_loop3A_965, %parallel_loop3A_966] {strides = array<i32>} : memref<16x2048xf32, #tpu.memory_space<vmem>>, vector<1x16xf32>,
        %parallel_loop3A_968 = vector.shape_cast %parallel_loop3A_967 : vector<1x16xf32> to vector<16xf32>
        %parallel_loop3A_969 = arith.mulf %get3A_730, %parallel_loop3A_968 : vector<16xf32>
        %parallel_loop3A_970 = arith.addf %parallel_loop3A_924, %parallel_loop3A_969 : vector<16xf32>
        %parallel_loop3A_971 = arith.index_cast %parallel_loop3A_894 : i32 to index
        %parallel_loop3A_972 = arith.constant 1248 : index
        %parallel_loop3A_973 = tpu.vector_load %arg7[%parallel_loop3A_971, %parallel_loop3A_972] {strides = array<i32>} : memref<16x2048xf32, #tpu.memory_space<vmem>>, vector<1x16xf32>,
        %parallel_loop3A_974 = vector.shape_cast %parallel_loop3A_973 : vector<1x16xf32> to vector<16xf32>
        %parallel_loop3A_975 = arith.mulf %get3A_733, %parallel_loop3A_974 : vector<16xf32>
        %parallel_loop3A_976 = arith.addf %parallel_loop3A_929, %parallel_loop3A_975 : vector<16xf32>
        %parallel_loop3A_977 = arith.index_cast %parallel_loop3A_894 : i32 to index
        %parallel_loop3A_978 = arith.constant 1264 : index
        %parallel_loop3A_979 = tpu.vector_load %arg7[%parallel_loop3A_977, %parallel_loop3A_978] {strides = array<i32>} : memref<16x2048xf32, #tpu.memory_space<vmem>>, vector<1x16xf32>,
        %parallel_loop3A_980 = vector.shape_cast %parallel_loop3A_979 : vector<1x16xf32> to vector<16xf32>
        %parallel_loop3A_981 = arith.mulf %get3A_736, %parallel_loop3A_980 : vector<16xf32>
        %parallel_loop3A_982 = arith.addf %parallel_loop3A_934, %parallel_loop3A_981 : vector<16xf32>
        %parallel_loop3A_983 = arith.addf %parallel_loop3A_940, %parallel_loop3A_946 : vector<16xf32>
        %parallel_loop3A_984 = arith.addf %parallel_loop3A_952, %parallel_loop3A_958 : vector<16xf32>
        %parallel_loop3A_985 = arith.addf %parallel_loop3A_964, %parallel_loop3A_970 : vector<16xf32>
        %parallel_loop3A_986 = arith.addf %parallel_loop3A_976, %parallel_loop3A_982 : vector<16xf32>
        %parallel_loop3A_987 = arith.addf %parallel_loop3A_983, %parallel_loop3A_984 : vector<16xf32>
        %parallel_loop3A_988 = arith.addf %parallel_loop3A_985, %parallel_loop3A_986 : vector<16xf32>
        %parallel_loop3A_989 = arith.addf %parallel_loop3A_987, %parallel_loop3A_988 : vector<16xf32>
        %parallel_loop3A_990 = arith.constant 16 : i32
        %parallel_loop3A_991 = arith.muli %add3A_484, %parallel_loop3A_990 : i32
        %parallel_loop3A_992 = arith.addi %parallel_loop3A_991, %parallel_loop3A_894 : i32
        %parallel_loop3A_993 = arith.index_cast %parallel_loop3A_992 : i32 to index
        %parallel_loop3A_994 = arith.constant 0 : index
        %parallel_loop3A_995 = tpu.vector_load %arg8[%parallel_loop3A_993, %parallel_loop3A_994] {strides = array<i32>} : memref<64x16xf32, #tpu.memory_space<vmem>>, vector<1x16xf32>,
        %parallel_loop3A_996 = vector.shape_cast %parallel_loop3A_995 : vector<1x16xf32> to vector<16xf32>
        %parallel_loop3A_997 = vector.shape_cast %parallel_loop3A_989 : vector<16xf32> to vector<1x16xf32>
        tpu.vector_store %arg8[%parallel_loop3A_993, %parallel_loop3A_994], %parallel_loop3A_997 {add = true, strides = array<i32>} : memref<64x16xf32, #tpu.memory_space<vmem>>, vector<1x16xf32>,
      } {sc.loop_unroll_factor = 2 : i64, sc.parallel_access}
      %get3A_740 = arith.constant 1280 : index
      %get3A_741 = tpu.vector_load %arg5[%get3A_740] {strides = array<i32>} : memref<2048xf32, #tpu.memory_space<vmem>>, vector<16xf32>,
      %get3A_742 = vector.shape_cast %get3A_741 : vector<16xf32> to vector<16xf32>
      %get3A_743 = arith.constant 1296 : index
      %get3A_744 = tpu.vector_load %arg5[%get3A_743] {strides = array<i32>} : memref<2048xf32, #tpu.memory_space<vmem>>, vector<16xf32>,
      %get3A_745 = vector.shape_cast %get3A_744 : vector<16xf32> to vector<16xf32>
      %get3A_746 = arith.constant 1312 : index
      %get3A_747 = tpu.vector_load %arg5[%get3A_746] {strides = array<i32>} : memref<2048xf32, #tpu.memory_space<vmem>>, vector<16xf32>,
      %get3A_748 = vector.shape_cast %get3A_747 : vector<16xf32> to vector<16xf32>
      %get3A_749 = arith.constant 1328 : index
      %get3A_750 = tpu.vector_load %arg5[%get3A_749] {strides = array<i32>} : memref<2048xf32, #tpu.memory_space<vmem>>, vector<16xf32>,
      %get3A_751 = vector.shape_cast %get3A_750 : vector<16xf32> to vector<16xf32>
      %get3A_752 = arith.constant 1344 : index
      %get3A_753 = tpu.vector_load %arg5[%get3A_752] {strides = array<i32>} : memref<2048xf32, #tpu.memory_space<vmem>>, vector<16xf32>,
      %get3A_754 = vector.shape_cast %get3A_753 : vector<16xf32> to vector<16xf32>
      %get3A_755 = arith.constant 1360 : index
      %get3A_756 = tpu.vector_load %arg5[%get3A_755] {strides = array<i32>} : memref<2048xf32, #tpu.memory_space<vmem>>, vector<16xf32>,
      %get3A_757 = vector.shape_cast %get3A_756 : vector<16xf32> to vector<16xf32>
      %get3A_758 = arith.constant 1376 : index
      %get3A_759 = tpu.vector_load %arg5[%get3A_758] {strides = array<i32>} : memref<2048xf32, #tpu.memory_space<vmem>>, vector<16xf32>,
      %get3A_760 = vector.shape_cast %get3A_759 : vector<16xf32> to vector<16xf32>
      %get3A_761 = arith.constant 1392 : index
      %get3A_762 = tpu.vector_load %arg5[%get3A_761] {strides = array<i32>} : memref<2048xf32, #tpu.memory_space<vmem>>, vector<16xf32>,
      %get3A_763 = vector.shape_cast %get3A_762 : vector<16xf32> to vector<16xf32>
      %get3A_764 = arith.constant 1408 : index
      %get3A_765 = tpu.vector_load %arg5[%get3A_764] {strides = array<i32>} : memref<2048xf32, #tpu.memory_space<vmem>>, vector<16xf32>,
      %get3A_766 = vector.shape_cast %get3A_765 : vector<16xf32> to vector<16xf32>
      %get3A_767 = arith.constant 1424 : index
      %get3A_768 = tpu.vector_load %arg5[%get3A_767] {strides = array<i32>} : memref<2048xf32, #tpu.memory_space<vmem>>, vector<16xf32>,
      %get3A_769 = vector.shape_cast %get3A_768 : vector<16xf32> to vector<16xf32>
      %get3A_770 = arith.constant 1440 : index
      %get3A_771 = tpu.vector_load %arg5[%get3A_770] {strides = array<i32>} : memref<2048xf32, #tpu.memory_space<vmem>>, vector<16xf32>,
      %get3A_772 = vector.shape_cast %get3A_771 : vector<16xf32> to vector<16xf32>
      %get3A_773 = arith.constant 1456 : index
      %get3A_774 = tpu.vector_load %arg5[%get3A_773] {strides = array<i32>} : memref<2048xf32, #tpu.memory_space<vmem>>, vector<16xf32>,
      %get3A_775 = vector.shape_cast %get3A_774 : vector<16xf32> to vector<16xf32>
      %get3A_776 = arith.constant 1472 : index
      %get3A_777 = tpu.vector_load %arg5[%get3A_776] {strides = array<i32>} : memref<2048xf32, #tpu.memory_space<vmem>>, vector<16xf32>,
      %get3A_778 = vector.shape_cast %get3A_777 : vector<16xf32> to vector<16xf32>
      %get3A_779 = arith.constant 1488 : index
      %get3A_780 = tpu.vector_load %arg5[%get3A_779] {strides = array<i32>} : memref<2048xf32, #tpu.memory_space<vmem>>, vector<16xf32>,
      %get3A_781 = vector.shape_cast %get3A_780 : vector<16xf32> to vector<16xf32>
      %get3A_782 = arith.constant 1504 : index
      %get3A_783 = tpu.vector_load %arg5[%get3A_782] {strides = array<i32>} : memref<2048xf32, #tpu.memory_space<vmem>>, vector<16xf32>,
      %get3A_784 = vector.shape_cast %get3A_783 : vector<16xf32> to vector<16xf32>
      %get3A_785 = arith.constant 1520 : index
      %get3A_786 = tpu.vector_load %arg5[%get3A_785] {strides = array<i32>} : memref<2048xf32, #tpu.memory_space<vmem>>, vector<16xf32>,
      %get3A_787 = vector.shape_cast %get3A_786 : vector<16xf32> to vector<16xf32>
      %parallel_loop3A_788 = arith.constant 0 : i32
      %parallel_loop3A_789 = arith.constant 16 : i32
      %parallel_loop3A_790 = arith.constant 1 : i32
      scf.for %parallel_loop3A_894 = %parallel_loop3A_788 to %parallel_loop3A_789 step %parallel_loop3A_790  : i32 {
        %parallel_loop3A_895 = arith.index_cast %parallel_loop3A_894 : i32 to index
        %parallel_loop3A_896 = arith.constant 1280 : index
        %parallel_loop3A_897 = tpu.vector_load %arg7[%parallel_loop3A_895, %parallel_loop3A_896] {strides = array<i32>} : memref<16x2048xf32, #tpu.memory_space<vmem>>, vector<1x16xf32>,
        %parallel_loop3A_898 = vector.shape_cast %parallel_loop3A_897 : vector<1x16xf32> to vector<16xf32>
        %parallel_loop3A_899 = arith.mulf %get3A_742, %parallel_loop3A_898 : vector<16xf32>
        %parallel_loop3A_900 = arith.index_cast %parallel_loop3A_894 : i32 to index
        %parallel_loop3A_901 = arith.constant 1296 : index
        %parallel_loop3A_902 = tpu.vector_load %arg7[%parallel_loop3A_900, %parallel_loop3A_901] {strides = array<i32>} : memref<16x2048xf32, #tpu.memory_space<vmem>>, vector<1x16xf32>,
        %parallel_loop3A_903 = vector.shape_cast %parallel_loop3A_902 : vector<1x16xf32> to vector<16xf32>
        %parallel_loop3A_904 = arith.mulf %get3A_745, %parallel_loop3A_903 : vector<16xf32>
        %parallel_loop3A_905 = arith.index_cast %parallel_loop3A_894 : i32 to index
        %parallel_loop3A_906 = arith.constant 1312 : index
        %parallel_loop3A_907 = tpu.vector_load %arg7[%parallel_loop3A_905, %parallel_loop3A_906] {strides = array<i32>} : memref<16x2048xf32, #tpu.memory_space<vmem>>, vector<1x16xf32>,
        %parallel_loop3A_908 = vector.shape_cast %parallel_loop3A_907 : vector<1x16xf32> to vector<16xf32>
        %parallel_loop3A_909 = arith.mulf %get3A_748, %parallel_loop3A_908 : vector<16xf32>
        %parallel_loop3A_910 = arith.index_cast %parallel_loop3A_894 : i32 to index
        %parallel_loop3A_911 = arith.constant 1328 : index
        %parallel_loop3A_912 = tpu.vector_load %arg7[%parallel_loop3A_910, %parallel_loop3A_911] {strides = array<i32>} : memref<16x2048xf32, #tpu.memory_space<vmem>>, vector<1x16xf32>,
        %parallel_loop3A_913 = vector.shape_cast %parallel_loop3A_912 : vector<1x16xf32> to vector<16xf32>
        %parallel_loop3A_914 = arith.mulf %get3A_751, %parallel_loop3A_913 : vector<16xf32>
        %parallel_loop3A_915 = arith.index_cast %parallel_loop3A_894 : i32 to index
        %parallel_loop3A_916 = arith.constant 1344 : index
        %parallel_loop3A_917 = tpu.vector_load %arg7[%parallel_loop3A_915, %parallel_loop3A_916] {strides = array<i32>} : memref<16x2048xf32, #tpu.memory_space<vmem>>, vector<1x16xf32>,
        %parallel_loop3A_918 = vector.shape_cast %parallel_loop3A_917 : vector<1x16xf32> to vector<16xf32>
        %parallel_loop3A_919 = arith.mulf %get3A_754, %parallel_loop3A_918 : vector<16xf32>
        %parallel_loop3A_920 = arith.index_cast %parallel_loop3A_894 : i32 to index
        %parallel_loop3A_921 = arith.constant 1360 : index
        %parallel_loop3A_922 = tpu.vector_load %arg7[%parallel_loop3A_920, %parallel_loop3A_921] {strides = array<i32>} : memref<16x2048xf32, #tpu.memory_space<vmem>>, vector<1x16xf32>,
        %parallel_loop3A_923 = vector.shape_cast %parallel_loop3A_922 : vector<1x16xf32> to vector<16xf32>
        %parallel_loop3A_924 = arith.mulf %get3A_757, %parallel_loop3A_923 : vector<16xf32>
        %parallel_loop3A_925 = arith.index_cast %parallel_loop3A_894 : i32 to index
        %parallel_loop3A_926 = arith.constant 1376 : index
        %parallel_loop3A_927 = tpu.vector_load %arg7[%parallel_loop3A_925, %parallel_loop3A_926] {strides = array<i32>} : memref<16x2048xf32, #tpu.memory_space<vmem>>, vector<1x16xf32>,
        %parallel_loop3A_928 = vector.shape_cast %parallel_loop3A_927 : vector<1x16xf32> to vector<16xf32>
        %parallel_loop3A_929 = arith.mulf %get3A_760, %parallel_loop3A_928 : vector<16xf32>
        %parallel_loop3A_930 = arith.index_cast %parallel_loop3A_894 : i32 to index
        %parallel_loop3A_931 = arith.constant 1392 : index
        %parallel_loop3A_932 = tpu.vector_load %arg7[%parallel_loop3A_930, %parallel_loop3A_931] {strides = array<i32>} : memref<16x2048xf32, #tpu.memory_space<vmem>>, vector<1x16xf32>,
        %parallel_loop3A_933 = vector.shape_cast %parallel_loop3A_932 : vector<1x16xf32> to vector<16xf32>
        %parallel_loop3A_934 = arith.mulf %get3A_763, %parallel_loop3A_933 : vector<16xf32>
        %parallel_loop3A_935 = arith.index_cast %parallel_loop3A_894 : i32 to index
        %parallel_loop3A_936 = arith.constant 1408 : index
        %parallel_loop3A_937 = tpu.vector_load %arg7[%parallel_loop3A_935, %parallel_loop3A_936] {strides = array<i32>} : memref<16x2048xf32, #tpu.memory_space<vmem>>, vector<1x16xf32>,
        %parallel_loop3A_938 = vector.shape_cast %parallel_loop3A_937 : vector<1x16xf32> to vector<16xf32>
        %parallel_loop3A_939 = arith.mulf %get3A_766, %parallel_loop3A_938 : vector<16xf32>
        %parallel_loop3A_940 = arith.addf %parallel_loop3A_899, %parallel_loop3A_939 : vector<16xf32>
        %parallel_loop3A_941 = arith.index_cast %parallel_loop3A_894 : i32 to index
        %parallel_loop3A_942 = arith.constant 1424 : index
        %parallel_loop3A_943 = tpu.vector_load %arg7[%parallel_loop3A_941, %parallel_loop3A_942] {strides = array<i32>} : memref<16x2048xf32, #tpu.memory_space<vmem>>, vector<1x16xf32>,
        %parallel_loop3A_944 = vector.shape_cast %parallel_loop3A_943 : vector<1x16xf32> to vector<16xf32>
        %parallel_loop3A_945 = arith.mulf %get3A_769, %parallel_loop3A_944 : vector<16xf32>
        %parallel_loop3A_946 = arith.addf %parallel_loop3A_904, %parallel_loop3A_945 : vector<16xf32>
        %parallel_loop3A_947 = arith.index_cast %parallel_loop3A_894 : i32 to index
        %parallel_loop3A_948 = arith.constant 1440 : index
        %parallel_loop3A_949 = tpu.vector_load %arg7[%parallel_loop3A_947, %parallel_loop3A_948] {strides = array<i32>} : memref<16x2048xf32, #tpu.memory_space<vmem>>, vector<1x16xf32>,
        %parallel_loop3A_950 = vector.shape_cast %parallel_loop3A_949 : vector<1x16xf32> to vector<16xf32>
        %parallel_loop3A_951 = arith.mulf %get3A_772, %parallel_loop3A_950 : vector<16xf32>
        %parallel_loop3A_952 = arith.addf %parallel_loop3A_909, %parallel_loop3A_951 : vector<16xf32>
        %parallel_loop3A_953 = arith.index_cast %parallel_loop3A_894 : i32 to index
        %parallel_loop3A_954 = arith.constant 1456 : index
        %parallel_loop3A_955 = tpu.vector_load %arg7[%parallel_loop3A_953, %parallel_loop3A_954] {strides = array<i32>} : memref<16x2048xf32, #tpu.memory_space<vmem>>, vector<1x16xf32>,
        %parallel_loop3A_956 = vector.shape_cast %parallel_loop3A_955 : vector<1x16xf32> to vector<16xf32>
        %parallel_loop3A_957 = arith.mulf %get3A_775, %parallel_loop3A_956 : vector<16xf32>
        %parallel_loop3A_958 = arith.addf %parallel_loop3A_914, %parallel_loop3A_957 : vector<16xf32>
        %parallel_loop3A_959 = arith.index_cast %parallel_loop3A_894 : i32 to index
        %parallel_loop3A_960 = arith.constant 1472 : index
        %parallel_loop3A_961 = tpu.vector_load %arg7[%parallel_loop3A_959, %parallel_loop3A_960] {strides = array<i32>} : memref<16x2048xf32, #tpu.memory_space<vmem>>, vector<1x16xf32>,
        %parallel_loop3A_962 = vector.shape_cast %parallel_loop3A_961 : vector<1x16xf32> to vector<16xf32>
        %parallel_loop3A_963 = arith.mulf %get3A_778, %parallel_loop3A_962 : vector<16xf32>
        %parallel_loop3A_964 = arith.addf %parallel_loop3A_919, %parallel_loop3A_963 : vector<16xf32>
        %parallel_loop3A_965 = arith.index_cast %parallel_loop3A_894 : i32 to index
        %parallel_loop3A_966 = arith.constant 1488 : index
        %parallel_loop3A_967 = tpu.vector_load %arg7[%parallel_loop3A_965, %parallel_loop3A_966] {strides = array<i32>} : memref<16x2048xf32, #tpu.memory_space<vmem>>, vector<1x16xf32>,
        %parallel_loop3A_968 = vector.shape_cast %parallel_loop3A_967 : vector<1x16xf32> to vector<16xf32>
        %parallel_loop3A_969 = arith.mulf %get3A_781, %parallel_loop3A_968 : vector<16xf32>
        %parallel_loop3A_970 = arith.addf %parallel_loop3A_924, %parallel_loop3A_969 : vector<16xf32>
        %parallel_loop3A_971 = arith.index_cast %parallel_loop3A_894 : i32 to index
        %parallel_loop3A_972 = arith.constant 1504 : index
        %parallel_loop3A_973 = tpu.vector_load %arg7[%parallel_loop3A_971, %parallel_loop3A_972] {strides = array<i32>} : memref<16x2048xf32, #tpu.memory_space<vmem>>, vector<1x16xf32>,
        %parallel_loop3A_974 = vector.shape_cast %parallel_loop3A_973 : vector<1x16xf32> to vector<16xf32>
        %parallel_loop3A_975 = arith.mulf %get3A_784, %parallel_loop3A_974 : vector<16xf32>
        %parallel_loop3A_976 = arith.addf %parallel_loop3A_929, %parallel_loop3A_975 : vector<16xf32>
        %parallel_loop3A_977 = arith.index_cast %parallel_loop3A_894 : i32 to index
        %parallel_loop3A_978 = arith.constant 1520 : index
        %parallel_loop3A_979 = tpu.vector_load %arg7[%parallel_loop3A_977, %parallel_loop3A_978] {strides = array<i32>} : memref<16x2048xf32, #tpu.memory_space<vmem>>, vector<1x16xf32>,
        %parallel_loop3A_980 = vector.shape_cast %parallel_loop3A_979 : vector<1x16xf32> to vector<16xf32>
        %parallel_loop3A_981 = arith.mulf %get3A_787, %parallel_loop3A_980 : vector<16xf32>
        %parallel_loop3A_982 = arith.addf %parallel_loop3A_934, %parallel_loop3A_981 : vector<16xf32>
        %parallel_loop3A_983 = arith.addf %parallel_loop3A_940, %parallel_loop3A_946 : vector<16xf32>
        %parallel_loop3A_984 = arith.addf %parallel_loop3A_952, %parallel_loop3A_958 : vector<16xf32>
        %parallel_loop3A_985 = arith.addf %parallel_loop3A_964, %parallel_loop3A_970 : vector<16xf32>
        %parallel_loop3A_986 = arith.addf %parallel_loop3A_976, %parallel_loop3A_982 : vector<16xf32>
        %parallel_loop3A_987 = arith.addf %parallel_loop3A_983, %parallel_loop3A_984 : vector<16xf32>
        %parallel_loop3A_988 = arith.addf %parallel_loop3A_985, %parallel_loop3A_986 : vector<16xf32>
        %parallel_loop3A_989 = arith.addf %parallel_loop3A_987, %parallel_loop3A_988 : vector<16xf32>
        %parallel_loop3A_990 = arith.constant 16 : i32
        %parallel_loop3A_991 = arith.muli %add3A_484, %parallel_loop3A_990 : i32
        %parallel_loop3A_992 = arith.addi %parallel_loop3A_991, %parallel_loop3A_894 : i32
        %parallel_loop3A_993 = arith.index_cast %parallel_loop3A_992 : i32 to index
        %parallel_loop3A_994 = arith.constant 0 : index
        %parallel_loop3A_995 = tpu.vector_load %arg8[%parallel_loop3A_993, %parallel_loop3A_994] {strides = array<i32>} : memref<64x16xf32, #tpu.memory_space<vmem>>, vector<1x16xf32>,
        %parallel_loop3A_996 = vector.shape_cast %parallel_loop3A_995 : vector<1x16xf32> to vector<16xf32>
        %parallel_loop3A_997 = vector.shape_cast %parallel_loop3A_989 : vector<16xf32> to vector<1x16xf32>
        tpu.vector_store %arg8[%parallel_loop3A_993, %parallel_loop3A_994], %parallel_loop3A_997 {add = true, strides = array<i32>} : memref<64x16xf32, #tpu.memory_space<vmem>>, vector<1x16xf32>,
      } {sc.loop_unroll_factor = 2 : i64, sc.parallel_access}
      %get3A_791 = arith.constant 1536 : index
      %get3A_792 = tpu.vector_load %arg5[%get3A_791] {strides = array<i32>} : memref<2048xf32, #tpu.memory_space<vmem>>, vector<16xf32>,
      %get3A_793 = vector.shape_cast %get3A_792 : vector<16xf32> to vector<16xf32>
      %get3A_794 = arith.constant 1552 : index
      %get3A_795 = tpu.vector_load %arg5[%get3A_794] {strides = array<i32>} : memref<2048xf32, #tpu.memory_space<vmem>>, vector<16xf32>,
      %get3A_796 = vector.shape_cast %get3A_795 : vector<16xf32> to vector<16xf32>
      %get3A_797 = arith.constant 1568 : index
      %get3A_798 = tpu.vector_load %arg5[%get3A_797] {strides = array<i32>} : memref<2048xf32, #tpu.memory_space<vmem>>, vector<16xf32>,
      %get3A_799 = vector.shape_cast %get3A_798 : vector<16xf32> to vector<16xf32>
      %get3A_800 = arith.constant 1584 : index
      %get3A_801 = tpu.vector_load %arg5[%get3A_800] {strides = array<i32>} : memref<2048xf32, #tpu.memory_space<vmem>>, vector<16xf32>,
      %get3A_802 = vector.shape_cast %get3A_801 : vector<16xf32> to vector<16xf32>
      %get3A_803 = arith.constant 1600 : index
      %get3A_804 = tpu.vector_load %arg5[%get3A_803] {strides = array<i32>} : memref<2048xf32, #tpu.memory_space<vmem>>, vector<16xf32>,
      %get3A_805 = vector.shape_cast %get3A_804 : vector<16xf32> to vector<16xf32>
      %get3A_806 = arith.constant 1616 : index
      %get3A_807 = tpu.vector_load %arg5[%get3A_806] {strides = array<i32>} : memref<2048xf32, #tpu.memory_space<vmem>>, vector<16xf32>,
      %get3A_808 = vector.shape_cast %get3A_807 : vector<16xf32> to vector<16xf32>
      %get3A_809 = arith.constant 1632 : index
      %get3A_810 = tpu.vector_load %arg5[%get3A_809] {strides = array<i32>} : memref<2048xf32, #tpu.memory_space<vmem>>, vector<16xf32>,
      %get3A_811 = vector.shape_cast %get3A_810 : vector<16xf32> to vector<16xf32>
      %get3A_812 = arith.constant 1648 : index
      %get3A_813 = tpu.vector_load %arg5[%get3A_812] {strides = array<i32>} : memref<2048xf32, #tpu.memory_space<vmem>>, vector<16xf32>,
      %get3A_814 = vector.shape_cast %get3A_813 : vector<16xf32> to vector<16xf32>
      %get3A_815 = arith.constant 1664 : index
      %get3A_816 = tpu.vector_load %arg5[%get3A_815] {strides = array<i32>} : memref<2048xf32, #tpu.memory_space<vmem>>, vector<16xf32>,
      %get3A_817 = vector.shape_cast %get3A_816 : vector<16xf32> to vector<16xf32>
      %get3A_818 = arith.constant 1680 : index
      %get3A_819 = tpu.vector_load %arg5[%get3A_818] {strides = array<i32>} : memref<2048xf32, #tpu.memory_space<vmem>>, vector<16xf32>,
      %get3A_820 = vector.shape_cast %get3A_819 : vector<16xf32> to vector<16xf32>
      %get3A_821 = arith.constant 1696 : index
      %get3A_822 = tpu.vector_load %arg5[%get3A_821] {strides = array<i32>} : memref<2048xf32, #tpu.memory_space<vmem>>, vector<16xf32>,
      %get3A_823 = vector.shape_cast %get3A_822 : vector<16xf32> to vector<16xf32>
      %get3A_824 = arith.constant 1712 : index
      %get3A_825 = tpu.vector_load %arg5[%get3A_824] {strides = array<i32>} : memref<2048xf32, #tpu.memory_space<vmem>>, vector<16xf32>,
      %get3A_826 = vector.shape_cast %get3A_825 : vector<16xf32> to vector<16xf32>
      %get3A_827 = arith.constant 1728 : index
      %get3A_828 = tpu.vector_load %arg5[%get3A_827] {strides = array<i32>} : memref<2048xf32, #tpu.memory_space<vmem>>, vector<16xf32>,
      %get3A_829 = vector.shape_cast %get3A_828 : vector<16xf32> to vector<16xf32>
      %get3A_830 = arith.constant 1744 : index
      %get3A_831 = tpu.vector_load %arg5[%get3A_830] {strides = array<i32>} : memref<2048xf32, #tpu.memory_space<vmem>>, vector<16xf32>,
      %get3A_832 = vector.shape_cast %get3A_831 : vector<16xf32> to vector<16xf32>
      %get3A_833 = arith.constant 1760 : index
      %get3A_834 = tpu.vector_load %arg5[%get3A_833] {strides = array<i32>} : memref<2048xf32, #tpu.memory_space<vmem>>, vector<16xf32>,
      %get3A_835 = vector.shape_cast %get3A_834 : vector<16xf32> to vector<16xf32>
      %get3A_836 = arith.constant 1776 : index
      %get3A_837 = tpu.vector_load %arg5[%get3A_836] {strides = array<i32>} : memref<2048xf32, #tpu.memory_space<vmem>>, vector<16xf32>,
      %get3A_838 = vector.shape_cast %get3A_837 : vector<16xf32> to vector<16xf32>
      %parallel_loop3A_839 = arith.constant 0 : i32
      %parallel_loop3A_840 = arith.constant 16 : i32
      %parallel_loop3A_841 = arith.constant 1 : i32
      scf.for %parallel_loop3A_894 = %parallel_loop3A_839 to %parallel_loop3A_840 step %parallel_loop3A_841  : i32 {
        %parallel_loop3A_895 = arith.index_cast %parallel_loop3A_894 : i32 to index
        %parallel_loop3A_896 = arith.constant 1536 : index
        %parallel_loop3A_897 = tpu.vector_load %arg7[%parallel_loop3A_895, %parallel_loop3A_896] {strides = array<i32>} : memref<16x2048xf32, #tpu.memory_space<vmem>>, vector<1x16xf32>,
        %parallel_loop3A_898 = vector.shape_cast %parallel_loop3A_897 : vector<1x16xf32> to vector<16xf32>
        %parallel_loop3A_899 = arith.mulf %get3A_793, %parallel_loop3A_898 : vector<16xf32>
        %parallel_loop3A_900 = arith.index_cast %parallel_loop3A_894 : i32 to index
        %parallel_loop3A_901 = arith.constant 1552 : index
        %parallel_loop3A_902 = tpu.vector_load %arg7[%parallel_loop3A_900, %parallel_loop3A_901] {strides = array<i32>} : memref<16x2048xf32, #tpu.memory_space<vmem>>, vector<1x16xf32>,
        %parallel_loop3A_903 = vector.shape_cast %parallel_loop3A_902 : vector<1x16xf32> to vector<16xf32>
        %parallel_loop3A_904 = arith.mulf %get3A_796, %parallel_loop3A_903 : vector<16xf32>
        %parallel_loop3A_905 = arith.index_cast %parallel_loop3A_894 : i32 to index
        %parallel_loop3A_906 = arith.constant 1568 : index
        %parallel_loop3A_907 = tpu.vector_load %arg7[%parallel_loop3A_905, %parallel_loop3A_906] {strides = array<i32>} : memref<16x2048xf32, #tpu.memory_space<vmem>>, vector<1x16xf32>,
        %parallel_loop3A_908 = vector.shape_cast %parallel_loop3A_907 : vector<1x16xf32> to vector<16xf32>
        %parallel_loop3A_909 = arith.mulf %get3A_799, %parallel_loop3A_908 : vector<16xf32>
        %parallel_loop3A_910 = arith.index_cast %parallel_loop3A_894 : i32 to index
        %parallel_loop3A_911 = arith.constant 1584 : index
        %parallel_loop3A_912 = tpu.vector_load %arg7[%parallel_loop3A_910, %parallel_loop3A_911] {strides = array<i32>} : memref<16x2048xf32, #tpu.memory_space<vmem>>, vector<1x16xf32>,
        %parallel_loop3A_913 = vector.shape_cast %parallel_loop3A_912 : vector<1x16xf32> to vector<16xf32>
        %parallel_loop3A_914 = arith.mulf %get3A_802, %parallel_loop3A_913 : vector<16xf32>
        %parallel_loop3A_915 = arith.index_cast %parallel_loop3A_894 : i32 to index
        %parallel_loop3A_916 = arith.constant 1600 : index
        %parallel_loop3A_917 = tpu.vector_load %arg7[%parallel_loop3A_915, %parallel_loop3A_916] {strides = array<i32>} : memref<16x2048xf32, #tpu.memory_space<vmem>>, vector<1x16xf32>,
        %parallel_loop3A_918 = vector.shape_cast %parallel_loop3A_917 : vector<1x16xf32> to vector<16xf32>
        %parallel_loop3A_919 = arith.mulf %get3A_805, %parallel_loop3A_918 : vector<16xf32>
        %parallel_loop3A_920 = arith.index_cast %parallel_loop3A_894 : i32 to index
        %parallel_loop3A_921 = arith.constant 1616 : index
        %parallel_loop3A_922 = tpu.vector_load %arg7[%parallel_loop3A_920, %parallel_loop3A_921] {strides = array<i32>} : memref<16x2048xf32, #tpu.memory_space<vmem>>, vector<1x16xf32>,
        %parallel_loop3A_923 = vector.shape_cast %parallel_loop3A_922 : vector<1x16xf32> to vector<16xf32>
        %parallel_loop3A_924 = arith.mulf %get3A_808, %parallel_loop3A_923 : vector<16xf32>
        %parallel_loop3A_925 = arith.index_cast %parallel_loop3A_894 : i32 to index
        %parallel_loop3A_926 = arith.constant 1632 : index
        %parallel_loop3A_927 = tpu.vector_load %arg7[%parallel_loop3A_925, %parallel_loop3A_926] {strides = array<i32>} : memref<16x2048xf32, #tpu.memory_space<vmem>>, vector<1x16xf32>,
        %parallel_loop3A_928 = vector.shape_cast %parallel_loop3A_927 : vector<1x16xf32> to vector<16xf32>
        %parallel_loop3A_929 = arith.mulf %get3A_811, %parallel_loop3A_928 : vector<16xf32>
        %parallel_loop3A_930 = arith.index_cast %parallel_loop3A_894 : i32 to index
        %parallel_loop3A_931 = arith.constant 1648 : index
        %parallel_loop3A_932 = tpu.vector_load %arg7[%parallel_loop3A_930, %parallel_loop3A_931] {strides = array<i32>} : memref<16x2048xf32, #tpu.memory_space<vmem>>, vector<1x16xf32>,
        %parallel_loop3A_933 = vector.shape_cast %parallel_loop3A_932 : vector<1x16xf32> to vector<16xf32>
        %parallel_loop3A_934 = arith.mulf %get3A_814, %parallel_loop3A_933 : vector<16xf32>
        %parallel_loop3A_935 = arith.index_cast %parallel_loop3A_894 : i32 to index
        %parallel_loop3A_936 = arith.constant 1664 : index
        %parallel_loop3A_937 = tpu.vector_load %arg7[%parallel_loop3A_935, %parallel_loop3A_936] {strides = array<i32>} : memref<16x2048xf32, #tpu.memory_space<vmem>>, vector<1x16xf32>,
        %parallel_loop3A_938 = vector.shape_cast %parallel_loop3A_937 : vector<1x16xf32> to vector<16xf32>
        %parallel_loop3A_939 = arith.mulf %get3A_817, %parallel_loop3A_938 : vector<16xf32>
        %parallel_loop3A_940 = arith.addf %parallel_loop3A_899, %parallel_loop3A_939 : vector<16xf32>
        %parallel_loop3A_941 = arith.index_cast %parallel_loop3A_894 : i32 to index
        %parallel_loop3A_942 = arith.constant 1680 : index
        %parallel_loop3A_943 = tpu.vector_load %arg7[%parallel_loop3A_941, %parallel_loop3A_942] {strides = array<i32>} : memref<16x2048xf32, #tpu.memory_space<vmem>>, vector<1x16xf32>,
        %parallel_loop3A_944 = vector.shape_cast %parallel_loop3A_943 : vector<1x16xf32> to vector<16xf32>
        %parallel_loop3A_945 = arith.mulf %get3A_820, %parallel_loop3A_944 : vector<16xf32>
        %parallel_loop3A_946 = arith.addf %parallel_loop3A_904, %parallel_loop3A_945 : vector<16xf32>
        %parallel_loop3A_947 = arith.index_cast %parallel_loop3A_894 : i32 to index
        %parallel_loop3A_948 = arith.constant 1696 : index
        %parallel_loop3A_949 = tpu.vector_load %arg7[%parallel_loop3A_947, %parallel_loop3A_948] {strides = array<i32>} : memref<16x2048xf32, #tpu.memory_space<vmem>>, vector<1x16xf32>,
        %parallel_loop3A_950 = vector.shape_cast %parallel_loop3A_949 : vector<1x16xf32> to vector<16xf32>
        %parallel_loop3A_951 = arith.mulf %get3A_823, %parallel_loop3A_950 : vector<16xf32>
        %parallel_loop3A_952 = arith.addf %parallel_loop3A_909, %parallel_loop3A_951 : vector<16xf32>
        %parallel_loop3A_953 = arith.index_cast %parallel_loop3A_894 : i32 to index
        %parallel_loop3A_954 = arith.constant 1712 : index
        %parallel_loop3A_955 = tpu.vector_load %arg7[%parallel_loop3A_953, %parallel_loop3A_954] {strides = array<i32>} : memref<16x2048xf32, #tpu.memory_space<vmem>>, vector<1x16xf32>,
        %parallel_loop3A_956 = vector.shape_cast %parallel_loop3A_955 : vector<1x16xf32> to vector<16xf32>
        %parallel_loop3A_957 = arith.mulf %get3A_826, %parallel_loop3A_956 : vector<16xf32>
        %parallel_loop3A_958 = arith.addf %parallel_loop3A_914, %parallel_loop3A_957 : vector<16xf32>
        %parallel_loop3A_959 = arith.index_cast %parallel_loop3A_894 : i32 to index
        %parallel_loop3A_960 = arith.constant 1728 : index
        %parallel_loop3A_961 = tpu.vector_load %arg7[%parallel_loop3A_959, %parallel_loop3A_960] {strides = array<i32>} : memref<16x2048xf32, #tpu.memory_space<vmem>>, vector<1x16xf32>,
        %parallel_loop3A_962 = vector.shape_cast %parallel_loop3A_961 : vector<1x16xf32> to vector<16xf32>
        %parallel_loop3A_963 = arith.mulf %get3A_829, %parallel_loop3A_962 : vector<16xf32>
        %parallel_loop3A_964 = arith.addf %parallel_loop3A_919, %parallel_loop3A_963 : vector<16xf32>
        %parallel_loop3A_965 = arith.index_cast %parallel_loop3A_894 : i32 to index
        %parallel_loop3A_966 = arith.constant 1744 : index
        %parallel_loop3A_967 = tpu.vector_load %arg7[%parallel_loop3A_965, %parallel_loop3A_966] {strides = array<i32>} : memref<16x2048xf32, #tpu.memory_space<vmem>>, vector<1x16xf32>,
        %parallel_loop3A_968 = vector.shape_cast %parallel_loop3A_967 : vector<1x16xf32> to vector<16xf32>
        %parallel_loop3A_969 = arith.mulf %get3A_832, %parallel_loop3A_968 : vector<16xf32>
        %parallel_loop3A_970 = arith.addf %parallel_loop3A_924, %parallel_loop3A_969 : vector<16xf32>
        %parallel_loop3A_971 = arith.index_cast %parallel_loop3A_894 : i32 to index
        %parallel_loop3A_972 = arith.constant 1760 : index
        %parallel_loop3A_973 = tpu.vector_load %arg7[%parallel_loop3A_971, %parallel_loop3A_972] {strides = array<i32>} : memref<16x2048xf32, #tpu.memory_space<vmem>>, vector<1x16xf32>,
        %parallel_loop3A_974 = vector.shape_cast %parallel_loop3A_973 : vector<1x16xf32> to vector<16xf32>
        %parallel_loop3A_975 = arith.mulf %get3A_835, %parallel_loop3A_974 : vector<16xf32>
        %parallel_loop3A_976 = arith.addf %parallel_loop3A_929, %parallel_loop3A_975 : vector<16xf32>
        %parallel_loop3A_977 = arith.index_cast %parallel_loop3A_894 : i32 to index
        %parallel_loop3A_978 = arith.constant 1776 : index
        %parallel_loop3A_979 = tpu.vector_load %arg7[%parallel_loop3A_977, %parallel_loop3A_978] {strides = array<i32>} : memref<16x2048xf32, #tpu.memory_space<vmem>>, vector<1x16xf32>,
        %parallel_loop3A_980 = vector.shape_cast %parallel_loop3A_979 : vector<1x16xf32> to vector<16xf32>
        %parallel_loop3A_981 = arith.mulf %get3A_838, %parallel_loop3A_980 : vector<16xf32>
        %parallel_loop3A_982 = arith.addf %parallel_loop3A_934, %parallel_loop3A_981 : vector<16xf32>
        %parallel_loop3A_983 = arith.addf %parallel_loop3A_940, %parallel_loop3A_946 : vector<16xf32>
        %parallel_loop3A_984 = arith.addf %parallel_loop3A_952, %parallel_loop3A_958 : vector<16xf32>
        %parallel_loop3A_985 = arith.addf %parallel_loop3A_964, %parallel_loop3A_970 : vector<16xf32>
        %parallel_loop3A_986 = arith.addf %parallel_loop3A_976, %parallel_loop3A_982 : vector<16xf32>
        %parallel_loop3A_987 = arith.addf %parallel_loop3A_983, %parallel_loop3A_984 : vector<16xf32>
        %parallel_loop3A_988 = arith.addf %parallel_loop3A_985, %parallel_loop3A_986 : vector<16xf32>
        %parallel_loop3A_989 = arith.addf %parallel_loop3A_987, %parallel_loop3A_988 : vector<16xf32>
        %parallel_loop3A_990 = arith.constant 16 : i32
        %parallel_loop3A_991 = arith.muli %add3A_484, %parallel_loop3A_990 : i32
        %parallel_loop3A_992 = arith.addi %parallel_loop3A_991, %parallel_loop3A_894 : i32
        %parallel_loop3A_993 = arith.index_cast %parallel_loop3A_992 : i32 to index
        %parallel_loop3A_994 = arith.constant 0 : index
        %parallel_loop3A_995 = tpu.vector_load %arg8[%parallel_loop3A_993, %parallel_loop3A_994] {strides = array<i32>} : memref<64x16xf32, #tpu.memory_space<vmem>>, vector<1x16xf32>,
        %parallel_loop3A_996 = vector.shape_cast %parallel_loop3A_995 : vector<1x16xf32> to vector<16xf32>
        %parallel_loop3A_997 = vector.shape_cast %parallel_loop3A_989 : vector<16xf32> to vector<1x16xf32>
        tpu.vector_store %arg8[%parallel_loop3A_993, %parallel_loop3A_994], %parallel_loop3A_997 {add = true, strides = array<i32>} : memref<64x16xf32, #tpu.memory_space<vmem>>, vector<1x16xf32>,
      } {sc.loop_unroll_factor = 2 : i64, sc.parallel_access}
      %get3A_842 = arith.constant 1792 : index
      %get3A_843 = tpu.vector_load %arg5[%get3A_842] {strides = array<i32>} : memref<2048xf32, #tpu.memory_space<vmem>>, vector<16xf32>,
      %get3A_844 = vector.shape_cast %get3A_843 : vector<16xf32> to vector<16xf32>
      %get3A_845 = arith.constant 1808 : index
      %get3A_846 = tpu.vector_load %arg5[%get3A_845] {strides = array<i32>} : memref<2048xf32, #tpu.memory_space<vmem>>, vector<16xf32>,
      %get3A_847 = vector.shape_cast %get3A_846 : vector<16xf32> to vector<16xf32>
      %get3A_848 = arith.constant 1824 : index
      %get3A_849 = tpu.vector_load %arg5[%get3A_848] {strides = array<i32>} : memref<2048xf32, #tpu.memory_space<vmem>>, vector<16xf32>,
      %get3A_850 = vector.shape_cast %get3A_849 : vector<16xf32> to vector<16xf32>
      %get3A_851 = arith.constant 1840 : index
      %get3A_852 = tpu.vector_load %arg5[%get3A_851] {strides = array<i32>} : memref<2048xf32, #tpu.memory_space<vmem>>, vector<16xf32>,
      %get3A_853 = vector.shape_cast %get3A_852 : vector<16xf32> to vector<16xf32>
      %get3A_854 = arith.constant 1856 : index
      %get3A_855 = tpu.vector_load %arg5[%get3A_854] {strides = array<i32>} : memref<2048xf32, #tpu.memory_space<vmem>>, vector<16xf32>,
      %get3A_856 = vector.shape_cast %get3A_855 : vector<16xf32> to vector<16xf32>
      %get3A_857 = arith.constant 1872 : index
      %get3A_858 = tpu.vector_load %arg5[%get3A_857] {strides = array<i32>} : memref<2048xf32, #tpu.memory_space<vmem>>, vector<16xf32>,
      %get3A_859 = vector.shape_cast %get3A_858 : vector<16xf32> to vector<16xf32>
      %get3A_860 = arith.constant 1888 : index
      %get3A_861 = tpu.vector_load %arg5[%get3A_860] {strides = array<i32>} : memref<2048xf32, #tpu.memory_space<vmem>>, vector<16xf32>,
      %get3A_862 = vector.shape_cast %get3A_861 : vector<16xf32> to vector<16xf32>
      %get3A_863 = arith.constant 1904 : index
      %get3A_864 = tpu.vector_load %arg5[%get3A_863] {strides = array<i32>} : memref<2048xf32, #tpu.memory_space<vmem>>, vector<16xf32>,
      %get3A_865 = vector.shape_cast %get3A_864 : vector<16xf32> to vector<16xf32>
      %get3A_866 = arith.constant 1920 : index
      %get3A_867 = tpu.vector_load %arg5[%get3A_866] {strides = array<i32>} : memref<2048xf32, #tpu.memory_space<vmem>>, vector<16xf32>,
      %get3A_868 = vector.shape_cast %get3A_867 : vector<16xf32> to vector<16xf32>
      %get3A_869 = arith.constant 1936 : index
      %get3A_870 = tpu.vector_load %arg5[%get3A_869] {strides = array<i32>} : memref<2048xf32, #tpu.memory_space<vmem>>, vector<16xf32>,
      %get3A_871 = vector.shape_cast %get3A_870 : vector<16xf32> to vector<16xf32>
      %get3A_872 = arith.constant 1952 : index
      %get3A_873 = tpu.vector_load %arg5[%get3A_872] {strides = array<i32>} : memref<2048xf32, #tpu.memory_space<vmem>>, vector<16xf32>,
      %get3A_874 = vector.shape_cast %get3A_873 : vector<16xf32> to vector<16xf32>
      %get3A_875 = arith.constant 1968 : index
      %get3A_876 = tpu.vector_load %arg5[%get3A_875] {strides = array<i32>} : memref<2048xf32, #tpu.memory_space<vmem>>, vector<16xf32>,
      %get3A_877 = vector.shape_cast %get3A_876 : vector<16xf32> to vector<16xf32>
      %get3A_878 = arith.constant 1984 : index
      %get3A_879 = tpu.vector_load %arg5[%get3A_878] {strides = array<i32>} : memref<2048xf32, #tpu.memory_space<vmem>>, vector<16xf32>,
      %get3A_880 = vector.shape_cast %get3A_879 : vector<16xf32> to vector<16xf32>
      %get3A_881 = arith.constant 2000 : index
      %get3A_882 = tpu.vector_load %arg5[%get3A_881] {strides = array<i32>} : memref<2048xf32, #tpu.memory_space<vmem>>, vector<16xf32>,
      %get3A_883 = vector.shape_cast %get3A_882 : vector<16xf32> to vector<16xf32>
      %get3A_884 = arith.constant 2016 : index
      %get3A_885 = tpu.vector_load %arg5[%get3A_884] {strides = array<i32>} : memref<2048xf32, #tpu.memory_space<vmem>>, vector<16xf32>,
      %get3A_886 = vector.shape_cast %get3A_885 : vector<16xf32> to vector<16xf32>
      %get3A_887 = arith.constant 2032 : index
      %get3A_888 = tpu.vector_load %arg5[%get3A_887] {strides = array<i32>} : memref<2048xf32, #tpu.memory_space<vmem>>, vector<16xf32>,
      %get3A_889 = vector.shape_cast %get3A_888 : vector<16xf32> to vector<16xf32>
      %parallel_loop3A_890 = arith.constant 0 : i32
      %parallel_loop3A_891 = arith.constant 16 : i32
      %parallel_loop3A_892 = arith.constant 1 : i32
      scf.for %parallel_loop3A_894 = %parallel_loop3A_890 to %parallel_loop3A_891 step %parallel_loop3A_892  : i32 {
        %parallel_loop3A_895 = arith.index_cast %parallel_loop3A_894 : i32 to index
        %parallel_loop3A_896 = arith.constant 1792 : index
        %parallel_loop3A_897 = tpu.vector_load %arg7[%parallel_loop3A_895, %parallel_loop3A_896] {strides = array<i32>} : memref<16x2048xf32, #tpu.memory_space<vmem>>, vector<1x16xf32>,
        %parallel_loop3A_898 = vector.shape_cast %parallel_loop3A_897 : vector<1x16xf32> to vector<16xf32>
        %parallel_loop3A_899 = arith.mulf %get3A_844, %parallel_loop3A_898 : vector<16xf32>
        %parallel_loop3A_900 = arith.index_cast %parallel_loop3A_894 : i32 to index
        %parallel_loop3A_901 = arith.constant 1808 : index
        %parallel_loop3A_902 = tpu.vector_load %arg7[%parallel_loop3A_900, %parallel_loop3A_901] {strides = array<i32>} : memref<16x2048xf32, #tpu.memory_space<vmem>>, vector<1x16xf32>,
        %parallel_loop3A_903 = vector.shape_cast %parallel_loop3A_902 : vector<1x16xf32> to vector<16xf32>
        %parallel_loop3A_904 = arith.mulf %get3A_847, %parallel_loop3A_903 : vector<16xf32>
        %parallel_loop3A_905 = arith.index_cast %parallel_loop3A_894 : i32 to index
        %parallel_loop3A_906 = arith.constant 1824 : index
        %parallel_loop3A_907 = tpu.vector_load %arg7[%parallel_loop3A_905, %parallel_loop3A_906] {strides = array<i32>} : memref<16x2048xf32, #tpu.memory_space<vmem>>, vector<1x16xf32>,
        %parallel_loop3A_908 = vector.shape_cast %parallel_loop3A_907 : vector<1x16xf32> to vector<16xf32>
        %parallel_loop3A_909 = arith.mulf %get3A_850, %parallel_loop3A_908 : vector<16xf32>
        %parallel_loop3A_910 = arith.index_cast %parallel_loop3A_894 : i32 to index
        %parallel_loop3A_911 = arith.constant 1840 : index
        %parallel_loop3A_912 = tpu.vector_load %arg7[%parallel_loop3A_910, %parallel_loop3A_911] {strides = array<i32>} : memref<16x2048xf32, #tpu.memory_space<vmem>>, vector<1x16xf32>,
        %parallel_loop3A_913 = vector.shape_cast %parallel_loop3A_912 : vector<1x16xf32> to vector<16xf32>
        %parallel_loop3A_914 = arith.mulf %get3A_853, %parallel_loop3A_913 : vector<16xf32>
        %parallel_loop3A_915 = arith.index_cast %parallel_loop3A_894 : i32 to index
        %parallel_loop3A_916 = arith.constant 1856 : index
        %parallel_loop3A_917 = tpu.vector_load %arg7[%parallel_loop3A_915, %parallel_loop3A_916] {strides = array<i32>} : memref<16x2048xf32, #tpu.memory_space<vmem>>, vector<1x16xf32>,
        %parallel_loop3A_918 = vector.shape_cast %parallel_loop3A_917 : vector<1x16xf32> to vector<16xf32>
        %parallel_loop3A_919 = arith.mulf %get3A_856, %parallel_loop3A_918 : vector<16xf32>
        %parallel_loop3A_920 = arith.index_cast %parallel_loop3A_894 : i32 to index
        %parallel_loop3A_921 = arith.constant 1872 : index
        %parallel_loop3A_922 = tpu.vector_load %arg7[%parallel_loop3A_920, %parallel_loop3A_921] {strides = array<i32>} : memref<16x2048xf32, #tpu.memory_space<vmem>>, vector<1x16xf32>,
        %parallel_loop3A_923 = vector.shape_cast %parallel_loop3A_922 : vector<1x16xf32> to vector<16xf32>
        %parallel_loop3A_924 = arith.mulf %get3A_859, %parallel_loop3A_923 : vector<16xf32>
        %parallel_loop3A_925 = arith.index_cast %parallel_loop3A_894 : i32 to index
        %parallel_loop3A_926 = arith.constant 1888 : index
        %parallel_loop3A_927 = tpu.vector_load %arg7[%parallel_loop3A_925, %parallel_loop3A_926] {strides = array<i32>} : memref<16x2048xf32, #tpu.memory_space<vmem>>, vector<1x16xf32>,
        %parallel_loop3A_928 = vector.shape_cast %parallel_loop3A_927 : vector<1x16xf32> to vector<16xf32>
        %parallel_loop3A_929 = arith.mulf %get3A_862, %parallel_loop3A_928 : vector<16xf32>
        %parallel_loop3A_930 = arith.index_cast %parallel_loop3A_894 : i32 to index
        %parallel_loop3A_931 = arith.constant 1904 : index
        %parallel_loop3A_932 = tpu.vector_load %arg7[%parallel_loop3A_930, %parallel_loop3A_931] {strides = array<i32>} : memref<16x2048xf32, #tpu.memory_space<vmem>>, vector<1x16xf32>,
        %parallel_loop3A_933 = vector.shape_cast %parallel_loop3A_932 : vector<1x16xf32> to vector<16xf32>
        %parallel_loop3A_934 = arith.mulf %get3A_865, %parallel_loop3A_933 : vector<16xf32>
        %parallel_loop3A_935 = arith.index_cast %parallel_loop3A_894 : i32 to index
        %parallel_loop3A_936 = arith.constant 1920 : index
        %parallel_loop3A_937 = tpu.vector_load %arg7[%parallel_loop3A_935, %parallel_loop3A_936] {strides = array<i32>} : memref<16x2048xf32, #tpu.memory_space<vmem>>, vector<1x16xf32>,
        %parallel_loop3A_938 = vector.shape_cast %parallel_loop3A_937 : vector<1x16xf32> to vector<16xf32>
        %parallel_loop3A_939 = arith.mulf %get3A_868, %parallel_loop3A_938 : vector<16xf32>
        %parallel_loop3A_940 = arith.addf %parallel_loop3A_899, %parallel_loop3A_939 : vector<16xf32>
        %parallel_loop3A_941 = arith.index_cast %parallel_loop3A_894 : i32 to index
        %parallel_loop3A_942 = arith.constant 1936 : index
        %parallel_loop3A_943 = tpu.vector_load %arg7[%parallel_loop3A_941, %parallel_loop3A_942] {strides = array<i32>} : memref<16x2048xf32, #tpu.memory_space<vmem>>, vector<1x16xf32>,
        %parallel_loop3A_944 = vector.shape_cast %parallel_loop3A_943 : vector<1x16xf32> to vector<16xf32>
        %parallel_loop3A_945 = arith.mulf %get3A_871, %parallel_loop3A_944 : vector<16xf32>
        %parallel_loop3A_946 = arith.addf %parallel_loop3A_904, %parallel_loop3A_945 : vector<16xf32>
        %parallel_loop3A_947 = arith.index_cast %parallel_loop3A_894 : i32 to index
        %parallel_loop3A_948 = arith.constant 1952 : index
        %parallel_loop3A_949 = tpu.vector_load %arg7[%parallel_loop3A_947, %parallel_loop3A_948] {strides = array<i32>} : memref<16x2048xf32, #tpu.memory_space<vmem>>, vector<1x16xf32>,
        %parallel_loop3A_950 = vector.shape_cast %parallel_loop3A_949 : vector<1x16xf32> to vector<16xf32>
        %parallel_loop3A_951 = arith.mulf %get3A_874, %parallel_loop3A_950 : vector<16xf32>
        %parallel_loop3A_952 = arith.addf %parallel_loop3A_909, %parallel_loop3A_951 : vector<16xf32>
        %parallel_loop3A_953 = arith.index_cast %parallel_loop3A_894 : i32 to index
        %parallel_loop3A_954 = arith.constant 1968 : index
        %parallel_loop3A_955 = tpu.vector_load %arg7[%parallel_loop3A_953, %parallel_loop3A_954] {strides = array<i32>} : memref<16x2048xf32, #tpu.memory_space<vmem>>, vector<1x16xf32>,
        %parallel_loop3A_956 = vector.shape_cast %parallel_loop3A_955 : vector<1x16xf32> to vector<16xf32>
        %parallel_loop3A_957 = arith.mulf %get3A_877, %parallel_loop3A_956 : vector<16xf32>
        %parallel_loop3A_958 = arith.addf %parallel_loop3A_914, %parallel_loop3A_957 : vector<16xf32>
        %parallel_loop3A_959 = arith.index_cast %parallel_loop3A_894 : i32 to index
        %parallel_loop3A_960 = arith.constant 1984 : index
        %parallel_loop3A_961 = tpu.vector_load %arg7[%parallel_loop3A_959, %parallel_loop3A_960] {strides = array<i32>} : memref<16x2048xf32, #tpu.memory_space<vmem>>, vector<1x16xf32>,
        %parallel_loop3A_962 = vector.shape_cast %parallel_loop3A_961 : vector<1x16xf32> to vector<16xf32>
        %parallel_loop3A_963 = arith.mulf %get3A_880, %parallel_loop3A_962 : vector<16xf32>
        %parallel_loop3A_964 = arith.addf %parallel_loop3A_919, %parallel_loop3A_963 : vector<16xf32>
        %parallel_loop3A_965 = arith.index_cast %parallel_loop3A_894 : i32 to index
        %parallel_loop3A_966 = arith.constant 2000 : index
        %parallel_loop3A_967 = tpu.vector_load %arg7[%parallel_loop3A_965, %parallel_loop3A_966] {strides = array<i32>} : memref<16x2048xf32, #tpu.memory_space<vmem>>, vector<1x16xf32>,
        %parallel_loop3A_968 = vector.shape_cast %parallel_loop3A_967 : vector<1x16xf32> to vector<16xf32>
        %parallel_loop3A_969 = arith.mulf %get3A_883, %parallel_loop3A_968 : vector<16xf32>
        %parallel_loop3A_970 = arith.addf %parallel_loop3A_924, %parallel_loop3A_969 : vector<16xf32>
        %parallel_loop3A_971 = arith.index_cast %parallel_loop3A_894 : i32 to index
        %parallel_loop3A_972 = arith.constant 2016 : index
        %parallel_loop3A_973 = tpu.vector_load %arg7[%parallel_loop3A_971, %parallel_loop3A_972] {strides = array<i32>} : memref<16x2048xf32, #tpu.memory_space<vmem>>, vector<1x16xf32>,
        %parallel_loop3A_974 = vector.shape_cast %parallel_loop3A_973 : vector<1x16xf32> to vector<16xf32>
        %parallel_loop3A_975 = arith.mulf %get3A_886, %parallel_loop3A_974 : vector<16xf32>
        %parallel_loop3A_976 = arith.addf %parallel_loop3A_929, %parallel_loop3A_975 : vector<16xf32>
        %parallel_loop3A_977 = arith.index_cast %parallel_loop3A_894 : i32 to index
        %parallel_loop3A_978 = arith.constant 2032 : index
        %parallel_loop3A_979 = tpu.vector_load %arg7[%parallel_loop3A_977, %parallel_loop3A_978] {strides = array<i32>} : memref<16x2048xf32, #tpu.memory_space<vmem>>, vector<1x16xf32>,
        %parallel_loop3A_980 = vector.shape_cast %parallel_loop3A_979 : vector<1x16xf32> to vector<16xf32>
        %parallel_loop3A_981 = arith.mulf %get3A_889, %parallel_loop3A_980 : vector<16xf32>
        %parallel_loop3A_982 = arith.addf %parallel_loop3A_934, %parallel_loop3A_981 : vector<16xf32>
        %parallel_loop3A_983 = arith.addf %parallel_loop3A_940, %parallel_loop3A_946 : vector<16xf32>
        %parallel_loop3A_984 = arith.addf %parallel_loop3A_952, %parallel_loop3A_958 : vector<16xf32>
        %parallel_loop3A_985 = arith.addf %parallel_loop3A_964, %parallel_loop3A_970 : vector<16xf32>
        %parallel_loop3A_986 = arith.addf %parallel_loop3A_976, %parallel_loop3A_982 : vector<16xf32>
        %parallel_loop3A_987 = arith.addf %parallel_loop3A_983, %parallel_loop3A_984 : vector<16xf32>
        %parallel_loop3A_988 = arith.addf %parallel_loop3A_985, %parallel_loop3A_986 : vector<16xf32>
        %parallel_loop3A_989 = arith.addf %parallel_loop3A_987, %parallel_loop3A_988 : vector<16xf32>
        %parallel_loop3A_990 = arith.constant 16 : i32
        %parallel_loop3A_991 = arith.muli %add3A_484, %parallel_loop3A_990 : i32
        %parallel_loop3A_992 = arith.addi %parallel_loop3A_991, %parallel_loop3A_894 : i32
        %parallel_loop3A_993 = arith.index_cast %parallel_loop3A_992 : i32 to index
        %parallel_loop3A_994 = arith.constant 0 : index
        %parallel_loop3A_995 = tpu.vector_load %arg8[%parallel_loop3A_993, %parallel_loop3A_994] {strides = array<i32>} : memref<64x16xf32, #tpu.memory_space<vmem>>, vector<1x16xf32>,
        %parallel_loop3A_996 = vector.shape_cast %parallel_loop3A_995 : vector<1x16xf32> to vector<16xf32>
        %parallel_loop3A_997 = vector.shape_cast %parallel_loop3A_989 : vector<16xf32> to vector<1x16xf32>
        tpu.vector_store %arg8[%parallel_loop3A_993, %parallel_loop3A_994], %parallel_loop3A_997 {add = true, strides = array<i32>} : memref<64x16xf32, #tpu.memory_space<vmem>>, vector<1x16xf32>,
      } {sc.loop_unroll_factor = 2 : i64, sc.parallel_access}
      %scan3A_893 = arith.constant 0 : i32
      scf.yield %scan3A_893 : i32
    }
    %scan3A_45 = arith.constant 2 : i32
    "tpu.region"() ({
      %run_scoped3A = tpu.sem_alloc : memref<!tpu.dma_semaphore, #tpu.memory_space<semaphore_mem>>
      %dma_start3A_46 = arith.constant 0 : i32
      %dma_start3A_47 = tpu.memref_slice %arg4[%select_n3A, %mul3A_32, %dma_start3A_46] : memref<4x512x16xf32, #tpu.memory_space<hbm>> -> memref<1x64x16xf32, #tpu.memory_space<hbm>>
      %dma_start3A_48 = tpu.memref_squeeze %dma_start3A_47 : memref<1x64x16xf32, #tpu.memory_space<hbm>> -> memref<64x16xf32, #tpu.memory_space<hbm>>
      %dma_start3A_49 = arith.constant 0 : i32
      %dma_start3A_50 = tpu.memref_slice %arg4[%select_n3A, %mul3A_32, %dma_start3A_49] : memref<4x512x16xf32, #tpu.memory_space<hbm>> -> memref<1x64x16xf32, #tpu.memory_space<hbm>>
      %dma_start3A_51 = tpu.memref_squeeze %dma_start3A_50 : memref<1x64x16xf32, #tpu.memory_space<hbm>> -> memref<64x16xf32, #tpu.memory_space<hbm>>
      tpu.enqueue_dma source(%arg8 : memref<64x16xf32, #tpu.memory_space<vmem>>) target(%dma_start3A_51 : memref<64x16xf32, #tpu.memory_space<hbm>>) target_semaphore(%run_scoped3A : memref<!tpu.dma_semaphore, #tpu.memory_space<semaphore_mem>>)
      %dma_wait3A = arith.constant 0 : i32
      %dma_wait3A_52 = tpu.memref_slice %arg4[%select_n3A, %mul3A_32, %dma_wait3A] : memref<4x512x16xf32, #tpu.memory_space<hbm>> -> memref<1x64x16xf32, #tpu.memory_space<hbm>>
      %dma_wait3A_53 = tpu.memref_squeeze %dma_wait3A_52 : memref<1x64x16xf32, #tpu.memory_space<hbm>> -> memref<64x16xf32, #tpu.memory_space<hbm>>
      %dma_wait3A_54 = arith.constant 0 : i32
      %dma_wait3A_55 = tpu.memref_slice %arg4[%select_n3A, %mul3A_32, %dma_wait3A_54] : memref<4x512x16xf32, #tpu.memory_space<hbm>> -> memref<1x64x16xf32, #tpu.memory_space<hbm>>
      %dma_wait3A_56 = tpu.memref_squeeze %dma_wait3A_55 : memref<1x64x16xf32, #tpu.memory_space<hbm>> -> memref<64x16xf32, #tpu.memory_space<hbm>>
      tpu.wait_dma2 semaphore(%run_scoped3A : memref<!tpu.dma_semaphore, #tpu.memory_space<semaphore_mem>>) src(%arg8 : memref<64x16xf32, #tpu.memory_space<vmem>>) dst(%dma_wait3A_56 : memref<64x16xf32, #tpu.memory_space<hbm>>)
      tpu.yield
    }) : () -> ()
    return
  }
}

module attributes {stable_mosaic.version = 14 : i64} {
  func.func @_finish_kernel(%arg0: i32, %arg1: memref<4x512x16xf32, #tpu.memory_space<vmem>>, %arg2: memref<4x512xf32, #tpu.memory_space<vmem>>) attributes {dimension_semantics = [#tpu.dimension_semantics<arbitrary>], iteration_bounds = array<i64: 1>, scalar_prefetch = 0 : i64, scratch_operands = 0 : i64, tpu.core_type = #tpu.core_type<tc>, window_params = [{transform_indices = @transform_0, window_bounds = array<i64: 4, 512, 16>}, {transform_indices = @transform_1, window_bounds = array<i64: 4, 512>}]} {
    %get3A = arith.constant 0 : index
    %get3A_0 = arith.constant 0 : index
    %get3A_1 = arith.constant 0 : index
    %get3A_2 = vector.load %arg1[%get3A, %get3A_0, %get3A_1] : memref<4x512x16xf32, #tpu.memory_space<vmem>>, vector<4x512x16xf32>
    %reduce_sum3A = arith.constant dense<0.000000e+00> : vector<4x512xf32>
    %reduce_sum3A_3 = vector.multi_reduction <add>, %get3A_2, %reduce_sum3A [2] : vector<4x512x16xf32> to vector<4x512xf32>
    %swap3A = arith.constant 0 : index
    %swap3A_4 = arith.constant 0 : index
    %swap3A_5 = vector.load %arg2[%swap3A, %swap3A_4] : memref<4x512xf32, #tpu.memory_space<vmem>>, vector<4x512xf32>
    tpu.vector_store %arg2[%swap3A, %swap3A_4], %reduce_sum3A_3 {strides = array<i32>} : memref<4x512xf32, #tpu.memory_space<vmem>>, vector<4x512xf32>,
    return
  }
  func.func @transform_0(%arg0: i32) -> (i32, i32, i32) {
    %c0_i32 = arith.constant 0 : i32
    %c0_i32_0 = arith.constant 0 : i32
    %c0_i32_1 = arith.constant 0 : i32
    return %c0_i32, %arg0, %c0_i32_0 : i32, i32, i32
  }
  func.func @transform_1(%arg0: i32) -> (i32, i32) {
    %c0_i32 = arith.constant 0 : i32
    %c0_i32_0 = arith.constant 0 : i32
    return %c0_i32, %arg0 : i32, i32
  }
}

module attributes {stable_mosaic.version = 14 : i64} {
  func.func @_tc_matvec_kernel(%arg0: i32, %arg1: memref<4x2048xf32, #tpu.memory_space<vmem>>, %arg2: memref<4x256x2048xf32, #tpu.memory_space<vmem>>, %arg3: memref<4x256xf32, #tpu.memory_space<vmem>>) attributes {dimension_semantics = [#tpu.dimension_semantics<arbitrary>], iteration_bounds = array<i64: 6>, scalar_prefetch = 0 : i64, scratch_operands = 0 : i64, tpu.core_type = #tpu.core_type<tc>, window_params = [{pipeline_mode = #tpu.pipeline_mode<synchronous>, transform_indices = @transform_0, window_bounds = array<i64: 4, 2048>}, {transform_indices = @transform_1, window_bounds = array<i64: 4, 256, 2048>}, {transform_indices = @transform_2, window_bounds = array<i64: 4, 256>}]} {
    %get3A = arith.constant 0 : index
    %get3A_0 = arith.constant 0 : index
    %get3A_1 = vector.load %arg1[%get3A, %get3A_0] : memref<4x2048xf32, #tpu.memory_space<vmem>>, vector<4x2048xf32>
    %get3A_2 = arith.constant 0 : index
    %get3A_3 = arith.constant 0 : index
    %get3A_4 = arith.constant 0 : index
    %get3A_5 = vector.load %arg2[%get3A_2, %get3A_3, %get3A_4] : memref<4x256x2048xf32, #tpu.memory_space<vmem>>, vector<4x256x2048xf32>
    %broadcast_in_dim3A = vector.shape_cast %get3A_1 : vector<4x2048xf32> to vector<4x1x2048xf32>
    %mul3A = vector.broadcast %broadcast_in_dim3A : vector<4x1x2048xf32> to vector<4x256x2048xf32>
    %mul3A_6 = arith.mulf %get3A_5, %mul3A : vector<4x256x2048xf32>
    %reduce_sum3A = arith.constant dense<0.000000e+00> : vector<4x256xf32>
    %reduce_sum3A_7 = vector.multi_reduction <add>, %mul3A_6, %reduce_sum3A [2] : vector<4x256x2048xf32> to vector<4x256xf32>
    %swap3A = arith.constant 0 : index
    %swap3A_8 = arith.constant 0 : index
    %swap3A_9 = vector.load %arg3[%swap3A, %swap3A_8] : memref<4x256xf32, #tpu.memory_space<vmem>>, vector<4x256xf32>
    tpu.vector_store %arg3[%swap3A, %swap3A_8], %reduce_sum3A_7 {strides = array<i32>} : memref<4x256xf32, #tpu.memory_space<vmem>>, vector<4x256xf32>,
    return
  }
  func.func @transform_0(%arg0: i32) -> (i32, i32) {
    %c0_i32 = arith.constant 0 : i32
    %c0_i32_0 = arith.constant 0 : i32
    %c0_i32_1 = arith.constant 0 : i32
    return %c0_i32, %c0_i32_0 : i32, i32
  }
  func.func @transform_1(%arg0: i32) -> (i32, i32, i32) {
    %add3A = arith.constant 2 : i32
    %add3A_0 = arith.addi %add3A, %arg0 : i32
    %c0_i32 = arith.constant 0 : i32
    %c0_i32_1 = arith.constant 0 : i32
    %c0_i32_2 = arith.constant 0 : i32
    return %c0_i32, %add3A_0, %c0_i32_1 : i32, i32, i32
  }
  func.func @transform_2(%arg0: i32) -> (i32, i32) {
    %c0_i32 = arith.constant 0 : i32
    %c0_i32_0 = arith.constant 0 : i32
    return %c0_i32, %arg0 : i32, i32
  }
}

</mosaic_0001>

<sc_bundles>
// kernel: kernel.5.cloned.1.call-start
scs
__scs_entry_jumppad:
0x0: {  	(pc) =	sbr.rel $0x88, $3  }
0x1: {  	(tag) =	ssettag $0x0;
	lr =	simm.s32 $0x1  }
0x2: {  	[smem:$0x3F9F] =	sst lr;
	_ =	strace $0xD0000000  }
0x3: {  	_ = 	snop  }
0x4: {  	_ = 	snop  }
0x5: {  	_ = 	snop  }
0x6: {  	_ = 	snop  }
0x7: {  	_ = 	snop  }
__scs_overlays_trampoline_lowered:
0x8: {  	[smem:$0x3FAE] =	sst s0  }
0x9: {  	[smem:$0x3FAF] =	sst s1  }
0xa: {  	[smem:$0x3FB0] =	sst s2  }
0xb: {  	[smem:$0x3FB1] =	sst s3  }
0xc: {  	[smem:$0x3FB2] =	sst s4  }
0xd: {  	[smem:$0x3FB3] =	sst s5  }
0xe: {  	[smem:$0x3FB4] =	sst s6  }
0xf: {  	[smem:$0x3FB5] =	sst s7  }
0x10: {  	[smem:$0x3FB6] =	sst s8  }
0x11: {  	[smem:$0x3FB7] =	sst s9;
	s0 =	simm.s32 @!p0 $0x0  }
0x12: {  	s1 =	sld [smem:$0x3F9D];
	s0 =	simm.s32 @p0 $0x1  }
0x13: {  	[smem:$0x3FB8] =	sst s0;
	s0 =	simm.s32 @!p1 $0x0  }
0x14: {  	s2 =	sld [smem:$0x3F9C];
	s0 =	simm.s32 @p1 $0x1  }
0x15: {  	[smem:$0x3FB9] =	sst s0;
	s0 =	simm.s32 @!p2 $0x0  }
0x16: {  	s3 =	sld [smem:$0x3FDB];
	s0 =	simm.s32 @p2 $0x1  }
0x17: {  	s4 =	simm.s32 $0x1BF5;
	[smem:$0x3FBB] =	sst s0  }
0x18: {  	s0 =	sld [smem:$0x3F9E];
	_ =	swait.ge [sflag:s4], $0x0  }
0x19: {  	s7 =	sld [smem:$0x3F9F]  }
0x1a: {  	s8 =	sadd.s32 $0xFFFFE003, lr  }
0x1b: {  	s9 =	sadd.s32 $0xFFFFFEF7, lr;
	s5 =	simm.s32 $0xFFFFFFFF;
	p2 =	slt.u32 s8, $0xFFFFF086  }
0x1c: {  	p1 =	slt.u32 s9, $0xF7A;
	s5 =	simm.s32 @!p2 $0x0  }
0x1d: {  	s5 =	simm.s32 @p1 $0x1;
	p0 =	seq.s32 s7, s2  }
0x1e: {  	s7 =	smul.u32 @!p0 $0xF7A, s2;
	p2 =	seq.s32 @!p0 s5, $0x0  }
0x1f: {  	s9 =	smul.u32 $0xF7A, s1;
	s8 =	simm.s32 @!p0 $0x1BF5;
	p2 =	por !p2, p0  }
0x20: {  	[sflag:s8] =	ssyncset.s32 @!p0 $0xFFFFF086;
	s6 =	sadd.s32 @!p0 s3, s7;
	s7 =	simm.s32 @!p0 $0x108  }
0x21: {  	s3 =	sadd.s32 s3, s9;
	s6 =	sadd.s32 @!p0 $0x88, s6;
	s7 =	simm.s32 @p2 $0x1082  }
0x22: {  	[simem:s7], [sflag:s8] =	dma.local @!p0 [hbm:s6], $0xF7A  }
0x23: {  	s9 =	sor.u32 $0xD0000000, s2;
	s6 =	simm.s32 $0x108;
	_ =	swait.ge @!p0 [sflag:s8], $0x0  }
0x24: {  	s3 =	sadd.s32 $0x88, s3;
	s6 =	simm.s32 @!p1 $0x1082;
	[sflag:s4] =	ssyncset.s32 $0xFFFFF086  }
0x25: {  	[simem:s6], [sflag:s4] =	dma.local [hbm:s3], $0xF7A  }
0x26: {  	[smem:$0x3F9F] =	sst s1;
	(tag) =	ssettag s2;
	_ =	strace s9  }
0x27: {  	s1 =	sld [smem:$0x3FAF]  }
0x28: {  	s2 =	sld [smem:$0x3FB0]  }
0x29: {  	s4 =	sld [smem:$0x3FB2]  }
0x2a: {  	p0 =	seq.s32 s5, $0x0;
	s5 =	sld [smem:$0x3FB3]  }
0x2b: {  	s6 =	sld [smem:$0x3FB4]  }
0x2c: {  	s7 =	sld [smem:$0x3FB5]  }
0x2d: {  	s3 =	simm.s32 $0x108;
	s8 =	sld [smem:$0x3FB6]  }
0x2e: {  	s3 =	simm.s32 @!p0 $0x1082;
	s9 =	sld [smem:$0x3FB7]  }
0x2f: {  	lr =	sadd.s32 s0, s3;
	s0 =	sld [smem:$0x3FAE]  }
0x30: {  	s3 =	sld [smem:$0x3FB1]  }
0x31: {  	[smem:$0x3FBA] =	sst s10  }
0x32: {  	s10 =	sld [smem:$0x3FB8];
	_ =	sdelay $0x3  }
0x33: {  	p0 =	seq.s32 s10, $0x1;
	s10 =	sld [smem:$0x3FBA];
	_ =	sdelay $0x3  }
0x34: {  	[smem:$0x3FBA] =	sst s10  }
0x35: {  	s10 =	sld [smem:$0x3FB9];
	_ =	sdelay $0x3  }
0x36: {  	p1 =	seq.s32 s10, $0x1;
	s10 =	sld [smem:$0x3FBA];
	_ =	sdelay $0x3  }
0x37: {  	[smem:$0x3FBA] =	sst s10  }
0x38: {  	s10 =	sld [smem:$0x3FBB]  }
0x39: {  	_ = 	snop;
	(pc) =	sbr.ind lr, $3  }
0x3a: {  	_ = 	snop  }
0x3b: {  	_ = 	snop  }
0x3c: {  	p2 =	seq.s32 s10, $0x1;
	s10 =	sld [smem:$0x3FBA]  }
0x3d: {  	_ =	shalt  }
0x3e: {  	_ =	shalt  }
0x3f: {  	_ =	shalt  }
0x40: {  	_ =	shalt  }
0x41: {  	_ =	shalt  }
0x42: {  	_ =	shalt  }
0x43: {  	_ =	shalt  }
0x44: {  	_ =	shalt  }
0x45: {  	_ =	shalt  }
0x46: {  	_ =	shalt  }
0x47: {  	_ =	shalt  }
0x48: {  	_ =	shalt  }
0x49: {  	_ =	shalt  }
0x4a: {  	_ =	shalt  }
0x4b: {  	_ =	shalt  }
0x4c: {  	_ =	shalt  }
0x4d: {  	_ =	shalt  }
0x4e: {  	_ =	shalt  }
0x4f: {  	_ =	shalt  }
0x50: {  	_ =	shalt  }
0x51: {  	_ =	shalt  }
0x52: {  	_ =	shalt  }
0x53: {  	_ =	shalt  }
0x54: {  	_ =	shalt  }
0x55: {  	_ =	shalt  }
0x56: {  	_ =	shalt  }
0x57: {  	_ =	shalt  }
0x58: {  	_ =	shalt  }
0x59: {  	_ =	shalt  }
0x5a: {  	_ =	shalt  }
0x5b: {  	_ =	shalt  }
0x5c: {  	_ =	shalt  }
0x5d: {  	_ =	shalt  }
0x5e: {  	_ =	shalt  }
0x5f: {  	_ =	shalt  }
0x60: {  	_ =	shalt  }
0x61: {  	_ =	shalt  }
0x62: {  	_ =	shalt  }
0x63: {  	_ =	shalt  }
0x64: {  	_ =	shalt  }
0x65: {  	_ =	shalt  }
0x66: {  	_ =	shalt  }
0x67: {  	_ =	shalt  }
0x68: {  	_ =	shalt  }
0x69: {  	_ =	shalt  }
0x6a: {  	_ =	shalt  }
0x6b: {  	_ =	shalt  }
0x6c: {  	_ =	shalt  }
0x6d: {  	_ =	shalt  }
0x6e: {  	_ =	shalt  }
0x6f: {  	_ =	shalt  }
0x70: {  	_ =	shalt  }
0x71: {  	_ =	shalt  }
0x72: {  	_ =	shalt  }
0x73: {  	_ =	shalt  }
0x74: {  	_ =	shalt  }
0x75: {  	_ =	shalt  }
0x76: {  	_ =	shalt  }
0x77: {  	_ =	shalt  }
0x78: {  	_ =	shalt  }
0x79: {  	_ =	shalt  }
0x7a: {  	_ =	shalt  }
0x7b: {  	_ =	shalt  }
0x7c: {  	_ =	shalt  }
0x7d: {  	_ =	shalt  }
0x7e: {  	_ =	shalt  }
0x7f: {  	_ =	shalt  }
0x80: {  	_ =	shalt  }
0x81: {  	_ =	shalt  }
0x82: {  	_ =	shalt  }
0x83: {  	_ =	shalt  }
0x84: {  	_ =	shalt  }
0x85: {  	_ =	shalt  }
0x86: {  	_ =	shalt  }
0x87: {  	_ =	shalt  }
.Lfunc_end0:
.L_simem_size_0:
called_computation_lowered:
.L_overlay_start_0:
0x88: {  	s2 =	sld [smem:$0x3FD9]  }
0x89: {  	s3 =	sld [smem:$0x3FFE];
	_ =	sdelay $0x1  }
0x8a: {  	s1 =	srdreg.scid  }
0x8b: {  	s0 =	sand.u32 $0x1, s1  }
0x8c: {  	s17 =	sshll.u32 s0, $0xA;
	s2 =	sadd.s32 s3, s2  }
0x8d: {  	s2 =	sadd.s32 s2, s17  }
0x8e: {  	[smem:$0x3FC6] =	sst s2  }
0x8f: {  	_ = 	snop  }
0x90: {  	s2 =	sld [smem:$0x3FC9]  }
0x91: {  	s18 =	sld [smem:$0x3FC8];
	(tm) =	ssettm $0x1  }
0x92: {  	s4 =	sld [smem:$0x3FFB];
	_ =	sdelay $0x3  }
0x93: {  	_ =	strace s4  }
0x94: {  	s4 =	sld [smem:$0x3FFC];
	_ =	sdelay $0x3  }
0x95: {  	_ =	strace s4  }
0x96: {  	s4 =	sld [smem:$0x3FFD];
	_ =	sdelay $0x3  }
0x97: {  	_ =	strace s4  }
0x98: {  	_ =	strace $0x8FFFFFFF  }
0x99: {  	s19 =	sld [smem:$0x3FDB];
	_ =	sdelay $0x1  }
0x9a: {  	s5 =	simm.s32 $_scs_section_size  }
0x9b: {  	s6 =	simm.s32 $_size__tile_overlayer_lowered;
	s7 =	simm.s32 $_tile_overlayer_lowered  }
0x9c: {  	s22 =	simm.s32 $0x1BFF;
	s21 =	sshll.u32 s7, $0x1;
	s4 =	sadd.s32 s5, s19  }
0x9d: {  	s8 =	simm.s32 $0x0;
	s20 =	sshll.u32 s6, $0x1;
	s6 =	sadd.s32 s21, s4  }
0x9e: {  	[timem:s8], [sflag:s22] =	dma.local [hbm:s6], s20  }
0x9f: {  	_ =	swait.ge [sflag:s22], s20  }
0xa0: {  	s5 =	ssub.s32 $0x0, s20;
	[sflag:s22] =	ssyncset.done $0x0  }
0xa1: {  	[sflag:s22] =	ssyncadd.s32 s5;
	_ =	sdelay $0x1  }
0xa2: {  	s23 =	simm.s32 $0x1B8B  }
0xa3: {  	_ =	swait.ge [sflag:s23], $0x1  }
0xa4: {  	[sflag:s23] =	ssyncset.done $0x0  }
0xa5: {  	s25 =	simm.s32 $0x1B8E;
	s24 =	sld [smem:$0x3FFE];
	[sflag:s23] =	ssyncadd.s32 $0xFFFFFFFF  }
0xa6: {  	s26 =	simm.s32 $execute0_lowered;
	[smem:$0x3FD2] =	sst s25  }
0xa7: {  	s6 =	sshll.u32 s26, $0x1;
	_ =	strace $0x80000046;
	[dreg:$0x1] =	wrdreg $0xFFFFFFFF  }
0xa8: {  	s28 =	simm.s32 $_size_execute0_lowered;
	s4 =	sadd.s32 s4, s6;
	[dreg:$0x0] =	wrdreg $0x0  }
0xa9: {  	s6 =	sshll.u32 s28, $0x1;
	[dreg:$0x2] =	wrdreg s4  }
0xaa: {  	[dreg:$0x3] =	wrdreg s6  }
0xab: {  	[dreg:$0x4] =	wrdreg $0xC0  }
0xac: {  	_ =	task [dreg:s8], $0x5FFFF  }
0xad: {  	[dreg:$0x1] =	wrdreg $0xFFFFFFFF  }
0xae: {  	[dreg:$0x0] =	wrdreg $0x60  }
0xaf: {  	[dreg:$0x2] =	wrdreg s2  }
0xb0: {  	[dreg:$0x3] =	wrdreg s18  }
0xb1: {  	[dreg:$0x4] =	wrdreg s24  }
0xb2: {  	[dreg:$0x5] =	wrdreg $0x9  }
0xb3: {  	_ =	task.clear_ibuf [dreg:s8], $0x6FFFF;
	_ =	strace $0x90000046  }
0xb4: {  	s29 =	simm.s32 $0x9;
	_ =	strace $0x80000048  }
0xb5: {  	_ =	swait.ge [sflag:s29], $0x1  }
0xb6: {  	[sflag:s29] =	ssyncadd.s32 $0xFFFFFFFF  }
0xb7: {  	_ =	strace $0x90000048  }
0xb8: {  	_ =	sfence  }
0xb9: {  	s30 =	sld [smem:$0x0];
	_ =	sdelay $0x2  }
0xba: {  	s31 =	sshll.u32 s1, $0xD;
	s1 =	sshrl.u32 s1, $0x2  }
0xbb: {  	s3 =	sand.u32 $0x4000, s31;
	s1 =	sadd.s32 s1, s30  }
0xbc: {  	s0 =	sor.u32 s3, s0;
	s1 =	sshll.u32 s1, $0x11  }
0xbd: {  	s0 =	sor.u32 s1, s0  }
0xbe: {  	s0 =	sadd.s32 $0x8F2B, s0  }
0xbf: {  	[sflag:s0] =	ssyncadd.remote.s32 $0x1  }
0xc0: {  	_ =	sfence.sel $0xFFFF  }
0xc1: {  	[dreg:$0x0] =	wrdreg $0xFFFFFFFF;
	(pc) =	sbr.abs _section_cstart, $3  }
0xc2: {  	[dreg:$0x1] =	wrdreg $0xFFFFFFFF  }
0xc3: {  	_ =	task.clear_ibuf [dreg:s8], $0x2FFFF;
	_ =	strace $0x9FFFFFFF  }
0xc4: {  	(tm) =	ssettm $0x7FFFFFFF  }
0xc5: {  	_ =	shalt  }
tec
execute0_lowered:
.L_overlay_start_1:
0x0: {  	(tag) =	ssettag $0x1  }
0x1: {  	s0 =	rddreg [dreg:$0x0]  }
0x2: {  	s9 =	rddreg [dreg:$0x1]  }
0x3: {  	s1 =	rddreg [dreg:$0x2];
	s10 =	simm.s32 $0x0;
	s4 =	stileid.u32  }
0x4: {  	s2 =	srdreg.scid;
	[smem:$0x7FF] =	sst s10  }
0x5: {  	s3 =	sshll.u32 s4, $0x1;
	s5 =	sshrl.u32 s4, $0x2;
	s2 =	sand.u32 $0x1, s2  }
0x6: {  	_ =	strace $0x80000047;
	s3 =	sand.u32 $0x6, s3;
	s4 =	sshll.u32 s5, $0xD  }
0x7: {  	s6 =	ssub.s32 $0x2, s2;
	s7 =	sshll.u32 s5, $0x16;
	s5 =	sshll.u32 s5, $0x4  }
0x8: {  	s2 =	sor.u32 s2, s3;
	s25 =	sshrl.u32 s6, $0x1;
	s1 =	sadd.s32 s4, s1  }
0x9: {  	s0 =	sadd.s32 s0, s5;
	s8 =	sshll.u32 s2, $0x11;
	s3 =	ssub.s32 s6, s25  }
0xa: {  	s2 =	sshll.u32 s2, $0xA;
	[dreg:$0x5] =	wrdreg s0;
	s26 =	sor.u32 s7, s8  }
0xb: {  	s29 =	sadd.s32 s2, s1;
	s31 =	smax.u32 s3, $0x1;
	[dreg:$0x4] =	wrdreg s26  }
0xc: {  	s28 =	sshrl.u32 s26, $0x3;
	s0 =	sadd.s32 $0x800, s29;
	[dreg:$0x9] =	wrdreg s31  }
0xd: {  	s4 =	sadd.s32 s9, s28;
	[dreg:$0x8] =	wrdreg s0  }
0xe: {  	[dreg:$0x6] =	wrdreg s4;
	s30 =	sadd.s32 $0x2000, s4  }
0xf: {  	s3 =	simm.s32 $0x3;
	s1 =	simm.s32 $0x0;
	[dreg:$0x7] =	wrdreg s30  }
.LBB2_1:
0x10: {  	[dreg:$0xa] =	wrdreg s1  }
0x11: {  	s0 =	rddreg [dreg:$0x5];
	s29 =	simm.s32 $0x80;
	s2 =	simm.s32 $0x200  }
0x12: {  	[tilespmem:s10], [sflag:$0x3] =	stream.strided.gather [hbm4b:s0+s29], $0x800, s2, s29, $0x38;
	[tilespmem:$0x12800] =	vst v63  }
0x13: {  	_ =	swait.ge [sflag:s3], $0x800  }
0x14: {  	s31 =	simm.s32 $0x800;
	p1 =	por $0x1, $0x1;
	[sflag:s3] =	ssyncset.done $0x0  }
0x15: {  	s19 =	simm.s32 $0x0;
	s30 =	rddreg [dreg:$0x6];
	[sflag:s3] =	ssyncadd.s32 $0xFFFFF800  }
0x16: {  	[tilespmem:s31], [sflag:$0x1] =	stream.linear.gather [hbm4b:s30+s10], $0x8000, $0x38;
	[tilespmem:$0x12800] =	vst v63  }
.LBB2_2:
0x17: {  	s0 =	sshll.u32 s19, $0xB;
	s1 =	rddreg [dreg:$0x4]  }
0x18: {  	s0 =	sor.u32 s1, s0  }
0x19: {  	s0 =	sor.u32 $0x8000, s0  }
0x1a: {  	s22 =	rddreg [dreg:$0x1];
	s23 =	simm.s32 $0x0;
	s0 =	sshrl.u32 s0, $0x3  }
0x1b: {  	s2 =	simm.s32 $0x8800;
	s24 =	simm.s32 $0x1;
	s0 =	sadd.s32 s22, s0  }
0x1c: {  	[tilespmem:s2], [sflag:$0x2] =	stream.linear.gather [hbm4b:s0+s23], $0x8000, $0x38;
	[tilespmem:$0x12800] =	vst v63  }
0x1d: {  	_ =	swait.ge [sflag:s24], $0x8000  }
0x1e: {  	[sflag:s24] =	ssyncset.done $0x0  }
0x1f: {  	[sflag:s24] =	ssyncadd.s32 $0xFFFF8000  }
0x20: {  	v0 =	vld [tilespmem:$0x0]  }
0x21: {  	v3 =	vld [tilespmem:$0x10]  }
0x22: {  	v6 =	vld [tilespmem:$0x20]  }
0x23: {  	v7 =	vld [tilespmem:$0x30]  }
0x24: {  	v12 =	vld [tilespmem:$0x40]  }
0x25: {  	v13 =	vld [tilespmem:$0x50]  }
0x26: {  	v14 =	vld [tilespmem:$0x60]  }
0x27: {  	v15 =	vld [tilespmem:$0x70]  }
0x28: {  	v8 =	vld [tilespmem:$0x80]  }
0x29: {  	v9 =	vld [tilespmem:$0x90]  }
0x2a: {  	v10 =	vld [tilespmem:$0xA0]  }
0x2b: {  	v4 =	vld [tilespmem:$0xB0]  }
0x2c: {  	v1 =	vld [tilespmem:$0xC0]  }
0x2d: {  	s25 =	simm.s32 $0x80;
	s1 =	sand.u32 $0x4000, s23;
	v2 =	vld [tilespmem:$0xD0]  }
0x2e: {  	s1 =	sor.u32 $0x800, s1;
	s0 =	sand.u32 $0x380, s25;
	v5 =	vld [tilespmem:$0xE0]  }
0x2f: {  	s0 =	sor.u32 s0, s1;
	v11 =	vld [tilespmem:$0xF0]  }
0x30: {  	v16 =	vld [tilespmem:s0+$0x0]  }
0x31: {  	v17 =	vld [tilespmem:s0+$0x10]  }
0x32: {  	v18 =	vld [tilespmem:s0+$0x20]  }
0x33: {  	v19 =	vld [tilespmem:s0+$0x30]  }
0x34: {  	v20 =	vld [tilespmem:s0+$0x40]  }
0x35: {  	v21 =	vld [tilespmem:s0+$0x50]  }
0x36: {  	v22 =	vld [tilespmem:s0+$0x60]  }
0x37: {  	v23 =	vld [tilespmem:s0+$0x70]  }
0x38: {  	v24 =	vld [tilespmem:s0+$0x400]  }
0x39: {  	v25 =	vld [tilespmem:s0+$0x410]  }
0x3a: {  	v26 =	vld [tilespmem:s0+$0x420]  }
0x3b: {  	v27 =	vld [tilespmem:s0+$0x430]  }
0x3c: {  	v28 =	vld [tilespmem:s0+$0x440]  }
0x3d: {  	s26 =	simm.s32 $0x0;
	v29 =	vld [tilespmem:s0+$0x450]  }
0x3e: {  	s2 =	sand.u32 $0x300, s26;
	v30 =	vld [tilespmem:s0+$0x460]  }
0x3f: {  	s1 =	sor.u32 s2, s1;
	v31 =	vld [tilespmem:s0+$0x470]  }
0x40: {  	v32 =	vld [tilespmem:s1+$0x0]  }
0x41: {  	v33 =	vld [tilespmem:s1+$0x10]  }
0x42: {  	v34 =	vld [tilespmem:s1+$0x20]  }
0x43: {  	v35 =	vld [tilespmem:s1+$0x30]  }
0x44: {  	v36 =	vld [tilespmem:s1+$0x40]  }
0x45: {  	s28 =	simm.s32 $0x1000;
	v37 =	vld [tilespmem:s1+$0x50]  }
0x46: {  	s21 =	simm.s32 $0x180;
	v38 =	vld [tilespmem:s1+$0x60];
	s0 =	sand.u32 $0x4000, s28  }
0x47: {  	s29 =	sand.u32 $0x380, s21;
	v39 =	vld [tilespmem:s1+$0x70];
	s0 =	sor.u32 $0x800, s0;
	v16 =	vmul.f32 v16, v0;
	v17 =	vmul.f32 v17, v3  }
0x48: {  	v40 =	vld [tilespmem:s1+$0x400];
	s2 =	sor.u32 s29, s0;
	v18 =	vmul.f32 v18, v6;
	v19 =	vmul.f32 v19, v7  }
0x49: {  	v56 =	vld [tilespmem:s2+$0x400];
	v20 =	vmul.f32 v20, v12;
	v24 =	vmul.f32 v24, v8  }
0x4a: {  	v58 =	vld [tilespmem:s2+$0x420];
	v21 =	vmul.f32 v21, v13;
	v25 =	vmul.f32 v25, v9  }
0x4b: {  	v59 =	vld [tilespmem:s2+$0x440];
	v22 =	vmul.f32 v22, v14;
	v26 =	vmul.f32 v26, v10  }
0x4c: {  	v23 =	vmul.f32 v23, v15;
	v27 =	vmul.f32 v27, v4;
	v16 =	vadd.f32 v24, v16;
	v24 =	vld [tilespmem:s1+$0x410]  }
0x4d: {  	v28 =	vmul.f32 v28, v1;
	v29 =	vmul.f32 v29, v2;
	v17 =	vadd.f32 v25, v17;
	v25 =	vld [tilespmem:s1+$0x420]  }
0x4e: {  	v30 =	vmul.f32 v30, v5;
	v52 =	vmul.f32 v35, v7;
	v18 =	vadd.f32 v26, v18;
	v26 =	vld [tilespmem:s1+$0x430]  }
0x4f: {  	v53 =	vmul.f32 v36, v12;
	v19 =	vadd.f32 v27, v19;
	v27 =	vmul.f32 v31, v11;
	v31 =	vld [tilespmem:s1+$0x440]  }
0x50: {  	v54 =	vmul.f32 v37, v13;
	v20 =	vadd.f32 v28, v20;
	v21 =	vadd.f32 v29, v21;
	v28 =	vld [tilespmem:s1+$0x450]  }
0x51: {  	v55 =	vmul.f32 v38, v14;
	v22 =	vadd.f32 v30, v22;
	v23 =	vadd.f32 v27, v23;
	v27 =	vld [tilespmem:s1+$0x460]  }
0x52: {  	v57 =	vmul.f32 v39, v15;
	v16 =	vadd.f32 v17, v16;
	v17 =	vadd.f32 v19, v18;
	v18 =	vld [tilespmem:s1+$0x470]  }
0x53: {  	v29 =	vld [tilespmem:s2+$0x30];
	v30 =	vmul.f32 v33, v3;
	v19 =	vadd.f32 v21, v20;
	v20 =	vadd.f32 v23, v22  }
0x54: {  	v21 =	vld [tilespmem:s2+$0x0];
	v16 =	vadd.f32 v17, v16;
	v23 =	vmul.f32 v40, v8;
	v31 =	vmul.f32 v31, v1  }
0x55: {  	v22 =	vld [tilespmem:s2+$0x10];
	v26 =	vmul.f32 v26, v4;
	v28 =	vmul.f32 v28, v2;
	v17 =	vadd.f32 v20, v19  }
0x56: {  	v19 =	vld [tilespmem:s2+$0x20];
	v20 =	vmul.f32 v32, v0;
	v31 =	vadd.f32 v31, v53;
	v27 =	vmul.f32 v27, v5  }
0x57: {  	v18 =	vmul.f32 v18, v11;
	v28 =	vadd.f32 v28, v54;
	v51 =	vadd.f32 v17, v16;
	v17 =	vld [tilespmem:s2+$0x40]  }
0x58: {  	v16 =	vmul.f32 v24, v9;
	v20 =	vadd.f32 v23, v20;
	v23 =	vmul.f32 v25, v10;
	v25 =	vld [tilespmem:s2+$0x50]  }
0x59: {  	v24 =	vmul.f32 v34, v6;
	v27 =	vadd.f32 v27, v55;
	v28 =	vadd.f32 v28, v31;
	v31 =	vld [tilespmem:s2+$0x450]  }
0x5a: {  	v18 =	vadd.f32 v18, v57;
	v16 =	vadd.f32 v16, v30;
	v30 =	vld [tilespmem:s2+$0x60]  }
0x5b: {  	v26 =	vadd.f32 v26, v52;
	v23 =	vadd.f32 v23, v24;
	v24 =	vld [tilespmem:s2+$0x70]  }
0x5c: {  	v18 =	vadd.f32 v18, v27;
	v27 =	vmul.f32 v29, v7;
	v29 =	vld [tilespmem:s2+$0x460]  }
0x5d: {  	s30 =	simm.s32 $0x100;
	v33 =	vmul.f32 v56, v8;
	v16 =	vadd.f32 v16, v20;
	v20 =	vld [tilespmem:s2+$0x410];
	v23 =	vadd.f32 v26, v23  }
0x5e: {  	v35 =	vmul.f32 v59, v1;
	s1 =	sand.u32 $0x300, s30;
	v21 =	vmul.f32 v21, v0;
	v26 =	vld [tilespmem:s2+$0x430]  }
0x5f: {  	s22 =	sor.u32 s1, s0;
	v34 =	vmul.f32 v58, v10;
	v23 =	vadd.f32 v23, v16;
	v16 =	vmul.f32 v17, v12;
	v17 =	vld [tilespmem:s2+$0x470]  }
0x60: {  	v60 =	vld [tilespmem:s22+$0x10];
	v22 =	vmul.f32 v22, v3;
	v21 =	vadd.f32 v33, v21;
	v19 =	vmul.f32 v19, v6  }
0x61: {  	v61 =	vld [tilespmem:s22+$0x30];
	v18 =	vadd.f32 v18, v28;
	v25 =	vmul.f32 v25, v13;
	v31 =	vmul.f32 v31, v2  }
0x62: {  	v28 =	vld [tilespmem:s22+$0x0];
	v19 =	vadd.f32 v34, v19;
	v30 =	vmul.f32 v30, v14;
	v24 =	vmul.f32 v24, v15  }
0x63: {  	v62 =	vld [tilespmem:s22+$0x50];
	v29 =	vmul.f32 v29, v5;
	v35 =	vadd.f32 v35, v16;
	v20 =	vmul.f32 v20, v9  }
0x64: {  	v25 =	vadd.f32 v31, v25;
	v31 =	vld [tilespmem:s22+$0x60];
	v26 =	vmul.f32 v26, v4;
	v17 =	vmul.f32 v17, v11  }
0x65: {  	v29 =	vadd.f32 v29, v30;
	v30 =	vld [tilespmem:s22+$0x70];
	v20 =	vadd.f32 v20, v22  }
0x66: {  	v26 =	vadd.f32 v26, v27;
	v27 =	vld [tilespmem:s22+$0x40];
	v17 =	vadd.f32 v17, v24  }
0x67: {  	s31 =	sshll.u32 s19, $0x9;
	v16 =	vmul.f32 v28, v0;
	v28 =	vadd.f32 v25, v35;
	v22 =	vld [tilespmem:s22+$0x20];
	v20 =	vadd.f32 v20, v21  }
0x68: {  	s0 =	sshra.s32 s31, $0x2;
	v21 =	vadd.f32 v26, v19;
	v24 =	vld [tilespmem:s22+$0x400];
	v29 =	vadd.f32 v17, v29  }
0x69: {  	v23 =	vadd.f32 v18, v23;
	v26 =	vld [tilespmem:s22+$0x410];
	[dreg:$0xb] =	wrdreg s0;
	v19 =	vmul.f32 v61, v7;
	v17 =	vmul.f32 v60, v3  }
0x6a: {  	s20 =	sadd.s32 $0x10880, s0;
	v25 =	vld [tilespmem:s22+$0x420];
	v63 =	vadd.f32 v21, v20;
	v20 =	vmul.f32 v62, v13;
	v28 =	vadd.f32 v29, v28  }
0x6b: {  	p0 =	por p1, p1;
	[tilespmem:s20+$0xFFFFFF80] =	vst v23;
	v23 =	vmul.f32 v30, v15;
	v21 =	vmul.f32 v27, v12;
	v27 =	vld [tilespmem:s22+$0x430]  }
0x6c: {  	s25 =	simm.s32 $0x2000;
	s24 =	simm.s32 $0x2;
	s23 =	smov.u32 s20;
	[tilespmem:s20+$0x0] =	vst v51;
	v18 =	vmul.f32 v22, v6;
	v22 =	vmul.f32 v31, v14;
	v29 =	vld [tilespmem:s22+$0x440];
	v28 =	vadd.f32 v28, v63  }
.LBB2_3:
0x6d: {  	s0 =	sand.u32 $0x4000, s25;
	v24 =	vmul.f32 v24, v8;
	v30 =	vld [tilespmem:s22+$0x450];
	s21 =	sadd.s32 $0x100, s21;
	s23 =	sadd.s32 $0x100, s23  }
0x6e: {  	s1 =	sadd.s32 $0xFFFFFF80, s21;
	s2 =	sor.u32 $0x800, s0;
	s0 =	sand.u32 $0x380, s21;
	v26 =	vmul.f32 v26, v9;
	v31 =	vld [tilespmem:s22+$0x460];
	[tilespmem:s23+$0x0] =	vst v28  }
0x6f: {  	s1 =	sand.u32 $0x300, s1;
	s0 =	sor.u32 s0, s2;
	v16 =	vadd.f32 v24, v16;
	v24 =	vmul.f32 v25, v10;
	v25 =	vld [tilespmem:s22+$0x470]  }
0x70: {  	s22 =	sor.u32 s1, s2;
	v28 =	vld [tilespmem:s0+$0x0];
	v17 =	vadd.f32 v26, v17;
	v26 =	vmul.f32 v27, v4  }
0x71: {  	v27 =	vld [tilespmem:s0+$0x10];
	v18 =	vadd.f32 v24, v18;
	v24 =	vmul.f32 v29, v1  }
0x72: {  	v29 =	vld [tilespmem:s0+$0x20];
	v19 =	vadd.f32 v26, v19;
	v26 =	vmul.f32 v30, v2;
	v16 =	vadd.f32 v17, v16  }
0x73: {  	v17 =	vld [tilespmem:s0+$0x30];
	v21 =	vadd.f32 v24, v21;
	v24 =	vmul.f32 v31, v5  }
0x74: {  	v30 =	vld [tilespmem:s0+$0x40];
	v20 =	vadd.f32 v26, v20;
	v25 =	vmul.f32 v25, v11;
	v18 =	vadd.f32 v19, v18  }
0x75: {  	v19 =	vld [tilespmem:s0+$0x50];
	v22 =	vadd.f32 v24, v22  }
0x76: {  	v24 =	vld [tilespmem:s0+$0x60];
	v23 =	vadd.f32 v25, v23;
	v20 =	vadd.f32 v20, v21  }
0x77: {  	v16 =	vadd.f32 v18, v16;
	v21 =	vld [tilespmem:s0+$0x70]  }
0x78: {  	v18 =	vld [tilespmem:s0+$0x400];
	v22 =	vadd.f32 v23, v22  }
0x79: {  	v23 =	vld [tilespmem:s0+$0x410]  }
0x7a: {  	v25 =	vld [tilespmem:s0+$0x420];
	v20 =	vadd.f32 v22, v20  }
0x7b: {  	v22 =	vld [tilespmem:s0+$0x430]  }
0x7c: {  	s24 =	sadd.s32 $0x2, s24;
	v26 =	vmul.f32 v28, v0;
	v27 =	vmul.f32 v27, v3;
	v28 =	vld [tilespmem:s0+$0x440];
	v16 =	vadd.f32 v20, v16  }
0x7d: {  	p1 =	slt.u32 s24, $0xE;
	v17 =	vmul.f32 v17, v7;
	v20 =	vmul.f32 v29, v6;
	v29 =	vld [tilespmem:s0+$0x450]  }
0x7e: {  	v30 =	vmul.f32 v30, v12;
	v19 =	vmul.f32 v19, v13;
	v31 =	vld [tilespmem:s0+$0x460];
	[tilespmem:s23+$0xFFFFFF80] =	vst v16  }
0x7f: {  	v24 =	vmul.f32 v24, v14;
	v21 =	vmul.f32 v21, v15;
	v16 =	vld [tilespmem:s0+$0x470]  }
0x80: {  	v18 =	vmul.f32 v18, v8;
	v23 =	vmul.f32 v23, v9;
	v32 =	vld [tilespmem:s22+$0x0]  }
0x81: {  	v25 =	vmul.f32 v25, v10;
	v22 =	vmul.f32 v22, v4;
	v33 =	vld [tilespmem:s22+$0x10]  }
0x82: {  	v28 =	vmul.f32 v28, v1;
	v34 =	vld [tilespmem:s22+$0x20];
	v29 =	vmul.f32 v29, v2  }
0x83: {  	v26 =	vadd.f32 v18, v26;
	v23 =	vadd.f32 v23, v27;
	v35 =	vld [tilespmem:s22+$0x30];
	v18 =	vmul.f32 v31, v5  }
0x84: {  	v20 =	vadd.f32 v25, v20;
	v22 =	vadd.f32 v22, v17;
	v27 =	vld [tilespmem:s22+$0x40];
	v25 =	vmul.f32 v16, v11  }
0x85: {  	v28 =	vadd.f32 v28, v30;
	v29 =	vadd.f32 v29, v19;
	v16 =	vmul.f32 v32, v0;
	v31 =	vld [tilespmem:s22+$0x50]  }
0x86: {  	v32 =	vadd.f32 v18, v24;
	v17 =	vmul.f32 v33, v3;
	v30 =	vld [tilespmem:s22+$0x60];
	v21 =	vadd.f32 v25, v21  }
0x87: {  	v23 =	vadd.f32 v23, v26;
	v22 =	vadd.f32 v22, v20;
	v18 =	vmul.f32 v34, v6;
	v33 =	vld [tilespmem:s22+$0x70]  }
.Ltmp0:
0x88: {  	v28 =	vadd.f32 v29, v28;
	v19 =	vmul.f32 v35, v7;
	v24 =	vld [tilespmem:s22+$0x400];
	v29 =	vadd.f32 v21, v32;
	(pc) =	sbr.rel @p1 .LBB2_3-.Ltmp0, $4  }
0x89: {  	v21 =	vmul.f32 v27, v12;
	v26 =	vld [tilespmem:s22+$0x410]  }
0x8a: {  	v20 =	vmul.f32 v31, v13;
	v25 =	vld [tilespmem:s22+$0x420];
	v31 =	vadd.f32 v22, v23;
	v28 =	vadd.f32 v29, v28  }
0x8b: {  	v22 =	vmul.f32 v30, v14;
	v27 =	vld [tilespmem:s22+$0x430]  }
0x8c: {  	s25 =	sadd.s32 $0x1000, s25;
	v23 =	vmul.f32 v33, v15;
	v29 =	vld [tilespmem:s22+$0x440];
	v28 =	vadd.f32 v28, v31  }
0x8d: {  	v0 =	vld [tilespmem:s22+$0x450]  }
0x8e: {  	v3 =	vld [tilespmem:s22+$0x460]  }
0x8f: {  	v6 =	vld [tilespmem:s22+$0x470]  }
0x90: {  	v7 =	vmul.f32 v24, v8;
	v8 =	vmul.f32 v26, v9  }
0x91: {  	v9 =	vmul.f32 v25, v10  }
0x92: {  	v7 =	vadd.f32 v7, v16;
	v8 =	vadd.f32 v8, v17;
	v4 =	vmul.f32 v27, v4  }
0x93: {  	v9 =	vadd.f32 v9, v18;
	v1 =	vmul.f32 v29, v1;
	v0 =	vmul.f32 v0, v2  }
0x94: {  	v2 =	vadd.f32 v4, v19;
	v3 =	vmul.f32 v3, v5;
	v4 =	vmul.f32 v6, v11  }
0x95: {  	v1 =	vadd.f32 v1, v21;
	v0 =	vadd.f32 v0, v20  }
0x96: {  	v3 =	vadd.f32 v3, v22;
	v4 =	vadd.f32 v4, v23  }
0x97: {  	v5 =	vadd.f32 v8, v7;
	v2 =	vadd.f32 v2, v9  }
0x98: {  	v0 =	vadd.f32 v0, v1;
	v1 =	vadd.f32 v4, v3;
	_ =	sdelay $0x1  }
0x99: {  	v2 =	vadd.f32 v2, v5;
	v0 =	vadd.f32 v1, v0;
	_ =	sdelay $0x1  }
0x9a: {  	s0 =	sadd.s32 $0x100, s23;
	v0 =	vadd.f32 v0, v2  }
0x9b: {  	[tilespmem:s0+$0x0] =	vst v28  }
0x9c: {  	[tilespmem:s0+$0xFFFFFF80] =	vst v0  }
0x9d: {  	v0 =	vld [tilespmem:$0x100]  }
0x9e: {  	v1 =	vld [tilespmem:$0x110]  }
0x9f: {  	v2 =	vld [tilespmem:$0x120]  }
0xa0: {  	v3 =	vld [tilespmem:$0x130]  }
0xa1: {  	v5 =	vld [tilespmem:$0x140]  }
0xa2: {  	v8 =	vld [tilespmem:$0x150]  }
0xa3: {  	v10 =	vld [tilespmem:$0x160]  }
0xa4: {  	v12 =	vld [tilespmem:$0x170]  }
0xa5: {  	v14 =	vld [tilespmem:$0x180]  }
0xa6: {  	v15 =	vld [tilespmem:$0x190]  }
0xa7: {  	v11 =	vld [tilespmem:$0x1A0]  }
0xa8: {  	v6 =	vld [tilespmem:$0x1B0]  }
0xa9: {  	s26 =	simm.s32 $0x0;
	v4 =	vld [tilespmem:$0x1C0]  }
0xaa: {  	s1 =	simm.s32 $0x80;
	s0 =	sand.u32 $0x4000, s26;
	v7 =	vld [tilespmem:$0x1D0]  }
0xab: {  	s1 =	sand.u32 $0x380, s1;
	v9 =	vld [tilespmem:$0x1E0];
	s0 =	sor.u32 $0x800, s0  }
0xac: {  	v13 =	vld [tilespmem:$0x1F0];
	s1 =	sor.u32 s1, s0  }
0xad: {  	v16 =	vld [tilespmem:s1+$0x800]  }
0xae: {  	v17 =	vld [tilespmem:s1+$0x810]  }
0xaf: {  	v18 =	vld [tilespmem:s1+$0x820]  }
0xb0: {  	v19 =	vld [tilespmem:s1+$0x830]  }
0xb1: {  	v20 =	vld [tilespmem:s1+$0x840]  }
0xb2: {  	v21 =	vld [tilespmem:s1+$0x850]  }
0xb3: {  	v22 =	vld [tilespmem:s1+$0x860]  }
0xb4: {  	v23 =	vld [tilespmem:s1+$0x870]  }
0xb5: {  	v24 =	vld [tilespmem:s1+$0xC00]  }
0xb6: {  	v25 =	vld [tilespmem:s1+$0xC10]  }
0xb7: {  	v26 =	vld [tilespmem:s1+$0xC20]  }
0xb8: {  	v27 =	vld [tilespmem:s1+$0xC30]  }
0xb9: {  	v28 =	vld [tilespmem:s1+$0xC40]  }
0xba: {  	s2 =	simm.s32 $0x0;
	v29 =	vld [tilespmem:s1+$0xC50]  }
0xbb: {  	s2 =	sand.u32 $0x300, s2;
	v30 =	vld [tilespmem:s1+$0xC60]  }
0xbc: {  	s0 =	sor.u32 s2, s0;
	v31 =	vld [tilespmem:s1+$0xC70]  }
0xbd: {  	s28 =	simm.s32 $0x1000;
	v32 =	vld [tilespmem:s0+$0x800]  }
0xbe: {  	s21 =	simm.s32 $0x180;
	v33 =	vld [tilespmem:s0+$0x810];
	s1 =	sand.u32 $0x4000, s28  }
0xbf: {  	s29 =	sand.u32 $0x380, s21;
	v34 =	vld [tilespmem:s0+$0x820];
	s1 =	sor.u32 $0x800, s1  }
0xc0: {  	v35 =	vld [tilespmem:s0+$0x830];
	s30 =	sor.u32 s29, s1  }
0xc1: {  	v36 =	vld [tilespmem:s30+$0x840]  }
0xc2: {  	v37 =	vld [tilespmem:s30+$0x850]  }
0xc3: {  	v38 =	vld [tilespmem:s30+$0x860];
	v16 =	vmul.f32 v16, v0;
	v17 =	vmul.f32 v17, v1  }
0xc4: {  	v51 =	vld [tilespmem:s30+$0x870];
	v18 =	vmul.f32 v18, v2;
	v19 =	vmul.f32 v19, v3  }
0xc5: {  	v52 =	vld [tilespmem:s30+$0xC00];
	v20 =	vmul.f32 v20, v5;
	v21 =	vmul.f32 v21, v8  }
0xc6: {  	v53 =	vld [tilespmem:s30+$0xC10];
	v22 =	vmul.f32 v22, v10;
	v25 =	vmul.f32 v25, v15  }
0xc7: {  	v54 =	vld [tilespmem:s30+$0xC70];
	v23 =	vmul.f32 v23, v12;
	v27 =	vmul.f32 v27, v6  }
0xc8: {  	v24 =	vmul.f32 v24, v14;
	v28 =	vmul.f32 v28, v4;
	v17 =	vadd.f32 v25, v17;
	v25 =	vld [tilespmem:s0+$0x840]  }
0xc9: {  	v26 =	vmul.f32 v26, v11;
	v29 =	vmul.f32 v29, v7;
	v19 =	vadd.f32 v27, v19;
	v27 =	vld [tilespmem:s0+$0x850]  }
0xca: {  	v16 =	vadd.f32 v24, v16;
	v24 =	vmul.f32 v30, v9;
	v20 =	vadd.f32 v28, v20;
	v28 =	vld [tilespmem:s0+$0x860]  }
0xcb: {  	v18 =	vadd.f32 v26, v18;
	v26 =	vmul.f32 v31, v13;
	v21 =	vadd.f32 v29, v21;
	v29 =	vld [tilespmem:s30+$0x810]  }
0xcc: {  	v30 =	vld [tilespmem:s30+$0x820]  }
0xcd: {  	v22 =	vadd.f32 v24, v22;
	v23 =	vadd.f32 v26, v23;
	v24 =	vld [tilespmem:s0+$0x870]  }
0xce: {  	v16 =	vadd.f32 v17, v16;
	v17 =	vadd.f32 v19, v18;
	v18 =	vld [tilespmem:s0+$0xC00]  }
0xcf: {  	v19 =	vadd.f32 v21, v20;
	v21 =	vld [tilespmem:s0+$0xC10];
	v20 =	vadd.f32 v23, v22  }
0xd0: {  	v32 =	vmul.f32 v32, v0;
	v22 =	vld [tilespmem:s0+$0xC20]  }
0xd1: {  	v33 =	vmul.f32 v33, v1;
	v16 =	vadd.f32 v17, v16;
	v23 =	vld [tilespmem:s0+$0xC70];
	v17 =	vadd.f32 v20, v19  }
0xd2: {  	v34 =	vmul.f32 v34, v2;
	v35 =	vmul.f32 v35, v3;
	v19 =	vld [tilespmem:s0+$0xC30]  }
0xd3: {  	v56 =	vmul.f32 v38, v10;
	v25 =	vmul.f32 v25, v5;
	v20 =	vld [tilespmem:s0+$0xC40];
	v16 =	vadd.f32 v17, v16  }
0xd4: {  	v27 =	vmul.f32 v27, v8;
	v28 =	vmul.f32 v28, v10;
	v17 =	vld [tilespmem:s0+$0xC50]  }
0xd5: {  	v18 =	vmul.f32 v18, v14;
	v21 =	vmul.f32 v21, v15;
	[tilespmem:s20+$0x0] =	vst.add.f32.msk $0xffff, v16  }
0xd6: {  	v24 =	vmul.f32 v24, v12;
	v22 =	vmul.f32 v22, v11;
	v16 =	vld [tilespmem:s0+$0xC60]  }
0xd7: {  	v26 =	vld [tilespmem:s30+$0x800];
	v18 =	vadd.f32 v18, v32;
	v21 =	vadd.f32 v21, v33;
	v23 =	vmul.f32 v23, v13  }
0xd8: {  	v31 =	vld [tilespmem:s30+$0x830];
	v19 =	vmul.f32 v19, v6;
	v20 =	vmul.f32 v20, v4  }
0xd9: {  	v22 =	vadd.f32 v22, v34;
	v18 =	vadd.f32 v21, v18;
	v21 =	vld [tilespmem:s30+$0xC20];
	v17 =	vmul.f32 v17, v7  }
0xda: {  	v32 =	vmul.f32 v51, v12;
	v19 =	vadd.f32 v19, v35;
	v20 =	vadd.f32 v20, v25;
	v25 =	vld [tilespmem:s30+$0xC30]  }
0xdb: {  	s31 =	simm.s32 $0x100;
	v35 =	vmul.f32 v54, v13;
	v17 =	vadd.f32 v17, v27;
	v16 =	vmul.f32 v16, v9;
	v27 =	vld [tilespmem:s30+$0xC40]  }
0xdc: {  	s2 =	sand.u32 $0x300, s31;
	v19 =	vadd.f32 v19, v22;
	v22 =	vmul.f32 v26, v0;
	v26 =	vmul.f32 v29, v1;
	v29 =	vld [tilespmem:s30+$0xC50]  }
0xdd: {  	s22 =	sor.u32 s2, s1;
	v16 =	vadd.f32 v16, v28;
	v28 =	vmul.f32 v30, v2;
	v30 =	vmul.f32 v31, v3;
	v31 =	vld [tilespmem:s30+$0xC60]  }
0xde: {  	v55 =	vld [tilespmem:s22+$0x800];
	v33 =	vmul.f32 v52, v14;
	v23 =	vadd.f32 v23, v24;
	v24 =	vmul.f32 v37, v8  }
0xdf: {  	v57 =	vld [tilespmem:s22+$0x810];
	v34 =	vmul.f32 v53, v15;
	v32 =	vadd.f32 v35, v32;
	v21 =	vmul.f32 v21, v11  }
0xe0: {  	v58 =	vld [tilespmem:s22+$0x820];
	v17 =	vadd.f32 v17, v20;
	v20 =	vmul.f32 v36, v5;
	v22 =	vadd.f32 v33, v22  }
0xe1: {  	v59 =	vld [tilespmem:s22+$0x870];
	v26 =	vadd.f32 v34, v26;
	v25 =	vmul.f32 v25, v6;
	v27 =	vmul.f32 v27, v4  }
0xe2: {  	v60 =	vld [tilespmem:s22+$0xC00];
	v21 =	vadd.f32 v21, v28;
	v29 =	vmul.f32 v29, v7;
	v31 =	vmul.f32 v31, v9  }
0xe3: {  	v62 =	vld [tilespmem:s22+$0xC10];
	v25 =	vadd.f32 v25, v30;
	v20 =	vadd.f32 v27, v20  }
0xe4: {  	v28 =	vld [tilespmem:s22+$0x830];
	v24 =	vadd.f32 v29, v24;
	v27 =	vadd.f32 v31, v56  }
0xe5: {  	v26 =	vadd.f32 v26, v22;
	v30 =	vld [tilespmem:s22+$0x840];
	v21 =	vadd.f32 v25, v21  }
0xe6: {  	v29 =	vld [tilespmem:s22+$0x850];
	v20 =	vadd.f32 v24, v20;
	v24 =	vadd.f32 v32, v27  }
0xe7: {  	v61 =	vadd.f32 v19, v18;
	v16 =	vadd.f32 v23, v16;
	v23 =	vmul.f32 v55, v0;
	v31 =	vld [tilespmem:s22+$0x860]  }
0xe8: {  	v22 =	vmul.f32 v57, v1;
	v18 =	vadd.f32 v21, v26;
	v27 =	vld [tilespmem:s22+$0xC20];
	v26 =	vadd.f32 v24, v20  }
0xe9: {  	v16 =	vadd.f32 v16, v17;
	v17 =	vmul.f32 v59, v12;
	v21 =	vmul.f32 v28, v3;
	v28 =	vld [tilespmem:s22+$0xC30]  }
0xea: {  	v25 =	vld [tilespmem:s22+$0xC40];
	v19 =	vmul.f32 v30, v5;
	v30 =	vmul.f32 v60, v14;
	v63 =	vadd.f32 v26, v18  }
0xeb: {  	s23 =	sadd.s32 $0x100, s20;
	v24 =	vmul.f32 v58, v2;
	v20 =	vmul.f32 v29, v8;
	v26 =	vld [tilespmem:s22+$0xC50]  }
0xec: {  	s25 =	simm.s32 $0x2;
	s24 =	smov.u32 s20;
	s26 =	simm.s32 $0x2000;
	v16 =	vadd.f32 v16, v61;
	v29 =	vmul.f32 v62, v15;
	v18 =	vmul.f32 v31, v10;
	[tilespmem:s23+$0x0] =	vst.add.f32.msk $0xffff, v63  }
.LBB2_5:
0xed: {  	s0 =	sand.u32 $0x4000, s26;
	v23 =	vadd.f32 v30, v23;
	v27 =	vmul.f32 v27, v11;
	v30 =	vld [tilespmem:s22+$0xC60];
	s21 =	sadd.s32 $0x100, s21  }
0xee: {  	s1 =	sadd.s32 $0xFFFFFF80, s21;
	s0 =	sor.u32 $0x800, s0;
	s2 =	sand.u32 $0x380, s21;
	v22 =	vadd.f32 v29, v22;
	v28 =	vmul.f32 v28, v6;
	v29 =	vld [tilespmem:s22+$0xC70]  }
0xef: {  	s1 =	sand.u32 $0x300, s1;
	s2 =	sor.u32 s2, s0;
	v24 =	vadd.f32 v27, v24;
	v25 =	vmul.f32 v25, v4;
	[tilespmem:s24+$0xFFFFFF80] =	vst.add.f32.msk $0xffff, v16;
	s24 =	smov.u32 s23  }
0xf0: {  	s22 =	sor.u32 s1, s0;
	v27 =	vld [tilespmem:s2+$0x800];
	v16 =	vadd.f32 v28, v21;
	v21 =	vmul.f32 v26, v7;
	v22 =	vadd.f32 v22, v23  }
0xf1: {  	v23 =	vld [tilespmem:s2+$0x810];
	v19 =	vadd.f32 v25, v19  }
0xf2: {  	v25 =	vld [tilespmem:s2+$0x820];
	v20 =	vadd.f32 v21, v20;
	v21 =	vmul.f32 v30, v9;
	v16 =	vadd.f32 v16, v24  }
0xf3: {  	v24 =	vld [tilespmem:s2+$0x830];
	v26 =	vmul.f32 v29, v13  }
0xf4: {  	v28 =	vld [tilespmem:s2+$0x840];
	v18 =	vadd.f32 v21, v18;
	v19 =	vadd.f32 v20, v19  }
0xf5: {  	v16 =	vadd.f32 v16, v22;
	v20 =	vld [tilespmem:s2+$0x850];
	v17 =	vadd.f32 v26, v17  }
0xf6: {  	v21 =	vld [tilespmem:s2+$0x860]  }
0xf7: {  	v22 =	vld [tilespmem:s2+$0x870];
	v17 =	vadd.f32 v17, v18  }
0xf8: {  	v18 =	vld [tilespmem:s2+$0xC00]  }
0xf9: {  	v26 =	vld [tilespmem:s2+$0xC10];
	v17 =	vadd.f32 v17, v19  }
0xfa: {  	v19 =	vld [tilespmem:s2+$0xC20]  }
0xfb: {  	v29 =	vld [tilespmem:s2+$0xC30];
	v16 =	vadd.f32 v17, v16  }
0xfc: {  	s25 =	sadd.s32 $0x2, s25;
	v23 =	vmul.f32 v23, v1;
	v17 =	vmul.f32 v27, v0;
	v27 =	vld [tilespmem:s2+$0xC40]  }
0xfd: {  	p1 =	slt.u32 s25, $0xE;
	v25 =	vmul.f32 v25, v2;
	v24 =	vmul.f32 v24, v3;
	v30 =	vld [tilespmem:s2+$0xC50]  }
0xfe: {  	v28 =	vmul.f32 v28, v5;
	v20 =	vmul.f32 v20, v8;
	v31 =	vld [tilespmem:s2+$0xC60]  }
0xff: {  	v21 =	vmul.f32 v21, v10;
	v32 =	vmul.f32 v22, v12;
	v22 =	vld [tilespmem:s2+$0xC70]  }
0x100: {  	v18 =	vmul.f32 v18, v14;
	v26 =	vmul.f32 v26, v15;
	v33 =	vld [tilespmem:s22+$0x800]  }
0x101: {  	v19 =	vmul.f32 v19, v11;
	v29 =	vmul.f32 v29, v6;
	v34 =	vld [tilespmem:s22+$0x810]  }
0x102: {  	v27 =	vmul.f32 v27, v4;
	v35 =	vld [tilespmem:s22+$0x820];
	v30 =	vmul.f32 v30, v7  }
0x103: {  	v17 =	vadd.f32 v18, v17;
	v18 =	vadd.f32 v26, v23;
	v36 =	vld [tilespmem:s22+$0x830];
	v26 =	vmul.f32 v31, v9  }
0x104: {  	v19 =	vadd.f32 v19, v25;
	v25 =	vadd.f32 v29, v24;
	v31 =	vld [tilespmem:s22+$0x840];
	v24 =	vmul.f32 v22, v13  }
0x105: {  	v27 =	vadd.f32 v27, v28;
	v20 =	vadd.f32 v30, v20;
	v23 =	vmul.f32 v33, v0;
	v29 =	vld [tilespmem:s22+$0x850]  }
0x106: {  	v26 =	vadd.f32 v26, v21;
	v22 =	vmul.f32 v34, v1;
	v28 =	vld [tilespmem:s22+$0x860];
	v30 =	vadd.f32 v24, v32  }
0x107: {  	v17 =	vadd.f32 v18, v17;
	v18 =	vadd.f32 v25, v19;
	v24 =	vmul.f32 v35, v2;
	v32 =	vld [tilespmem:s22+$0x870]  }
0x108: {  	v25 =	vadd.f32 v20, v27;
	v21 =	vmul.f32 v36, v3;
	v33 =	vld [tilespmem:s22+$0xC00];
	v26 =	vadd.f32 v30, v26  }
0x109: {  	v19 =	vmul.f32 v31, v5;
	v31 =	vld [tilespmem:s22+$0xC10]  }
.Ltmp1:
0x10a: {  	v20 =	vmul.f32 v29, v8;
	v27 =	vld [tilespmem:s22+$0xC20];
	v29 =	vadd.f32 v18, v17;
	v26 =	vadd.f32 v26, v25;
	(pc) =	sbr.rel @p1 .LBB2_5-.Ltmp1, $4  }
0x10b: {  	v18 =	vmul.f32 v28, v10;
	v28 =	vld [tilespmem:s22+$0xC30]  }
0x10c: {  	v17 =	vmul.f32 v32, v12;
	v25 =	vld [tilespmem:s22+$0xC40];
	v32 =	vadd.f32 v26, v29  }
0x10d: {  	s23 =	sadd.s32 $0x100, s23;
	v30 =	vmul.f32 v33, v14;
	v26 =	vld [tilespmem:s22+$0xC50]  }
0x10e: {  	s26 =	sadd.s32 $0x1000, s26;
	v29 =	vmul.f32 v31, v15;
	[tilespmem:s23+$0x0] =	vst.add.f32.msk $0xffff, v32  }
0x10f: {  	v0 =	vld [tilespmem:s22+$0xC60]  }
0x110: {  	v1 =	vld [tilespmem:s22+$0xC70];
	_ =	sdelay $0x1  }
0x111: {  	v2 =	vmul.f32 v27, v11  }
0x112: {  	v3 =	vadd.f32 v30, v23;
	v5 =	vadd.f32 v29, v22;
	v6 =	vmul.f32 v28, v6  }
0x113: {  	v2 =	vadd.f32 v2, v24;
	v4 =	vmul.f32 v25, v4;
	v7 =	vmul.f32 v26, v7  }
0x114: {  	v6 =	vadd.f32 v6, v21;
	v0 =	vmul.f32 v0, v9;
	v1 =	vmul.f32 v1, v13  }
0x115: {  	v4 =	vadd.f32 v4, v19;
	v7 =	vadd.f32 v7, v20  }
0x116: {  	v0 =	vadd.f32 v0, v18;
	v1 =	vadd.f32 v1, v17  }
0x117: {  	v3 =	vadd.f32 v5, v3;
	v2 =	vadd.f32 v6, v2  }
0x118: {  	v4 =	vadd.f32 v7, v4;
	v0 =	vadd.f32 v1, v0;
	_ =	sdelay $0x1  }
0x119: {  	v1 =	vadd.f32 v2, v3;
	v0 =	vadd.f32 v0, v4;
	_ =	sdelay $0x1  }
0x11a: {  	v0 =	vadd.f32 v0, v1  }
0x11b: {  	[tilespmem:s24+$0xFFFFFF80] =	vst.add.f32.msk $0xffff, v16  }
0x11c: {  	[tilespmem:s23+$0xFFFFFF80] =	vst.add.f32.msk $0xffff, v0  }
0x11d: {  	v0 =	vld [tilespmem:$0x200]  }
0x11e: {  	v1 =	vld [tilespmem:$0x210]  }
0x11f: {  	v2 =	vld [tilespmem:$0x220]  }
0x120: {  	v3 =	vld [tilespmem:$0x230]  }
0x121: {  	v5 =	vld [tilespmem:$0x240]  }
0x122: {  	v8 =	vld [tilespmem:$0x250]  }
0x123: {  	v10 =	vld [tilespmem:$0x260]  }
0x124: {  	v12 =	vld [tilespmem:$0x270]  }
0x125: {  	v14 =	vld [tilespmem:$0x280]  }
0x126: {  	v15 =	vld [tilespmem:$0x290]  }
0x127: {  	v11 =	vld [tilespmem:$0x2A0]  }
0x128: {  	v6 =	vld [tilespmem:$0x2B0]  }
0x129: {  	s0 =	simm.s32 $0x0;
	v4 =	vld [tilespmem:$0x2C0]  }
0x12a: {  	s1 =	simm.s32 $0x80;
	s0 =	sand.u32 $0x4000, s0;
	v7 =	vld [tilespmem:$0x2D0]  }
0x12b: {  	s1 =	sand.u32 $0x380, s1;
	s0 =	sor.u32 $0x800, s0;
	v9 =	vld [tilespmem:$0x2E0]  }
0x12c: {  	s1 =	sor.u32 s1, s0;
	v13 =	vld [tilespmem:$0x2F0]  }
0x12d: {  	v16 =	vld [tilespmem:s1+$0x1000]  }
0x12e: {  	v17 =	vld [tilespmem:s1+$0x1010]  }
0x12f: {  	v18 =	vld [tilespmem:s1+$0x1020]  }
0x130: {  	v19 =	vld [tilespmem:s1+$0x1030]  }
0x131: {  	v20 =	vld [tilespmem:s1+$0x1040]  }
0x132: {  	v21 =	vld [tilespmem:s1+$0x1050]  }
0x133: {  	v22 =	vld [tilespmem:s1+$0x1060]  }
0x134: {  	v23 =	vld [tilespmem:s1+$0x1070]  }
0x135: {  	v24 =	vld [tilespmem:s1+$0x1400]  }
0x136: {  	v25 =	vld [tilespmem:s1+$0x1410]  }
0x137: {  	v26 =	vld [tilespmem:s1+$0x1420]  }
0x138: {  	v27 =	vld [tilespmem:s1+$0x1430]  }
0x139: {  	v28 =	vld [tilespmem:s1+$0x1440]  }
0x13a: {  	s2 =	simm.s32 $0x0;
	v29 =	vld [tilespmem:s1+$0x1450]  }
0x13b: {  	s2 =	sand.u32 $0x300, s2;
	v30 =	vld [tilespmem:s1+$0x1460]  }
0x13c: {  	s0 =	sor.u32 s2, s0;
	v31 =	vld [tilespmem:s1+$0x1470]  }
0x13d: {  	s28 =	simm.s32 $0x1000;
	v32 =	vld [tilespmem:s0+$0x1000]  }
0x13e: {  	s21 =	simm.s32 $0x180;
	v33 =	vld [tilespmem:s0+$0x1010];
	s1 =	sand.u32 $0x4000, s28  }
0x13f: {  	s29 =	sand.u32 $0x380, s21;
	v34 =	vld [tilespmem:s0+$0x1020];
	s1 =	sor.u32 $0x800, s1  }
0x140: {  	v35 =	vld [tilespmem:s0+$0x1030];
	s30 =	sor.u32 s29, s1  }
0x141: {  	v36 =	vld [tilespmem:s30+$0x1040]  }
0x142: {  	v37 =	vld [tilespmem:s30+$0x1050]  }
0x143: {  	v38 =	vld [tilespmem:s30+$0x1060];
	v16 =	vmul.f32 v16, v0;
	v17 =	vmul.f32 v17, v1  }
0x144: {  	v51 =	vld [tilespmem:s30+$0x1070];
	v18 =	vmul.f32 v18, v2;
	v19 =	vmul.f32 v19, v3  }
0x145: {  	v52 =	vld [tilespmem:s30+$0x1400];
	v20 =	vmul.f32 v20, v5;
	v21 =	vmul.f32 v21, v8  }
0x146: {  	v53 =	vld [tilespmem:s30+$0x1410];
	v22 =	vmul.f32 v22, v10;
	v25 =	vmul.f32 v25, v15  }
0x147: {  	v54 =	vld [tilespmem:s30+$0x1470];
	v23 =	vmul.f32 v23, v12;
	v27 =	vmul.f32 v27, v6  }
0x148: {  	v24 =	vmul.f32 v24, v14;
	v28 =	vmul.f32 v28, v4;
	v17 =	vadd.f32 v25, v17;
	v25 =	vld [tilespmem:s0+$0x1040]  }
0x149: {  	v26 =	vmul.f32 v26, v11;
	v29 =	vmul.f32 v29, v7;
	v19 =	vadd.f32 v27, v19;
	v27 =	vld [tilespmem:s0+$0x1050]  }
0x14a: {  	v16 =	vadd.f32 v24, v16;
	v24 =	vmul.f32 v30, v9;
	v20 =	vadd.f32 v28, v20;
	v28 =	vld [tilespmem:s0+$0x1060]  }
0x14b: {  	v18 =	vadd.f32 v26, v18;
	v26 =	vmul.f32 v31, v13;
	v21 =	vadd.f32 v29, v21;
	v29 =	vld [tilespmem:s30+$0x1010]  }
0x14c: {  	v30 =	vld [tilespmem:s30+$0x1020]  }
0x14d: {  	v22 =	vadd.f32 v24, v22;
	v23 =	vadd.f32 v26, v23;
	v24 =	vld [tilespmem:s0+$0x1070]  }
0x14e: {  	v16 =	vadd.f32 v17, v16;
	v17 =	vadd.f32 v19, v18;
	v18 =	vld [tilespmem:s0+$0x1400]  }
0x14f: {  	v19 =	vadd.f32 v21, v20;
	v21 =	vld [tilespmem:s0+$0x1410];
	v20 =	vadd.f32 v23, v22  }
0x150: {  	v32 =	vmul.f32 v32, v0;
	v22 =	vld [tilespmem:s0+$0x1420]  }
0x151: {  	v33 =	vmul.f32 v33, v1;
	v16 =	vadd.f32 v17, v16;
	v23 =	vld [tilespmem:s0+$0x1470];
	v17 =	vadd.f32 v20, v19  }
0x152: {  	v34 =	vmul.f32 v34, v2;
	v35 =	vmul.f32 v35, v3;
	v19 =	vld [tilespmem:s0+$0x1430]  }
0x153: {  	v56 =	vmul.f32 v38, v10;
	v25 =	vmul.f32 v25, v5;
	v20 =	vld [tilespmem:s0+$0x1440];
	v16 =	vadd.f32 v17, v16  }
0x154: {  	v27 =	vmul.f32 v27, v8;
	v28 =	vmul.f32 v28, v10;
	v17 =	vld [tilespmem:s0+$0x1450]  }
0x155: {  	v18 =	vmul.f32 v18, v14;
	v21 =	vmul.f32 v21, v15;
	[tilespmem:s20+$0x0] =	vst.add.f32.msk $0xffff, v16  }
0x156: {  	v24 =	vmul.f32 v24, v12;
	v22 =	vmul.f32 v22, v11;
	v16 =	vld [tilespmem:s0+$0x1460]  }
0x157: {  	v26 =	vld [tilespmem:s30+$0x1000];
	v18 =	vadd.f32 v18, v32;
	v21 =	vadd.f32 v21, v33;
	v23 =	vmul.f32 v23, v13  }
0x158: {  	v31 =	vld [tilespmem:s30+$0x1030];
	v19 =	vmul.f32 v19, v6;
	v20 =	vmul.f32 v20, v4  }
0x159: {  	v22 =	vadd.f32 v22, v34;
	v18 =	vadd.f32 v21, v18;
	v21 =	vld [tilespmem:s30+$0x1420];
	v17 =	vmul.f32 v17, v7  }
0x15a: {  	v32 =	vmul.f32 v51, v12;
	v19 =	vadd.f32 v19, v35;
	v20 =	vadd.f32 v20, v25;
	v25 =	vld [tilespmem:s30+$0x1430]  }
0x15b: {  	s31 =	simm.s32 $0x100;
	v35 =	vmul.f32 v54, v13;
	v17 =	vadd.f32 v17, v27;
	v16 =	vmul.f32 v16, v9;
	v27 =	vld [tilespmem:s30+$0x1440]  }
0x15c: {  	s2 =	sand.u32 $0x300, s31;
	v19 =	vadd.f32 v19, v22;
	v22 =	vmul.f32 v26, v0;
	v26 =	vmul.f32 v29, v1;
	v29 =	vld [tilespmem:s30+$0x1450]  }
0x15d: {  	s22 =	sor.u32 s2, s1;
	v16 =	vadd.f32 v16, v28;
	v28 =	vmul.f32 v30, v2;
	v30 =	vmul.f32 v31, v3;
	v31 =	vld [tilespmem:s30+$0x1460]  }
0x15e: {  	v55 =	vld [tilespmem:s22+$0x1000];
	v33 =	vmul.f32 v52, v14;
	v23 =	vadd.f32 v23, v24;
	v24 =	vmul.f32 v37, v8  }
0x15f: {  	v57 =	vld [tilespmem:s22+$0x1010];
	v34 =	vmul.f32 v53, v15;
	v32 =	vadd.f32 v35, v32;
	v21 =	vmul.f32 v21, v11  }
0x160: {  	v58 =	vld [tilespmem:s22+$0x1020];
	v17 =	vadd.f32 v17, v20;
	v20 =	vmul.f32 v36, v5;
	v22 =	vadd.f32 v33, v22  }
0x161: {  	v59 =	vld [tilespmem:s22+$0x1070];
	v26 =	vadd.f32 v34, v26;
	v25 =	vmul.f32 v25, v6;
	v27 =	vmul.f32 v27, v4  }
0x162: {  	v60 =	vld [tilespmem:s22+$0x1400];
	v21 =	vadd.f32 v21, v28;
	v29 =	vmul.f32 v29, v7;
	v31 =	vmul.f32 v31, v9  }
0x163: {  	v62 =	vld [tilespmem:s22+$0x1410];
	v25 =	vadd.f32 v25, v30;
	v20 =	vadd.f32 v27, v20  }
0x164: {  	v28 =	vld [tilespmem:s22+$0x1030];
	v24 =	vadd.f32 v29, v24;
	v27 =	vadd.f32 v31, v56  }
0x165: {  	v26 =	vadd.f32 v26, v22;
	v30 =	vld [tilespmem:s22+$0x1040];
	v21 =	vadd.f32 v25, v21  }
0x166: {  	v29 =	vld [tilespmem:s22+$0x1050];
	v20 =	vadd.f32 v24, v20;
	v24 =	vadd.f32 v32, v27  }
0x167: {  	v61 =	vadd.f32 v19, v18;
	v16 =	vadd.f32 v23, v16;
	v23 =	vmul.f32 v55, v0;
	v31 =	vld [tilespmem:s22+$0x1060]  }
0x168: {  	v22 =	vmul.f32 v57, v1;
	v18 =	vadd.f32 v21, v26;
	v27 =	vld [tilespmem:s22+$0x1420];
	v26 =	vadd.f32 v24, v20  }
0x169: {  	v16 =	vadd.f32 v16, v17;
	v17 =	vmul.f32 v59, v12;
	v21 =	vmul.f32 v28, v3;
	v28 =	vld [tilespmem:s22+$0x1430]  }
0x16a: {  	v25 =	vld [tilespmem:s22+$0x1440];
	v19 =	vmul.f32 v30, v5;
	v30 =	vmul.f32 v60, v14;
	v63 =	vadd.f32 v26, v18  }
0x16b: {  	s23 =	sadd.s32 $0x100, s20;
	v24 =	vmul.f32 v58, v2;
	v20 =	vmul.f32 v29, v8;
	v26 =	vld [tilespmem:s22+$0x1450]  }
0x16c: {  	s25 =	simm.s32 $0x2;
	s26 =	simm.s32 $0x2000;
	s24 =	smov.u32 s20;
	v16 =	vadd.f32 v16, v61;
	v29 =	vmul.f32 v62, v15;
	v18 =	vmul.f32 v31, v10;
	[tilespmem:s23+$0x0] =	vst.add.f32.msk $0xffff, v63  }
.LBB2_7:
0x16d: {  	s0 =	sand.u32 $0x4000, s26;
	v23 =	vadd.f32 v30, v23;
	v27 =	vmul.f32 v27, v11;
	v30 =	vld [tilespmem:s22+$0x1460];
	s21 =	sadd.s32 $0x100, s21  }
0x16e: {  	s1 =	sadd.s32 $0xFFFFFF80, s21;
	s0 =	sor.u32 $0x800, s0;
	s2 =	sand.u32 $0x380, s21;
	v22 =	vadd.f32 v29, v22;
	v28 =	vmul.f32 v28, v6;
	v29 =	vld [tilespmem:s22+$0x1470]  }
0x16f: {  	s1 =	sand.u32 $0x300, s1;
	s2 =	sor.u32 s2, s0;
	v24 =	vadd.f32 v27, v24;
	v25 =	vmul.f32 v25, v4;
	[tilespmem:s24+$0xFFFFFF80] =	vst.add.f32.msk $0xffff, v16;
	s24 =	smov.u32 s23  }
0x170: {  	s22 =	sor.u32 s1, s0;
	v27 =	vld [tilespmem:s2+$0x1000];
	v16 =	vadd.f32 v28, v21;
	v21 =	vmul.f32 v26, v7;
	v22 =	vadd.f32 v22, v23  }
0x171: {  	v23 =	vld [tilespmem:s2+$0x1010];
	v19 =	vadd.f32 v25, v19  }
0x172: {  	v25 =	vld [tilespmem:s2+$0x1020];
	v20 =	vadd.f32 v21, v20;
	v21 =	vmul.f32 v30, v9;
	v16 =	vadd.f32 v16, v24  }
0x173: {  	v24 =	vld [tilespmem:s2+$0x1030];
	v26 =	vmul.f32 v29, v13  }
0x174: {  	v28 =	vld [tilespmem:s2+$0x1040];
	v18 =	vadd.f32 v21, v18;
	v19 =	vadd.f32 v20, v19  }
0x175: {  	v16 =	vadd.f32 v16, v22;
	v20 =	vld [tilespmem:s2+$0x1050];
	v17 =	vadd.f32 v26, v17  }
0x176: {  	v21 =	vld [tilespmem:s2+$0x1060]  }
0x177: {  	v22 =	vld [tilespmem:s2+$0x1070];
	v17 =	vadd.f32 v17, v18  }
0x178: {  	v18 =	vld [tilespmem:s2+$0x1400]  }
0x179: {  	v26 =	vld [tilespmem:s2+$0x1410];
	v17 =	vadd.f32 v17, v19  }
0x17a: {  	v19 =	vld [tilespmem:s2+$0x1420]  }
0x17b: {  	v29 =	vld [tilespmem:s2+$0x1430];
	v16 =	vadd.f32 v17, v16  }
0x17c: {  	s25 =	sadd.s32 $0x2, s25;
	v23 =	vmul.f32 v23, v1;
	v17 =	vmul.f32 v27, v0;
	v27 =	vld [tilespmem:s2+$0x1440]  }
0x17d: {  	p1 =	slt.u32 s25, $0xE;
	v25 =	vmul.f32 v25, v2;
	v24 =	vmul.f32 v24, v3;
	v30 =	vld [tilespmem:s2+$0x1450]  }
0x17e: {  	v28 =	vmul.f32 v28, v5;
	v20 =	vmul.f32 v20, v8;
	v31 =	vld [tilespmem:s2+$0x1460]  }
0x17f: {  	v21 =	vmul.f32 v21, v10;
	v32 =	vmul.f32 v22, v12;
	v22 =	vld [tilespmem:s2+$0x1470]  }
0x180: {  	v18 =	vmul.f32 v18, v14;
	v26 =	vmul.f32 v26, v15;
	v33 =	vld [tilespmem:s22+$0x1000]  }
0x181: {  	v19 =	vmul.f32 v19, v11;
	v29 =	vmul.f32 v29, v6;
	v34 =	vld [tilespmem:s22+$0x1010]  }
0x182: {  	v27 =	vmul.f32 v27, v4;
	v35 =	vld [tilespmem:s22+$0x1020];
	v30 =	vmul.f32 v30, v7  }
0x183: {  	v17 =	vadd.f32 v18, v17;
	v18 =	vadd.f32 v26, v23;
	v36 =	vld [tilespmem:s22+$0x1030];
	v26 =	vmul.f32 v31, v9  }
0x184: {  	v19 =	vadd.f32 v19, v25;
	v25 =	vadd.f32 v29, v24;
	v31 =	vld [tilespmem:s22+$0x1040];
	v24 =	vmul.f32 v22, v13  }
0x185: {  	v27 =	vadd.f32 v27, v28;
	v20 =	vadd.f32 v30, v20;
	v23 =	vmul.f32 v33, v0;
	v29 =	vld [tilespmem:s22+$0x1050]  }
0x186: {  	v26 =	vadd.f32 v26, v21;
	v22 =	vmul.f32 v34, v1;
	v28 =	vld [tilespmem:s22+$0x1060];
	v30 =	vadd.f32 v24, v32  }
0x187: {  	v17 =	vadd.f32 v18, v17;
	v18 =	vadd.f32 v25, v19;
	v24 =	vmul.f32 v35, v2;
	v32 =	vld [tilespmem:s22+$0x1070]  }
0x188: {  	v25 =	vadd.f32 v20, v27;
	v21 =	vmul.f32 v36, v3;
	v33 =	vld [tilespmem:s22+$0x1400];
	v26 =	vadd.f32 v30, v26  }
0x189: {  	v19 =	vmul.f32 v31, v5;
	v31 =	vld [tilespmem:s22+$0x1410]  }
.Ltmp2:
0x18a: {  	v20 =	vmul.f32 v29, v8;
	v27 =	vld [tilespmem:s22+$0x1420];
	v29 =	vadd.f32 v18, v17;
	v26 =	vadd.f32 v26, v25;
	(pc) =	sbr.rel @p1 .LBB2_7-.Ltmp2, $4  }
0x18b: {  	v18 =	vmul.f32 v28, v10;
	v28 =	vld [tilespmem:s22+$0x1430]  }
0x18c: {  	v17 =	vmul.f32 v32, v12;
	v25 =	vld [tilespmem:s22+$0x1440];
	v32 =	vadd.f32 v26, v29  }
0x18d: {  	s23 =	sadd.s32 $0x100, s23;
	v30 =	vmul.f32 v33, v14;
	v26 =	vld [tilespmem:s22+$0x1450]  }
0x18e: {  	s26 =	sadd.s32 $0x1000, s26;
	v29 =	vmul.f32 v31, v15;
	[tilespmem:s23+$0x0] =	vst.add.f32.msk $0xffff, v32  }
0x18f: {  	v0 =	vld [tilespmem:s22+$0x1460]  }
0x190: {  	v1 =	vld [tilespmem:s22+$0x1470];
	_ =	sdelay $0x1  }
0x191: {  	v2 =	vmul.f32 v27, v11  }
0x192: {  	v3 =	vadd.f32 v30, v23;
	v5 =	vadd.f32 v29, v22;
	v6 =	vmul.f32 v28, v6  }
0x193: {  	v2 =	vadd.f32 v2, v24;
	v4 =	vmul.f32 v25, v4;
	v7 =	vmul.f32 v26, v7  }
0x194: {  	v6 =	vadd.f32 v6, v21;
	v0 =	vmul.f32 v0, v9;
	v1 =	vmul.f32 v1, v13  }
0x195: {  	v4 =	vadd.f32 v4, v19;
	v7 =	vadd.f32 v7, v20  }
0x196: {  	v0 =	vadd.f32 v0, v18;
	v1 =	vadd.f32 v1, v17  }
0x197: {  	v3 =	vadd.f32 v5, v3;
	v2 =	vadd.f32 v6, v2  }
0x198: {  	v4 =	vadd.f32 v7, v4;
	v0 =	vadd.f32 v1, v0;
	_ =	sdelay $0x1  }
0x199: {  	v1 =	vadd.f32 v2, v3;
	v0 =	vadd.f32 v0, v4;
	_ =	sdelay $0x1  }
0x19a: {  	v0 =	vadd.f32 v0, v1  }
0x19b: {  	[tilespmem:s24+$0xFFFFFF80] =	vst.add.f32.msk $0xffff, v16  }
0x19c: {  	[tilespmem:s23+$0xFFFFFF80] =	vst.add.f32.msk $0xffff, v0  }
0x19d: {  	v0 =	vld [tilespmem:$0x300]  }
0x19e: {  	v1 =	vld [tilespmem:$0x310]  }
0x19f: {  	v2 =	vld [tilespmem:$0x320]  }
0x1a0: {  	v3 =	vld [tilespmem:$0x330]  }
0x1a1: {  	v5 =	vld [tilespmem:$0x340]  }
0x1a2: {  	v8 =	vld [tilespmem:$0x350]  }
0x1a3: {  	v10 =	vld [tilespmem:$0x360]  }
0x1a4: {  	v12 =	vld [tilespmem:$0x370]  }
0x1a5: {  	v14 =	vld [tilespmem:$0x380]  }
0x1a6: {  	v15 =	vld [tilespmem:$0x390]  }
0x1a7: {  	v11 =	vld [tilespmem:$0x3A0]  }
0x1a8: {  	v6 =	vld [tilespmem:$0x3B0]  }
0x1a9: {  	s0 =	simm.s32 $0x0;
	v4 =	vld [tilespmem:$0x3C0]  }
0x1aa: {  	s1 =	simm.s32 $0x80;
	s0 =	sand.u32 $0x4000, s0;
	v7 =	vld [tilespmem:$0x3D0]  }
0x1ab: {  	s1 =	sand.u32 $0x380, s1;
	s0 =	sor.u32 $0x800, s0;
	v9 =	vld [tilespmem:$0x3E0]  }
0x1ac: {  	s1 =	sor.u32 s1, s0;
	v13 =	vld [tilespmem:$0x3F0]  }
0x1ad: {  	v16 =	vld [tilespmem:s1+$0x1800]  }
0x1ae: {  	v17 =	vld [tilespmem:s1+$0x1810]  }
0x1af: {  	v18 =	vld [tilespmem:s1+$0x1820]  }
0x1b0: {  	v19 =	vld [tilespmem:s1+$0x1830]  }
0x1b1: {  	v20 =	vld [tilespmem:s1+$0x1840]  }
0x1b2: {  	v21 =	vld [tilespmem:s1+$0x1850]  }
0x1b3: {  	v22 =	vld [tilespmem:s1+$0x1860]  }
0x1b4: {  	v23 =	vld [tilespmem:s1+$0x1870]  }
0x1b5: {  	v24 =	vld [tilespmem:s1+$0x1C00]  }
0x1b6: {  	v25 =	vld [tilespmem:s1+$0x1C10]  }
0x1b7: {  	v26 =	vld [tilespmem:s1+$0x1C20]  }
0x1b8: {  	v27 =	vld [tilespmem:s1+$0x1C30]  }
0x1b9: {  	v28 =	vld [tilespmem:s1+$0x1C40]  }
0x1ba: {  	s2 =	simm.s32 $0x0;
	v29 =	vld [tilespmem:s1+$0x1C50]  }
0x1bb: {  	s2 =	sand.u32 $0x300, s2;
	v30 =	vld [tilespmem:s1+$0x1C60]  }
0x1bc: {  	s0 =	sor.u32 s2, s0;
	v31 =	vld [tilespmem:s1+$0x1C70]  }
0x1bd: {  	s28 =	simm.s32 $0x1000;
	v32 =	vld [tilespmem:s0+$0x1800]  }
0x1be: {  	s21 =	simm.s32 $0x180;
	v33 =	vld [tilespmem:s0+$0x1810];
	s1 =	sand.u32 $0x4000, s28  }
0x1bf: {  	s29 =	sand.u32 $0x380, s21;
	v34 =	vld [tilespmem:s0+$0x1820];
	s1 =	sor.u32 $0x800, s1  }
0x1c0: {  	v35 =	vld [tilespmem:s0+$0x1830];
	s30 =	sor.u32 s29, s1  }
0x1c1: {  	v36 =	vld [tilespmem:s30+$0x1840]  }
0x1c2: {  	v37 =	vld [tilespmem:s30+$0x1850]  }
0x1c3: {  	v38 =	vld [tilespmem:s30+$0x1860];
	v16 =	vmul.f32 v16, v0;
	v17 =	vmul.f32 v17, v1  }
0x1c4: {  	v51 =	vld [tilespmem:s30+$0x1870];
	v18 =	vmul.f32 v18, v2;
	v19 =	vmul.f32 v19, v3  }
0x1c5: {  	v52 =	vld [tilespmem:s30+$0x1C00];
	v20 =	vmul.f32 v20, v5;
	v21 =	vmul.f32 v21, v8  }
0x1c6: {  	v53 =	vld [tilespmem:s30+$0x1C10];
	v22 =	vmul.f32 v22, v10;
	v25 =	vmul.f32 v25, v15  }
0x1c7: {  	v54 =	vld [tilespmem:s30+$0x1C70];
	v23 =	vmul.f32 v23, v12;
	v27 =	vmul.f32 v27, v6  }
0x1c8: {  	v24 =	vmul.f32 v24, v14;
	v28 =	vmul.f32 v28, v4;
	v17 =	vadd.f32 v25, v17;
	v25 =	vld [tilespmem:s0+$0x1840]  }
0x1c9: {  	v26 =	vmul.f32 v26, v11;
	v29 =	vmul.f32 v29, v7;
	v19 =	vadd.f32 v27, v19;
	v27 =	vld [tilespmem:s0+$0x1850]  }
0x1ca: {  	v16 =	vadd.f32 v24, v16;
	v24 =	vmul.f32 v30, v9;
	v20 =	vadd.f32 v28, v20;
	v28 =	vld [tilespmem:s0+$0x1860]  }
0x1cb: {  	v18 =	vadd.f32 v26, v18;
	v26 =	vmul.f32 v31, v13;
	v21 =	vadd.f32 v29, v21;
	v29 =	vld [tilespmem:s30+$0x1810]  }
0x1cc: {  	v30 =	vld [tilespmem:s30+$0x1820]  }
0x1cd: {  	v22 =	vadd.f32 v24, v22;
	v23 =	vadd.f32 v26, v23;
	v24 =	vld [tilespmem:s0+$0x1870]  }
0x1ce: {  	v16 =	vadd.f32 v17, v16;
	v17 =	vadd.f32 v19, v18;
	v18 =	vld [tilespmem:s0+$0x1C00]  }
0x1cf: {  	v19 =	vadd.f32 v21, v20;
	v21 =	vld [tilespmem:s0+$0x1C10];
	v20 =	vadd.f32 v23, v22  }
0x1d0: {  	v32 =	vmul.f32 v32, v0;
	v22 =	vld [tilespmem:s0+$0x1C20]  }
0x1d1: {  	v33 =	vmul.f32 v33, v1;
	v16 =	vadd.f32 v17, v16;
	v23 =	vld [tilespmem:s0+$0x1C70];
	v17 =	vadd.f32 v20, v19  }
0x1d2: {  	v34 =	vmul.f32 v34, v2;
	v35 =	vmul.f32 v35, v3;
	v19 =	vld [tilespmem:s0+$0x1C30]  }
0x1d3: {  	v56 =	vmul.f32 v38, v10;
	v25 =	vmul.f32 v25, v5;
	v20 =	vld [tilespmem:s0+$0x1C40];
	v16 =	vadd.f32 v17, v16  }
0x1d4: {  	v27 =	vmul.f32 v27, v8;
	v28 =	vmul.f32 v28, v10;
	v17 =	vld [tilespmem:s0+$0x1C50]  }
0x1d5: {  	v18 =	vmul.f32 v18, v14;
	v21 =	vmul.f32 v21, v15;
	[tilespmem:s20+$0x0] =	vst.add.f32.msk $0xffff, v16  }
0x1d6: {  	v24 =	vmul.f32 v24, v12;
	v22 =	vmul.f32 v22, v11;
	v16 =	vld [tilespmem:s0+$0x1C60]  }
0x1d7: {  	v26 =	vld [tilespmem:s30+$0x1800];
	v18 =	vadd.f32 v18, v32;
	v21 =	vadd.f32 v21, v33;
	v23 =	vmul.f32 v23, v13  }
0x1d8: {  	v31 =	vld [tilespmem:s30+$0x1830];
	v19 =	vmul.f32 v19, v6;
	v20 =	vmul.f32 v20, v4  }
0x1d9: {  	v22 =	vadd.f32 v22, v34;
	v18 =	vadd.f32 v21, v18;
	v21 =	vld [tilespmem:s30+$0x1C20];
	v17 =	vmul.f32 v17, v7  }
0x1da: {  	v32 =	vmul.f32 v51, v12;
	v19 =	vadd.f32 v19, v35;
	v20 =	vadd.f32 v20, v25;
	v25 =	vld [tilespmem:s30+$0x1C30]  }
0x1db: {  	s31 =	simm.s32 $0x100;
	v35 =	vmul.f32 v54, v13;
	v17 =	vadd.f32 v17, v27;
	v16 =	vmul.f32 v16, v9;
	v27 =	vld [tilespmem:s30+$0x1C40]  }
0x1dc: {  	s2 =	sand.u32 $0x300, s31;
	v19 =	vadd.f32 v19, v22;
	v22 =	vmul.f32 v26, v0;
	v26 =	vmul.f32 v29, v1;
	v29 =	vld [tilespmem:s30+$0x1C50]  }
0x1dd: {  	s22 =	sor.u32 s2, s1;
	v16 =	vadd.f32 v16, v28;
	v28 =	vmul.f32 v30, v2;
	v30 =	vmul.f32 v31, v3;
	v31 =	vld [tilespmem:s30+$0x1C60]  }
0x1de: {  	v55 =	vld [tilespmem:s22+$0x1800];
	v33 =	vmul.f32 v52, v14;
	v23 =	vadd.f32 v23, v24;
	v24 =	vmul.f32 v37, v8  }
0x1df: {  	v57 =	vld [tilespmem:s22+$0x1810];
	v34 =	vmul.f32 v53, v15;
	v32 =	vadd.f32 v35, v32;
	v21 =	vmul.f32 v21, v11  }
0x1e0: {  	v58 =	vld [tilespmem:s22+$0x1820];
	v17 =	vadd.f32 v17, v20;
	v20 =	vmul.f32 v36, v5;
	v22 =	vadd.f32 v33, v22  }
0x1e1: {  	v59 =	vld [tilespmem:s22+$0x1870];
	v26 =	vadd.f32 v34, v26;
	v25 =	vmul.f32 v25, v6;
	v27 =	vmul.f32 v27, v4  }
0x1e2: {  	v60 =	vld [tilespmem:s22+$0x1C00];
	v21 =	vadd.f32 v21, v28;
	v29 =	vmul.f32 v29, v7;
	v31 =	vmul.f32 v31, v9  }
0x1e3: {  	v62 =	vld [tilespmem:s22+$0x1C10];
	v25 =	vadd.f32 v25, v30;
	v20 =	vadd.f32 v27, v20  }
0x1e4: {  	v28 =	vld [tilespmem:s22+$0x1830];
	v24 =	vadd.f32 v29, v24;
	v27 =	vadd.f32 v31, v56  }
0x1e5: {  	v26 =	vadd.f32 v26, v22;
	v30 =	vld [tilespmem:s22+$0x1840];
	v21 =	vadd.f32 v25, v21  }
0x1e6: {  	v29 =	vld [tilespmem:s22+$0x1850];
	v20 =	vadd.f32 v24, v20;
	v24 =	vadd.f32 v32, v27  }
0x1e7: {  	v61 =	vadd.f32 v19, v18;
	v16 =	vadd.f32 v23, v16;
	v23 =	vmul.f32 v55, v0;
	v31 =	vld [tilespmem:s22+$0x1860]  }
0x1e8: {  	v22 =	vmul.f32 v57, v1;
	v18 =	vadd.f32 v21, v26;
	v27 =	vld [tilespmem:s22+$0x1C20];
	v26 =	vadd.f32 v24, v20  }
0x1e9: {  	v16 =	vadd.f32 v16, v17;
	v17 =	vmul.f32 v59, v12;
	v21 =	vmul.f32 v28, v3;
	v28 =	vld [tilespmem:s22+$0x1C30]  }
0x1ea: {  	v25 =	vld [tilespmem:s22+$0x1C40];
	v19 =	vmul.f32 v30, v5;
	v30 =	vmul.f32 v60, v14;
	v63 =	vadd.f32 v26, v18  }
0x1eb: {  	s23 =	sadd.s32 $0x100, s20;
	v24 =	vmul.f32 v58, v2;
	v20 =	vmul.f32 v29, v8;
	v26 =	vld [tilespmem:s22+$0x1C50]  }
0x1ec: {  	s25 =	simm.s32 $0x2;
	s26 =	simm.s32 $0x2000;
	s24 =	smov.u32 s20;
	v16 =	vadd.f32 v16, v61;
	v29 =	vmul.f32 v62, v15;
	v18 =	vmul.f32 v31, v10;
	[tilespmem:s23+$0x0] =	vst.add.f32.msk $0xffff, v63  }
.LBB2_9:
0x1ed: {  	s0 =	sand.u32 $0x4000, s26;
	v23 =	vadd.f32 v30, v23;
	v27 =	vmul.f32 v27, v11;
	v30 =	vld [tilespmem:s22+$0x1C60];
	s21 =	sadd.s32 $0x100, s21  }
0x1ee: {  	s1 =	sadd.s32 $0xFFFFFF80, s21;
	s0 =	sor.u32 $0x800, s0;
	s2 =	sand.u32 $0x380, s21;
	v22 =	vadd.f32 v29, v22;
	v28 =	vmul.f32 v28, v6;
	v29 =	vld [tilespmem:s22+$0x1C70]  }
0x1ef: {  	s1 =	sand.u32 $0x300, s1;
	s2 =	sor.u32 s2, s0;
	v24 =	vadd.f32 v27, v24;
	v25 =	vmul.f32 v25, v4;
	[tilespmem:s24+$0xFFFFFF80] =	vst.add.f32.msk $0xffff, v16;
	s24 =	smov.u32 s23  }
0x1f0: {  	s22 =	sor.u32 s1, s0;
	v27 =	vld [tilespmem:s2+$0x1800];
	v16 =	vadd.f32 v28, v21;
	v21 =	vmul.f32 v26, v7;
	v22 =	vadd.f32 v22, v23  }
0x1f1: {  	v23 =	vld [tilespmem:s2+$0x1810];
	v19 =	vadd.f32 v25, v19  }
0x1f2: {  	v25 =	vld [tilespmem:s2+$0x1820];
	v20 =	vadd.f32 v21, v20;
	v21 =	vmul.f32 v30, v9;
	v16 =	vadd.f32 v16, v24  }
0x1f3: {  	v24 =	vld [tilespmem:s2+$0x1830];
	v26 =	vmul.f32 v29, v13  }
0x1f4: {  	v28 =	vld [tilespmem:s2+$0x1840];
	v18 =	vadd.f32 v21, v18;
	v19 =	vadd.f32 v20, v19  }
0x1f5: {  	v16 =	vadd.f32 v16, v22;
	v20 =	vld [tilespmem:s2+$0x1850];
	v17 =	vadd.f32 v26, v17  }
0x1f6: {  	v21 =	vld [tilespmem:s2+$0x1860]  }
0x1f7: {  	v22 =	vld [tilespmem:s2+$0x1870];
	v17 =	vadd.f32 v17, v18  }
0x1f8: {  	v18 =	vld [tilespmem:s2+$0x1C00]  }
0x1f9: {  	v26 =	vld [tilespmem:s2+$0x1C10];
	v17 =	vadd.f32 v17, v19  }
0x1fa: {  	v19 =	vld [tilespmem:s2+$0x1C20]  }
0x1fb: {  	v29 =	vld [tilespmem:s2+$0x1C30];
	v16 =	vadd.f32 v17, v16  }
0x1fc: {  	s25 =	sadd.s32 $0x2, s25;
	v23 =	vmul.f32 v23, v1;
	v17 =	vmul.f32 v27, v0;
	v27 =	vld [tilespmem:s2+$0x1C40]  }
0x1fd: {  	p1 =	slt.u32 s25, $0xE;
	v25 =	vmul.f32 v25, v2;
	v24 =	vmul.f32 v24, v3;
	v30 =	vld [tilespmem:s2+$0x1C50]  }
0x1fe: {  	v28 =	vmul.f32 v28, v5;
	v20 =	vmul.f32 v20, v8;
	v31 =	vld [tilespmem:s2+$0x1C60]  }
0x1ff: {  	v21 =	vmul.f32 v21, v10;
	v32 =	vmul.f32 v22, v12;
	v22 =	vld [tilespmem:s2+$0x1C70]  }
0x200: {  	v18 =	vmul.f32 v18, v14;
	v26 =	vmul.f32 v26, v15;
	v33 =	vld [tilespmem:s22+$0x1800]  }
0x201: {  	v19 =	vmul.f32 v19, v11;
	v29 =	vmul.f32 v29, v6;
	v34 =	vld [tilespmem:s22+$0x1810]  }
0x202: {  	v27 =	vmul.f32 v27, v4;
	v35 =	vld [tilespmem:s22+$0x1820];
	v30 =	vmul.f32 v30, v7  }
0x203: {  	v17 =	vadd.f32 v18, v17;
	v18 =	vadd.f32 v26, v23;
	v36 =	vld [tilespmem:s22+$0x1830];
	v26 =	vmul.f32 v31, v9  }
0x204: {  	v19 =	vadd.f32 v19, v25;
	v25 =	vadd.f32 v29, v24;
	v31 =	vld [tilespmem:s22+$0x1840];
	v24 =	vmul.f32 v22, v13  }
0x205: {  	v27 =	vadd.f32 v27, v28;
	v20 =	vadd.f32 v30, v20;
	v23 =	vmul.f32 v33, v0;
	v29 =	vld [tilespmem:s22+$0x1850]  }
0x206: {  	v26 =	vadd.f32 v26, v21;
	v22 =	vmul.f32 v34, v1;
	v28 =	vld [tilespmem:s22+$0x1860];
	v30 =	vadd.f32 v24, v32  }
0x207: {  	v17 =	vadd.f32 v18, v17;
	v18 =	vadd.f32 v25, v19;
	v24 =	vmul.f32 v35, v2;
	v32 =	vld [tilespmem:s22+$0x1870]  }
0x208: {  	v25 =	vadd.f32 v20, v27;
	v21 =	vmul.f32 v36, v3;
	v33 =	vld [tilespmem:s22+$0x1C00];
	v26 =	vadd.f32 v30, v26  }
0x209: {  	v19 =	vmul.f32 v31, v5;
	v31 =	vld [tilespmem:s22+$0x1C10]  }
.Ltmp3:
0x20a: {  	v20 =	vmul.f32 v29, v8;
	v27 =	vld [tilespmem:s22+$0x1C20];
	v29 =	vadd.f32 v18, v17;
	v26 =	vadd.f32 v26, v25;
	(pc) =	sbr.rel @p1 .LBB2_9-.Ltmp3, $4  }
0x20b: {  	v18 =	vmul.f32 v28, v10;
	v28 =	vld [tilespmem:s22+$0x1C30]  }
0x20c: {  	v17 =	vmul.f32 v32, v12;
	v25 =	vld [tilespmem:s22+$0x1C40];
	v32 =	vadd.f32 v26, v29  }
0x20d: {  	s23 =	sadd.s32 $0x100, s23;
	v30 =	vmul.f32 v33, v14;
	v26 =	vld [tilespmem:s22+$0x1C50]  }
0x20e: {  	s26 =	sadd.s32 $0x1000, s26;
	v29 =	vmul.f32 v31, v15;
	[tilespmem:s23+$0x0] =	vst.add.f32.msk $0xffff, v32  }
0x20f: {  	v0 =	vld [tilespmem:s22+$0x1C60]  }
0x210: {  	v1 =	vld [tilespmem:s22+$0x1C70];
	_ =	sdelay $0x1  }
0x211: {  	v2 =	vmul.f32 v27, v11  }
0x212: {  	v3 =	vadd.f32 v30, v23;
	v5 =	vadd.f32 v29, v22;
	v6 =	vmul.f32 v28, v6  }
0x213: {  	v2 =	vadd.f32 v2, v24;
	v4 =	vmul.f32 v25, v4;
	v7 =	vmul.f32 v26, v7  }
0x214: {  	v6 =	vadd.f32 v6, v21;
	v0 =	vmul.f32 v0, v9;
	v1 =	vmul.f32 v1, v13  }
0x215: {  	v4 =	vadd.f32 v4, v19;
	v7 =	vadd.f32 v7, v20  }
0x216: {  	v0 =	vadd.f32 v0, v18;
	v1 =	vadd.f32 v1, v17  }
0x217: {  	v3 =	vadd.f32 v5, v3;
	v2 =	vadd.f32 v6, v2  }
0x218: {  	v4 =	vadd.f32 v7, v4;
	v0 =	vadd.f32 v1, v0;
	_ =	sdelay $0x1  }
0x219: {  	v1 =	vadd.f32 v2, v3;
	v0 =	vadd.f32 v0, v4;
	_ =	sdelay $0x1  }
0x21a: {  	v0 =	vadd.f32 v0, v1  }
0x21b: {  	[tilespmem:s24+$0xFFFFFF80] =	vst.add.f32.msk $0xffff, v16  }
0x21c: {  	[tilespmem:s23+$0xFFFFFF80] =	vst.add.f32.msk $0xffff, v0  }
0x21d: {  	v0 =	vld [tilespmem:$0x400]  }
0x21e: {  	v1 =	vld [tilespmem:$0x410]  }
0x21f: {  	v2 =	vld [tilespmem:$0x420]  }
0x220: {  	v3 =	vld [tilespmem:$0x430]  }
0x221: {  	v5 =	vld [tilespmem:$0x440]  }
0x222: {  	v8 =	vld [tilespmem:$0x450]  }
0x223: {  	v10 =	vld [tilespmem:$0x460]  }
0x224: {  	v12 =	vld [tilespmem:$0x470]  }
0x225: {  	v14 =	vld [tilespmem:$0x480]  }
0x226: {  	v15 =	vld [tilespmem:$0x490]  }
0x227: {  	v11 =	vld [tilespmem:$0x4A0]  }
0x228: {  	v6 =	vld [tilespmem:$0x4B0]  }
0x229: {  	s0 =	simm.s32 $0x0;
	v4 =	vld [tilespmem:$0x4C0]  }
0x22a: {  	s1 =	simm.s32 $0x80;
	s0 =	sand.u32 $0x4000, s0;
	v7 =	vld [tilespmem:$0x4D0]  }
0x22b: {  	s1 =	sand.u32 $0x380, s1;
	s0 =	sor.u32 $0x800, s0;
	v9 =	vld [tilespmem:$0x4E0]  }
0x22c: {  	s1 =	sor.u32 s1, s0;
	v13 =	vld [tilespmem:$0x4F0]  }
0x22d: {  	v16 =	vld [tilespmem:s1+$0x2000]  }
0x22e: {  	v17 =	vld [tilespmem:s1+$0x2010]  }
0x22f: {  	v18 =	vld [tilespmem:s1+$0x2020]  }
0x230: {  	v19 =	vld [tilespmem:s1+$0x2030]  }
0x231: {  	v20 =	vld [tilespmem:s1+$0x2040]  }
0x232: {  	v21 =	vld [tilespmem:s1+$0x2050]  }
0x233: {  	v22 =	vld [tilespmem:s1+$0x2060]  }
0x234: {  	v23 =	vld [tilespmem:s1+$0x2070]  }
0x235: {  	v24 =	vld [tilespmem:s1+$0x2400]  }
0x236: {  	v25 =	vld [tilespmem:s1+$0x2410]  }
0x237: {  	v26 =	vld [tilespmem:s1+$0x2420]  }
0x238: {  	v27 =	vld [tilespmem:s1+$0x2430]  }
0x239: {  	v28 =	vld [tilespmem:s1+$0x2440]  }
0x23a: {  	s2 =	simm.s32 $0x0;
	v29 =	vld [tilespmem:s1+$0x2450]  }
0x23b: {  	s2 =	sand.u32 $0x300, s2;
	v30 =	vld [tilespmem:s1+$0x2460]  }
0x23c: {  	s0 =	sor.u32 s2, s0;
	v31 =	vld [tilespmem:s1+$0x2470]  }
0x23d: {  	s28 =	simm.s32 $0x1000;
	v32 =	vld [tilespmem:s0+$0x2000]  }
0x23e: {  	s21 =	simm.s32 $0x180;
	v33 =	vld [tilespmem:s0+$0x2010];
	s1 =	sand.u32 $0x4000, s28  }
0x23f: {  	s29 =	sand.u32 $0x380, s21;
	v34 =	vld [tilespmem:s0+$0x2020];
	s1 =	sor.u32 $0x800, s1  }
0x240: {  	v35 =	vld [tilespmem:s0+$0x2030];
	s30 =	sor.u32 s29, s1  }
0x241: {  	v36 =	vld [tilespmem:s30+$0x2040]  }
0x242: {  	v37 =	vld [tilespmem:s30+$0x2050]  }
0x243: {  	v38 =	vld [tilespmem:s30+$0x2060];
	v16 =	vmul.f32 v16, v0;
	v17 =	vmul.f32 v17, v1  }
0x244: {  	v51 =	vld [tilespmem:s30+$0x2070];
	v18 =	vmul.f32 v18, v2;
	v19 =	vmul.f32 v19, v3  }
0x245: {  	v52 =	vld [tilespmem:s30+$0x2400];
	v20 =	vmul.f32 v20, v5;
	v21 =	vmul.f32 v21, v8  }
0x246: {  	v53 =	vld [tilespmem:s30+$0x2410];
	v22 =	vmul.f32 v22, v10;
	v25 =	vmul.f32 v25, v15  }
0x247: {  	v54 =	vld [tilespmem:s30+$0x2470];
	v23 =	vmul.f32 v23, v12;
	v27 =	vmul.f32 v27, v6  }
0x248: {  	v24 =	vmul.f32 v24, v14;
	v28 =	vmul.f32 v28, v4;
	v17 =	vadd.f32 v25, v17;
	v25 =	vld [tilespmem:s0+$0x2040]  }
0x249: {  	v26 =	vmul.f32 v26, v11;
	v29 =	vmul.f32 v29, v7;
	v19 =	vadd.f32 v27, v19;
	v27 =	vld [tilespmem:s0+$0x2050]  }
0x24a: {  	v16 =	vadd.f32 v24, v16;
	v24 =	vmul.f32 v30, v9;
	v20 =	vadd.f32 v28, v20;
	v28 =	vld [tilespmem:s0+$0x2060]  }
0x24b: {  	v18 =	vadd.f32 v26, v18;
	v26 =	vmul.f32 v31, v13;
	v21 =	vadd.f32 v29, v21;
	v29 =	vld [tilespmem:s30+$0x2010]  }
0x24c: {  	v30 =	vld [tilespmem:s30+$0x2020]  }
0x24d: {  	v22 =	vadd.f32 v24, v22;
	v23 =	vadd.f32 v26, v23;
	v24 =	vld [tilespmem:s0+$0x2070]  }
0x24e: {  	v16 =	vadd.f32 v17, v16;
	v17 =	vadd.f32 v19, v18;
	v18 =	vld [tilespmem:s0+$0x2400]  }
0x24f: {  	v19 =	vadd.f32 v21, v20;
	v21 =	vld [tilespmem:s0+$0x2410];
	v20 =	vadd.f32 v23, v22  }
0x250: {  	v32 =	vmul.f32 v32, v0;
	v22 =	vld [tilespmem:s0+$0x2420]  }
0x251: {  	v33 =	vmul.f32 v33, v1;
	v16 =	vadd.f32 v17, v16;
	v23 =	vld [tilespmem:s0+$0x2470];
	v17 =	vadd.f32 v20, v19  }
0x252: {  	v34 =	vmul.f32 v34, v2;
	v35 =	vmul.f32 v35, v3;
	v19 =	vld [tilespmem:s0+$0x2430]  }
0x253: {  	v56 =	vmul.f32 v38, v10;
	v25 =	vmul.f32 v25, v5;
	v20 =	vld [tilespmem:s0+$0x2440];
	v16 =	vadd.f32 v17, v16  }
0x254: {  	v27 =	vmul.f32 v27, v8;
	v28 =	vmul.f32 v28, v10;
	v17 =	vld [tilespmem:s0+$0x2450]  }
0x255: {  	v18 =	vmul.f32 v18, v14;
	v21 =	vmul.f32 v21, v15;
	[tilespmem:s20+$0x0] =	vst.add.f32.msk $0xffff, v16  }
0x256: {  	v24 =	vmul.f32 v24, v12;
	v22 =	vmul.f32 v22, v11;
	v16 =	vld [tilespmem:s0+$0x2460]  }
0x257: {  	v26 =	vld [tilespmem:s30+$0x2000];
	v18 =	vadd.f32 v18, v32;
	v21 =	vadd.f32 v21, v33;
	v23 =	vmul.f32 v23, v13  }
0x258: {  	v31 =	vld [tilespmem:s30+$0x2030];
	v19 =	vmul.f32 v19, v6;
	v20 =	vmul.f32 v20, v4  }
0x259: {  	v22 =	vadd.f32 v22, v34;
	v18 =	vadd.f32 v21, v18;
	v21 =	vld [tilespmem:s30+$0x2420];
	v17 =	vmul.f32 v17, v7  }
0x25a: {  	v32 =	vmul.f32 v51, v12;
	v19 =	vadd.f32 v19, v35;
	v20 =	vadd.f32 v20, v25;
	v25 =	vld [tilespmem:s30+$0x2430]  }
0x25b: {  	s31 =	simm.s32 $0x100;
	v35 =	vmul.f32 v54, v13;
	v17 =	vadd.f32 v17, v27;
	v16 =	vmul.f32 v16, v9;
	v27 =	vld [tilespmem:s30+$0x2440]  }
0x25c: {  	s2 =	sand.u32 $0x300, s31;
	v19 =	vadd.f32 v19, v22;
	v22 =	vmul.f32 v26, v0;
	v26 =	vmul.f32 v29, v1;
	v29 =	vld [tilespmem:s30+$0x2450]  }
0x25d: {  	s22 =	sor.u32 s2, s1;
	v16 =	vadd.f32 v16, v28;
	v28 =	vmul.f32 v30, v2;
	v30 =	vmul.f32 v31, v3;
	v31 =	vld [tilespmem:s30+$0x2460]  }
0x25e: {  	v55 =	vld [tilespmem:s22+$0x2000];
	v33 =	vmul.f32 v52, v14;
	v23 =	vadd.f32 v23, v24;
	v24 =	vmul.f32 v37, v8  }
0x25f: {  	v57 =	vld [tilespmem:s22+$0x2010];
	v34 =	vmul.f32 v53, v15;
	v32 =	vadd.f32 v35, v32;
	v21 =	vmul.f32 v21, v11  }
0x260: {  	v58 =	vld [tilespmem:s22+$0x2020];
	v17 =	vadd.f32 v17, v20;
	v20 =	vmul.f32 v36, v5;
	v22 =	vadd.f32 v33, v22  }
0x261: {  	v59 =	vld [tilespmem:s22+$0x2070];
	v26 =	vadd.f32 v34, v26;
	v25 =	vmul.f32 v25, v6;
	v27 =	vmul.f32 v27, v4  }
0x262: {  	v60 =	vld [tilespmem:s22+$0x2400];
	v21 =	vadd.f32 v21, v28;
	v29 =	vmul.f32 v29, v7;
	v31 =	vmul.f32 v31, v9  }
0x263: {  	v62 =	vld [tilespmem:s22+$0x2410];
	v25 =	vadd.f32 v25, v30;
	v20 =	vadd.f32 v27, v20  }
0x264: {  	v28 =	vld [tilespmem:s22+$0x2030];
	v24 =	vadd.f32 v29, v24;
	v27 =	vadd.f32 v31, v56  }
0x265: {  	v26 =	vadd.f32 v26, v22;
	v30 =	vld [tilespmem:s22+$0x2040];
	v21 =	vadd.f32 v25, v21  }
0x266: {  	v29 =	vld [tilespmem:s22+$0x2050];
	v20 =	vadd.f32 v24, v20;
	v24 =	vadd.f32 v32, v27  }
0x267: {  	v61 =	vadd.f32 v19, v18;
	v16 =	vadd.f32 v23, v16;
	v23 =	vmul.f32 v55, v0;
	v31 =	vld [tilespmem:s22+$0x2060]  }
0x268: {  	v22 =	vmul.f32 v57, v1;
	v18 =	vadd.f32 v21, v26;
	v27 =	vld [tilespmem:s22+$0x2420];
	v26 =	vadd.f32 v24, v20  }
0x269: {  	v16 =	vadd.f32 v16, v17;
	v17 =	vmul.f32 v59, v12;
	v21 =	vmul.f32 v28, v3;
	v28 =	vld [tilespmem:s22+$0x2430]  }
0x26a: {  	v25 =	vld [tilespmem:s22+$0x2440];
	v19 =	vmul.f32 v30, v5;
	v30 =	vmul.f32 v60, v14;
	v63 =	vadd.f32 v26, v18  }
0x26b: {  	s23 =	sadd.s32 $0x100, s20;
	v24 =	vmul.f32 v58, v2;
	v20 =	vmul.f32 v29, v8;
	v26 =	vld [tilespmem:s22+$0x2450]  }
0x26c: {  	s25 =	simm.s32 $0x2;
	s26 =	simm.s32 $0x2000;
	s24 =	smov.u32 s20;
	v16 =	vadd.f32 v16, v61;
	v29 =	vmul.f32 v62, v15;
	v18 =	vmul.f32 v31, v10;
	[tilespmem:s23+$0x0] =	vst.add.f32.msk $0xffff, v63  }
.LBB2_11:
0x26d: {  	s0 =	sand.u32 $0x4000, s26;
	v23 =	vadd.f32 v30, v23;
	v27 =	vmul.f32 v27, v11;
	v30 =	vld [tilespmem:s22+$0x2460];
	s21 =	sadd.s32 $0x100, s21  }
0x26e: {  	s1 =	sadd.s32 $0xFFFFFF80, s21;
	s0 =	sor.u32 $0x800, s0;
	s2 =	sand.u32 $0x380, s21;
	v22 =	vadd.f32 v29, v22;
	v28 =	vmul.f32 v28, v6;
	v29 =	vld [tilespmem:s22+$0x2470]  }
0x26f: {  	s1 =	sand.u32 $0x300, s1;
	s2 =	sor.u32 s2, s0;
	v24 =	vadd.f32 v27, v24;
	v25 =	vmul.f32 v25, v4;
	[tilespmem:s24+$0xFFFFFF80] =	vst.add.f32.msk $0xffff, v16;
	s24 =	smov.u32 s23  }
0x270: {  	s22 =	sor.u32 s1, s0;
	v27 =	vld [tilespmem:s2+$0x2000];
	v16 =	vadd.f32 v28, v21;
	v21 =	vmul.f32 v26, v7;
	v22 =	vadd.f32 v22, v23  }
0x271: {  	v23 =	vld [tilespmem:s2+$0x2010];
	v19 =	vadd.f32 v25, v19  }
0x272: {  	v25 =	vld [tilespmem:s2+$0x2020];
	v20 =	vadd.f32 v21, v20;
	v21 =	vmul.f32 v30, v9;
	v16 =	vadd.f32 v16, v24  }
0x273: {  	v24 =	vld [tilespmem:s2+$0x2030];
	v26 =	vmul.f32 v29, v13  }
0x274: {  	v28 =	vld [tilespmem:s2+$0x2040];
	v18 =	vadd.f32 v21, v18;
	v19 =	vadd.f32 v20, v19  }
0x275: {  	v16 =	vadd.f32 v16, v22;
	v20 =	vld [tilespmem:s2+$0x2050];
	v17 =	vadd.f32 v26, v17  }
0x276: {  	v21 =	vld [tilespmem:s2+$0x2060]  }
0x277: {  	v22 =	vld [tilespmem:s2+$0x2070];
	v17 =	vadd.f32 v17, v18  }
0x278: {  	v18 =	vld [tilespmem:s2+$0x2400]  }
0x279: {  	v26 =	vld [tilespmem:s2+$0x2410];
	v17 =	vadd.f32 v17, v19  }
0x27a: {  	v19 =	vld [tilespmem:s2+$0x2420]  }
0x27b: {  	v29 =	vld [tilespmem:s2+$0x2430];
	v16 =	vadd.f32 v17, v16  }
0x27c: {  	s25 =	sadd.s32 $0x2, s25;
	v23 =	vmul.f32 v23, v1;
	v17 =	vmul.f32 v27, v0;
	v27 =	vld [tilespmem:s2+$0x2440]  }
0x27d: {  	p1 =	slt.u32 s25, $0xE;
	v25 =	vmul.f32 v25, v2;
	v24 =	vmul.f32 v24, v3;
	v30 =	vld [tilespmem:s2+$0x2450]  }
0x27e: {  	v28 =	vmul.f32 v28, v5;
	v20 =	vmul.f32 v20, v8;
	v31 =	vld [tilespmem:s2+$0x2460]  }
0x27f: {  	v21 =	vmul.f32 v21, v10;
	v32 =	vmul.f32 v22, v12;
	v22 =	vld [tilespmem:s2+$0x2470]  }
0x280: {  	v18 =	vmul.f32 v18, v14;
	v26 =	vmul.f32 v26, v15;
	v33 =	vld [tilespmem:s22+$0x2000]  }
0x281: {  	v19 =	vmul.f32 v19, v11;
	v29 =	vmul.f32 v29, v6;
	v34 =	vld [tilespmem:s22+$0x2010]  }
0x282: {  	v27 =	vmul.f32 v27, v4;
	v35 =	vld [tilespmem:s22+$0x2020];
	v30 =	vmul.f32 v30, v7  }
0x283: {  	v17 =	vadd.f32 v18, v17;
	v18 =	vadd.f32 v26, v23;
	v36 =	vld [tilespmem:s22+$0x2030];
	v26 =	vmul.f32 v31, v9  }
0x284: {  	v19 =	vadd.f32 v19, v25;
	v25 =	vadd.f32 v29, v24;
	v31 =	vld [tilespmem:s22+$0x2040];
	v24 =	vmul.f32 v22, v13  }
0x285: {  	v27 =	vadd.f32 v27, v28;
	v20 =	vadd.f32 v30, v20;
	v23 =	vmul.f32 v33, v0;
	v29 =	vld [tilespmem:s22+$0x2050]  }
0x286: {  	v26 =	vadd.f32 v26, v21;
	v22 =	vmul.f32 v34, v1;
	v28 =	vld [tilespmem:s22+$0x2060];
	v30 =	vadd.f32 v24, v32  }
0x287: {  	v17 =	vadd.f32 v18, v17;
	v18 =	vadd.f32 v25, v19;
	v24 =	vmul.f32 v35, v2;
	v32 =	vld [tilespmem:s22+$0x2070]  }
0x288: {  	v25 =	vadd.f32 v20, v27;
	v21 =	vmul.f32 v36, v3;
	v33 =	vld [tilespmem:s22+$0x2400];
	v26 =	vadd.f32 v30, v26  }
0x289: {  	v19 =	vmul.f32 v31, v5;
	v31 =	vld [tilespmem:s22+$0x2410]  }
.Ltmp4:
0x28a: {  	v20 =	vmul.f32 v29, v8;
	v27 =	vld [tilespmem:s22+$0x2420];
	v29 =	vadd.f32 v18, v17;
	v26 =	vadd.f32 v26, v25;
	(pc) =	sbr.rel @p1 .LBB2_11-.Ltmp4, $4  }
0x28b: {  	v18 =	vmul.f32 v28, v10;
	v28 =	vld [tilespmem:s22+$0x2430]  }
0x28c: {  	v17 =	vmul.f32 v32, v12;
	v25 =	vld [tilespmem:s22+$0x2440];
	v32 =	vadd.f32 v26, v29  }
0x28d: {  	s23 =	sadd.s32 $0x100, s23;
	v30 =	vmul.f32 v33, v14;
	v26 =	vld [tilespmem:s22+$0x2450]  }
0x28e: {  	s26 =	sadd.s32 $0x1000, s26;
	v29 =	vmul.f32 v31, v15;
	[tilespmem:s23+$0x0] =	vst.add.f32.msk $0xffff, v32  }
0x28f: {  	v0 =	vld [tilespmem:s22+$0x2460]  }
0x290: {  	v1 =	vld [tilespmem:s22+$0x2470];
	_ =	sdelay $0x1  }
0x291: {  	v2 =	vmul.f32 v27, v11  }
0x292: {  	v3 =	vadd.f32 v30, v23;
	v5 =	vadd.f32 v29, v22;
	v6 =	vmul.f32 v28, v6  }
0x293: {  	v2 =	vadd.f32 v2, v24;
	v4 =	vmul.f32 v25, v4;
	v7 =	vmul.f32 v26, v7  }
0x294: {  	v6 =	vadd.f32 v6, v21;
	v0 =	vmul.f32 v0, v9;
	v1 =	vmul.f32 v1, v13  }
0x295: {  	v4 =	vadd.f32 v4, v19;
	v7 =	vadd.f32 v7, v20  }
0x296: {  	v0 =	vadd.f32 v0, v18;
	v1 =	vadd.f32 v1, v17  }
0x297: {  	v3 =	vadd.f32 v5, v3;
	v2 =	vadd.f32 v6, v2  }
0x298: {  	v4 =	vadd.f32 v7, v4;
	v0 =	vadd.f32 v1, v0;
	_ =	sdelay $0x1  }
0x299: {  	v1 =	vadd.f32 v2, v3;
	v0 =	vadd.f32 v0, v4;
	_ =	sdelay $0x1  }
0x29a: {  	v0 =	vadd.f32 v0, v1  }
0x29b: {  	[tilespmem:s24+$0xFFFFFF80] =	vst.add.f32.msk $0xffff, v16  }
0x29c: {  	[tilespmem:s23+$0xFFFFFF80] =	vst.add.f32.msk $0xffff, v0  }
0x29d: {  	v0 =	vld [tilespmem:$0x500]  }
0x29e: {  	v1 =	vld [tilespmem:$0x510]  }
0x29f: {  	v2 =	vld [tilespmem:$0x520]  }
0x2a0: {  	v3 =	vld [tilespmem:$0x530]  }
0x2a1: {  	v5 =	vld [tilespmem:$0x540]  }
0x2a2: {  	v8 =	vld [tilespmem:$0x550]  }
0x2a3: {  	v10 =	vld [tilespmem:$0x560]  }
0x2a4: {  	v12 =	vld [tilespmem:$0x570]  }
0x2a5: {  	v14 =	vld [tilespmem:$0x580]  }
0x2a6: {  	v15 =	vld [tilespmem:$0x590]  }
0x2a7: {  	v11 =	vld [tilespmem:$0x5A0]  }
0x2a8: {  	v6 =	vld [tilespmem:$0x5B0]  }
0x2a9: {  	s0 =	simm.s32 $0x0;
	v4 =	vld [tilespmem:$0x5C0]  }
0x2aa: {  	s1 =	simm.s32 $0x80;
	s0 =	sand.u32 $0x4000, s0;
	v7 =	vld [tilespmem:$0x5D0]  }
0x2ab: {  	s1 =	sand.u32 $0x380, s1;
	s0 =	sor.u32 $0x800, s0;
	v9 =	vld [tilespmem:$0x5E0]  }
0x2ac: {  	s1 =	sor.u32 s1, s0;
	v13 =	vld [tilespmem:$0x5F0]  }
0x2ad: {  	v16 =	vld [tilespmem:s1+$0x2800]  }
0x2ae: {  	v17 =	vld [tilespmem:s1+$0x2810]  }
0x2af: {  	v18 =	vld [tilespmem:s1+$0x2820]  }
0x2b0: {  	v19 =	vld [tilespmem:s1+$0x2830]  }
0x2b1: {  	v20 =	vld [tilespmem:s1+$0x2840]  }
0x2b2: {  	v21 =	vld [tilespmem:s1+$0x2850]  }
0x2b3: {  	v22 =	vld [tilespmem:s1+$0x2860]  }
0x2b4: {  	v23 =	vld [tilespmem:s1+$0x2870]  }
0x2b5: {  	v24 =	vld [tilespmem:s1+$0x2C00]  }
0x2b6: {  	v25 =	vld [tilespmem:s1+$0x2C10]  }
0x2b7: {  	v26 =	vld [tilespmem:s1+$0x2C20]  }
0x2b8: {  	v27 =	vld [tilespmem:s1+$0x2C30]  }
0x2b9: {  	v28 =	vld [tilespmem:s1+$0x2C40]  }
0x2ba: {  	s2 =	simm.s32 $0x0;
	v29 =	vld [tilespmem:s1+$0x2C50]  }
0x2bb: {  	s2 =	sand.u32 $0x300, s2;
	v30 =	vld [tilespmem:s1+$0x2C60]  }
0x2bc: {  	s0 =	sor.u32 s2, s0;
	v31 =	vld [tilespmem:s1+$0x2C70]  }
0x2bd: {  	s28 =	simm.s32 $0x1000;
	v32 =	vld [tilespmem:s0+$0x2800]  }
0x2be: {  	s21 =	simm.s32 $0x180;
	v33 =	vld [tilespmem:s0+$0x2810];
	s1 =	sand.u32 $0x4000, s28  }
0x2bf: {  	s29 =	sand.u32 $0x380, s21;
	v34 =	vld [tilespmem:s0+$0x2820];
	s1 =	sor.u32 $0x800, s1  }
0x2c0: {  	v35 =	vld [tilespmem:s0+$0x2830];
	s30 =	sor.u32 s29, s1  }
0x2c1: {  	v36 =	vld [tilespmem:s30+$0x2840]  }
0x2c2: {  	v37 =	vld [tilespmem:s30+$0x2850]  }
0x2c3: {  	v38 =	vld [tilespmem:s30+$0x2860];
	v16 =	vmul.f32 v16, v0;
	v17 =	vmul.f32 v17, v1  }
0x2c4: {  	v51 =	vld [tilespmem:s30+$0x2870];
	v18 =	vmul.f32 v18, v2;
	v19 =	vmul.f32 v19, v3  }
0x2c5: {  	v52 =	vld [tilespmem:s30+$0x2C00];
	v20 =	vmul.f32 v20, v5;
	v21 =	vmul.f32 v21, v8  }
0x2c6: {  	v53 =	vld [tilespmem:s30+$0x2C10];
	v22 =	vmul.f32 v22, v10;
	v25 =	vmul.f32 v25, v15  }
0x2c7: {  	v54 =	vld [tilespmem:s30+$0x2C70];
	v23 =	vmul.f32 v23, v12;
	v27 =	vmul.f32 v27, v6  }
0x2c8: {  	v24 =	vmul.f32 v24, v14;
	v28 =	vmul.f32 v28, v4;
	v17 =	vadd.f32 v25, v17;
	v25 =	vld [tilespmem:s0+$0x2840]  }
0x2c9: {  	v26 =	vmul.f32 v26, v11;
	v29 =	vmul.f32 v29, v7;
	v19 =	vadd.f32 v27, v19;
	v27 =	vld [tilespmem:s0+$0x2850]  }
0x2ca: {  	v16 =	vadd.f32 v24, v16;
	v24 =	vmul.f32 v30, v9;
	v20 =	vadd.f32 v28, v20;
	v28 =	vld [tilespmem:s0+$0x2860]  }
0x2cb: {  	v18 =	vadd.f32 v26, v18;
	v26 =	vmul.f32 v31, v13;
	v21 =	vadd.f32 v29, v21;
	v29 =	vld [tilespmem:s30+$0x2810]  }
0x2cc: {  	v30 =	vld [tilespmem:s30+$0x2820]  }
0x2cd: {  	v22 =	vadd.f32 v24, v22;
	v23 =	vadd.f32 v26, v23;
	v24 =	vld [tilespmem:s0+$0x2870]  }
0x2ce: {  	v16 =	vadd.f32 v17, v16;
	v17 =	vadd.f32 v19, v18;
	v18 =	vld [tilespmem:s0+$0x2C00]  }
0x2cf: {  	v19 =	vadd.f32 v21, v20;
	v21 =	vld [tilespmem:s0+$0x2C10];
	v20 =	vadd.f32 v23, v22  }
0x2d0: {  	v32 =	vmul.f32 v32, v0;
	v22 =	vld [tilespmem:s0+$0x2C20]  }
0x2d1: {  	v33 =	vmul.f32 v33, v1;
	v16 =	vadd.f32 v17, v16;
	v23 =	vld [tilespmem:s0+$0x2C70];
	v17 =	vadd.f32 v20, v19  }
0x2d2: {  	v34 =	vmul.f32 v34, v2;
	v35 =	vmul.f32 v35, v3;
	v19 =	vld [tilespmem:s0+$0x2C30]  }
0x2d3: {  	v56 =	vmul.f32 v38, v10;
	v25 =	vmul.f32 v25, v5;
	v20 =	vld [tilespmem:s0+$0x2C40];
	v16 =	vadd.f32 v17, v16  }
0x2d4: {  	v27 =	vmul.f32 v27, v8;
	v28 =	vmul.f32 v28, v10;
	v17 =	vld [tilespmem:s0+$0x2C50]  }
0x2d5: {  	v18 =	vmul.f32 v18, v14;
	v21 =	vmul.f32 v21, v15;
	[tilespmem:s20+$0x0] =	vst.add.f32.msk $0xffff, v16  }
0x2d6: {  	v24 =	vmul.f32 v24, v12;
	v22 =	vmul.f32 v22, v11;
	v16 =	vld [tilespmem:s0+$0x2C60]  }
0x2d7: {  	v26 =	vld [tilespmem:s30+$0x2800];
	v18 =	vadd.f32 v18, v32;
	v21 =	vadd.f32 v21, v33;
	v23 =	vmul.f32 v23, v13  }
0x2d8: {  	v31 =	vld [tilespmem:s30+$0x2830];
	v19 =	vmul.f32 v19, v6;
	v20 =	vmul.f32 v20, v4  }
0x2d9: {  	v22 =	vadd.f32 v22, v34;
	v18 =	vadd.f32 v21, v18;
	v21 =	vld [tilespmem:s30+$0x2C20];
	v17 =	vmul.f32 v17, v7  }
0x2da: {  	v32 =	vmul.f32 v51, v12;
	v19 =	vadd.f32 v19, v35;
	v20 =	vadd.f32 v20, v25;
	v25 =	vld [tilespmem:s30+$0x2C30]  }
0x2db: {  	s31 =	simm.s32 $0x100;
	v35 =	vmul.f32 v54, v13;
	v17 =	vadd.f32 v17, v27;
	v16 =	vmul.f32 v16, v9;
	v27 =	vld [tilespmem:s30+$0x2C40]  }
0x2dc: {  	s2 =	sand.u32 $0x300, s31;
	v19 =	vadd.f32 v19, v22;
	v22 =	vmul.f32 v26, v0;
	v26 =	vmul.f32 v29, v1;
	v29 =	vld [tilespmem:s30+$0x2C50]  }
0x2dd: {  	s22 =	sor.u32 s2, s1;
	v16 =	vadd.f32 v16, v28;
	v28 =	vmul.f32 v30, v2;
	v30 =	vmul.f32 v31, v3;
	v31 =	vld [tilespmem:s30+$0x2C60]  }
0x2de: {  	v55 =	vld [tilespmem:s22+$0x2800];
	v33 =	vmul.f32 v52, v14;
	v23 =	vadd.f32 v23, v24;
	v24 =	vmul.f32 v37, v8  }
0x2df: {  	v57 =	vld [tilespmem:s22+$0x2810];
	v34 =	vmul.f32 v53, v15;
	v32 =	vadd.f32 v35, v32;
	v21 =	vmul.f32 v21, v11  }
0x2e0: {  	v58 =	vld [tilespmem:s22+$0x2820];
	v17 =	vadd.f32 v17, v20;
	v20 =	vmul.f32 v36, v5;
	v22 =	vadd.f32 v33, v22  }
0x2e1: {  	v59 =	vld [tilespmem:s22+$0x2870];
	v26 =	vadd.f32 v34, v26;
	v25 =	vmul.f32 v25, v6;
	v27 =	vmul.f32 v27, v4  }
0x2e2: {  	v60 =	vld [tilespmem:s22+$0x2C00];
	v21 =	vadd.f32 v21, v28;
	v29 =	vmul.f32 v29, v7;
	v31 =	vmul.f32 v31, v9  }
0x2e3: {  	v62 =	vld [tilespmem:s22+$0x2C10];
	v25 =	vadd.f32 v25, v30;
	v20 =	vadd.f32 v27, v20  }
0x2e4: {  	v28 =	vld [tilespmem:s22+$0x2830];
	v24 =	vadd.f32 v29, v24;
	v27 =	vadd.f32 v31, v56  }
0x2e5: {  	v26 =	vadd.f32 v26, v22;
	v30 =	vld [tilespmem:s22+$0x2840];
	v21 =	vadd.f32 v25, v21  }
0x2e6: {  	v29 =	vld [tilespmem:s22+$0x2850];
	v20 =	vadd.f32 v24, v20;
	v24 =	vadd.f32 v32, v27  }
0x2e7: {  	v61 =	vadd.f32 v19, v18;
	v16 =	vadd.f32 v23, v16;
	v23 =	vmul.f32 v55, v0;
	v31 =	vld [tilespmem:s22+$0x2860]  }
0x2e8: {  	v22 =	vmul.f32 v57, v1;
	v18 =	vadd.f32 v21, v26;
	v27 =	vld [tilespmem:s22+$0x2C20];
	v26 =	vadd.f32 v24, v20  }
0x2e9: {  	v16 =	vadd.f32 v16, v17;
	v17 =	vmul.f32 v59, v12;
	v21 =	vmul.f32 v28, v3;
	v28 =	vld [tilespmem:s22+$0x2C30]  }
0x2ea: {  	v25 =	vld [tilespmem:s22+$0x2C40];
	v19 =	vmul.f32 v30, v5;
	v30 =	vmul.f32 v60, v14;
	v63 =	vadd.f32 v26, v18  }
0x2eb: {  	s23 =	sadd.s32 $0x100, s20;
	v24 =	vmul.f32 v58, v2;
	v20 =	vmul.f32 v29, v8;
	v26 =	vld [tilespmem:s22+$0x2C50]  }
0x2ec: {  	s25 =	simm.s32 $0x2;
	s26 =	simm.s32 $0x2000;
	s24 =	smov.u32 s20;
	v16 =	vadd.f32 v16, v61;
	v29 =	vmul.f32 v62, v15;
	v18 =	vmul.f32 v31, v10;
	[tilespmem:s23+$0x0] =	vst.add.f32.msk $0xffff, v63  }
.LBB2_13:
0x2ed: {  	s0 =	sand.u32 $0x4000, s26;
	v23 =	vadd.f32 v30, v23;
	v27 =	vmul.f32 v27, v11;
	v30 =	vld [tilespmem:s22+$0x2C60];
	s21 =	sadd.s32 $0x100, s21  }
0x2ee: {  	s1 =	sadd.s32 $0xFFFFFF80, s21;
	s0 =	sor.u32 $0x800, s0;
	s2 =	sand.u32 $0x380, s21;
	v22 =	vadd.f32 v29, v22;
	v28 =	vmul.f32 v28, v6;
	v29 =	vld [tilespmem:s22+$0x2C70]  }
0x2ef: {  	s1 =	sand.u32 $0x300, s1;
	s2 =	sor.u32 s2, s0;
	v24 =	vadd.f32 v27, v24;
	v25 =	vmul.f32 v25, v4;
	[tilespmem:s24+$0xFFFFFF80] =	vst.add.f32.msk $0xffff, v16;
	s24 =	smov.u32 s23  }
0x2f0: {  	s22 =	sor.u32 s1, s0;
	v27 =	vld [tilespmem:s2+$0x2800];
	v16 =	vadd.f32 v28, v21;
	v21 =	vmul.f32 v26, v7;
	v22 =	vadd.f32 v22, v23  }
0x2f1: {  	v23 =	vld [tilespmem:s2+$0x2810];
	v19 =	vadd.f32 v25, v19  }
0x2f2: {  	v25 =	vld [tilespmem:s2+$0x2820];
	v20 =	vadd.f32 v21, v20;
	v21 =	vmul.f32 v30, v9;
	v16 =	vadd.f32 v16, v24  }
0x2f3: {  	v24 =	vld [tilespmem:s2+$0x2830];
	v26 =	vmul.f32 v29, v13  }
0x2f4: {  	v28 =	vld [tilespmem:s2+$0x2840];
	v18 =	vadd.f32 v21, v18;
	v19 =	vadd.f32 v20, v19  }
0x2f5: {  	v16 =	vadd.f32 v16, v22;
	v20 =	vld [tilespmem:s2+$0x2850];
	v17 =	vadd.f32 v26, v17  }
0x2f6: {  	v21 =	vld [tilespmem:s2+$0x2860]  }
0x2f7: {  	v22 =	vld [tilespmem:s2+$0x2870];
	v17 =	vadd.f32 v17, v18  }
0x2f8: {  	v18 =	vld [tilespmem:s2+$0x2C00]  }
0x2f9: {  	v26 =	vld [tilespmem:s2+$0x2C10];
	v17 =	vadd.f32 v17, v19  }
0x2fa: {  	v19 =	vld [tilespmem:s2+$0x2C20]  }
0x2fb: {  	v29 =	vld [tilespmem:s2+$0x2C30];
	v16 =	vadd.f32 v17, v16  }
0x2fc: {  	s25 =	sadd.s32 $0x2, s25;
	v23 =	vmul.f32 v23, v1;
	v17 =	vmul.f32 v27, v0;
	v27 =	vld [tilespmem:s2+$0x2C40]  }
0x2fd: {  	p1 =	slt.u32 s25, $0xE;
	v25 =	vmul.f32 v25, v2;
	v24 =	vmul.f32 v24, v3;
	v30 =	vld [tilespmem:s2+$0x2C50]  }
0x2fe: {  	v28 =	vmul.f32 v28, v5;
	v20 =	vmul.f32 v20, v8;
	v31 =	vld [tilespmem:s2+$0x2C60]  }
0x2ff: {  	v21 =	vmul.f32 v21, v10;
	v32 =	vmul.f32 v22, v12;
	v22 =	vld [tilespmem:s2+$0x2C70]  }
0x300: {  	v18 =	vmul.f32 v18, v14;
	v26 =	vmul.f32 v26, v15;
	v33 =	vld [tilespmem:s22+$0x2800]  }
0x301: {  	v19 =	vmul.f32 v19, v11;
	v29 =	vmul.f32 v29, v6;
	v34 =	vld [tilespmem:s22+$0x2810]  }
0x302: {  	v27 =	vmul.f32 v27, v4;
	v35 =	vld [tilespmem:s22+$0x2820];
	v30 =	vmul.f32 v30, v7  }
0x303: {  	v17 =	vadd.f32 v18, v17;
	v18 =	vadd.f32 v26, v23;
	v36 =	vld [tilespmem:s22+$0x2830];
	v26 =	vmul.f32 v31, v9  }
0x304: {  	v19 =	vadd.f32 v19, v25;
	v25 =	vadd.f32 v29, v24;
	v31 =	vld [tilespmem:s22+$0x2840];
	v24 =	vmul.f32 v22, v13  }
0x305: {  	v27 =	vadd.f32 v27, v28;
	v20 =	vadd.f32 v30, v20;
	v23 =	vmul.f32 v33, v0;
	v29 =	vld [tilespmem:s22+$0x2850]  }
0x306: {  	v26 =	vadd.f32 v26, v21;
	v22 =	vmul.f32 v34, v1;
	v28 =	vld [tilespmem:s22+$0x2860];
	v30 =	vadd.f32 v24, v32  }
0x307: {  	v17 =	vadd.f32 v18, v17;
	v18 =	vadd.f32 v25, v19;
	v24 =	vmul.f32 v35, v2;
	v32 =	vld [tilespmem:s22+$0x2870]  }
0x308: {  	v25 =	vadd.f32 v20, v27;
	v21 =	vmul.f32 v36, v3;
	v33 =	vld [tilespmem:s22+$0x2C00];
	v26 =	vadd.f32 v30, v26  }
0x309: {  	v19 =	vmul.f32 v31, v5;
	v31 =	vld [tilespmem:s22+$0x2C10]  }
.Ltmp5:
0x30a: {  	v20 =	vmul.f32 v29, v8;
	v27 =	vld [tilespmem:s22+$0x2C20];
	v29 =	vadd.f32 v18, v17;
	v26 =	vadd.f32 v26, v25;
	(pc) =	sbr.rel @p1 .LBB2_13-.Ltmp5, $4  }
0x30b: {  	v18 =	vmul.f32 v28, v10;
	v28 =	vld [tilespmem:s22+$0x2C30]  }
0x30c: {  	v17 =	vmul.f32 v32, v12;
	v25 =	vld [tilespmem:s22+$0x2C40];
	v32 =	vadd.f32 v26, v29  }
0x30d: {  	s23 =	sadd.s32 $0x100, s23;
	v30 =	vmul.f32 v33, v14;
	v26 =	vld [tilespmem:s22+$0x2C50]  }
0x30e: {  	s26 =	sadd.s32 $0x1000, s26;
	v29 =	vmul.f32 v31, v15;
	[tilespmem:s23+$0x0] =	vst.add.f32.msk $0xffff, v32  }
0x30f: {  	v0 =	vld [tilespmem:s22+$0x2C60]  }
0x310: {  	v1 =	vld [tilespmem:s22+$0x2C70];
	_ =	sdelay $0x1  }
0x311: {  	v2 =	vmul.f32 v27, v11  }
0x312: {  	v3 =	vadd.f32 v30, v23;
	v5 =	vadd.f32 v29, v22;
	v6 =	vmul.f32 v28, v6  }
0x313: {  	v2 =	vadd.f32 v2, v24;
	v4 =	vmul.f32 v25, v4;
	v7 =	vmul.f32 v26, v7  }
0x314: {  	v6 =	vadd.f32 v6, v21;
	v0 =	vmul.f32 v0, v9;
	v1 =	vmul.f32 v1, v13  }
0x315: {  	v4 =	vadd.f32 v4, v19;
	v7 =	vadd.f32 v7, v20  }
0x316: {  	v0 =	vadd.f32 v0, v18;
	v1 =	vadd.f32 v1, v17  }
0x317: {  	v3 =	vadd.f32 v5, v3;
	v2 =	vadd.f32 v6, v2  }
0x318: {  	v4 =	vadd.f32 v7, v4;
	v0 =	vadd.f32 v1, v0;
	_ =	sdelay $0x1  }
0x319: {  	v1 =	vadd.f32 v2, v3;
	v0 =	vadd.f32 v0, v4;
	_ =	sdelay $0x1  }
0x31a: {  	v0 =	vadd.f32 v0, v1  }
0x31b: {  	[tilespmem:s24+$0xFFFFFF80] =	vst.add.f32.msk $0xffff, v16  }
0x31c: {  	[tilespmem:s23+$0xFFFFFF80] =	vst.add.f32.msk $0xffff, v0  }
0x31d: {  	v4 =	vld [tilespmem:$0x600]  }
0x31e: {  	v2 =	vld [tilespmem:$0x610]  }
0x31f: {  	v3 =	vld [tilespmem:$0x620]  }
0x320: {  	v0 =	vld [tilespmem:$0x630]  }
0x321: {  	v12 =	vld [tilespmem:$0x640]  }
0x322: {  	v1 =	vld [tilespmem:$0x650]  }
0x323: {  	v6 =	vld [tilespmem:$0x660]  }
0x324: {  	v8 =	vld [tilespmem:$0x670]  }
0x325: {  	v9 =	vld [tilespmem:$0x680]  }
0x326: {  	v13 =	vld [tilespmem:$0x690]  }
0x327: {  	v11 =	vld [tilespmem:$0x6A0]  }
0x328: {  	s0 =	simm.s32 $0x0;
	v5 =	vld [tilespmem:$0x6B0]  }
0x329: {  	s1 =	sand.u32 $0x3, s0;
	v14 =	vld [tilespmem:$0x6C0]  }
0x32a: {  	s0 =	sand.u32 $0x7, s0;
	s1 =	sshll.u32 s1, $0x8;
	v7 =	vld [tilespmem:$0x6D0]  }
0x32b: {  	s2 =	sshll.u32 s0, $0x7;
	s0 =	sadd.s32 $0x0, s1;
	v10 =	vld [tilespmem:$0x6E0]  }
0x32c: {  	s1 =	sadd.s32 $0x80, s2;
	s19 =	sor.u32 $0x3410, s0;
	v15 =	vld [tilespmem:$0x6F0]  }
0x32d: {  	s21 =	sor.u32 $0x3460, s1;
	v18 =	vld [tilespmem:s19+$0x800]  }
0x32e: {  	s3 =	sor.u32 $0x3440, s0;
	v17 =	vld [tilespmem:s21+$0x800]  }
0x32f: {  	s22 =	sor.u32 $0x3470, s1;
	v16 =	vld [tilespmem:s3+$0x800]  }
0x330: {  	s23 =	sor.u32 $0x3450, s1;
	v19 =	vld [tilespmem:s22+$0x800]  }
0x331: {  	s24 =	sor.u32 $0x3040, s0;
	v23 =	vld [tilespmem:s23+$0x800]  }
0x332: {  	s25 =	sor.u32 $0x3000, s1;
	v25 =	vld [tilespmem:s24+$0x800]  }
0x333: {  	s26 =	sor.u32 $0x3070, s1;
	v28 =	vld [tilespmem:s25+$0x800]  }
0x334: {  	s4 =	sor.u32 $0x3060, s1;
	v21 =	vld [tilespmem:s26+$0x800]  }
0x335: {  	s5 =	sor.u32 $0x3430, s1;
	v24 =	vld [tilespmem:s4+$0x800]  }
0x336: {  	s6 =	sor.u32 $0x3440, s1;
	v26 =	vld [tilespmem:s5+$0x800]  }
0x337: {  	s7 =	sor.u32 $0x3050, s1;
	v27 =	vld [tilespmem:s6+$0x800]  }
0x338: {  	s8 =	sor.u32 $0x3420, s1;
	v29 =	vld [tilespmem:s7+$0x800]  }
0x339: {  	s9 =	sor.u32 $0x3400, s0;
	v30 =	vld [tilespmem:s8+$0x800]  }
0x33a: {  	s10 =	sor.u32 $0x3040, s1;
	v20 =	vld [tilespmem:s9+$0x800]  }
0x33b: {  	s11 =	sor.u32 $0x3000, s0;
	v31 =	vld [tilespmem:s10+$0x800]  }
0x33c: {  	s12 =	sor.u32 $0x3030, s1;
	v22 =	vld [tilespmem:s11+$0x800]  }
0x33d: {  	s14 =	sor.u32 $0x3400, s1;
	v32 =	vld [tilespmem:s12+$0x800]  }
0x33e: {  	s16 =	sor.u32 $0x3020, s1;
	v34 =	vld [tilespmem:s14+$0x800];
	v17 =	vmul.f32 v17, v10;
	v33 =	vmul.f32 v21, v8  }
0x33f: {  	s17 =	sor.u32 $0x3410, s1;
	v36 =	vld [tilespmem:s16+$0x800];
	v23 =	vmul.f32 v23, v7;
	v19 =	vmul.f32 v19, v15  }
0x340: {  	s13 =	sor.u32 $0x3010, s0;
	v37 =	vld [tilespmem:s17+$0x800];
	v35 =	vmul.f32 v24, v6;
	v29 =	vmul.f32 v29, v1  }
0x341: {  	s15 =	sor.u32 $0x3470, s0;
	v21 =	vld [tilespmem:s13+$0x800];
	v27 =	vmul.f32 v27, v14;
	v31 =	vmul.f32 v31, v12  }
0x342: {  	s25 =	sor.u32 $0x3070, s0;
	v24 =	vld [tilespmem:s15+$0x800];
	v33 =	vadd.f32 v19, v33;
	v35 =	vadd.f32 v17, v35  }
0x343: {  	s18 =	sor.u32 $0x3420, s0;
	v63 =	vmul.f32 v26, v5;
	v26 =	vld [tilespmem:s25+$0x800];
	v29 =	vadd.f32 v23, v29;
	v27 =	vadd.f32 v27, v31  }
0x344: {  	s28 =	simm.s32 $0x2;
	s29 =	simm.s32 $0x1;
	s1 =	sor.u32 $0x3010, s1;
	v38 =	vmul.f32 v30, v11;
	v17 =	vmul.f32 v25, v12;
	v25 =	vld [tilespmem:s18+$0x800]  }
0x345: {  	s30 =	sor.u32 $0x3460, s0;
	s31 =	sor.u32 $0x3050, s0;
	s19 =	sor.u32 $0x3450, s0;
	v19 =	vmul.f32 v18, v13;
	v18 =	vadd.f32 v33, v35;
	v27 =	vadd.f32 v29, v27;
	v29 =	vld [tilespmem:s1+$0x800]  }
0x346: {  	s2 =	sor.u32 $0x3430, s0;
	s22 =	simm.s32 $0x0;
	s26 =	sor.u32 $0x3060, s0;
	v32 =	vmul.f32 v32, v0;
	v36 =	vmul.f32 v36, v3;
	v23 =	vld [tilespmem:s19+$0x800]  }
0x347: {  	s21 =	sor.u32 $0x3020, s0;
	s23 =	sor.u32 $0x3030, s0;
	s24 =	simm.s32 $0x1080;
	v31 =	vmul.f32 v34, v9;
	v33 =	vmul.f32 v28, v4;
	v18 =	vadd.f32 v18, v27;
	v27 =	vld [tilespmem:s26+$0x800]  }
0x348: {  	s25 =	simm.s32 $0x1000;
	v30 =	vmul.f32 v37, v13;
	v32 =	vadd.f32 v63, v32;
	v34 =	vadd.f32 v38, v36;
	v28 =	vld [tilespmem:s21+$0x800];
	s21 =	smov.u32 s20;
	s26 =	sadd.s32 $0x100, s20  }
.LBB2_15:
0x349: {  	s0 =	sand.u32 $0x7, s28;
	s1 =	sand.u32 $0x3, s29;
	s22 =	sadd.s32 $0x2, s22;
	v35 =	vmul.f32 v16, v14;
	v16 =	vld [tilespmem:s30+$0x800];
	v24 =	vmul.f32 v24, v15;
	v31 =	vadd.f32 v31, v33  }
0x34a: {  	v25 =	vmul.f32 v25, v11;
	s0 =	sshll.u32 s0, $0x7;
	s1 =	sshll.u32 s1, $0x8;
	p1 =	slt.u32 s22, $0xE;
	v33 =	vld [tilespmem:s2+$0x800];
	v29 =	vmul.f32 v29, v2;
	v32 =	vadd.f32 v32, v34  }
0x34b: {  	v20 =	vmul.f32 v20, v9;
	s9 =	sadd.s32 s0, s24;
	s5 =	sadd.s32 s1, s25;
	v34 =	vld [tilespmem:s31+$0x800];
	v26 =	vmul.f32 v26, v8  }
0x34c: {  	v22 =	vmul.f32 v22, v4;
	s0 =	sor.u32 $0x3410, s5;
	s10 =	sor.u32 $0x3470, s5;
	s1 =	sor.u32 $0x3470, s9;
	v36 =	vld [tilespmem:s23+$0x800];
	v27 =	vmul.f32 v27, v6;
	v29 =	vadd.f32 v30, v29  }
0x34d: {  	v21 =	vmul.f32 v21, v2;
	s17 =	sor.u32 $0x3010, s5;
	s30 =	sor.u32 $0x3460, s5;
	s2 =	sor.u32 $0x3460, s9;
	v30 =	vld [tilespmem:s0+$0x800];
	v28 =	vmul.f32 v28, v3  }
0x34e: {  	v20 =	vadd.f32 v20, v22;
	s3 =	sor.u32 $0x3440, s5;
	s11 =	sor.u32 $0x3450, s5;
	s0 =	sor.u32 $0x3020, s5;
	v37 =	vld [tilespmem:s2+$0x800];
	v22 =	vmul.f32 v16, v10;
	v29 =	vadd.f32 v29, v31  }
0x34f: {  	v23 =	vmul.f32 v23, v7;
	v19 =	vadd.f32 v19, v21;
	s23 =	sor.u32 $0x3030, s5;
	s31 =	sor.u32 $0x3050, s5;
	s2 =	sor.u32 $0x3450, s9;
	v16 =	vld [tilespmem:s3+$0x800];
	v21 =	vmul.f32 v33, v5  }
0x350: {  	s12 =	sor.u32 $0x3000, s5;
	s13 =	sor.u32 $0x3060, s5;
	s3 =	sor.u32 $0x3040, s5;
	v25 =	vadd.f32 v25, v28;
	v31 =	vld [tilespmem:s1+$0x800];
	v33 =	vmul.f32 v34, v1;
	v22 =	vadd.f32 v22, v27  }
0x351: {  	s8 =	sor.u32 $0x3070, s5;
	s6 =	sor.u32 $0x3420, s5;
	s14 =	sor.u32 $0x3070, s9;
	v19 =	vadd.f32 v19, v20;
	v20 =	vadd.f32 v32, v29;
	v27 =	vld [tilespmem:s2+$0x800];
	v28 =	vmul.f32 v36, v0  }
0x352: {  	v17 =	vadd.f32 v35, v17;
	s1 =	sor.u32 $0x3400, s9;
	s2 =	sor.u32 $0x3000, s9;
	v29 =	vld [tilespmem:s3+$0x800];
	s3 =	sor.u32 $0x3010, s9;
	v23 =	vadd.f32 v23, v33  }
0x353: {  	s18 =	sor.u32 $0x3020, s9;
	s4 =	sor.u32 $0x3040, s9;
	s7 =	sor.u32 $0x3060, s9;
	v24 =	vadd.f32 v24, v26;
	v32 =	vld [tilespmem:s2+$0x800];
	v21 =	vadd.f32 v21, v28  }
0x354: {  	s15 =	sor.u32 $0x3420, s9;
	s16 =	sor.u32 $0x3430, s9;
	v26 =	vld [tilespmem:s14+$0x800];
	s14 =	sor.u32 $0x3410, s9;
	v23 =	vadd.f32 v23, v17  }
0x355: {  	v22 =	vadd.f32 v24, v22;
	s2 =	sor.u32 $0x3430, s5;
	v28 =	vld [tilespmem:s7+$0x800];
	s7 =	sor.u32 $0x3440, s9;
	v21 =	vadd.f32 v21, v25  }
0x356: {  	s19 =	sor.u32 $0x3050, s9;
	v18 =	vadd.f32 v18, v20;
	v25 =	vld [tilespmem:s16+$0x800]  }
0x357: {  	v20 =	vadd.f32 v22, v23;
	v17 =	vmul.f32 v29, v12;
	v24 =	vld [tilespmem:s7+$0x800];
	v19 =	vadd.f32 v21, v19  }
0x358: {  	s7 =	sor.u32 $0x3030, s9;
	[tilespmem:s21+$0x0] =	vst.add.f32.msk $0xffff, v18  }
0x359: {  	v21 =	vmul.f32 v37, v10;
	v18 =	vld [tilespmem:s19+$0x800];
	v19 =	vadd.f32 v20, v19  }
0x35a: {  	v22 =	vmul.f32 v26, v8;
	v26 =	vmul.f32 v27, v7;
	v23 =	vld [tilespmem:s15+$0x800]  }
0x35b: {  	s5 =	sor.u32 $0x3400, s5;
	v27 =	vmul.f32 v31, v15;
	[tilespmem:s21+$0xFFFFFF80] =	vst.add.f32.msk $0xffff, v19;
	s21 =	smov.u32 s26  }
0x35c: {  	v19 =	vmul.f32 v30, v13;
	v20 =	vld [tilespmem:s5+$0x800]  }
0x35d: {  	v28 =	vmul.f32 v28, v6;
	v27 =	vadd.f32 v27, v22;
	v29 =	vld [tilespmem:s4+$0x800]  }
0x35e: {  	v22 =	vld [tilespmem:s12+$0x800];
	v18 =	vmul.f32 v18, v1  }
0x35f: {  	v28 =	vadd.f32 v21, v28;
	v30 =	vld [tilespmem:s7+$0x800]  }
0x360: {  	v21 =	vld [tilespmem:s17+$0x800];
	v18 =	vadd.f32 v26, v18  }
0x361: {  	v27 =	vadd.f32 v27, v28;
	v34 =	vmul.f32 v23, v11;
	v23 =	vmul.f32 v24, v14;
	v26 =	vld [tilespmem:s1+$0x800]  }
0x362: {  	v35 =	vmul.f32 v25, v5;
	v24 =	vld [tilespmem:s10+$0x800];
	v28 =	vmul.f32 v29, v12  }
0x363: {  	v33 =	vld [tilespmem:s18+$0x800]  }
0x364: {  	v36 =	vld [tilespmem:s14+$0x800];
	v28 =	vadd.f32 v23, v28  }
0x365: {  	v37 =	vmul.f32 v30, v0;
	v25 =	vld [tilespmem:s6+$0x800]  }
.Ltmp6:
0x366: {  	v23 =	vld [tilespmem:s11+$0x800];
	v18 =	vadd.f32 v18, v28;
	(pc) =	sbr.rel @p1 .LBB2_15-.Ltmp6, $4  }
0x367: {  	v31 =	vmul.f32 v26, v9;
	v29 =	vld [tilespmem:s3+$0x800]  }
0x368: {  	v26 =	vld [tilespmem:s8+$0x800];
	v38 =	vmul.f32 v33, v3;
	v18 =	vadd.f32 v27, v18  }
0x369: {  	s24 =	sadd.s32 $0x1000, s24;
	s25 =	sadd.s32 $0x1000, s25;
	v33 =	vmul.f32 v32, v4;
	v32 =	vadd.f32 v35, v37;
	v27 =	vld [tilespmem:s13+$0x800];
	v30 =	vmul.f32 v36, v13  }
0x36a: {  	s28 =	sadd.s32 $0x2, s28;
	s29 =	sadd.s32 $0x1, s29;
	s26 =	sadd.s32 $0x100, s26;
	v28 =	vld [tilespmem:s0+$0x800];
	v34 =	vadd.f32 v34, v38  }
0x36b: {  	v12 =	vld [tilespmem:s30+$0x800];
	v13 =	vmul.f32 v16, v14  }
0x36c: {  	v14 =	vmul.f32 v24, v15;
	v15 =	vld [tilespmem:s2+$0x800];
	v11 =	vmul.f32 v25, v11  }
0x36d: {  	v25 =	vld [tilespmem:s31+$0x800];
	v9 =	vmul.f32 v20, v9;
	v4 =	vmul.f32 v22, v4  }
0x36e: {  	v16 =	vadd.f32 v31, v33;
	v20 =	vld [tilespmem:s23+$0x800];
	v7 =	vmul.f32 v23, v7;
	v24 =	vmul.f32 v29, v2  }
0x36f: {  	v29 =	vadd.f32 v32, v34;
	v2 =	vmul.f32 v21, v2;
	v8 =	vmul.f32 v26, v8  }
0x370: {  	v4 =	vadd.f32 v9, v4;
	v6 =	vmul.f32 v27, v6;
	v22 =	vadd.f32 v30, v24  }
0x371: {  	v2 =	vadd.f32 v19, v2;
	v3 =	vmul.f32 v28, v3;
	v9 =	vmul.f32 v12, v10  }
0x372: {  	v10 =	vadd.f32 v22, v16;
	v5 =	vmul.f32 v15, v5;
	v1 =	vmul.f32 v25, v1  }
0x373: {  	v0 =	vmul.f32 v20, v0;
	v3 =	vadd.f32 v11, v3;
	v6 =	vadd.f32 v9, v6  }
0x374: {  	v9 =	vadd.f32 v13, v17;
	v1 =	vadd.f32 v7, v1  }
0x375: {  	v0 =	vadd.f32 v5, v0;
	v5 =	vadd.f32 v14, v8  }
0x376: {  	v2 =	vadd.f32 v2, v4;
	v1 =	vadd.f32 v1, v9  }
0x377: {  	v0 =	vadd.f32 v0, v3;
	v3 =	vadd.f32 v5, v6  }
0x378: {  	v4 =	vadd.f32 v29, v10  }
0x379: {  	v0 =	vadd.f32 v0, v2;
	v1 =	vadd.f32 v3, v1  }
0x37a: {  	v2 =	vadd.f32 v18, v4  }
0x37b: {  	v0 =	vadd.f32 v1, v0  }
0x37c: {  	[tilespmem:s21+$0x0] =	vst.add.f32.msk $0xffff, v2  }
0x37d: {  	[tilespmem:s21+$0xFFFFFF80] =	vst.add.f32.msk $0xffff, v0  }
0x37e: {  	v4 =	vld [tilespmem:$0x700]  }
0x37f: {  	v2 =	vld [tilespmem:$0x710]  }
0x380: {  	v3 =	vld [tilespmem:$0x720]  }
0x381: {  	v0 =	vld [tilespmem:$0x730]  }
0x382: {  	v12 =	vld [tilespmem:$0x740]  }
0x383: {  	v1 =	vld [tilespmem:$0x750]  }
0x384: {  	v6 =	vld [tilespmem:$0x760]  }
0x385: {  	v8 =	vld [tilespmem:$0x770]  }
0x386: {  	v9 =	vld [tilespmem:$0x780]  }
0x387: {  	v13 =	vld [tilespmem:$0x790]  }
0x388: {  	v11 =	vld [tilespmem:$0x7A0]  }
0x389: {  	s0 =	simm.s32 $0x0;
	v5 =	vld [tilespmem:$0x7B0]  }
0x38a: {  	s1 =	sand.u32 $0x3, s0;
	v14 =	vld [tilespmem:$0x7C0]  }
0x38b: {  	s0 =	sand.u32 $0x7, s0;
	s1 =	sshll.u32 s1, $0x8;
	v7 =	vld [tilespmem:$0x7D0]  }
0x38c: {  	s24 =	sshll.u32 s0, $0x7;
	s0 =	sadd.s32 $0x0, s1;
	v10 =	vld [tilespmem:$0x7E0]  }
0x38d: {  	s1 =	sadd.s32 $0x80, s24;
	s25 =	sor.u32 $0x3C10, s0;
	v15 =	vld [tilespmem:$0x7F0]  }
0x38e: {  	s26 =	sor.u32 $0x3C60, s1;
	v18 =	vld [tilespmem:s25+$0x800]  }
0x38f: {  	s3 =	sor.u32 $0x3C40, s0;
	v17 =	vld [tilespmem:s26+$0x800]  }
0x390: {  	s31 =	sor.u32 $0x3C70, s1;
	v16 =	vld [tilespmem:s3+$0x800]  }
0x391: {  	s4 =	sor.u32 $0x3C50, s1;
	v19 =	vld [tilespmem:s31+$0x800]  }
0x392: {  	s5 =	sor.u32 $0x3840, s0;
	v23 =	vld [tilespmem:s4+$0x800]  }
0x393: {  	s6 =	sor.u32 $0x3800, s1;
	v25 =	vld [tilespmem:s5+$0x800]  }
0x394: {  	s7 =	sor.u32 $0x3870, s1;
	v28 =	vld [tilespmem:s6+$0x800]  }
0x395: {  	s8 =	sor.u32 $0x3860, s1;
	v21 =	vld [tilespmem:s7+$0x800]  }
0x396: {  	s9 =	sor.u32 $0x3C30, s1;
	v24 =	vld [tilespmem:s8+$0x800]  }
0x397: {  	s10 =	sor.u32 $0x3C40, s1;
	v26 =	vld [tilespmem:s9+$0x800]  }
0x398: {  	s11 =	sor.u32 $0x3850, s1;
	v27 =	vld [tilespmem:s10+$0x800]  }
0x399: {  	s12 =	sor.u32 $0x3C20, s1;
	v29 =	vld [tilespmem:s11+$0x800]  }
0x39a: {  	s13 =	sor.u32 $0x3C00, s0;
	v30 =	vld [tilespmem:s12+$0x800]  }
0x39b: {  	s14 =	sor.u32 $0x3840, s1;
	v20 =	vld [tilespmem:s13+$0x800]  }
0x39c: {  	s15 =	sor.u32 $0x3800, s0;
	v31 =	vld [tilespmem:s14+$0x800]  }
0x39d: {  	s16 =	sor.u32 $0x3830, s1;
	v22 =	vld [tilespmem:s15+$0x800]  }
0x39e: {  	s18 =	sor.u32 $0x3C00, s1;
	v60 =	vld [tilespmem:s16+$0x800]  }
0x39f: {  	s21 =	sor.u32 $0x3820, s1;
	v62 =	vld [tilespmem:s18+$0x800];
	v17 =	vmul.f32 v17, v10;
	v61 =	vmul.f32 v21, v8  }
0x3a0: {  	s22 =	sor.u32 $0x3C10, s1;
	v36 =	vld [tilespmem:s21+$0x800];
	v23 =	vmul.f32 v23, v7;
	v19 =	vmul.f32 v19, v15  }
0x3a1: {  	s17 =	sor.u32 $0x3810, s0;
	v37 =	vld [tilespmem:s22+$0x800];
	v35 =	vmul.f32 v24, v6;
	v29 =	vmul.f32 v29, v1  }
0x3a2: {  	s19 =	sor.u32 $0x3C70, s0;
	v21 =	vld [tilespmem:s17+$0x800];
	v27 =	vmul.f32 v27, v14;
	v31 =	vmul.f32 v31, v12  }
0x3a3: {  	s26 =	sor.u32 $0x3870, s0;
	v24 =	vld [tilespmem:s19+$0x800];
	v33 =	vadd.f32 v19, v61;
	v35 =	vadd.f32 v17, v35  }
0x3a4: {  	s23 =	sor.u32 $0x3C20, s0;
	v63 =	vmul.f32 v26, v5;
	v26 =	vld [tilespmem:s26+$0x800];
	v29 =	vadd.f32 v23, v29;
	v27 =	vadd.f32 v27, v31  }
0x3a5: {  	s28 =	simm.s32 $0x1;
	s1 =	sor.u32 $0x3810, s1;
	v38 =	vmul.f32 v30, v11;
	v17 =	vmul.f32 v25, v12;
	v25 =	vld [tilespmem:s23+$0x800]  }
0x3a6: {  	s24 =	sor.u32 $0x3C50, s0;
	s29 =	sor.u32 $0x3C60, s0;
	s30 =	sor.u32 $0x3850, s0;
	v19 =	vmul.f32 v18, v13;
	v18 =	vadd.f32 v33, v35;
	v27 =	vadd.f32 v29, v27;
	v29 =	vld [tilespmem:s1+$0x800]  }
0x3a7: {  	s2 =	sor.u32 $0x3C30, s0;
	s21 =	simm.s32 $0x0;
	s31 =	sor.u32 $0x3860, s0;
	v32 =	vmul.f32 v60, v0;
	v36 =	vmul.f32 v36, v3;
	v23 =	vld [tilespmem:s24+$0x800]  }
0x3a8: {  	s25 =	sor.u32 $0x3820, s0;
	s22 =	sor.u32 $0x3830, s0;
	s26 =	simm.s32 $0x2;
	v31 =	vmul.f32 v62, v9;
	v33 =	vmul.f32 v28, v4;
	v18 =	vadd.f32 v18, v27;
	v27 =	vld [tilespmem:s31+$0x800]  }
0x3a9: {  	v30 =	vmul.f32 v37, v13;
	s23 =	simm.s32 $0x1080;
	s24 =	simm.s32 $0x1000;
	v32 =	vadd.f32 v63, v32;
	v34 =	vadd.f32 v38, v36;
	v28 =	vld [tilespmem:s25+$0x800];
	s25 =	sadd.s32 $0x100, s20  }
.LBB2_17:
0x3aa: {  	s0 =	sand.u32 $0x7, s26;
	s1 =	sand.u32 $0x3, s28;
	s21 =	sadd.s32 $0x2, s21;
	v35 =	vmul.f32 v16, v14;
	v16 =	vld [tilespmem:s29+$0x800];
	v24 =	vmul.f32 v24, v15;
	v31 =	vadd.f32 v31, v33  }
0x3ab: {  	v25 =	vmul.f32 v25, v11;
	s0 =	sshll.u32 s0, $0x7;
	s1 =	sshll.u32 s1, $0x8;
	p1 =	slt.u32 s21, $0xE;
	v33 =	vld [tilespmem:s2+$0x800];
	v29 =	vmul.f32 v29, v2;
	v32 =	vadd.f32 v32, v34  }
0x3ac: {  	v20 =	vmul.f32 v20, v9;
	s6 =	sadd.s32 s0, s23;
	s5 =	sadd.s32 s1, s24;
	v34 =	vld [tilespmem:s30+$0x800];
	v26 =	vmul.f32 v26, v8  }
0x3ad: {  	v22 =	vmul.f32 v22, v4;
	s0 =	sor.u32 $0x3C10, s5;
	s10 =	sor.u32 $0x3C70, s5;
	s1 =	sor.u32 $0x3C70, s6;
	v36 =	vld [tilespmem:s22+$0x800];
	v27 =	vmul.f32 v27, v6;
	v29 =	vadd.f32 v30, v29  }
0x3ae: {  	v21 =	vmul.f32 v21, v2;
	s17 =	sor.u32 $0x3810, s5;
	s29 =	sor.u32 $0x3C60, s5;
	s2 =	sor.u32 $0x3C60, s6;
	v30 =	vld [tilespmem:s0+$0x800];
	v28 =	vmul.f32 v28, v3  }
0x3af: {  	v20 =	vadd.f32 v20, v22;
	s3 =	sor.u32 $0x3C40, s5;
	s11 =	sor.u32 $0x3C50, s5;
	s0 =	sor.u32 $0x3820, s5;
	v37 =	vld [tilespmem:s2+$0x800];
	v22 =	vmul.f32 v16, v10;
	v29 =	vadd.f32 v29, v31  }
0x3b0: {  	v23 =	vmul.f32 v23, v7;
	v19 =	vadd.f32 v19, v21;
	s22 =	sor.u32 $0x3830, s5;
	s30 =	sor.u32 $0x3850, s5;
	s2 =	sor.u32 $0x3C50, s6;
	v16 =	vld [tilespmem:s3+$0x800];
	v21 =	vmul.f32 v33, v5  }
0x3b1: {  	s12 =	sor.u32 $0x3800, s5;
	s13 =	sor.u32 $0x3860, s5;
	s3 =	sor.u32 $0x3840, s5;
	v25 =	vadd.f32 v25, v28;
	v31 =	vld [tilespmem:s1+$0x800];
	v33 =	vmul.f32 v34, v1;
	v22 =	vadd.f32 v22, v27  }
0x3b2: {  	s8 =	sor.u32 $0x3870, s5;
	s9 =	sor.u32 $0x3C20, s5;
	s4 =	sor.u32 $0x3870, s6;
	v19 =	vadd.f32 v19, v20;
	v20 =	vadd.f32 v32, v29;
	v27 =	vld [tilespmem:s2+$0x800];
	v28 =	vmul.f32 v36, v0  }
0x3b3: {  	v17 =	vadd.f32 v35, v17;
	s1 =	sor.u32 $0x3C00, s6;
	s2 =	sor.u32 $0x3800, s6;
	v29 =	vld [tilespmem:s3+$0x800];
	s3 =	sor.u32 $0x3810, s6;
	v23 =	vadd.f32 v23, v33  }
0x3b4: {  	s18 =	sor.u32 $0x3820, s6;
	s7 =	sor.u32 $0x3840, s6;
	s15 =	sor.u32 $0x3860, s6;
	v24 =	vadd.f32 v24, v26;
	v32 =	vld [tilespmem:s2+$0x800];
	v21 =	vadd.f32 v21, v28  }
0x3b5: {  	s14 =	sor.u32 $0x3C10, s6;
	s16 =	sor.u32 $0x3C30, s6;
	v26 =	vld [tilespmem:s4+$0x800];
	s4 =	sor.u32 $0x3C20, s6;
	v23 =	vadd.f32 v23, v17  }
0x3b6: {  	v22 =	vadd.f32 v24, v22;
	s2 =	sor.u32 $0x3C30, s5;
	v28 =	vld [tilespmem:s15+$0x800];
	s15 =	sor.u32 $0x3C40, s6;
	v21 =	vadd.f32 v21, v25  }
0x3b7: {  	s19 =	sor.u32 $0x3850, s6;
	v18 =	vadd.f32 v18, v20;
	v25 =	vld [tilespmem:s16+$0x800]  }
0x3b8: {  	v20 =	vadd.f32 v22, v23;
	v17 =	vmul.f32 v29, v12;
	v24 =	vld [tilespmem:s15+$0x800];
	v19 =	vadd.f32 v21, v19  }
0x3b9: {  	s6 =	sor.u32 $0x3830, s6;
	[tilespmem:s20+$0x0] =	vst.add.f32.msk $0xffff, v18  }
0x3ba: {  	v21 =	vmul.f32 v37, v10;
	v18 =	vld [tilespmem:s19+$0x800];
	v19 =	vadd.f32 v20, v19  }
0x3bb: {  	v22 =	vmul.f32 v26, v8;
	v26 =	vmul.f32 v27, v7;
	v23 =	vld [tilespmem:s4+$0x800]  }
0x3bc: {  	v27 =	vmul.f32 v31, v15;
	s4 =	sor.u32 $0x3C00, s5;
	[tilespmem:s20+$0xFFFFFF80] =	vst.add.f32.msk $0xffff, v19;
	s20 =	smov.u32 s25  }
0x3bd: {  	v19 =	vmul.f32 v30, v13;
	v20 =	vld [tilespmem:s4+$0x800]  }
0x3be: {  	v28 =	vmul.f32 v28, v6;
	v27 =	vadd.f32 v27, v22;
	v29 =	vld [tilespmem:s7+$0x800]  }
0x3bf: {  	v22 =	vld [tilespmem:s12+$0x800];
	v18 =	vmul.f32 v18, v1  }
0x3c0: {  	v28 =	vadd.f32 v21, v28;
	v30 =	vld [tilespmem:s6+$0x800]  }
0x3c1: {  	v21 =	vld [tilespmem:s17+$0x800];
	v18 =	vadd.f32 v26, v18  }
0x3c2: {  	v27 =	vadd.f32 v27, v28;
	v34 =	vmul.f32 v23, v11;
	v23 =	vmul.f32 v24, v14;
	v26 =	vld [tilespmem:s1+$0x800]  }
0x3c3: {  	v35 =	vmul.f32 v25, v5;
	v24 =	vld [tilespmem:s10+$0x800];
	v28 =	vmul.f32 v29, v12  }
0x3c4: {  	v33 =	vld [tilespmem:s18+$0x800]  }
0x3c5: {  	v36 =	vld [tilespmem:s14+$0x800];
	v28 =	vadd.f32 v23, v28  }
0x3c6: {  	v37 =	vmul.f32 v30, v0;
	v25 =	vld [tilespmem:s9+$0x800]  }
.Ltmp7:
0x3c7: {  	v23 =	vld [tilespmem:s11+$0x800];
	v18 =	vadd.f32 v18, v28;
	(pc) =	sbr.rel @p1 .LBB2_17-.Ltmp7, $4  }
0x3c8: {  	v31 =	vmul.f32 v26, v9;
	v29 =	vld [tilespmem:s3+$0x800]  }
0x3c9: {  	v26 =	vld [tilespmem:s8+$0x800];
	v38 =	vmul.f32 v33, v3;
	v18 =	vadd.f32 v27, v18  }
0x3ca: {  	s23 =	sadd.s32 $0x1000, s23;
	s24 =	sadd.s32 $0x1000, s24;
	v33 =	vmul.f32 v32, v4;
	v32 =	vadd.f32 v35, v37;
	v27 =	vld [tilespmem:s13+$0x800];
	v30 =	vmul.f32 v36, v13  }
0x3cb: {  	s26 =	sadd.s32 $0x2, s26;
	s28 =	sadd.s32 $0x1, s28;
	s25 =	sadd.s32 $0x100, s25;
	v28 =	vld [tilespmem:s0+$0x800];
	v34 =	vadd.f32 v34, v38  }
0x3cc: {  	v12 =	vld [tilespmem:s29+$0x800];
	v13 =	vmul.f32 v16, v14  }
0x3cd: {  	v14 =	vmul.f32 v24, v15;
	v15 =	vld [tilespmem:s2+$0x800];
	v11 =	vmul.f32 v25, v11  }
0x3ce: {  	v25 =	vld [tilespmem:s30+$0x800];
	v9 =	vmul.f32 v20, v9;
	v4 =	vmul.f32 v22, v4  }
0x3cf: {  	v16 =	vadd.f32 v31, v33;
	v20 =	vld [tilespmem:s22+$0x800];
	v7 =	vmul.f32 v23, v7;
	v24 =	vmul.f32 v29, v2  }
0x3d0: {  	v29 =	vadd.f32 v32, v34;
	v2 =	vmul.f32 v21, v2;
	v8 =	vmul.f32 v26, v8  }
0x3d1: {  	v4 =	vadd.f32 v9, v4;
	v6 =	vmul.f32 v27, v6;
	v22 =	vadd.f32 v30, v24  }
0x3d2: {  	v2 =	vadd.f32 v19, v2;
	v3 =	vmul.f32 v28, v3;
	v9 =	vmul.f32 v12, v10  }
0x3d3: {  	v10 =	vadd.f32 v22, v16;
	v5 =	vmul.f32 v15, v5;
	v1 =	vmul.f32 v25, v1  }
0x3d4: {  	v0 =	vmul.f32 v20, v0;
	v3 =	vadd.f32 v11, v3;
	v6 =	vadd.f32 v9, v6  }
0x3d5: {  	v9 =	vadd.f32 v13, v17;
	v1 =	vadd.f32 v7, v1  }
0x3d6: {  	v0 =	vadd.f32 v5, v0;
	v5 =	vadd.f32 v14, v8  }
0x3d7: {  	v2 =	vadd.f32 v2, v4;
	v1 =	vadd.f32 v1, v9  }
0x3d8: {  	v0 =	vadd.f32 v0, v3;
	v3 =	vadd.f32 v5, v6  }
0x3d9: {  	v4 =	vadd.f32 v29, v10  }
0x3da: {  	v0 =	vadd.f32 v0, v2;
	v1 =	vadd.f32 v3, v1  }
0x3db: {  	v2 =	vadd.f32 v18, v4  }
0x3dc: {  	v0 =	vadd.f32 v1, v0  }
0x3dd: {  	[tilespmem:s20+$0x0] =	vst.add.f32.msk $0xffff, v2  }
0x3de: {  	s0 =	simm.s32 @p0 $0x0;
	[tilespmem:s20+$0xFFFFFF80] =	vst.add.f32.msk $0xffff, v0  }
0x3df: {  	s1 =	simm.s32 @p0 $0x800;
	s23 =	simm.s32 $0x2;
	s2 =	rddreg [dreg:$0x7]  }
0x3e0: {  	[tilespmem:s1], [sflag:$0x1] =	stream.linear.gather @p0 [hbm4b:s2+s0], $0x8000, $0x38;
	[tilespmem:$0x12800] =	vst v63  }
0x3e1: {  	_ =	swait.ge [sflag:s23], $0x8000  }
0x3e2: {  	[sflag:s23] =	ssyncset.done $0x0  }
0x3e3: {  	[sflag:s23] =	ssyncadd.s32 $0xFFFF8000  }
0x3e4: {  	v0 =	vld [tilespmem:$0x0]  }
0x3e5: {  	v2 =	vld [tilespmem:$0x10]  }
0x3e6: {  	v5 =	vld [tilespmem:$0x20]  }
0x3e7: {  	v7 =	vld [tilespmem:$0x30]  }
0x3e8: {  	v11 =	vld [tilespmem:$0x40]  }
0x3e9: {  	v13 =	vld [tilespmem:$0x50]  }
0x3ea: {  	v14 =	vld [tilespmem:$0x60]  }
0x3eb: {  	v15 =	vld [tilespmem:$0x70]  }
0x3ec: {  	v8 =	vld [tilespmem:$0x80]  }
0x3ed: {  	v9 =	vld [tilespmem:$0x90]  }
0x3ee: {  	v10 =	vld [tilespmem:$0xA0]  }
0x3ef: {  	v3 =	vld [tilespmem:$0xB0]  }
0x3f0: {  	s24 =	simm.s32 $0x0;
	v1 =	vld [tilespmem:$0xC0]  }
0x3f1: {  	s25 =	simm.s32 $0x80;
	s0 =	sand.u32 $0x4000, s24;
	v4 =	vld [tilespmem:$0xD0]  }
0x3f2: {  	s1 =	sand.u32 $0x380, s25;
	s0 =	sor.u32 $0x8800, s0;
	v6 =	vld [tilespmem:$0xE0]  }
0x3f3: {  	s1 =	sor.u32 s1, s0;
	v12 =	vld [tilespmem:$0xF0]  }
0x3f4: {  	v16 =	vld [tilespmem:s1+$0x0]  }
0x3f5: {  	v17 =	vld [tilespmem:s1+$0x10]  }
0x3f6: {  	v18 =	vld [tilespmem:s1+$0x20]  }
0x3f7: {  	v19 =	vld [tilespmem:s1+$0x30]  }
0x3f8: {  	v20 =	vld [tilespmem:s1+$0x40]  }
0x3f9: {  	v21 =	vld [tilespmem:s1+$0x50]  }
0x3fa: {  	v22 =	vld [tilespmem:s1+$0x60]  }
0x3fb: {  	v23 =	vld [tilespmem:s1+$0x70]  }
0x3fc: {  	v24 =	vld [tilespmem:s1+$0x400]  }
0x3fd: {  	v25 =	vld [tilespmem:s1+$0x410]  }
0x3fe: {  	v26 =	vld [tilespmem:s1+$0x420]  }
0x3ff: {  	v27 =	vld [tilespmem:s1+$0x430]  }
0x400: {  	v28 =	vld [tilespmem:s1+$0x440]  }
0x401: {  	s26 =	simm.s32 $0x0;
	v29 =	vld [tilespmem:s1+$0x450]  }
0x402: {  	s2 =	sand.u32 $0x300, s26;
	v30 =	vld [tilespmem:s1+$0x460]  }
0x403: {  	s0 =	sor.u32 s2, s0;
	v31 =	vld [tilespmem:s1+$0x470]  }
0x404: {  	v48 =	vld [tilespmem:s0+$0x0]  }
0x405: {  	v49 =	vld [tilespmem:s0+$0x10]  }
0x406: {  	v50 =	vld [tilespmem:s0+$0x20]  }
0x407: {  	v35 =	vld [tilespmem:s0+$0x30]  }
0x408: {  	v36 =	vld [tilespmem:s0+$0x40]  }
0x409: {  	s28 =	simm.s32 $0x1000;
	v37 =	vld [tilespmem:s0+$0x50]  }
0x40a: {  	s20 =	simm.s32 $0x180;
	v38 =	vld [tilespmem:s0+$0x60];
	s1 =	sand.u32 $0x4000, s28  }
0x40b: {  	s29 =	sand.u32 $0x380, s20;
	v39 =	vld [tilespmem:s0+$0x70];
	s1 =	sor.u32 $0x8800, s1;
	v16 =	vmul.f32 v16, v0;
	v17 =	vmul.f32 v17, v2  }
0x40c: {  	v40 =	vld [tilespmem:s0+$0x400];
	s2 =	sor.u32 s29, s1;
	v18 =	vmul.f32 v18, v5;
	v19 =	vmul.f32 v19, v7  }
0x40d: {  	v56 =	vld [tilespmem:s2+$0x400];
	v20 =	vmul.f32 v20, v11;
	v24 =	vmul.f32 v24, v8  }
0x40e: {  	v58 =	vld [tilespmem:s2+$0x420];
	v21 =	vmul.f32 v21, v13;
	v25 =	vmul.f32 v25, v9  }
0x40f: {  	v59 =	vld [tilespmem:s2+$0x440];
	v22 =	vmul.f32 v22, v14;
	v26 =	vmul.f32 v26, v10  }
0x410: {  	v23 =	vmul.f32 v23, v15;
	v27 =	vmul.f32 v27, v3;
	v16 =	vadd.f32 v24, v16;
	v24 =	vld [tilespmem:s0+$0x410]  }
0x411: {  	v28 =	vmul.f32 v28, v1;
	v29 =	vmul.f32 v29, v4;
	v17 =	vadd.f32 v25, v17;
	v25 =	vld [tilespmem:s0+$0x420]  }
0x412: {  	v30 =	vmul.f32 v30, v6;
	v52 =	vmul.f32 v35, v7;
	v18 =	vadd.f32 v26, v18;
	v26 =	vld [tilespmem:s0+$0x430]  }
0x413: {  	v53 =	vmul.f32 v36, v11;
	v19 =	vadd.f32 v27, v19;
	v27 =	vmul.f32 v31, v12;
	v31 =	vld [tilespmem:s0+$0x440]  }
0x414: {  	v54 =	vmul.f32 v37, v13;
	v20 =	vadd.f32 v28, v20;
	v21 =	vadd.f32 v29, v21;
	v28 =	vld [tilespmem:s0+$0x450]  }
0x415: {  	v55 =	vmul.f32 v38, v14;
	v22 =	vadd.f32 v30, v22;
	v23 =	vadd.f32 v27, v23;
	v27 =	vld [tilespmem:s0+$0x460]  }
0x416: {  	v57 =	vmul.f32 v39, v15;
	v16 =	vadd.f32 v17, v16;
	v17 =	vadd.f32 v19, v18;
	v18 =	vld [tilespmem:s0+$0x470]  }
0x417: {  	v29 =	vld [tilespmem:s2+$0x30];
	v30 =	vmul.f32 v49, v2;
	v19 =	vadd.f32 v21, v20;
	v20 =	vadd.f32 v23, v22  }
0x418: {  	v21 =	vld [tilespmem:s2+$0x0];
	v16 =	vadd.f32 v17, v16;
	v23 =	vmul.f32 v40, v8;
	v31 =	vmul.f32 v31, v1  }
0x419: {  	v22 =	vld [tilespmem:s2+$0x10];
	v26 =	vmul.f32 v26, v3;
	v28 =	vmul.f32 v28, v4;
	v17 =	vadd.f32 v20, v19  }
0x41a: {  	v19 =	vld [tilespmem:s2+$0x20];
	v20 =	vmul.f32 v48, v0;
	v31 =	vadd.f32 v31, v53;
	v27 =	vmul.f32 v27, v6  }
0x41b: {  	v18 =	vmul.f32 v18, v12;
	v28 =	vadd.f32 v28, v54;
	v51 =	vadd.f32 v17, v16;
	v17 =	vld [tilespmem:s2+$0x40]  }
0x41c: {  	v16 =	vmul.f32 v24, v9;
	v20 =	vadd.f32 v23, v20;
	v23 =	vmul.f32 v25, v10;
	v25 =	vld [tilespmem:s2+$0x50]  }
0x41d: {  	v24 =	vmul.f32 v50, v5;
	v27 =	vadd.f32 v27, v55;
	v28 =	vadd.f32 v28, v31;
	v31 =	vld [tilespmem:s2+$0x450]  }
0x41e: {  	v18 =	vadd.f32 v18, v57;
	v16 =	vadd.f32 v16, v30;
	v30 =	vld [tilespmem:s2+$0x60]  }
0x41f: {  	v26 =	vadd.f32 v26, v52;
	v23 =	vadd.f32 v23, v24;
	v24 =	vld [tilespmem:s2+$0x70]  }
0x420: {  	v18 =	vadd.f32 v18, v27;
	v27 =	vmul.f32 v29, v7;
	v29 =	vld [tilespmem:s2+$0x460]  }
0x421: {  	s30 =	simm.s32 $0x100;
	v33 =	vmul.f32 v56, v8;
	v16 =	vadd.f32 v16, v20;
	v20 =	vld [tilespmem:s2+$0x410];
	v23 =	vadd.f32 v26, v23  }
0x422: {  	v34 =	vmul.f32 v58, v10;
	s0 =	sand.u32 $0x300, s30;
	v21 =	vmul.f32 v21, v0;
	v26 =	vld [tilespmem:s2+$0x430]  }
0x423: {  	v35 =	vmul.f32 v59, v1;
	s21 =	sor.u32 s0, s1;
	v23 =	vadd.f32 v23, v16;
	v16 =	vmul.f32 v17, v11;
	v17 =	vld [tilespmem:s2+$0x470]  }
0x424: {  	v60 =	vld [tilespmem:s21+$0x10];
	v22 =	vmul.f32 v22, v2;
	v21 =	vadd.f32 v33, v21;
	v19 =	vmul.f32 v19, v5  }
0x425: {  	v61 =	vld [tilespmem:s21+$0x30];
	v18 =	vadd.f32 v18, v28;
	v25 =	vmul.f32 v25, v13;
	v31 =	vmul.f32 v31, v4  }
0x426: {  	v28 =	vld [tilespmem:s21+$0x0];
	v19 =	vadd.f32 v34, v19;
	v30 =	vmul.f32 v30, v14;
	v24 =	vmul.f32 v24, v15  }
0x427: {  	v62 =	vld [tilespmem:s21+$0x50];
	v29 =	vmul.f32 v29, v6;
	v35 =	vadd.f32 v35, v16;
	v20 =	vmul.f32 v20, v9  }
0x428: {  	v25 =	vadd.f32 v31, v25;
	v31 =	vld [tilespmem:s21+$0x60];
	v26 =	vmul.f32 v26, v3;
	v17 =	vmul.f32 v17, v12  }
0x429: {  	v29 =	vadd.f32 v29, v30;
	v30 =	vld [tilespmem:s21+$0x70];
	v20 =	vadd.f32 v20, v22  }
0x42a: {  	v26 =	vadd.f32 v26, v27;
	v27 =	vld [tilespmem:s21+$0x40];
	v17 =	vadd.f32 v17, v24  }
0x42b: {  	v16 =	vmul.f32 v28, v0;
	v28 =	vadd.f32 v25, v35;
	v22 =	vld [tilespmem:s21+$0x20];
	v20 =	vadd.f32 v20, v21  }
0x42c: {  	v21 =	vadd.f32 v26, v19;
	v24 =	vld [tilespmem:s21+$0x400];
	v29 =	vadd.f32 v17, v29  }
0x42d: {  	s31 =	rddreg [dreg:$0xb];
	v23 =	vadd.f32 v18, v23;
	v26 =	vld [tilespmem:s21+$0x410];
	v19 =	vmul.f32 v61, v7;
	v17 =	vmul.f32 v60, v2  }
0x42e: {  	s19 =	sadd.s32 $0x11080, s31;
	v25 =	vld [tilespmem:s21+$0x420];
	v63 =	vadd.f32 v21, v20;
	v20 =	vmul.f32 v62, v13;
	v28 =	vadd.f32 v29, v28  }
0x42f: {  	[tilespmem:s19+$0xFFFFFF80] =	vst v23;
	v23 =	vmul.f32 v30, v15;
	v21 =	vmul.f32 v27, v11;
	v27 =	vld [tilespmem:s21+$0x430]  }
0x430: {  	s24 =	simm.s32 $0x2000;
	s23 =	simm.s32 $0x2;
	s22 =	smov.u32 s19;
	[tilespmem:s19+$0x0] =	vst v51;
	v18 =	vmul.f32 v22, v5;
	v22 =	vmul.f32 v31, v14;
	v29 =	vld [tilespmem:s21+$0x440];
	v28 =	vadd.f32 v28, v63  }
.LBB2_19:
0x431: {  	s0 =	sand.u32 $0x4000, s24;
	v24 =	vmul.f32 v24, v8;
	v30 =	vld [tilespmem:s21+$0x450];
	s20 =	sadd.s32 $0x100, s20;
	s22 =	sadd.s32 $0x100, s22  }
0x432: {  	s1 =	sadd.s32 $0xFFFFFF80, s20;
	s2 =	sor.u32 $0x8800, s0;
	s0 =	sand.u32 $0x380, s20;
	v26 =	vmul.f32 v26, v9;
	v31 =	vld [tilespmem:s21+$0x460];
	[tilespmem:s22+$0x0] =	vst v28  }
0x433: {  	s1 =	sand.u32 $0x300, s1;
	s0 =	sor.u32 s0, s2;
	v16 =	vadd.f32 v24, v16;
	v24 =	vmul.f32 v25, v10;
	v25 =	vld [tilespmem:s21+$0x470]  }
0x434: {  	s21 =	sor.u32 s1, s2;
	v28 =	vld [tilespmem:s0+$0x0];
	v17 =	vadd.f32 v26, v17;
	v26 =	vmul.f32 v27, v3  }
0x435: {  	v27 =	vld [tilespmem:s0+$0x10];
	v18 =	vadd.f32 v24, v18;
	v24 =	vmul.f32 v29, v1  }
0x436: {  	v29 =	vld [tilespmem:s0+$0x20];
	v19 =	vadd.f32 v26, v19;
	v26 =	vmul.f32 v30, v4;
	v16 =	vadd.f32 v17, v16  }
0x437: {  	v17 =	vld [tilespmem:s0+$0x30];
	v21 =	vadd.f32 v24, v21;
	v24 =	vmul.f32 v31, v6  }
0x438: {  	v30 =	vld [tilespmem:s0+$0x40];
	v20 =	vadd.f32 v26, v20;
	v25 =	vmul.f32 v25, v12;
	v18 =	vadd.f32 v19, v18  }
0x439: {  	v19 =	vld [tilespmem:s0+$0x50];
	v22 =	vadd.f32 v24, v22  }
0x43a: {  	v24 =	vld [tilespmem:s0+$0x60];
	v23 =	vadd.f32 v25, v23;
	v20 =	vadd.f32 v20, v21  }
0x43b: {  	v16 =	vadd.f32 v18, v16;
	v21 =	vld [tilespmem:s0+$0x70]  }
0x43c: {  	v18 =	vld [tilespmem:s0+$0x400];
	v22 =	vadd.f32 v23, v22  }
0x43d: {  	v23 =	vld [tilespmem:s0+$0x410]  }
0x43e: {  	v25 =	vld [tilespmem:s0+$0x420];
	v20 =	vadd.f32 v22, v20  }
0x43f: {  	v22 =	vld [tilespmem:s0+$0x430]  }
0x440: {  	s23 =	sadd.s32 $0x2, s23;
	v26 =	vmul.f32 v28, v0;
	v27 =	vmul.f32 v27, v2;
	v28 =	vld [tilespmem:s0+$0x440];
	v16 =	vadd.f32 v20, v16  }
0x441: {  	p1 =	slt.u32 s23, $0xE;
	v17 =	vmul.f32 v17, v7;
	v20 =	vmul.f32 v29, v5;
	v29 =	vld [tilespmem:s0+$0x450]  }
0x442: {  	v30 =	vmul.f32 v30, v11;
	v19 =	vmul.f32 v19, v13;
	v31 =	vld [tilespmem:s0+$0x460];
	[tilespmem:s22+$0xFFFFFF80] =	vst v16  }
0x443: {  	v24 =	vmul.f32 v24, v14;
	v21 =	vmul.f32 v21, v15;
	v16 =	vld [tilespmem:s0+$0x470]  }
0x444: {  	v18 =	vmul.f32 v18, v8;
	v23 =	vmul.f32 v23, v9;
	v32 =	vld [tilespmem:s21+$0x0]  }
0x445: {  	v25 =	vmul.f32 v25, v10;
	v22 =	vmul.f32 v22, v3;
	v33 =	vld [tilespmem:s21+$0x10]  }
0x446: {  	v28 =	vmul.f32 v28, v1;
	v34 =	vld [tilespmem:s21+$0x20];
	v29 =	vmul.f32 v29, v4  }
0x447: {  	v26 =	vadd.f32 v18, v26;
	v23 =	vadd.f32 v23, v27;
	v35 =	vld [tilespmem:s21+$0x30];
	v18 =	vmul.f32 v31, v6  }
0x448: {  	v20 =	vadd.f32 v25, v20;
	v22 =	vadd.f32 v22, v17;
	v27 =	vld [tilespmem:s21+$0x40];
	v25 =	vmul.f32 v16, v12  }
0x449: {  	v28 =	vadd.f32 v28, v30;
	v29 =	vadd.f32 v29, v19;
	v16 =	vmul.f32 v32, v0;
	v31 =	vld [tilespmem:s21+$0x50]  }
0x44a: {  	v32 =	vadd.f32 v18, v24;
	v17 =	vmul.f32 v33, v2;
	v30 =	vld [tilespmem:s21+$0x60];
	v21 =	vadd.f32 v25, v21  }
0x44b: {  	v23 =	vadd.f32 v23, v26;
	v22 =	vadd.f32 v22, v20;
	v18 =	vmul.f32 v34, v5;
	v33 =	vld [tilespmem:s21+$0x70]  }
.Ltmp8:
0x44c: {  	v28 =	vadd.f32 v29, v28;
	v19 =	vmul.f32 v35, v7;
	v24 =	vld [tilespmem:s21+$0x400];
	v29 =	vadd.f32 v21, v32;
	(pc) =	sbr.rel @p1 .LBB2_19-.Ltmp8, $4  }
0x44d: {  	v21 =	vmul.f32 v27, v11;
	v26 =	vld [tilespmem:s21+$0x410]  }
0x44e: {  	v20 =	vmul.f32 v31, v13;
	v25 =	vld [tilespmem:s21+$0x420];
	v31 =	vadd.f32 v22, v23;
	v28 =	vadd.f32 v29, v28  }
0x44f: {  	v22 =	vmul.f32 v30, v14;
	v27 =	vld [tilespmem:s21+$0x430]  }
0x450: {  	s24 =	sadd.s32 $0x1000, s24;
	v23 =	vmul.f32 v33, v15;
	v29 =	vld [tilespmem:s21+$0x440];
	v28 =	vadd.f32 v28, v31  }
0x451: {  	v0 =	vld [tilespmem:s21+$0x450]  }
0x452: {  	v2 =	vld [tilespmem:s21+$0x460]  }
0x453: {  	v5 =	vld [tilespmem:s21+$0x470]  }
0x454: {  	v7 =	vmul.f32 v24, v8;
	v8 =	vmul.f32 v26, v9  }
0x455: {  	v9 =	vmul.f32 v25, v10  }
0x456: {  	v7 =	vadd.f32 v7, v16;
	v8 =	vadd.f32 v8, v17;
	v3 =	vmul.f32 v27, v3  }
0x457: {  	v9 =	vadd.f32 v9, v18;
	v1 =	vmul.f32 v29, v1;
	v0 =	vmul.f32 v0, v4  }
0x458: {  	v3 =	vadd.f32 v3, v19;
	v2 =	vmul.f32 v2, v6;
	v4 =	vmul.f32 v5, v12  }
0x459: {  	v1 =	vadd.f32 v1, v21;
	v0 =	vadd.f32 v0, v20  }
0x45a: {  	v2 =	vadd.f32 v2, v22;
	v4 =	vadd.f32 v4, v23  }
0x45b: {  	v5 =	vadd.f32 v8, v7;
	v3 =	vadd.f32 v3, v9  }
0x45c: {  	v0 =	vadd.f32 v0, v1;
	v1 =	vadd.f32 v4, v2;
	_ =	sdelay $0x1  }
0x45d: {  	v2 =	vadd.f32 v3, v5;
	v0 =	vadd.f32 v1, v0;
	_ =	sdelay $0x1  }
0x45e: {  	s0 =	sadd.s32 $0x100, s22;
	v0 =	vadd.f32 v0, v2  }
0x45f: {  	[tilespmem:s0+$0x0] =	vst v28  }
0x460: {  	[tilespmem:s0+$0xFFFFFF80] =	vst v0  }
0x461: {  	v0 =	vld [tilespmem:$0x100]  }
0x462: {  	v1 =	vld [tilespmem:$0x110]  }
0x463: {  	v2 =	vld [tilespmem:$0x120]  }
0x464: {  	v3 =	vld [tilespmem:$0x130]  }
0x465: {  	v5 =	vld [tilespmem:$0x140]  }
0x466: {  	v8 =	vld [tilespmem:$0x150]  }
0x467: {  	v10 =	vld [tilespmem:$0x160]  }
0x468: {  	v12 =	vld [tilespmem:$0x170]  }
0x469: {  	v14 =	vld [tilespmem:$0x180]  }
0x46a: {  	v15 =	vld [tilespmem:$0x190]  }
0x46b: {  	v11 =	vld [tilespmem:$0x1A0]  }
0x46c: {  	v6 =	vld [tilespmem:$0x1B0]  }
0x46d: {  	s26 =	simm.s32 $0x0;
	v4 =	vld [tilespmem:$0x1C0]  }
0x46e: {  	s1 =	simm.s32 $0x80;
	s0 =	sand.u32 $0x4000, s26;
	v7 =	vld [tilespmem:$0x1D0]  }
0x46f: {  	s1 =	sand.u32 $0x380, s1;
	v9 =	vld [tilespmem:$0x1E0];
	s0 =	sor.u32 $0x8800, s0  }
0x470: {  	v13 =	vld [tilespmem:$0x1F0];
	s1 =	sor.u32 s1, s0  }
0x471: {  	v16 =	vld [tilespmem:s1+$0x800]  }
0x472: {  	v17 =	vld [tilespmem:s1+$0x810]  }
0x473: {  	v18 =	vld [tilespmem:s1+$0x820]  }
0x474: {  	v19 =	vld [tilespmem:s1+$0x830]  }
0x475: {  	v20 =	vld [tilespmem:s1+$0x840]  }
0x476: {  	v21 =	vld [tilespmem:s1+$0x850]  }
0x477: {  	v22 =	vld [tilespmem:s1+$0x860]  }
0x478: {  	v23 =	vld [tilespmem:s1+$0x870]  }
0x479: {  	v24 =	vld [tilespmem:s1+$0xC00]  }
0x47a: {  	v25 =	vld [tilespmem:s1+$0xC10]  }
0x47b: {  	v26 =	vld [tilespmem:s1+$0xC20]  }
0x47c: {  	v27 =	vld [tilespmem:s1+$0xC30]  }
0x47d: {  	v28 =	vld [tilespmem:s1+$0xC40]  }
0x47e: {  	s2 =	simm.s32 $0x0;
	v29 =	vld [tilespmem:s1+$0xC50]  }
0x47f: {  	s2 =	sand.u32 $0x300, s2;
	v30 =	vld [tilespmem:s1+$0xC60]  }
0x480: {  	s0 =	sor.u32 s2, s0;
	v31 =	vld [tilespmem:s1+$0xC70]  }
0x481: {  	s28 =	simm.s32 $0x1000;
	v32 =	vld [tilespmem:s0+$0x800]  }
0x482: {  	s20 =	simm.s32 $0x180;
	v33 =	vld [tilespmem:s0+$0x810];
	s1 =	sand.u32 $0x4000, s28  }
0x483: {  	s29 =	sand.u32 $0x380, s20;
	v34 =	vld [tilespmem:s0+$0x820];
	s1 =	sor.u32 $0x8800, s1  }
0x484: {  	v35 =	vld [tilespmem:s0+$0x830];
	s30 =	sor.u32 s29, s1  }
0x485: {  	v36 =	vld [tilespmem:s30+$0x840]  }
0x486: {  	v37 =	vld [tilespmem:s30+$0x850]  }
0x487: {  	v38 =	vld [tilespmem:s30+$0x860];
	v16 =	vmul.f32 v16, v0;
	v17 =	vmul.f32 v17, v1  }
0x488: {  	v51 =	vld [tilespmem:s30+$0x870];
	v18 =	vmul.f32 v18, v2;
	v19 =	vmul.f32 v19, v3  }
0x489: {  	v52 =	vld [tilespmem:s30+$0xC00];
	v20 =	vmul.f32 v20, v5;
	v21 =	vmul.f32 v21, v8  }
0x48a: {  	v53 =	vld [tilespmem:s30+$0xC10];
	v22 =	vmul.f32 v22, v10;
	v25 =	vmul.f32 v25, v15  }
0x48b: {  	v54 =	vld [tilespmem:s30+$0xC70];
	v23 =	vmul.f32 v23, v12;
	v27 =	vmul.f32 v27, v6  }
0x48c: {  	v24 =	vmul.f32 v24, v14;
	v28 =	vmul.f32 v28, v4;
	v17 =	vadd.f32 v25, v17;
	v25 =	vld [tilespmem:s0+$0x840]  }
0x48d: {  	v26 =	vmul.f32 v26, v11;
	v29 =	vmul.f32 v29, v7;
	v19 =	vadd.f32 v27, v19;
	v27 =	vld [tilespmem:s0+$0x850]  }
0x48e: {  	v16 =	vadd.f32 v24, v16;
	v24 =	vmul.f32 v30, v9;
	v20 =	vadd.f32 v28, v20;
	v28 =	vld [tilespmem:s0+$0x860]  }
0x48f: {  	v18 =	vadd.f32 v26, v18;
	v26 =	vmul.f32 v31, v13;
	v21 =	vadd.f32 v29, v21;
	v29 =	vld [tilespmem:s30+$0x810]  }
0x490: {  	v30 =	vld [tilespmem:s30+$0x820]  }
0x491: {  	v22 =	vadd.f32 v24, v22;
	v23 =	vadd.f32 v26, v23;
	v24 =	vld [tilespmem:s0+$0x870]  }
0x492: {  	v16 =	vadd.f32 v17, v16;
	v17 =	vadd.f32 v19, v18;
	v18 =	vld [tilespmem:s0+$0xC00]  }
0x493: {  	v19 =	vadd.f32 v21, v20;
	v21 =	vld [tilespmem:s0+$0xC10];
	v20 =	vadd.f32 v23, v22  }
0x494: {  	v32 =	vmul.f32 v32, v0;
	v22 =	vld [tilespmem:s0+$0xC20]  }
0x495: {  	v33 =	vmul.f32 v33, v1;
	v16 =	vadd.f32 v17, v16;
	v23 =	vld [tilespmem:s0+$0xC70];
	v17 =	vadd.f32 v20, v19  }
0x496: {  	v34 =	vmul.f32 v34, v2;
	v35 =	vmul.f32 v35, v3;
	v19 =	vld [tilespmem:s0+$0xC30]  }
0x497: {  	v56 =	vmul.f32 v38, v10;
	v25 =	vmul.f32 v25, v5;
	v20 =	vld [tilespmem:s0+$0xC40];
	v16 =	vadd.f32 v17, v16  }
0x498: {  	v27 =	vmul.f32 v27, v8;
	v28 =	vmul.f32 v28, v10;
	v17 =	vld [tilespmem:s0+$0xC50]  }
0x499: {  	v18 =	vmul.f32 v18, v14;
	v21 =	vmul.f32 v21, v15;
	[tilespmem:s19+$0x0] =	vst.add.f32.msk $0xffff, v16  }
0x49a: {  	v24 =	vmul.f32 v24, v12;
	v22 =	vmul.f32 v22, v11;
	v16 =	vld [tilespmem:s0+$0xC60]  }
0x49b: {  	v26 =	vld [tilespmem:s30+$0x800];
	v18 =	vadd.f32 v18, v32;
	v21 =	vadd.f32 v21, v33;
	v23 =	vmul.f32 v23, v13  }
0x49c: {  	v31 =	vld [tilespmem:s30+$0x830];
	v19 =	vmul.f32 v19, v6;
	v20 =	vmul.f32 v20, v4  }
0x49d: {  	v22 =	vadd.f32 v22, v34;
	v18 =	vadd.f32 v21, v18;
	v21 =	vld [tilespmem:s30+$0xC20];
	v17 =	vmul.f32 v17, v7  }
0x49e: {  	v32 =	vmul.f32 v51, v12;
	v19 =	vadd.f32 v19, v35;
	v20 =	vadd.f32 v20, v25;
	v25 =	vld [tilespmem:s30+$0xC30]  }
0x49f: {  	s31 =	simm.s32 $0x100;
	v35 =	vmul.f32 v54, v13;
	v17 =	vadd.f32 v17, v27;
	v16 =	vmul.f32 v16, v9;
	v27 =	vld [tilespmem:s30+$0xC40]  }
0x4a0: {  	s2 =	sand.u32 $0x300, s31;
	v19 =	vadd.f32 v19, v22;
	v22 =	vmul.f32 v26, v0;
	v26 =	vmul.f32 v29, v1;
	v29 =	vld [tilespmem:s30+$0xC50]  }
0x4a1: {  	s21 =	sor.u32 s2, s1;
	v16 =	vadd.f32 v16, v28;
	v28 =	vmul.f32 v30, v2;
	v30 =	vmul.f32 v31, v3;
	v31 =	vld [tilespmem:s30+$0xC60]  }
0x4a2: {  	v55 =	vld [tilespmem:s21+$0x800];
	v33 =	vmul.f32 v52, v14;
	v23 =	vadd.f32 v23, v24;
	v24 =	vmul.f32 v37, v8  }
0x4a3: {  	v57 =	vld [tilespmem:s21+$0x810];
	v34 =	vmul.f32 v53, v15;
	v32 =	vadd.f32 v35, v32;
	v21 =	vmul.f32 v21, v11  }
0x4a4: {  	v58 =	vld [tilespmem:s21+$0x820];
	v17 =	vadd.f32 v17, v20;
	v20 =	vmul.f32 v36, v5;
	v22 =	vadd.f32 v33, v22  }
0x4a5: {  	v59 =	vld [tilespmem:s21+$0x870];
	v26 =	vadd.f32 v34, v26;
	v25 =	vmul.f32 v25, v6;
	v27 =	vmul.f32 v27, v4  }
0x4a6: {  	v60 =	vld [tilespmem:s21+$0xC00];
	v21 =	vadd.f32 v21, v28;
	v29 =	vmul.f32 v29, v7;
	v31 =	vmul.f32 v31, v9  }
0x4a7: {  	v62 =	vld [tilespmem:s21+$0xC10];
	v25 =	vadd.f32 v25, v30;
	v20 =	vadd.f32 v27, v20  }
0x4a8: {  	v28 =	vld [tilespmem:s21+$0x830];
	v24 =	vadd.f32 v29, v24;
	v27 =	vadd.f32 v31, v56  }
0x4a9: {  	v26 =	vadd.f32 v26, v22;
	v30 =	vld [tilespmem:s21+$0x840];
	v21 =	vadd.f32 v25, v21  }
0x4aa: {  	v29 =	vld [tilespmem:s21+$0x850];
	v20 =	vadd.f32 v24, v20;
	v24 =	vadd.f32 v32, v27  }
0x4ab: {  	v61 =	vadd.f32 v19, v18;
	v16 =	vadd.f32 v23, v16;
	v23 =	vmul.f32 v55, v0;
	v31 =	vld [tilespmem:s21+$0x860]  }
0x4ac: {  	v22 =	vmul.f32 v57, v1;
	v18 =	vadd.f32 v21, v26;
	v27 =	vld [tilespmem:s21+$0xC20];
	v26 =	vadd.f32 v24, v20  }
0x4ad: {  	v16 =	vadd.f32 v16, v17;
	v17 =	vmul.f32 v59, v12;
	v21 =	vmul.f32 v28, v3;
	v28 =	vld [tilespmem:s21+$0xC30]  }
0x4ae: {  	v25 =	vld [tilespmem:s21+$0xC40];
	v19 =	vmul.f32 v30, v5;
	v30 =	vmul.f32 v60, v14;
	v63 =	vadd.f32 v26, v18  }
0x4af: {  	s22 =	sadd.s32 $0x100, s19;
	v24 =	vmul.f32 v58, v2;
	v20 =	vmul.f32 v29, v8;
	v26 =	vld [tilespmem:s21+$0xC50]  }
0x4b0: {  	s24 =	simm.s32 $0x2;
	s25 =	simm.s32 $0x2000;
	s23 =	smov.u32 s19;
	v16 =	vadd.f32 v16, v61;
	v29 =	vmul.f32 v62, v15;
	v18 =	vmul.f32 v31, v10;
	[tilespmem:s22+$0x0] =	vst.add.f32.msk $0xffff, v63  }
.LBB2_21:
0x4b1: {  	s0 =	sand.u32 $0x4000, s25;
	v23 =	vadd.f32 v30, v23;
	v27 =	vmul.f32 v27, v11;
	v30 =	vld [tilespmem:s21+$0xC60];
	s20 =	sadd.s32 $0x100, s20  }
0x4b2: {  	s1 =	sadd.s32 $0xFFFFFF80, s20;
	s0 =	sor.u32 $0x8800, s0;
	s2 =	sand.u32 $0x380, s20;
	v22 =	vadd.f32 v29, v22;
	v28 =	vmul.f32 v28, v6;
	v29 =	vld [tilespmem:s21+$0xC70]  }
0x4b3: {  	s1 =	sand.u32 $0x300, s1;
	s2 =	sor.u32 s2, s0;
	v24 =	vadd.f32 v27, v24;
	v25 =	vmul.f32 v25, v4;
	[tilespmem:s23+$0xFFFFFF80] =	vst.add.f32.msk $0xffff, v16;
	s23 =	smov.u32 s22  }
0x4b4: {  	s21 =	sor.u32 s1, s0;
	v27 =	vld [tilespmem:s2+$0x800];
	v16 =	vadd.f32 v28, v21;
	v21 =	vmul.f32 v26, v7;
	v22 =	vadd.f32 v22, v23  }
0x4b5: {  	v23 =	vld [tilespmem:s2+$0x810];
	v19 =	vadd.f32 v25, v19  }
0x4b6: {  	v25 =	vld [tilespmem:s2+$0x820];
	v20 =	vadd.f32 v21, v20;
	v21 =	vmul.f32 v30, v9;
	v16 =	vadd.f32 v16, v24  }
0x4b7: {  	v24 =	vld [tilespmem:s2+$0x830];
	v26 =	vmul.f32 v29, v13  }
0x4b8: {  	v28 =	vld [tilespmem:s2+$0x840];
	v18 =	vadd.f32 v21, v18;
	v19 =	vadd.f32 v20, v19  }
0x4b9: {  	v16 =	vadd.f32 v16, v22;
	v20 =	vld [tilespmem:s2+$0x850];
	v17 =	vadd.f32 v26, v17  }
0x4ba: {  	v21 =	vld [tilespmem:s2+$0x860]  }
0x4bb: {  	v22 =	vld [tilespmem:s2+$0x870];
	v17 =	vadd.f32 v17, v18  }
0x4bc: {  	v18 =	vld [tilespmem:s2+$0xC00]  }
0x4bd: {  	v26 =	vld [tilespmem:s2+$0xC10];
	v17 =	vadd.f32 v17, v19  }
0x4be: {  	v19 =	vld [tilespmem:s2+$0xC20]  }
0x4bf: {  	v29 =	vld [tilespmem:s2+$0xC30];
	v16 =	vadd.f32 v17, v16  }
0x4c0: {  	s24 =	sadd.s32 $0x2, s24;
	v23 =	vmul.f32 v23, v1;
	v17 =	vmul.f32 v27, v0;
	v27 =	vld [tilespmem:s2+$0xC40]  }
0x4c1: {  	p1 =	slt.u32 s24, $0xE;
	v25 =	vmul.f32 v25, v2;
	v24 =	vmul.f32 v24, v3;
	v30 =	vld [tilespmem:s2+$0xC50]  }
0x4c2: {  	v28 =	vmul.f32 v28, v5;
	v20 =	vmul.f32 v20, v8;
	v31 =	vld [tilespmem:s2+$0xC60]  }
0x4c3: {  	v21 =	vmul.f32 v21, v10;
	v32 =	vmul.f32 v22, v12;
	v22 =	vld [tilespmem:s2+$0xC70]  }
0x4c4: {  	v18 =	vmul.f32 v18, v14;
	v26 =	vmul.f32 v26, v15;
	v33 =	vld [tilespmem:s21+$0x800]  }
0x4c5: {  	v19 =	vmul.f32 v19, v11;
	v29 =	vmul.f32 v29, v6;
	v34 =	vld [tilespmem:s21+$0x810]  }
0x4c6: {  	v27 =	vmul.f32 v27, v4;
	v35 =	vld [tilespmem:s21+$0x820];
	v30 =	vmul.f32 v30, v7  }
0x4c7: {  	v17 =	vadd.f32 v18, v17;
	v18 =	vadd.f32 v26, v23;
	v36 =	vld [tilespmem:s21+$0x830];
	v26 =	vmul.f32 v31, v9  }
0x4c8: {  	v19 =	vadd.f32 v19, v25;
	v25 =	vadd.f32 v29, v24;
	v31 =	vld [tilespmem:s21+$0x840];
	v24 =	vmul.f32 v22, v13  }
0x4c9: {  	v27 =	vadd.f32 v27, v28;
	v20 =	vadd.f32 v30, v20;
	v23 =	vmul.f32 v33, v0;
	v29 =	vld [tilespmem:s21+$0x850]  }
0x4ca: {  	v26 =	vadd.f32 v26, v21;
	v22 =	vmul.f32 v34, v1;
	v28 =	vld [tilespmem:s21+$0x860];
	v30 =	vadd.f32 v24, v32  }
0x4cb: {  	v17 =	vadd.f32 v18, v17;
	v18 =	vadd.f32 v25, v19;
	v24 =	vmul.f32 v35, v2;
	v32 =	vld [tilespmem:s21+$0x870]  }
0x4cc: {  	v25 =	vadd.f32 v20, v27;
	v21 =	vmul.f32 v36, v3;
	v33 =	vld [tilespmem:s21+$0xC00];
	v26 =	vadd.f32 v30, v26  }
0x4cd: {  	v19 =	vmul.f32 v31, v5;
	v31 =	vld [tilespmem:s21+$0xC10]  }
.Ltmp9:
0x4ce: {  	v20 =	vmul.f32 v29, v8;
	v27 =	vld [tilespmem:s21+$0xC20];
	v29 =	vadd.f32 v18, v17;
	v26 =	vadd.f32 v26, v25;
	(pc) =	sbr.rel @p1 .LBB2_21-.Ltmp9, $4  }
0x4cf: {  	v18 =	vmul.f32 v28, v10;
	v28 =	vld [tilespmem:s21+$0xC30]  }
0x4d0: {  	v17 =	vmul.f32 v32, v12;
	v25 =	vld [tilespmem:s21+$0xC40];
	v32 =	vadd.f32 v26, v29  }
0x4d1: {  	s22 =	sadd.s32 $0x100, s22;
	v30 =	vmul.f32 v33, v14;
	v26 =	vld [tilespmem:s21+$0xC50]  }
0x4d2: {  	s25 =	sadd.s32 $0x1000, s25;
	v29 =	vmul.f32 v31, v15;
	[tilespmem:s22+$0x0] =	vst.add.f32.msk $0xffff, v32  }
0x4d3: {  	v0 =	vld [tilespmem:s21+$0xC60]  }
0x4d4: {  	v1 =	vld [tilespmem:s21+$0xC70];
	_ =	sdelay $0x1  }
0x4d5: {  	v2 =	vmul.f32 v27, v11  }
0x4d6: {  	v3 =	vadd.f32 v30, v23;
	v5 =	vadd.f32 v29, v22;
	v6 =	vmul.f32 v28, v6  }
0x4d7: {  	v2 =	vadd.f32 v2, v24;
	v4 =	vmul.f32 v25, v4;
	v7 =	vmul.f32 v26, v7  }
0x4d8: {  	v6 =	vadd.f32 v6, v21;
	v0 =	vmul.f32 v0, v9;
	v1 =	vmul.f32 v1, v13  }
0x4d9: {  	v4 =	vadd.f32 v4, v19;
	v7 =	vadd.f32 v7, v20  }
0x4da: {  	v0 =	vadd.f32 v0, v18;
	v1 =	vadd.f32 v1, v17  }
0x4db: {  	v3 =	vadd.f32 v5, v3;
	v2 =	vadd.f32 v6, v2  }
0x4dc: {  	v4 =	vadd.f32 v7, v4;
	v0 =	vadd.f32 v1, v0;
	_ =	sdelay $0x1  }
0x4dd: {  	v1 =	vadd.f32 v2, v3;
	v0 =	vadd.f32 v0, v4;
	_ =	sdelay $0x1  }
0x4de: {  	v0 =	vadd.f32 v0, v1  }
0x4df: {  	[tilespmem:s23+$0xFFFFFF80] =	vst.add.f32.msk $0xffff, v16  }
0x4e0: {  	[tilespmem:s22+$0xFFFFFF80] =	vst.add.f32.msk $0xffff, v0  }
0x4e1: {  	v0 =	vld [tilespmem:$0x200]  }
0x4e2: {  	v1 =	vld [tilespmem:$0x210]  }
0x4e3: {  	v2 =	vld [tilespmem:$0x220]  }
0x4e4: {  	v3 =	vld [tilespmem:$0x230]  }
0x4e5: {  	v5 =	vld [tilespmem:$0x240]  }
0x4e6: {  	v8 =	vld [tilespmem:$0x250]  }
0x4e7: {  	v10 =	vld [tilespmem:$0x260]  }
0x4e8: {  	v12 =	vld [tilespmem:$0x270]  }
0x4e9: {  	v14 =	vld [tilespmem:$0x280]  }
0x4ea: {  	v15 =	vld [tilespmem:$0x290]  }
0x4eb: {  	v11 =	vld [tilespmem:$0x2A0]  }
0x4ec: {  	v6 =	vld [tilespmem:$0x2B0]  }
0x4ed: {  	s0 =	simm.s32 $0x0;
	v4 =	vld [tilespmem:$0x2C0]  }
0x4ee: {  	s1 =	simm.s32 $0x80;
	s0 =	sand.u32 $0x4000, s0;
	v7 =	vld [tilespmem:$0x2D0]  }
0x4ef: {  	s1 =	sand.u32 $0x380, s1;
	s0 =	sor.u32 $0x8800, s0;
	v9 =	vld [tilespmem:$0x2E0]  }
0x4f0: {  	s1 =	sor.u32 s1, s0;
	v13 =	vld [tilespmem:$0x2F0]  }
0x4f1: {  	v16 =	vld [tilespmem:s1+$0x1000]  }
0x4f2: {  	v17 =	vld [tilespmem:s1+$0x1010]  }
0x4f3: {  	v18 =	vld [tilespmem:s1+$0x1020]  }
0x4f4: {  	v19 =	vld [tilespmem:s1+$0x1030]  }
0x4f5: {  	v20 =	vld [tilespmem:s1+$0x1040]  }
0x4f6: {  	v21 =	vld [tilespmem:s1+$0x1050]  }
0x4f7: {  	v22 =	vld [tilespmem:s1+$0x1060]  }
0x4f8: {  	v23 =	vld [tilespmem:s1+$0x1070]  }
0x4f9: {  	v24 =	vld [tilespmem:s1+$0x1400]  }
0x4fa: {  	v25 =	vld [tilespmem:s1+$0x1410]  }
0x4fb: {  	v26 =	vld [tilespmem:s1+$0x1420]  }
0x4fc: {  	v27 =	vld [tilespmem:s1+$0x1430]  }
0x4fd: {  	v28 =	vld [tilespmem:s1+$0x1440]  }
0x4fe: {  	s2 =	simm.s32 $0x0;
	v29 =	vld [tilespmem:s1+$0x1450]  }
0x4ff: {  	s2 =	sand.u32 $0x300, s2;
	v30 =	vld [tilespmem:s1+$0x1460]  }
0x500: {  	s0 =	sor.u32 s2, s0;
	v31 =	vld [tilespmem:s1+$0x1470]  }
0x501: {  	s28 =	simm.s32 $0x1000;
	v32 =	vld [tilespmem:s0+$0x1000]  }
0x502: {  	s20 =	simm.s32 $0x180;
	v33 =	vld [tilespmem:s0+$0x1010];
	s1 =	sand.u32 $0x4000, s28  }
0x503: {  	s29 =	sand.u32 $0x380, s20;
	v34 =	vld [tilespmem:s0+$0x1020];
	s1 =	sor.u32 $0x8800, s1  }
0x504: {  	v35 =	vld [tilespmem:s0+$0x1030];
	s30 =	sor.u32 s29, s1  }
0x505: {  	v36 =	vld [tilespmem:s30+$0x1040]  }
0x506: {  	v37 =	vld [tilespmem:s30+$0x1050]  }
0x507: {  	v38 =	vld [tilespmem:s30+$0x1060];
	v16 =	vmul.f32 v16, v0;
	v17 =	vmul.f32 v17, v1  }
0x508: {  	v51 =	vld [tilespmem:s30+$0x1070];
	v18 =	vmul.f32 v18, v2;
	v19 =	vmul.f32 v19, v3  }
0x509: {  	v52 =	vld [tilespmem:s30+$0x1400];
	v20 =	vmul.f32 v20, v5;
	v21 =	vmul.f32 v21, v8  }
0x50a: {  	v53 =	vld [tilespmem:s30+$0x1410];
	v22 =	vmul.f32 v22, v10;
	v25 =	vmul.f32 v25, v15  }
0x50b: {  	v54 =	vld [tilespmem:s30+$0x1470];
	v23 =	vmul.f32 v23, v12;
	v27 =	vmul.f32 v27, v6  }
0x50c: {  	v24 =	vmul.f32 v24, v14;
	v28 =	vmul.f32 v28, v4;
	v17 =	vadd.f32 v25, v17;
	v25 =	vld [tilespmem:s0+$0x1040]  }
0x50d: {  	v26 =	vmul.f32 v26, v11;
	v29 =	vmul.f32 v29, v7;
	v19 =	vadd.f32 v27, v19;
	v27 =	vld [tilespmem:s0+$0x1050]  }
0x50e: {  	v16 =	vadd.f32 v24, v16;
	v24 =	vmul.f32 v30, v9;
	v20 =	vadd.f32 v28, v20;
	v28 =	vld [tilespmem:s0+$0x1060]  }
0x50f: {  	v18 =	vadd.f32 v26, v18;
	v26 =	vmul.f32 v31, v13;
	v21 =	vadd.f32 v29, v21;
	v29 =	vld [tilespmem:s30+$0x1010]  }
0x510: {  	v30 =	vld [tilespmem:s30+$0x1020]  }
0x511: {  	v22 =	vadd.f32 v24, v22;
	v23 =	vadd.f32 v26, v23;
	v24 =	vld [tilespmem:s0+$0x1070]  }
0x512: {  	v16 =	vadd.f32 v17, v16;
	v17 =	vadd.f32 v19, v18;
	v18 =	vld [tilespmem:s0+$0x1400]  }
0x513: {  	v19 =	vadd.f32 v21, v20;
	v21 =	vld [tilespmem:s0+$0x1410];
	v20 =	vadd.f32 v23, v22  }
0x514: {  	v32 =	vmul.f32 v32, v0;
	v22 =	vld [tilespmem:s0+$0x1420]  }
0x515: {  	v33 =	vmul.f32 v33, v1;
	v16 =	vadd.f32 v17, v16;
	v23 =	vld [tilespmem:s0+$0x1470];
	v17 =	vadd.f32 v20, v19  }
0x516: {  	v34 =	vmul.f32 v34, v2;
	v35 =	vmul.f32 v35, v3;
	v19 =	vld [tilespmem:s0+$0x1430]  }
0x517: {  	v56 =	vmul.f32 v38, v10;
	v25 =	vmul.f32 v25, v5;
	v20 =	vld [tilespmem:s0+$0x1440];
	v16 =	vadd.f32 v17, v16  }
0x518: {  	v27 =	vmul.f32 v27, v8;
	v28 =	vmul.f32 v28, v10;
	v17 =	vld [tilespmem:s0+$0x1450]  }
0x519: {  	v18 =	vmul.f32 v18, v14;
	v21 =	vmul.f32 v21, v15;
	[tilespmem:s19+$0x0] =	vst.add.f32.msk $0xffff, v16  }
0x51a: {  	v24 =	vmul.f32 v24, v12;
	v22 =	vmul.f32 v22, v11;
	v16 =	vld [tilespmem:s0+$0x1460]  }
0x51b: {  	v26 =	vld [tilespmem:s30+$0x1000];
	v18 =	vadd.f32 v18, v32;
	v21 =	vadd.f32 v21, v33;
	v23 =	vmul.f32 v23, v13  }
0x51c: {  	v31 =	vld [tilespmem:s30+$0x1030];
	v19 =	vmul.f32 v19, v6;
	v20 =	vmul.f32 v20, v4  }
0x51d: {  	v22 =	vadd.f32 v22, v34;
	v18 =	vadd.f32 v21, v18;
	v21 =	vld [tilespmem:s30+$0x1420];
	v17 =	vmul.f32 v17, v7  }
0x51e: {  	v32 =	vmul.f32 v51, v12;
	v19 =	vadd.f32 v19, v35;
	v20 =	vadd.f32 v20, v25;
	v25 =	vld [tilespmem:s30+$0x1430]  }
0x51f: {  	s31 =	simm.s32 $0x100;
	v35 =	vmul.f32 v54, v13;
	v17 =	vadd.f32 v17, v27;
	v16 =	vmul.f32 v16, v9;
	v27 =	vld [tilespmem:s30+$0x1440]  }
0x520: {  	s2 =	sand.u32 $0x300, s31;
	v19 =	vadd.f32 v19, v22;
	v22 =	vmul.f32 v26, v0;
	v26 =	vmul.f32 v29, v1;
	v29 =	vld [tilespmem:s30+$0x1450]  }
0x521: {  	s21 =	sor.u32 s2, s1;
	v16 =	vadd.f32 v16, v28;
	v28 =	vmul.f32 v30, v2;
	v30 =	vmul.f32 v31, v3;
	v31 =	vld [tilespmem:s30+$0x1460]  }
0x522: {  	v55 =	vld [tilespmem:s21+$0x1000];
	v33 =	vmul.f32 v52, v14;
	v23 =	vadd.f32 v23, v24;
	v24 =	vmul.f32 v37, v8  }
0x523: {  	v57 =	vld [tilespmem:s21+$0x1010];
	v34 =	vmul.f32 v53, v15;
	v32 =	vadd.f32 v35, v32;
	v21 =	vmul.f32 v21, v11  }
0x524: {  	v58 =	vld [tilespmem:s21+$0x1020];
	v17 =	vadd.f32 v17, v20;
	v20 =	vmul.f32 v36, v5;
	v22 =	vadd.f32 v33, v22  }
0x525: {  	v59 =	vld [tilespmem:s21+$0x1070];
	v26 =	vadd.f32 v34, v26;
	v25 =	vmul.f32 v25, v6;
	v27 =	vmul.f32 v27, v4  }
0x526: {  	v60 =	vld [tilespmem:s21+$0x1400];
	v21 =	vadd.f32 v21, v28;
	v29 =	vmul.f32 v29, v7;
	v31 =	vmul.f32 v31, v9  }
0x527: {  	v62 =	vld [tilespmem:s21+$0x1410];
	v25 =	vadd.f32 v25, v30;
	v20 =	vadd.f32 v27, v20  }
0x528: {  	v28 =	vld [tilespmem:s21+$0x1030];
	v24 =	vadd.f32 v29, v24;
	v27 =	vadd.f32 v31, v56  }
0x529: {  	v26 =	vadd.f32 v26, v22;
	v30 =	vld [tilespmem:s21+$0x1040];
	v21 =	vadd.f32 v25, v21  }
0x52a: {  	v29 =	vld [tilespmem:s21+$0x1050];
	v20 =	vadd.f32 v24, v20;
	v24 =	vadd.f32 v32, v27  }
0x52b: {  	v61 =	vadd.f32 v19, v18;
	v16 =	vadd.f32 v23, v16;
	v23 =	vmul.f32 v55, v0;
	v31 =	vld [tilespmem:s21+$0x1060]  }
0x52c: {  	v22 =	vmul.f32 v57, v1;
	v18 =	vadd.f32 v21, v26;
	v27 =	vld [tilespmem:s21+$0x1420];
	v26 =	vadd.f32 v24, v20  }
0x52d: {  	v16 =	vadd.f32 v16, v17;
	v17 =	vmul.f32 v59, v12;
	v21 =	vmul.f32 v28, v3;
	v28 =	vld [tilespmem:s21+$0x1430]  }
0x52e: {  	v25 =	vld [tilespmem:s21+$0x1440];
	v19 =	vmul.f32 v30, v5;
	v30 =	vmul.f32 v60, v14;
	v63 =	vadd.f32 v26, v18  }
0x52f: {  	s22 =	sadd.s32 $0x100, s19;
	v24 =	vmul.f32 v58, v2;
	v20 =	vmul.f32 v29, v8;
	v26 =	vld [tilespmem:s21+$0x1450]  }
0x530: {  	s24 =	simm.s32 $0x2;
	s25 =	simm.s32 $0x2000;
	s23 =	smov.u32 s19;
	v16 =	vadd.f32 v16, v61;
	v29 =	vmul.f32 v62, v15;
	v18 =	vmul.f32 v31, v10;
	[tilespmem:s22+$0x0] =	vst.add.f32.msk $0xffff, v63  }
.LBB2_23:
0x531: {  	s0 =	sand.u32 $0x4000, s25;
	v23 =	vadd.f32 v30, v23;
	v27 =	vmul.f32 v27, v11;
	v30 =	vld [tilespmem:s21+$0x1460];
	s20 =	sadd.s32 $0x100, s20  }
0x532: {  	s1 =	sadd.s32 $0xFFFFFF80, s20;
	s0 =	sor.u32 $0x8800, s0;
	s2 =	sand.u32 $0x380, s20;
	v22 =	vadd.f32 v29, v22;
	v28 =	vmul.f32 v28, v6;
	v29 =	vld [tilespmem:s21+$0x1470]  }
0x533: {  	s1 =	sand.u32 $0x300, s1;
	s2 =	sor.u32 s2, s0;
	v24 =	vadd.f32 v27, v24;
	v25 =	vmul.f32 v25, v4;
	[tilespmem:s23+$0xFFFFFF80] =	vst.add.f32.msk $0xffff, v16;
	s23 =	smov.u32 s22  }
0x534: {  	s21 =	sor.u32 s1, s0;
	v27 =	vld [tilespmem:s2+$0x1000];
	v16 =	vadd.f32 v28, v21;
	v21 =	vmul.f32 v26, v7;
	v22 =	vadd.f32 v22, v23  }
0x535: {  	v23 =	vld [tilespmem:s2+$0x1010];
	v19 =	vadd.f32 v25, v19  }
0x536: {  	v25 =	vld [tilespmem:s2+$0x1020];
	v20 =	vadd.f32 v21, v20;
	v21 =	vmul.f32 v30, v9;
	v16 =	vadd.f32 v16, v24  }
0x537: {  	v24 =	vld [tilespmem:s2+$0x1030];
	v26 =	vmul.f32 v29, v13  }
0x538: {  	v28 =	vld [tilespmem:s2+$0x1040];
	v18 =	vadd.f32 v21, v18;
	v19 =	vadd.f32 v20, v19  }
0x539: {  	v16 =	vadd.f32 v16, v22;
	v20 =	vld [tilespmem:s2+$0x1050];
	v17 =	vadd.f32 v26, v17  }
0x53a: {  	v21 =	vld [tilespmem:s2+$0x1060]  }
0x53b: {  	v22 =	vld [tilespmem:s2+$0x1070];
	v17 =	vadd.f32 v17, v18  }
0x53c: {  	v18 =	vld [tilespmem:s2+$0x1400]  }
0x53d: {  	v26 =	vld [tilespmem:s2+$0x1410];
	v17 =	vadd.f32 v17, v19  }
0x53e: {  	v19 =	vld [tilespmem:s2+$0x1420]  }
0x53f: {  	v29 =	vld [tilespmem:s2+$0x1430];
	v16 =	vadd.f32 v17, v16  }
0x540: {  	s24 =	sadd.s32 $0x2, s24;
	v23 =	vmul.f32 v23, v1;
	v17 =	vmul.f32 v27, v0;
	v27 =	vld [tilespmem:s2+$0x1440]  }
0x541: {  	p1 =	slt.u32 s24, $0xE;
	v25 =	vmul.f32 v25, v2;
	v24 =	vmul.f32 v24, v3;
	v30 =	vld [tilespmem:s2+$0x1450]  }
0x542: {  	v28 =	vmul.f32 v28, v5;
	v20 =	vmul.f32 v20, v8;
	v31 =	vld [tilespmem:s2+$0x1460]  }
0x543: {  	v21 =	vmul.f32 v21, v10;
	v32 =	vmul.f32 v22, v12;
	v22 =	vld [tilespmem:s2+$0x1470]  }
0x544: {  	v18 =	vmul.f32 v18, v14;
	v26 =	vmul.f32 v26, v15;
	v33 =	vld [tilespmem:s21+$0x1000]  }
0x545: {  	v19 =	vmul.f32 v19, v11;
	v29 =	vmul.f32 v29, v6;
	v34 =	vld [tilespmem:s21+$0x1010]  }
0x546: {  	v27 =	vmul.f32 v27, v4;
	v35 =	vld [tilespmem:s21+$0x1020];
	v30 =	vmul.f32 v30, v7  }
0x547: {  	v17 =	vadd.f32 v18, v17;
	v18 =	vadd.f32 v26, v23;
	v36 =	vld [tilespmem:s21+$0x1030];
	v26 =	vmul.f32 v31, v9  }
0x548: {  	v19 =	vadd.f32 v19, v25;
	v25 =	vadd.f32 v29, v24;
	v31 =	vld [tilespmem:s21+$0x1040];
	v24 =	vmul.f32 v22, v13  }
0x549: {  	v27 =	vadd.f32 v27, v28;
	v20 =	vadd.f32 v30, v20;
	v23 =	vmul.f32 v33, v0;
	v29 =	vld [tilespmem:s21+$0x1050]  }
0x54a: {  	v26 =	vadd.f32 v26, v21;
	v22 =	vmul.f32 v34, v1;
	v28 =	vld [tilespmem:s21+$0x1060];
	v30 =	vadd.f32 v24, v32  }
0x54b: {  	v17 =	vadd.f32 v18, v17;
	v18 =	vadd.f32 v25, v19;
	v24 =	vmul.f32 v35, v2;
	v32 =	vld [tilespmem:s21+$0x1070]  }
0x54c: {  	v25 =	vadd.f32 v20, v27;
	v21 =	vmul.f32 v36, v3;
	v33 =	vld [tilespmem:s21+$0x1400];
	v26 =	vadd.f32 v30, v26  }
0x54d: {  	v19 =	vmul.f32 v31, v5;
	v31 =	vld [tilespmem:s21+$0x1410]  }
.Ltmp10:
0x54e: {  	v20 =	vmul.f32 v29, v8;
	v27 =	vld [tilespmem:s21+$0x1420];
	v29 =	vadd.f32 v18, v17;
	v26 =	vadd.f32 v26, v25;
	(pc) =	sbr.rel @p1 .LBB2_23-.Ltmp10, $4  }
0x54f: {  	v18 =	vmul.f32 v28, v10;
	v28 =	vld [tilespmem:s21+$0x1430]  }
0x550: {  	v17 =	vmul.f32 v32, v12;
	v25 =	vld [tilespmem:s21+$0x1440];
	v32 =	vadd.f32 v26, v29  }
0x551: {  	s22 =	sadd.s32 $0x100, s22;
	v30 =	vmul.f32 v33, v14;
	v26 =	vld [tilespmem:s21+$0x1450]  }
0x552: {  	s25 =	sadd.s32 $0x1000, s25;
	v29 =	vmul.f32 v31, v15;
	[tilespmem:s22+$0x0] =	vst.add.f32.msk $0xffff, v32  }
0x553: {  	v0 =	vld [tilespmem:s21+$0x1460]  }
0x554: {  	v1 =	vld [tilespmem:s21+$0x1470];
	_ =	sdelay $0x1  }
0x555: {  	v2 =	vmul.f32 v27, v11  }
0x556: {  	v3 =	vadd.f32 v30, v23;
	v5 =	vadd.f32 v29, v22;
	v6 =	vmul.f32 v28, v6  }
0x557: {  	v2 =	vadd.f32 v2, v24;
	v4 =	vmul.f32 v25, v4;
	v7 =	vmul.f32 v26, v7  }
0x558: {  	v6 =	vadd.f32 v6, v21;
	v0 =	vmul.f32 v0, v9;
	v1 =	vmul.f32 v1, v13  }
0x559: {  	v4 =	vadd.f32 v4, v19;
	v7 =	vadd.f32 v7, v20  }
0x55a: {  	v0 =	vadd.f32 v0, v18;
	v1 =	vadd.f32 v1, v17  }
0x55b: {  	v3 =	vadd.f32 v5, v3;
	v2 =	vadd.f32 v6, v2  }
0x55c: {  	v4 =	vadd.f32 v7, v4;
	v0 =	vadd.f32 v1, v0;
	_ =	sdelay $0x1  }
0x55d: {  	v1 =	vadd.f32 v2, v3;
	v0 =	vadd.f32 v0, v4;
	_ =	sdelay $0x1  }
0x55e: {  	v0 =	vadd.f32 v0, v1  }
0x55f: {  	[tilespmem:s23+$0xFFFFFF80] =	vst.add.f32.msk $0xffff, v16  }
0x560: {  	[tilespmem:s22+$0xFFFFFF80] =	vst.add.f32.msk $0xffff, v0  }
0x561: {  	v0 =	vld [tilespmem:$0x300]  }
0x562: {  	v1 =	vld [tilespmem:$0x310]  }
0x563: {  	v2 =	vld [tilespmem:$0x320]  }
0x564: {  	v3 =	vld [tilespmem:$0x330]  }
0x565: {  	v5 =	vld [tilespmem:$0x340]  }
0x566: {  	v8 =	vld [tilespmem:$0x350]  }
0x567: {  	v10 =	vld [tilespmem:$0x360]  }
0x568: {  	v12 =	vld [tilespmem:$0x370]  }
0x569: {  	v14 =	vld [tilespmem:$0x380]  }
0x56a: {  	v15 =	vld [tilespmem:$0x390]  }
0x56b: {  	v11 =	vld [tilespmem:$0x3A0]  }
0x56c: {  	v6 =	vld [tilespmem:$0x3B0]  }
0x56d: {  	s0 =	simm.s32 $0x0;
	v4 =	vld [tilespmem:$0x3C0]  }
0x56e: {  	s1 =	simm.s32 $0x80;
	s0 =	sand.u32 $0x4000, s0;
	v7 =	vld [tilespmem:$0x3D0]  }
0x56f: {  	s1 =	sand.u32 $0x380, s1;
	s0 =	sor.u32 $0x8800, s0;
	v9 =	vld [tilespmem:$0x3E0]  }
0x570: {  	s1 =	sor.u32 s1, s0;
	v13 =	vld [tilespmem:$0x3F0]  }
0x571: {  	v16 =	vld [tilespmem:s1+$0x1800]  }
0x572: {  	v17 =	vld [tilespmem:s1+$0x1810]  }
0x573: {  	v18 =	vld [tilespmem:s1+$0x1820]  }
0x574: {  	v19 =	vld [tilespmem:s1+$0x1830]  }
0x575: {  	v20 =	vld [tilespmem:s1+$0x1840]  }
0x576: {  	v21 =	vld [tilespmem:s1+$0x1850]  }
0x577: {  	v22 =	vld [tilespmem:s1+$0x1860]  }
0x578: {  	v23 =	vld [tilespmem:s1+$0x1870]  }
0x579: {  	v24 =	vld [tilespmem:s1+$0x1C00]  }
0x57a: {  	v25 =	vld [tilespmem:s1+$0x1C10]  }
0x57b: {  	v26 =	vld [tilespmem:s1+$0x1C20]  }
0x57c: {  	v27 =	vld [tilespmem:s1+$0x1C30]  }
0x57d: {  	v28 =	vld [tilespmem:s1+$0x1C40]  }
0x57e: {  	s2 =	simm.s32 $0x0;
	v29 =	vld [tilespmem:s1+$0x1C50]  }
0x57f: {  	s2 =	sand.u32 $0x300, s2;
	v30 =	vld [tilespmem:s1+$0x1C60]  }
0x580: {  	s0 =	sor.u32 s2, s0;
	v31 =	vld [tilespmem:s1+$0x1C70]  }
0x581: {  	s28 =	simm.s32 $0x1000;
	v32 =	vld [tilespmem:s0+$0x1800]  }
0x582: {  	s20 =	simm.s32 $0x180;
	v33 =	vld [tilespmem:s0+$0x1810];
	s1 =	sand.u32 $0x4000, s28  }
0x583: {  	s29 =	sand.u32 $0x380, s20;
	v34 =	vld [tilespmem:s0+$0x1820];
	s1 =	sor.u32 $0x8800, s1  }
0x584: {  	v35 =	vld [tilespmem:s0+$0x1830];
	s30 =	sor.u32 s29, s1  }
0x585: {  	v36 =	vld [tilespmem:s30+$0x1840]  }
0x586: {  	v37 =	vld [tilespmem:s30+$0x1850]  }
0x587: {  	v38 =	vld [tilespmem:s30+$0x1860];
	v16 =	vmul.f32 v16, v0;
	v17 =	vmul.f32 v17, v1  }
0x588: {  	v51 =	vld [tilespmem:s30+$0x1870];
	v18 =	vmul.f32 v18, v2;
	v19 =	vmul.f32 v19, v3  }
0x589: {  	v52 =	vld [tilespmem:s30+$0x1C00];
	v20 =	vmul.f32 v20, v5;
	v21 =	vmul.f32 v21, v8  }
0x58a: {  	v53 =	vld [tilespmem:s30+$0x1C10];
	v22 =	vmul.f32 v22, v10;
	v25 =	vmul.f32 v25, v15  }
0x58b: {  	v54 =	vld [tilespmem:s30+$0x1C70];
	v23 =	vmul.f32 v23, v12;
	v27 =	vmul.f32 v27, v6  }
0x58c: {  	v24 =	vmul.f32 v24, v14;
	v28 =	vmul.f32 v28, v4;
	v17 =	vadd.f32 v25, v17;
	v25 =	vld [tilespmem:s0+$0x1840]  }
0x58d: {  	v26 =	vmul.f32 v26, v11;
	v29 =	vmul.f32 v29, v7;
	v19 =	vadd.f32 v27, v19;
	v27 =	vld [tilespmem:s0+$0x1850]  }
0x58e: {  	v16 =	vadd.f32 v24, v16;
	v24 =	vmul.f32 v30, v9;
	v20 =	vadd.f32 v28, v20;
	v28 =	vld [tilespmem:s0+$0x1860]  }
0x58f: {  	v18 =	vadd.f32 v26, v18;
	v26 =	vmul.f32 v31, v13;
	v21 =	vadd.f32 v29, v21;
	v29 =	vld [tilespmem:s30+$0x1810]  }
0x590: {  	v30 =	vld [tilespmem:s30+$0x1820]  }
0x591: {  	v22 =	vadd.f32 v24, v22;
	v23 =	vadd.f32 v26, v23;
	v24 =	vld [tilespmem:s0+$0x1870]  }
0x592: {  	v16 =	vadd.f32 v17, v16;
	v17 =	vadd.f32 v19, v18;
	v18 =	vld [tilespmem:s0+$0x1C00]  }
0x593: {  	v19 =	vadd.f32 v21, v20;
	v21 =	vld [tilespmem:s0+$0x1C10];
	v20 =	vadd.f32 v23, v22  }
0x594: {  	v32 =	vmul.f32 v32, v0;
	v22 =	vld [tilespmem:s0+$0x1C20]  }
0x595: {  	v33 =	vmul.f32 v33, v1;
	v16 =	vadd.f32 v17, v16;
	v23 =	vld [tilespmem:s0+$0x1C70];
	v17 =	vadd.f32 v20, v19  }
0x596: {  	v34 =	vmul.f32 v34, v2;
	v35 =	vmul.f32 v35, v3;
	v19 =	vld [tilespmem:s0+$0x1C30]  }
0x597: {  	v56 =	vmul.f32 v38, v10;
	v25 =	vmul.f32 v25, v5;
	v20 =	vld [tilespmem:s0+$0x1C40];
	v16 =	vadd.f32 v17, v16  }
0x598: {  	v27 =	vmul.f32 v27, v8;
	v28 =	vmul.f32 v28, v10;
	v17 =	vld [tilespmem:s0+$0x1C50]  }
0x599: {  	v18 =	vmul.f32 v18, v14;
	v21 =	vmul.f32 v21, v15;
	[tilespmem:s19+$0x0] =	vst.add.f32.msk $0xffff, v16  }
0x59a: {  	v24 =	vmul.f32 v24, v12;
	v22 =	vmul.f32 v22, v11;
	v16 =	vld [tilespmem:s0+$0x1C60]  }
0x59b: {  	v26 =	vld [tilespmem:s30+$0x1800];
	v18 =	vadd.f32 v18, v32;
	v21 =	vadd.f32 v21, v33;
	v23 =	vmul.f32 v23, v13  }
0x59c: {  	v31 =	vld [tilespmem:s30+$0x1830];
	v19 =	vmul.f32 v19, v6;
	v20 =	vmul.f32 v20, v4  }
0x59d: {  	v22 =	vadd.f32 v22, v34;
	v18 =	vadd.f32 v21, v18;
	v21 =	vld [tilespmem:s30+$0x1C20];
	v17 =	vmul.f32 v17, v7  }
0x59e: {  	v32 =	vmul.f32 v51, v12;
	v19 =	vadd.f32 v19, v35;
	v20 =	vadd.f32 v20, v25;
	v25 =	vld [tilespmem:s30+$0x1C30]  }
0x59f: {  	s31 =	simm.s32 $0x100;
	v35 =	vmul.f32 v54, v13;
	v17 =	vadd.f32 v17, v27;
	v16 =	vmul.f32 v16, v9;
	v27 =	vld [tilespmem:s30+$0x1C40]  }
0x5a0: {  	s2 =	sand.u32 $0x300, s31;
	v19 =	vadd.f32 v19, v22;
	v22 =	vmul.f32 v26, v0;
	v26 =	vmul.f32 v29, v1;
	v29 =	vld [tilespmem:s30+$0x1C50]  }
0x5a1: {  	s21 =	sor.u32 s2, s1;
	v16 =	vadd.f32 v16, v28;
	v28 =	vmul.f32 v30, v2;
	v30 =	vmul.f32 v31, v3;
	v31 =	vld [tilespmem:s30+$0x1C60]  }
0x5a2: {  	v55 =	vld [tilespmem:s21+$0x1800];
	v33 =	vmul.f32 v52, v14;
	v23 =	vadd.f32 v23, v24;
	v24 =	vmul.f32 v37, v8  }
0x5a3: {  	v57 =	vld [tilespmem:s21+$0x1810];
	v34 =	vmul.f32 v53, v15;
	v32 =	vadd.f32 v35, v32;
	v21 =	vmul.f32 v21, v11  }
0x5a4: {  	v58 =	vld [tilespmem:s21+$0x1820];
	v17 =	vadd.f32 v17, v20;
	v20 =	vmul.f32 v36, v5;
	v22 =	vadd.f32 v33, v22  }
0x5a5: {  	v59 =	vld [tilespmem:s21+$0x1870];
	v26 =	vadd.f32 v34, v26;
	v25 =	vmul.f32 v25, v6;
	v27 =	vmul.f32 v27, v4  }
0x5a6: {  	v60 =	vld [tilespmem:s21+$0x1C00];
	v21 =	vadd.f32 v21, v28;
	v29 =	vmul.f32 v29, v7;
	v31 =	vmul.f32 v31, v9  }
0x5a7: {  	v62 =	vld [tilespmem:s21+$0x1C10];
	v25 =	vadd.f32 v25, v30;
	v20 =	vadd.f32 v27, v20  }
0x5a8: {  	v28 =	vld [tilespmem:s21+$0x1830];
	v24 =	vadd.f32 v29, v24;
	v27 =	vadd.f32 v31, v56  }
0x5a9: {  	v26 =	vadd.f32 v26, v22;
	v30 =	vld [tilespmem:s21+$0x1840];
	v21 =	vadd.f32 v25, v21  }
0x5aa: {  	v29 =	vld [tilespmem:s21+$0x1850];
	v20 =	vadd.f32 v24, v20;
	v24 =	vadd.f32 v32, v27  }
0x5ab: {  	v61 =	vadd.f32 v19, v18;
	v16 =	vadd.f32 v23, v16;
	v23 =	vmul.f32 v55, v0;
	v31 =	vld [tilespmem:s21+$0x1860]  }
0x5ac: {  	v22 =	vmul.f32 v57, v1;
	v18 =	vadd.f32 v21, v26;
	v27 =	vld [tilespmem:s21+$0x1C20];
	v26 =	vadd.f32 v24, v20  }
0x5ad: {  	v16 =	vadd.f32 v16, v17;
	v17 =	vmul.f32 v59, v12;
	v21 =	vmul.f32 v28, v3;
	v28 =	vld [tilespmem:s21+$0x1C30]  }
0x5ae: {  	v25 =	vld [tilespmem:s21+$0x1C40];
	v19 =	vmul.f32 v30, v5;
	v30 =	vmul.f32 v60, v14;
	v63 =	vadd.f32 v26, v18  }
0x5af: {  	s22 =	sadd.s32 $0x100, s19;
	v24 =	vmul.f32 v58, v2;
	v20 =	vmul.f32 v29, v8;
	v26 =	vld [tilespmem:s21+$0x1C50]  }
0x5b0: {  	s24 =	simm.s32 $0x2;
	s25 =	simm.s32 $0x2000;
	s23 =	smov.u32 s19;
	v16 =	vadd.f32 v16, v61;
	v29 =	vmul.f32 v62, v15;
	v18 =	vmul.f32 v31, v10;
	[tilespmem:s22+$0x0] =	vst.add.f32.msk $0xffff, v63  }
.LBB2_25:
0x5b1: {  	s0 =	sand.u32 $0x4000, s25;
	v23 =	vadd.f32 v30, v23;
	v27 =	vmul.f32 v27, v11;
	v30 =	vld [tilespmem:s21+$0x1C60];
	s20 =	sadd.s32 $0x100, s20  }
0x5b2: {  	s1 =	sadd.s32 $0xFFFFFF80, s20;
	s0 =	sor.u32 $0x8800, s0;
	s2 =	sand.u32 $0x380, s20;
	v22 =	vadd.f32 v29, v22;
	v28 =	vmul.f32 v28, v6;
	v29 =	vld [tilespmem:s21+$0x1C70]  }
0x5b3: {  	s1 =	sand.u32 $0x300, s1;
	s2 =	sor.u32 s2, s0;
	v24 =	vadd.f32 v27, v24;
	v25 =	vmul.f32 v25, v4;
	[tilespmem:s23+$0xFFFFFF80] =	vst.add.f32.msk $0xffff, v16;
	s23 =	smov.u32 s22  }
0x5b4: {  	s21 =	sor.u32 s1, s0;
	v27 =	vld [tilespmem:s2+$0x1800];
	v16 =	vadd.f32 v28, v21;
	v21 =	vmul.f32 v26, v7;
	v22 =	vadd.f32 v22, v23  }
0x5b5: {  	v23 =	vld [tilespmem:s2+$0x1810];
	v19 =	vadd.f32 v25, v19  }
0x5b6: {  	v25 =	vld [tilespmem:s2+$0x1820];
	v20 =	vadd.f32 v21, v20;
	v21 =	vmul.f32 v30, v9;
	v16 =	vadd.f32 v16, v24  }
0x5b7: {  	v24 =	vld [tilespmem:s2+$0x1830];
	v26 =	vmul.f32 v29, v13  }
0x5b8: {  	v28 =	vld [tilespmem:s2+$0x1840];
	v18 =	vadd.f32 v21, v18;
	v19 =	vadd.f32 v20, v19  }
0x5b9: {  	v16 =	vadd.f32 v16, v22;
	v20 =	vld [tilespmem:s2+$0x1850];
	v17 =	vadd.f32 v26, v17  }
0x5ba: {  	v21 =	vld [tilespmem:s2+$0x1860]  }
0x5bb: {  	v22 =	vld [tilespmem:s2+$0x1870];
	v17 =	vadd.f32 v17, v18  }
0x5bc: {  	v18 =	vld [tilespmem:s2+$0x1C00]  }
0x5bd: {  	v26 =	vld [tilespmem:s2+$0x1C10];
	v17 =	vadd.f32 v17, v19  }
0x5be: {  	v19 =	vld [tilespmem:s2+$0x1C20]  }
0x5bf: {  	v29 =	vld [tilespmem:s2+$0x1C30];
	v16 =	vadd.f32 v17, v16  }
0x5c0: {  	s24 =	sadd.s32 $0x2, s24;
	v23 =	vmul.f32 v23, v1;
	v17 =	vmul.f32 v27, v0;
	v27 =	vld [tilespmem:s2+$0x1C40]  }
0x5c1: {  	p1 =	slt.u32 s24, $0xE;
	v25 =	vmul.f32 v25, v2;
	v24 =	vmul.f32 v24, v3;
	v30 =	vld [tilespmem:s2+$0x1C50]  }
0x5c2: {  	v28 =	vmul.f32 v28, v5;
	v20 =	vmul.f32 v20, v8;
	v31 =	vld [tilespmem:s2+$0x1C60]  }
0x5c3: {  	v21 =	vmul.f32 v21, v10;
	v32 =	vmul.f32 v22, v12;
	v22 =	vld [tilespmem:s2+$0x1C70]  }
0x5c4: {  	v18 =	vmul.f32 v18, v14;
	v26 =	vmul.f32 v26, v15;
	v33 =	vld [tilespmem:s21+$0x1800]  }
0x5c5: {  	v19 =	vmul.f32 v19, v11;
	v29 =	vmul.f32 v29, v6;
	v34 =	vld [tilespmem:s21+$0x1810]  }
0x5c6: {  	v27 =	vmul.f32 v27, v4;
	v35 =	vld [tilespmem:s21+$0x1820];
	v30 =	vmul.f32 v30, v7  }
0x5c7: {  	v17 =	vadd.f32 v18, v17;
	v18 =	vadd.f32 v26, v23;
	v36 =	vld [tilespmem:s21+$0x1830];
	v26 =	vmul.f32 v31, v9  }
0x5c8: {  	v19 =	vadd.f32 v19, v25;
	v25 =	vadd.f32 v29, v24;
	v31 =	vld [tilespmem:s21+$0x1840];
	v24 =	vmul.f32 v22, v13  }
0x5c9: {  	v27 =	vadd.f32 v27, v28;
	v20 =	vadd.f32 v30, v20;
	v23 =	vmul.f32 v33, v0;
	v29 =	vld [tilespmem:s21+$0x1850]  }
0x5ca: {  	v26 =	vadd.f32 v26, v21;
	v22 =	vmul.f32 v34, v1;
	v28 =	vld [tilespmem:s21+$0x1860];
	v30 =	vadd.f32 v24, v32  }
0x5cb: {  	v17 =	vadd.f32 v18, v17;
	v18 =	vadd.f32 v25, v19;
	v24 =	vmul.f32 v35, v2;
	v32 =	vld [tilespmem:s21+$0x1870]  }
0x5cc: {  	v25 =	vadd.f32 v20, v27;
	v21 =	vmul.f32 v36, v3;
	v33 =	vld [tilespmem:s21+$0x1C00];
	v26 =	vadd.f32 v30, v26  }
0x5cd: {  	v19 =	vmul.f32 v31, v5;
	v31 =	vld [tilespmem:s21+$0x1C10]  }
.Ltmp11:
0x5ce: {  	v20 =	vmul.f32 v29, v8;
	v27 =	vld [tilespmem:s21+$0x1C20];
	v29 =	vadd.f32 v18, v17;
	v26 =	vadd.f32 v26, v25;
	(pc) =	sbr.rel @p1 .LBB2_25-.Ltmp11, $4  }
0x5cf: {  	v18 =	vmul.f32 v28, v10;
	v28 =	vld [tilespmem:s21+$0x1C30]  }
0x5d0: {  	v17 =	vmul.f32 v32, v12;
	v25 =	vld [tilespmem:s21+$0x1C40];
	v32 =	vadd.f32 v26, v29  }
0x5d1: {  	s22 =	sadd.s32 $0x100, s22;
	v30 =	vmul.f32 v33, v14;
	v26 =	vld [tilespmem:s21+$0x1C50]  }
0x5d2: {  	s25 =	sadd.s32 $0x1000, s25;
	v29 =	vmul.f32 v31, v15;
	[tilespmem:s22+$0x0] =	vst.add.f32.msk $0xffff, v32  }
0x5d3: {  	v0 =	vld [tilespmem:s21+$0x1C60]  }
0x5d4: {  	v1 =	vld [tilespmem:s21+$0x1C70];
	_ =	sdelay $0x1  }
0x5d5: {  	v2 =	vmul.f32 v27, v11  }
0x5d6: {  	v3 =	vadd.f32 v30, v23;
	v5 =	vadd.f32 v29, v22;
	v6 =	vmul.f32 v28, v6  }
0x5d7: {  	v2 =	vadd.f32 v2, v24;
	v4 =	vmul.f32 v25, v4;
	v7 =	vmul.f32 v26, v7  }
0x5d8: {  	v6 =	vadd.f32 v6, v21;
	v0 =	vmul.f32 v0, v9;
	v1 =	vmul.f32 v1, v13  }
0x5d9: {  	v4 =	vadd.f32 v4, v19;
	v7 =	vadd.f32 v7, v20  }
0x5da: {  	v0 =	vadd.f32 v0, v18;
	v1 =	vadd.f32 v1, v17  }
0x5db: {  	v3 =	vadd.f32 v5, v3;
	v2 =	vadd.f32 v6, v2  }
0x5dc: {  	v4 =	vadd.f32 v7, v4;
	v0 =	vadd.f32 v1, v0;
	_ =	sdelay $0x1  }
0x5dd: {  	v1 =	vadd.f32 v2, v3;
	v0 =	vadd.f32 v0, v4;
	_ =	sdelay $0x1  }
0x5de: {  	v0 =	vadd.f32 v0, v1  }
0x5df: {  	[tilespmem:s23+$0xFFFFFF80] =	vst.add.f32.msk $0xffff, v16  }
0x5e0: {  	[tilespmem:s22+$0xFFFFFF80] =	vst.add.f32.msk $0xffff, v0  }
0x5e1: {  	v0 =	vld [tilespmem:$0x400]  }
0x5e2: {  	v1 =	vld [tilespmem:$0x410]  }
0x5e3: {  	v2 =	vld [tilespmem:$0x420]  }
0x5e4: {  	v3 =	vld [tilespmem:$0x430]  }
0x5e5: {  	v5 =	vld [tilespmem:$0x440]  }
0x5e6: {  	v8 =	vld [tilespmem:$0x450]  }
0x5e7: {  	v10 =	vld [tilespmem:$0x460]  }
0x5e8: {  	v12 =	vld [tilespmem:$0x470]  }
0x5e9: {  	v14 =	vld [tilespmem:$0x480]  }
0x5ea: {  	v15 =	vld [tilespmem:$0x490]  }
0x5eb: {  	v11 =	vld [tilespmem:$0x4A0]  }
0x5ec: {  	v6 =	vld [tilespmem:$0x4B0]  }
0x5ed: {  	s0 =	simm.s32 $0x0;
	v4 =	vld [tilespmem:$0x4C0]  }
0x5ee: {  	s1 =	simm.s32 $0x80;
	s0 =	sand.u32 $0x4000, s0;
	v7 =	vld [tilespmem:$0x4D0]  }
0x5ef: {  	s1 =	sand.u32 $0x380, s1;
	s0 =	sor.u32 $0x8800, s0;
	v9 =	vld [tilespmem:$0x4E0]  }
0x5f0: {  	s1 =	sor.u32 s1, s0;
	v13 =	vld [tilespmem:$0x4F0]  }
0x5f1: {  	v16 =	vld [tilespmem:s1+$0x2000]  }
0x5f2: {  	v17 =	vld [tilespmem:s1+$0x2010]  }
0x5f3: {  	v18 =	vld [tilespmem:s1+$0x2020]  }
0x5f4: {  	v19 =	vld [tilespmem:s1+$0x2030]  }
0x5f5: {  	v20 =	vld [tilespmem:s1+$0x2040]  }
0x5f6: {  	v21 =	vld [tilespmem:s1+$0x2050]  }
0x5f7: {  	v22 =	vld [tilespmem:s1+$0x2060]  }
0x5f8: {  	v23 =	vld [tilespmem:s1+$0x2070]  }
0x5f9: {  	v24 =	vld [tilespmem:s1+$0x2400]  }
0x5fa: {  	v25 =	vld [tilespmem:s1+$0x2410]  }
0x5fb: {  	v26 =	vld [tilespmem:s1+$0x2420]  }
0x5fc: {  	v27 =	vld [tilespmem:s1+$0x2430]  }
0x5fd: {  	v28 =	vld [tilespmem:s1+$0x2440]  }
0x5fe: {  	s2 =	simm.s32 $0x0;
	v29 =	vld [tilespmem:s1+$0x2450]  }
0x5ff: {  	s2 =	sand.u32 $0x300, s2;
	v30 =	vld [tilespmem:s1+$0x2460]  }
0x600: {  	s0 =	sor.u32 s2, s0;
	v31 =	vld [tilespmem:s1+$0x2470]  }
0x601: {  	s28 =	simm.s32 $0x1000;
	v32 =	vld [tilespmem:s0+$0x2000]  }
0x602: {  	s20 =	simm.s32 $0x180;
	v33 =	vld [tilespmem:s0+$0x2010];
	s1 =	sand.u32 $0x4000, s28  }
0x603: {  	s29 =	sand.u32 $0x380, s20;
	v34 =	vld [tilespmem:s0+$0x2020];
	s1 =	sor.u32 $0x8800, s1  }
0x604: {  	v35 =	vld [tilespmem:s0+$0x2030];
	s30 =	sor.u32 s29, s1  }
0x605: {  	v36 =	vld [tilespmem:s30+$0x2040]  }
0x606: {  	v37 =	vld [tilespmem:s30+$0x2050]  }
0x607: {  	v38 =	vld [tilespmem:s30+$0x2060];
	v16 =	vmul.f32 v16, v0;
	v17 =	vmul.f32 v17, v1  }
0x608: {  	v51 =	vld [tilespmem:s30+$0x2070];
	v18 =	vmul.f32 v18, v2;
	v19 =	vmul.f32 v19, v3  }
0x609: {  	v52 =	vld [tilespmem:s30+$0x2400];
	v20 =	vmul.f32 v20, v5;
	v21 =	vmul.f32 v21, v8  }
0x60a: {  	v53 =	vld [tilespmem:s30+$0x2410];
	v22 =	vmul.f32 v22, v10;
	v25 =	vmul.f32 v25, v15  }
0x60b: {  	v54 =	vld [tilespmem:s30+$0x2470];
	v23 =	vmul.f32 v23, v12;
	v27 =	vmul.f32 v27, v6  }
0x60c: {  	v24 =	vmul.f32 v24, v14;
	v28 =	vmul.f32 v28, v4;
	v17 =	vadd.f32 v25, v17;
	v25 =	vld [tilespmem:s0+$0x2040]  }
0x60d: {  	v26 =	vmul.f32 v26, v11;
	v29 =	vmul.f32 v29, v7;
	v19 =	vadd.f32 v27, v19;
	v27 =	vld [tilespmem:s0+$0x2050]  }
0x60e: {  	v16 =	vadd.f32 v24, v16;
	v24 =	vmul.f32 v30, v9;
	v20 =	vadd.f32 v28, v20;
	v28 =	vld [tilespmem:s0+$0x2060]  }
0x60f: {  	v18 =	vadd.f32 v26, v18;
	v26 =	vmul.f32 v31, v13;
	v21 =	vadd.f32 v29, v21;
	v29 =	vld [tilespmem:s30+$0x2010]  }
0x610: {  	v30 =	vld [tilespmem:s30+$0x2020]  }
0x611: {  	v22 =	vadd.f32 v24, v22;
	v23 =	vadd.f32 v26, v23;
	v24 =	vld [tilespmem:s0+$0x2070]  }
0x612: {  	v16 =	vadd.f32 v17, v16;
	v17 =	vadd.f32 v19, v18;
	v18 =	vld [tilespmem:s0+$0x2400]  }
0x613: {  	v19 =	vadd.f32 v21, v20;
	v21 =	vld [tilespmem:s0+$0x2410];
	v20 =	vadd.f32 v23, v22  }
0x614: {  	v32 =	vmul.f32 v32, v0;
	v22 =	vld [tilespmem:s0+$0x2420]  }
0x615: {  	v33 =	vmul.f32 v33, v1;
	v16 =	vadd.f32 v17, v16;
	v23 =	vld [tilespmem:s0+$0x2470];
	v17 =	vadd.f32 v20, v19  }
0x616: {  	v34 =	vmul.f32 v34, v2;
	v35 =	vmul.f32 v35, v3;
	v19 =	vld [tilespmem:s0+$0x2430]  }
0x617: {  	v56 =	vmul.f32 v38, v10;
	v25 =	vmul.f32 v25, v5;
	v20 =	vld [tilespmem:s0+$0x2440];
	v16 =	vadd.f32 v17, v16  }
0x618: {  	v27 =	vmul.f32 v27, v8;
	v28 =	vmul.f32 v28, v10;
	v17 =	vld [tilespmem:s0+$0x2450]  }
0x619: {  	v18 =	vmul.f32 v18, v14;
	v21 =	vmul.f32 v21, v15;
	[tilespmem:s19+$0x0] =	vst.add.f32.msk $0xffff, v16  }
0x61a: {  	v24 =	vmul.f32 v24, v12;
	v22 =	vmul.f32 v22, v11;
	v16 =	vld [tilespmem:s0+$0x2460]  }
0x61b: {  	v26 =	vld [tilespmem:s30+$0x2000];
	v18 =	vadd.f32 v18, v32;
	v21 =	vadd.f32 v21, v33;
	v23 =	vmul.f32 v23, v13  }
0x61c: {  	v31 =	vld [tilespmem:s30+$0x2030];
	v19 =	vmul.f32 v19, v6;
	v20 =	vmul.f32 v20, v4  }
0x61d: {  	v22 =	vadd.f32 v22, v34;
	v18 =	vadd.f32 v21, v18;
	v21 =	vld [tilespmem:s30+$0x2420];
	v17 =	vmul.f32 v17, v7  }
0x61e: {  	v32 =	vmul.f32 v51, v12;
	v19 =	vadd.f32 v19, v35;
	v20 =	vadd.f32 v20, v25;
	v25 =	vld [tilespmem:s30+$0x2430]  }
0x61f: {  	s31 =	simm.s32 $0x100;
	v35 =	vmul.f32 v54, v13;
	v17 =	vadd.f32 v17, v27;
	v16 =	vmul.f32 v16, v9;
	v27 =	vld [tilespmem:s30+$0x2440]  }
0x620: {  	s2 =	sand.u32 $0x300, s31;
	v19 =	vadd.f32 v19, v22;
	v22 =	vmul.f32 v26, v0;
	v26 =	vmul.f32 v29, v1;
	v29 =	vld [tilespmem:s30+$0x2450]  }
0x621: {  	s21 =	sor.u32 s2, s1;
	v16 =	vadd.f32 v16, v28;
	v28 =	vmul.f32 v30, v2;
	v30 =	vmul.f32 v31, v3;
	v31 =	vld [tilespmem:s30+$0x2460]  }
0x622: {  	v55 =	vld [tilespmem:s21+$0x2000];
	v33 =	vmul.f32 v52, v14;
	v23 =	vadd.f32 v23, v24;
	v24 =	vmul.f32 v37, v8  }
0x623: {  	v57 =	vld [tilespmem:s21+$0x2010];
	v34 =	vmul.f32 v53, v15;
	v32 =	vadd.f32 v35, v32;
	v21 =	vmul.f32 v21, v11  }
0x624: {  	v58 =	vld [tilespmem:s21+$0x2020];
	v17 =	vadd.f32 v17, v20;
	v20 =	vmul.f32 v36, v5;
	v22 =	vadd.f32 v33, v22  }
0x625: {  	v59 =	vld [tilespmem:s21+$0x2070];
	v26 =	vadd.f32 v34, v26;
	v25 =	vmul.f32 v25, v6;
	v27 =	vmul.f32 v27, v4  }
0x626: {  	v60 =	vld [tilespmem:s21+$0x2400];
	v21 =	vadd.f32 v21, v28;
	v29 =	vmul.f32 v29, v7;
	v31 =	vmul.f32 v31, v9  }
0x627: {  	v62 =	vld [tilespmem:s21+$0x2410];
	v25 =	vadd.f32 v25, v30;
	v20 =	vadd.f32 v27, v20  }
0x628: {  	v28 =	vld [tilespmem:s21+$0x2030];
	v24 =	vadd.f32 v29, v24;
	v27 =	vadd.f32 v31, v56  }
0x629: {  	v26 =	vadd.f32 v26, v22;
	v30 =	vld [tilespmem:s21+$0x2040];
	v21 =	vadd.f32 v25, v21  }
0x62a: {  	v29 =	vld [tilespmem:s21+$0x2050];
	v20 =	vadd.f32 v24, v20;
	v24 =	vadd.f32 v32, v27  }
0x62b: {  	v61 =	vadd.f32 v19, v18;
	v16 =	vadd.f32 v23, v16;
	v23 =	vmul.f32 v55, v0;
	v31 =	vld [tilespmem:s21+$0x2060]  }
0x62c: {  	v22 =	vmul.f32 v57, v1;
	v18 =	vadd.f32 v21, v26;
	v27 =	vld [tilespmem:s21+$0x2420];
	v26 =	vadd.f32 v24, v20  }
0x62d: {  	v16 =	vadd.f32 v16, v17;
	v17 =	vmul.f32 v59, v12;
	v21 =	vmul.f32 v28, v3;
	v28 =	vld [tilespmem:s21+$0x2430]  }
0x62e: {  	v25 =	vld [tilespmem:s21+$0x2440];
	v19 =	vmul.f32 v30, v5;
	v30 =	vmul.f32 v60, v14;
	v63 =	vadd.f32 v26, v18  }
0x62f: {  	s22 =	sadd.s32 $0x100, s19;
	v24 =	vmul.f32 v58, v2;
	v20 =	vmul.f32 v29, v8;
	v26 =	vld [tilespmem:s21+$0x2450]  }
0x630: {  	s24 =	simm.s32 $0x2;
	s25 =	simm.s32 $0x2000;
	s23 =	smov.u32 s19;
	v16 =	vadd.f32 v16, v61;
	v29 =	vmul.f32 v62, v15;
	v18 =	vmul.f32 v31, v10;
	[tilespmem:s22+$0x0] =	vst.add.f32.msk $0xffff, v63  }
.LBB2_27:
0x631: {  	s0 =	sand.u32 $0x4000, s25;
	v23 =	vadd.f32 v30, v23;
	v27 =	vmul.f32 v27, v11;
	v30 =	vld [tilespmem:s21+$0x2460];
	s20 =	sadd.s32 $0x100, s20  }
0x632: {  	s1 =	sadd.s32 $0xFFFFFF80, s20;
	s0 =	sor.u32 $0x8800, s0;
	s2 =	sand.u32 $0x380, s20;
	v22 =	vadd.f32 v29, v22;
	v28 =	vmul.f32 v28, v6;
	v29 =	vld [tilespmem:s21+$0x2470]  }
0x633: {  	s1 =	sand.u32 $0x300, s1;
	s2 =	sor.u32 s2, s0;
	v24 =	vadd.f32 v27, v24;
	v25 =	vmul.f32 v25, v4;
	[tilespmem:s23+$0xFFFFFF80] =	vst.add.f32.msk $0xffff, v16;
	s23 =	smov.u32 s22  }
0x634: {  	s21 =	sor.u32 s1, s0;
	v27 =	vld [tilespmem:s2+$0x2000];
	v16 =	vadd.f32 v28, v21;
	v21 =	vmul.f32 v26, v7;
	v22 =	vadd.f32 v22, v23  }
0x635: {  	v23 =	vld [tilespmem:s2+$0x2010];
	v19 =	vadd.f32 v25, v19  }
0x636: {  	v25 =	vld [tilespmem:s2+$0x2020];
	v20 =	vadd.f32 v21, v20;
	v21 =	vmul.f32 v30, v9;
	v16 =	vadd.f32 v16, v24  }
0x637: {  	v24 =	vld [tilespmem:s2+$0x2030];
	v26 =	vmul.f32 v29, v13  }
0x638: {  	v28 =	vld [tilespmem:s2+$0x2040];
	v18 =	vadd.f32 v21, v18;
	v19 =	vadd.f32 v20, v19  }
0x639: {  	v16 =	vadd.f32 v16, v22;
	v20 =	vld [tilespmem:s2+$0x2050];
	v17 =	vadd.f32 v26, v17  }
0x63a: {  	v21 =	vld [tilespmem:s2+$0x2060]  }
0x63b: {  	v22 =	vld [tilespmem:s2+$0x2070];
	v17 =	vadd.f32 v17, v18  }
0x63c: {  	v18 =	vld [tilespmem:s2+$0x2400]  }
0x63d: {  	v26 =	vld [tilespmem:s2+$0x2410];
	v17 =	vadd.f32 v17, v19  }
0x63e: {  	v19 =	vld [tilespmem:s2+$0x2420]  }
0x63f: {  	v29 =	vld [tilespmem:s2+$0x2430];
	v16 =	vadd.f32 v17, v16  }
0x640: {  	s24 =	sadd.s32 $0x2, s24;
	v23 =	vmul.f32 v23, v1;
	v17 =	vmul.f32 v27, v0;
	v27 =	vld [tilespmem:s2+$0x2440]  }
0x641: {  	p1 =	slt.u32 s24, $0xE;
	v25 =	vmul.f32 v25, v2;
	v24 =	vmul.f32 v24, v3;
	v30 =	vld [tilespmem:s2+$0x2450]  }
0x642: {  	v28 =	vmul.f32 v28, v5;
	v20 =	vmul.f32 v20, v8;
	v31 =	vld [tilespmem:s2+$0x2460]  }
0x643: {  	v21 =	vmul.f32 v21, v10;
	v32 =	vmul.f32 v22, v12;
	v22 =	vld [tilespmem:s2+$0x2470]  }
0x644: {  	v18 =	vmul.f32 v18, v14;
	v26 =	vmul.f32 v26, v15;
	v33 =	vld [tilespmem:s21+$0x2000]  }
0x645: {  	v19 =	vmul.f32 v19, v11;
	v29 =	vmul.f32 v29, v6;
	v34 =	vld [tilespmem:s21+$0x2010]  }
0x646: {  	v27 =	vmul.f32 v27, v4;
	v35 =	vld [tilespmem:s21+$0x2020];
	v30 =	vmul.f32 v30, v7  }
0x647: {  	v17 =	vadd.f32 v18, v17;
	v18 =	vadd.f32 v26, v23;
	v36 =	vld [tilespmem:s21+$0x2030];
	v26 =	vmul.f32 v31, v9  }
0x648: {  	v19 =	vadd.f32 v19, v25;
	v25 =	vadd.f32 v29, v24;
	v31 =	vld [tilespmem:s21+$0x2040];
	v24 =	vmul.f32 v22, v13  }
0x649: {  	v27 =	vadd.f32 v27, v28;
	v20 =	vadd.f32 v30, v20;
	v23 =	vmul.f32 v33, v0;
	v29 =	vld [tilespmem:s21+$0x2050]  }
0x64a: {  	v26 =	vadd.f32 v26, v21;
	v22 =	vmul.f32 v34, v1;
	v28 =	vld [tilespmem:s21+$0x2060];
	v30 =	vadd.f32 v24, v32  }
0x64b: {  	v17 =	vadd.f32 v18, v17;
	v18 =	vadd.f32 v25, v19;
	v24 =	vmul.f32 v35, v2;
	v32 =	vld [tilespmem:s21+$0x2070]  }
0x64c: {  	v25 =	vadd.f32 v20, v27;
	v21 =	vmul.f32 v36, v3;
	v33 =	vld [tilespmem:s21+$0x2400];
	v26 =	vadd.f32 v30, v26  }
0x64d: {  	v19 =	vmul.f32 v31, v5;
	v31 =	vld [tilespmem:s21+$0x2410]  }
.Ltmp12:
0x64e: {  	v20 =	vmul.f32 v29, v8;
	v27 =	vld [tilespmem:s21+$0x2420];
	v29 =	vadd.f32 v18, v17;
	v26 =	vadd.f32 v26, v25;
	(pc) =	sbr.rel @p1 .LBB2_27-.Ltmp12, $4  }
0x64f: {  	v18 =	vmul.f32 v28, v10;
	v28 =	vld [tilespmem:s21+$0x2430]  }
0x650: {  	v17 =	vmul.f32 v32, v12;
	v25 =	vld [tilespmem:s21+$0x2440];
	v32 =	vadd.f32 v26, v29  }
0x651: {  	s22 =	sadd.s32 $0x100, s22;
	v30 =	vmul.f32 v33, v14;
	v26 =	vld [tilespmem:s21+$0x2450]  }
0x652: {  	s25 =	sadd.s32 $0x1000, s25;
	v29 =	vmul.f32 v31, v15;
	[tilespmem:s22+$0x0] =	vst.add.f32.msk $0xffff, v32  }
0x653: {  	v0 =	vld [tilespmem:s21+$0x2460]  }
0x654: {  	v1 =	vld [tilespmem:s21+$0x2470];
	_ =	sdelay $0x1  }
0x655: {  	v2 =	vmul.f32 v27, v11  }
0x656: {  	v3 =	vadd.f32 v30, v23;
	v5 =	vadd.f32 v29, v22;
	v6 =	vmul.f32 v28, v6  }
0x657: {  	v2 =	vadd.f32 v2, v24;
	v4 =	vmul.f32 v25, v4;
	v7 =	vmul.f32 v26, v7  }
0x658: {  	v6 =	vadd.f32 v6, v21;
	v0 =	vmul.f32 v0, v9;
	v1 =	vmul.f32 v1, v13  }
0x659: {  	v4 =	vadd.f32 v4, v19;
	v7 =	vadd.f32 v7, v20  }
0x65a: {  	v0 =	vadd.f32 v0, v18;
	v1 =	vadd.f32 v1, v17  }
0x65b: {  	v3 =	vadd.f32 v5, v3;
	v2 =	vadd.f32 v6, v2  }
0x65c: {  	v4 =	vadd.f32 v7, v4;
	v0 =	vadd.f32 v1, v0;
	_ =	sdelay $0x1  }
0x65d: {  	v1 =	vadd.f32 v2, v3;
	v0 =	vadd.f32 v0, v4;
	_ =	sdelay $0x1  }
0x65e: {  	v0 =	vadd.f32 v0, v1  }
0x65f: {  	[tilespmem:s23+$0xFFFFFF80] =	vst.add.f32.msk $0xffff, v16  }
0x660: {  	[tilespmem:s22+$0xFFFFFF80] =	vst.add.f32.msk $0xffff, v0  }
0x661: {  	v0 =	vld [tilespmem:$0x500]  }
0x662: {  	v1 =	vld [tilespmem:$0x510]  }
0x663: {  	v2 =	vld [tilespmem:$0x520]  }
0x664: {  	v3 =	vld [tilespmem:$0x530]  }
0x665: {  	v5 =	vld [tilespmem:$0x540]  }
0x666: {  	v8 =	vld [tilespmem:$0x550]  }
0x667: {  	v10 =	vld [tilespmem:$0x560]  }
0x668: {  	v12 =	vld [tilespmem:$0x570]  }
0x669: {  	v14 =	vld [tilespmem:$0x580]  }
0x66a: {  	v15 =	vld [tilespmem:$0x590]  }
0x66b: {  	v11 =	vld [tilespmem:$0x5A0]  }
0x66c: {  	v6 =	vld [tilespmem:$0x5B0]  }
0x66d: {  	s0 =	simm.s32 $0x0;
	v4 =	vld [tilespmem:$0x5C0]  }
0x66e: {  	s1 =	simm.s32 $0x80;
	s0 =	sand.u32 $0x4000, s0;
	v7 =	vld [tilespmem:$0x5D0]  }
0x66f: {  	s1 =	sand.u32 $0x380, s1;
	s0 =	sor.u32 $0x8800, s0;
	v9 =	vld [tilespmem:$0x5E0]  }
0x670: {  	s1 =	sor.u32 s1, s0;
	v13 =	vld [tilespmem:$0x5F0]  }
0x671: {  	v16 =	vld [tilespmem:s1+$0x2800]  }
0x672: {  	v17 =	vld [tilespmem:s1+$0x2810]  }
0x673: {  	v18 =	vld [tilespmem:s1+$0x2820]  }
0x674: {  	v19 =	vld [tilespmem:s1+$0x2830]  }
0x675: {  	v20 =	vld [tilespmem:s1+$0x2840]  }
0x676: {  	v21 =	vld [tilespmem:s1+$0x2850]  }
0x677: {  	v22 =	vld [tilespmem:s1+$0x2860]  }
0x678: {  	v23 =	vld [tilespmem:s1+$0x2870]  }
0x679: {  	v24 =	vld [tilespmem:s1+$0x2C00]  }
0x67a: {  	v25 =	vld [tilespmem:s1+$0x2C10]  }
0x67b: {  	v26 =	vld [tilespmem:s1+$0x2C20]  }
0x67c: {  	v27 =	vld [tilespmem:s1+$0x2C30]  }
0x67d: {  	v28 =	vld [tilespmem:s1+$0x2C40]  }
0x67e: {  	s2 =	simm.s32 $0x0;
	v29 =	vld [tilespmem:s1+$0x2C50]  }
0x67f: {  	s2 =	sand.u32 $0x300, s2;
	v30 =	vld [tilespmem:s1+$0x2C60]  }
0x680: {  	s0 =	sor.u32 s2, s0;
	v31 =	vld [tilespmem:s1+$0x2C70]  }
0x681: {  	s28 =	simm.s32 $0x1000;
	v32 =	vld [tilespmem:s0+$0x2800]  }
0x682: {  	s20 =	simm.s32 $0x180;
	v33 =	vld [tilespmem:s0+$0x2810];
	s1 =	sand.u32 $0x4000, s28  }
0x683: {  	s29 =	sand.u32 $0x380, s20;
	v34 =	vld [tilespmem:s0+$0x2820];
	s1 =	sor.u32 $0x8800, s1  }
0x684: {  	v35 =	vld [tilespmem:s0+$0x2830];
	s30 =	sor.u32 s29, s1  }
0x685: {  	v36 =	vld [tilespmem:s30+$0x2840]  }
0x686: {  	v37 =	vld [tilespmem:s30+$0x2850]  }
0x687: {  	v38 =	vld [tilespmem:s30+$0x2860];
	v16 =	vmul.f32 v16, v0;
	v17 =	vmul.f32 v17, v1  }
0x688: {  	v51 =	vld [tilespmem:s30+$0x2870];
	v18 =	vmul.f32 v18, v2;
	v19 =	vmul.f32 v19, v3  }
0x689: {  	v52 =	vld [tilespmem:s30+$0x2C00];
	v20 =	vmul.f32 v20, v5;
	v21 =	vmul.f32 v21, v8  }
0x68a: {  	v53 =	vld [tilespmem:s30+$0x2C10];
	v22 =	vmul.f32 v22, v10;
	v25 =	vmul.f32 v25, v15  }
0x68b: {  	v54 =	vld [tilespmem:s30+$0x2C70];
	v23 =	vmul.f32 v23, v12;
	v27 =	vmul.f32 v27, v6  }
0x68c: {  	v24 =	vmul.f32 v24, v14;
	v28 =	vmul.f32 v28, v4;
	v17 =	vadd.f32 v25, v17;
	v25 =	vld [tilespmem:s0+$0x2840]  }
0x68d: {  	v26 =	vmul.f32 v26, v11;
	v29 =	vmul.f32 v29, v7;
	v19 =	vadd.f32 v27, v19;
	v27 =	vld [tilespmem:s0+$0x2850]  }
0x68e: {  	v16 =	vadd.f32 v24, v16;
	v24 =	vmul.f32 v30, v9;
	v20 =	vadd.f32 v28, v20;
	v28 =	vld [tilespmem:s0+$0x2860]  }
0x68f: {  	v18 =	vadd.f32 v26, v18;
	v26 =	vmul.f32 v31, v13;
	v21 =	vadd.f32 v29, v21;
	v29 =	vld [tilespmem:s30+$0x2810]  }
0x690: {  	v30 =	vld [tilespmem:s30+$0x2820]  }
0x691: {  	v22 =	vadd.f32 v24, v22;
	v23 =	vadd.f32 v26, v23;
	v24 =	vld [tilespmem:s0+$0x2870]  }
0x692: {  	v16 =	vadd.f32 v17, v16;
	v17 =	vadd.f32 v19, v18;
	v18 =	vld [tilespmem:s0+$0x2C00]  }
0x693: {  	v19 =	vadd.f32 v21, v20;
	v21 =	vld [tilespmem:s0+$0x2C10];
	v20 =	vadd.f32 v23, v22  }
0x694: {  	v32 =	vmul.f32 v32, v0;
	v22 =	vld [tilespmem:s0+$0x2C20]  }
0x695: {  	v33 =	vmul.f32 v33, v1;
	v16 =	vadd.f32 v17, v16;
	v23 =	vld [tilespmem:s0+$0x2C70];
	v17 =	vadd.f32 v20, v19  }
0x696: {  	v34 =	vmul.f32 v34, v2;
	v35 =	vmul.f32 v35, v3;
	v19 =	vld [tilespmem:s0+$0x2C30]  }
0x697: {  	v56 =	vmul.f32 v38, v10;
	v25 =	vmul.f32 v25, v5;
	v20 =	vld [tilespmem:s0+$0x2C40];
	v16 =	vadd.f32 v17, v16  }
0x698: {  	v27 =	vmul.f32 v27, v8;
	v28 =	vmul.f32 v28, v10;
	v17 =	vld [tilespmem:s0+$0x2C50]  }
0x699: {  	v18 =	vmul.f32 v18, v14;
	v21 =	vmul.f32 v21, v15;
	[tilespmem:s19+$0x0] =	vst.add.f32.msk $0xffff, v16  }
0x69a: {  	v24 =	vmul.f32 v24, v12;
	v22 =	vmul.f32 v22, v11;
	v16 =	vld [tilespmem:s0+$0x2C60]  }
0x69b: {  	v26 =	vld [tilespmem:s30+$0x2800];
	v18 =	vadd.f32 v18, v32;
	v21 =	vadd.f32 v21, v33;
	v23 =	vmul.f32 v23, v13  }
0x69c: {  	v31 =	vld [tilespmem:s30+$0x2830];
	v19 =	vmul.f32 v19, v6;
	v20 =	vmul.f32 v20, v4  }
0x69d: {  	v22 =	vadd.f32 v22, v34;
	v18 =	vadd.f32 v21, v18;
	v21 =	vld [tilespmem:s30+$0x2C20];
	v17 =	vmul.f32 v17, v7  }
0x69e: {  	v32 =	vmul.f32 v51, v12;
	v19 =	vadd.f32 v19, v35;
	v20 =	vadd.f32 v20, v25;
	v25 =	vld [tilespmem:s30+$0x2C30]  }
0x69f: {  	s31 =	simm.s32 $0x100;
	v35 =	vmul.f32 v54, v13;
	v17 =	vadd.f32 v17, v27;
	v16 =	vmul.f32 v16, v9;
	v27 =	vld [tilespmem:s30+$0x2C40]  }
0x6a0: {  	s2 =	sand.u32 $0x300, s31;
	v19 =	vadd.f32 v19, v22;
	v22 =	vmul.f32 v26, v0;
	v26 =	vmul.f32 v29, v1;
	v29 =	vld [tilespmem:s30+$0x2C50]  }
0x6a1: {  	s21 =	sor.u32 s2, s1;
	v16 =	vadd.f32 v16, v28;
	v28 =	vmul.f32 v30, v2;
	v30 =	vmul.f32 v31, v3;
	v31 =	vld [tilespmem:s30+$0x2C60]  }
0x6a2: {  	v55 =	vld [tilespmem:s21+$0x2800];
	v33 =	vmul.f32 v52, v14;
	v23 =	vadd.f32 v23, v24;
	v24 =	vmul.f32 v37, v8  }
0x6a3: {  	v57 =	vld [tilespmem:s21+$0x2810];
	v34 =	vmul.f32 v53, v15;
	v32 =	vadd.f32 v35, v32;
	v21 =	vmul.f32 v21, v11  }
0x6a4: {  	v58 =	vld [tilespmem:s21+$0x2820];
	v17 =	vadd.f32 v17, v20;
	v20 =	vmul.f32 v36, v5;
	v22 =	vadd.f32 v33, v22  }
0x6a5: {  	v59 =	vld [tilespmem:s21+$0x2870];
	v26 =	vadd.f32 v34, v26;
	v25 =	vmul.f32 v25, v6;
	v27 =	vmul.f32 v27, v4  }
0x6a6: {  	v60 =	vld [tilespmem:s21+$0x2C00];
	v21 =	vadd.f32 v21, v28;
	v29 =	vmul.f32 v29, v7;
	v31 =	vmul.f32 v31, v9  }
0x6a7: {  	v62 =	vld [tilespmem:s21+$0x2C10];
	v25 =	vadd.f32 v25, v30;
	v20 =	vadd.f32 v27, v20  }
0x6a8: {  	v28 =	vld [tilespmem:s21+$0x2830];
	v24 =	vadd.f32 v29, v24;
	v27 =	vadd.f32 v31, v56  }
0x6a9: {  	v26 =	vadd.f32 v26, v22;
	v30 =	vld [tilespmem:s21+$0x2840];
	v21 =	vadd.f32 v25, v21  }
0x6aa: {  	v29 =	vld [tilespmem:s21+$0x2850];
	v20 =	vadd.f32 v24, v20;
	v24 =	vadd.f32 v32, v27  }
0x6ab: {  	v61 =	vadd.f32 v19, v18;
	v16 =	vadd.f32 v23, v16;
	v23 =	vmul.f32 v55, v0;
	v31 =	vld [tilespmem:s21+$0x2860]  }
0x6ac: {  	v22 =	vmul.f32 v57, v1;
	v18 =	vadd.f32 v21, v26;
	v27 =	vld [tilespmem:s21+$0x2C20];
	v26 =	vadd.f32 v24, v20  }
0x6ad: {  	v16 =	vadd.f32 v16, v17;
	v17 =	vmul.f32 v59, v12;
	v21 =	vmul.f32 v28, v3;
	v28 =	vld [tilespmem:s21+$0x2C30]  }
0x6ae: {  	v25 =	vld [tilespmem:s21+$0x2C40];
	v19 =	vmul.f32 v30, v5;
	v30 =	vmul.f32 v60, v14;
	v63 =	vadd.f32 v26, v18  }
0x6af: {  	s22 =	sadd.s32 $0x100, s19;
	v24 =	vmul.f32 v58, v2;
	v20 =	vmul.f32 v29, v8;
	v26 =	vld [tilespmem:s21+$0x2C50]  }
0x6b0: {  	s24 =	simm.s32 $0x2;
	s25 =	simm.s32 $0x2000;
	s23 =	smov.u32 s19;
	v16 =	vadd.f32 v16, v61;
	v29 =	vmul.f32 v62, v15;
	v18 =	vmul.f32 v31, v10;
	[tilespmem:s22+$0x0] =	vst.add.f32.msk $0xffff, v63  }
.LBB2_29:
0x6b1: {  	s0 =	sand.u32 $0x4000, s25;
	v23 =	vadd.f32 v30, v23;
	v27 =	vmul.f32 v27, v11;
	v30 =	vld [tilespmem:s21+$0x2C60];
	s20 =	sadd.s32 $0x100, s20  }
0x6b2: {  	s1 =	sadd.s32 $0xFFFFFF80, s20;
	s0 =	sor.u32 $0x8800, s0;
	s2 =	sand.u32 $0x380, s20;
	v22 =	vadd.f32 v29, v22;
	v28 =	vmul.f32 v28, v6;
	v29 =	vld [tilespmem:s21+$0x2C70]  }
0x6b3: {  	s1 =	sand.u32 $0x300, s1;
	s2 =	sor.u32 s2, s0;
	v24 =	vadd.f32 v27, v24;
	v25 =	vmul.f32 v25, v4;
	[tilespmem:s23+$0xFFFFFF80] =	vst.add.f32.msk $0xffff, v16;
	s23 =	smov.u32 s22  }
0x6b4: {  	s21 =	sor.u32 s1, s0;
	v27 =	vld [tilespmem:s2+$0x2800];
	v16 =	vadd.f32 v28, v21;
	v21 =	vmul.f32 v26, v7;
	v22 =	vadd.f32 v22, v23  }
0x6b5: {  	v23 =	vld [tilespmem:s2+$0x2810];
	v19 =	vadd.f32 v25, v19  }
0x6b6: {  	v25 =	vld [tilespmem:s2+$0x2820];
	v20 =	vadd.f32 v21, v20;
	v21 =	vmul.f32 v30, v9;
	v16 =	vadd.f32 v16, v24  }
0x6b7: {  	v24 =	vld [tilespmem:s2+$0x2830];
	v26 =	vmul.f32 v29, v13  }
0x6b8: {  	v28 =	vld [tilespmem:s2+$0x2840];
	v18 =	vadd.f32 v21, v18;
	v19 =	vadd.f32 v20, v19  }
0x6b9: {  	v16 =	vadd.f32 v16, v22;
	v20 =	vld [tilespmem:s2+$0x2850];
	v17 =	vadd.f32 v26, v17  }
0x6ba: {  	v21 =	vld [tilespmem:s2+$0x2860]  }
0x6bb: {  	v22 =	vld [tilespmem:s2+$0x2870];
	v17 =	vadd.f32 v17, v18  }
0x6bc: {  	v18 =	vld [tilespmem:s2+$0x2C00]  }
0x6bd: {  	v26 =	vld [tilespmem:s2+$0x2C10];
	v17 =	vadd.f32 v17, v19  }
0x6be: {  	v19 =	vld [tilespmem:s2+$0x2C20]  }
0x6bf: {  	v29 =	vld [tilespmem:s2+$0x2C30];
	v16 =	vadd.f32 v17, v16  }
0x6c0: {  	s24 =	sadd.s32 $0x2, s24;
	v23 =	vmul.f32 v23, v1;
	v17 =	vmul.f32 v27, v0;
	v27 =	vld [tilespmem:s2+$0x2C40]  }
0x6c1: {  	p1 =	slt.u32 s24, $0xE;
	v25 =	vmul.f32 v25, v2;
	v24 =	vmul.f32 v24, v3;
	v30 =	vld [tilespmem:s2+$0x2C50]  }
0x6c2: {  	v28 =	vmul.f32 v28, v5;
	v20 =	vmul.f32 v20, v8;
	v31 =	vld [tilespmem:s2+$0x2C60]  }
0x6c3: {  	v21 =	vmul.f32 v21, v10;
	v32 =	vmul.f32 v22, v12;
	v22 =	vld [tilespmem:s2+$0x2C70]  }
0x6c4: {  	v18 =	vmul.f32 v18, v14;
	v26 =	vmul.f32 v26, v15;
	v33 =	vld [tilespmem:s21+$0x2800]  }
0x6c5: {  	v19 =	vmul.f32 v19, v11;
	v29 =	vmul.f32 v29, v6;
	v34 =	vld [tilespmem:s21+$0x2810]  }
0x6c6: {  	v27 =	vmul.f32 v27, v4;
	v35 =	vld [tilespmem:s21+$0x2820];
	v30 =	vmul.f32 v30, v7  }
0x6c7: {  	v17 =	vadd.f32 v18, v17;
	v18 =	vadd.f32 v26, v23;
	v36 =	vld [tilespmem:s21+$0x2830];
	v26 =	vmul.f32 v31, v9  }
0x6c8: {  	v19 =	vadd.f32 v19, v25;
	v25 =	vadd.f32 v29, v24;
	v31 =	vld [tilespmem:s21+$0x2840];
	v24 =	vmul.f32 v22, v13  }
0x6c9: {  	v27 =	vadd.f32 v27, v28;
	v20 =	vadd.f32 v30, v20;
	v23 =	vmul.f32 v33, v0;
	v29 =	vld [tilespmem:s21+$0x2850]  }
0x6ca: {  	v26 =	vadd.f32 v26, v21;
	v22 =	vmul.f32 v34, v1;
	v28 =	vld [tilespmem:s21+$0x2860];
	v30 =	vadd.f32 v24, v32  }
0x6cb: {  	v17 =	vadd.f32 v18, v17;
	v18 =	vadd.f32 v25, v19;
	v24 =	vmul.f32 v35, v2;
	v32 =	vld [tilespmem:s21+$0x2870]  }
0x6cc: {  	v25 =	vadd.f32 v20, v27;
	v21 =	vmul.f32 v36, v3;
	v33 =	vld [tilespmem:s21+$0x2C00];
	v26 =	vadd.f32 v30, v26  }
0x6cd: {  	v19 =	vmul.f32 v31, v5;
	v31 =	vld [tilespmem:s21+$0x2C10]  }
.Ltmp13:
0x6ce: {  	v20 =	vmul.f32 v29, v8;
	v27 =	vld [tilespmem:s21+$0x2C20];
	v29 =	vadd.f32 v18, v17;
	v26 =	vadd.f32 v26, v25;
	(pc) =	sbr.rel @p1 .LBB2_29-.Ltmp13, $4  }
0x6cf: {  	v18 =	vmul.f32 v28, v10;
	v28 =	vld [tilespmem:s21+$0x2C30]  }
0x6d0: {  	v17 =	vmul.f32 v32, v12;
	v25 =	vld [tilespmem:s21+$0x2C40];
	v32 =	vadd.f32 v26, v29  }
0x6d1: {  	s22 =	sadd.s32 $0x100, s22;
	v30 =	vmul.f32 v33, v14;
	v26 =	vld [tilespmem:s21+$0x2C50]  }
0x6d2: {  	s25 =	sadd.s32 $0x1000, s25;
	v29 =	vmul.f32 v31, v15;
	[tilespmem:s22+$0x0] =	vst.add.f32.msk $0xffff, v32  }
0x6d3: {  	v0 =	vld [tilespmem:s21+$0x2C60]  }
0x6d4: {  	v1 =	vld [tilespmem:s21+$0x2C70];
	_ =	sdelay $0x1  }
0x6d5: {  	v2 =	vmul.f32 v27, v11  }
0x6d6: {  	v3 =	vadd.f32 v30, v23;
	v5 =	vadd.f32 v29, v22;
	v6 =	vmul.f32 v28, v6  }
0x6d7: {  	v2 =	vadd.f32 v2, v24;
	v4 =	vmul.f32 v25, v4;
	v7 =	vmul.f32 v26, v7  }
0x6d8: {  	v6 =	vadd.f32 v6, v21;
	v0 =	vmul.f32 v0, v9;
	v1 =	vmul.f32 v1, v13  }
0x6d9: {  	v4 =	vadd.f32 v4, v19;
	v7 =	vadd.f32 v7, v20  }
0x6da: {  	v0 =	vadd.f32 v0, v18;
	v1 =	vadd.f32 v1, v17  }
0x6db: {  	v3 =	vadd.f32 v5, v3;
	v2 =	vadd.f32 v6, v2  }
0x6dc: {  	v4 =	vadd.f32 v7, v4;
	v0 =	vadd.f32 v1, v0;
	_ =	sdelay $0x1  }
0x6dd: {  	v1 =	vadd.f32 v2, v3;
	v0 =	vadd.f32 v0, v4;
	_ =	sdelay $0x1  }
0x6de: {  	v0 =	vadd.f32 v0, v1  }
0x6df: {  	[tilespmem:s23+$0xFFFFFF80] =	vst.add.f32.msk $0xffff, v16  }
0x6e0: {  	[tilespmem:s22+$0xFFFFFF80] =	vst.add.f32.msk $0xffff, v0  }
0x6e1: {  	v4 =	vld [tilespmem:$0x600]  }
0x6e2: {  	v2 =	vld [tilespmem:$0x610]  }
0x6e3: {  	v3 =	vld [tilespmem:$0x620]  }
0x6e4: {  	v0 =	vld [tilespmem:$0x630]  }
0x6e5: {  	v12 =	vld [tilespmem:$0x640]  }
0x6e6: {  	v1 =	vld [tilespmem:$0x650]  }
0x6e7: {  	v6 =	vld [tilespmem:$0x660]  }
0x6e8: {  	v8 =	vld [tilespmem:$0x670]  }
0x6e9: {  	v9 =	vld [tilespmem:$0x680]  }
0x6ea: {  	v13 =	vld [tilespmem:$0x690]  }
0x6eb: {  	v11 =	vld [tilespmem:$0x6A0]  }
0x6ec: {  	s0 =	simm.s32 $0x0;
	v5 =	vld [tilespmem:$0x6B0]  }
0x6ed: {  	s1 =	sand.u32 $0x3, s0;
	v14 =	vld [tilespmem:$0x6C0]  }
0x6ee: {  	s0 =	sand.u32 $0x7, s0;
	s1 =	sshll.u32 s1, $0x8;
	v7 =	vld [tilespmem:$0x6D0]  }
0x6ef: {  	s2 =	sshll.u32 s0, $0x7;
	s0 =	sadd.s32 $0x0, s1;
	v10 =	vld [tilespmem:$0x6E0]  }
0x6f0: {  	s1 =	sadd.s32 $0x80, s2;
	s25 =	sor.u32 $0x3410, s0;
	v15 =	vld [tilespmem:$0x6F0]  }
0x6f1: {  	s26 =	sor.u32 $0x3460, s1;
	v18 =	vld [tilespmem:s25+$0x8800]  }
0x6f2: {  	s3 =	sor.u32 $0x3440, s0;
	v17 =	vld [tilespmem:s26+$0x8800]  }
0x6f3: {  	s31 =	sor.u32 $0x3470, s1;
	v16 =	vld [tilespmem:s3+$0x8800]  }
0x6f4: {  	s4 =	sor.u32 $0x3450, s1;
	v19 =	vld [tilespmem:s31+$0x8800]  }
0x6f5: {  	s5 =	sor.u32 $0x3040, s0;
	v23 =	vld [tilespmem:s4+$0x8800]  }
0x6f6: {  	s6 =	sor.u32 $0x3000, s1;
	v25 =	vld [tilespmem:s5+$0x8800]  }
0x6f7: {  	s7 =	sor.u32 $0x3070, s1;
	v28 =	vld [tilespmem:s6+$0x8800]  }
0x6f8: {  	s8 =	sor.u32 $0x3060, s1;
	v21 =	vld [tilespmem:s7+$0x8800]  }
0x6f9: {  	s9 =	sor.u32 $0x3430, s1;
	v24 =	vld [tilespmem:s8+$0x8800]  }
0x6fa: {  	s10 =	sor.u32 $0x3440, s1;
	v26 =	vld [tilespmem:s9+$0x8800]  }
0x6fb: {  	s11 =	sor.u32 $0x3050, s1;
	v27 =	vld [tilespmem:s10+$0x8800]  }
0x6fc: {  	s12 =	sor.u32 $0x3420, s1;
	v29 =	vld [tilespmem:s11+$0x8800]  }
0x6fd: {  	s13 =	sor.u32 $0x3400, s0;
	v30 =	vld [tilespmem:s12+$0x8800]  }
0x6fe: {  	s14 =	sor.u32 $0x3040, s1;
	v20 =	vld [tilespmem:s13+$0x8800]  }
0x6ff: {  	s15 =	sor.u32 $0x3000, s0;
	v31 =	vld [tilespmem:s14+$0x8800]  }
0x700: {  	s16 =	sor.u32 $0x3030, s1;
	v22 =	vld [tilespmem:s15+$0x8800]  }
0x701: {  	s18 =	sor.u32 $0x3400, s1;
	v32 =	vld [tilespmem:s16+$0x8800]  }
0x702: {  	s21 =	sor.u32 $0x3020, s1;
	v34 =	vld [tilespmem:s18+$0x8800];
	v17 =	vmul.f32 v17, v10;
	v33 =	vmul.f32 v21, v8  }
0x703: {  	s22 =	sor.u32 $0x3410, s1;
	v36 =	vld [tilespmem:s21+$0x8800];
	v23 =	vmul.f32 v23, v7;
	v19 =	vmul.f32 v19, v15  }
0x704: {  	s17 =	sor.u32 $0x3010, s0;
	v37 =	vld [tilespmem:s22+$0x8800];
	v35 =	vmul.f32 v24, v6;
	v29 =	vmul.f32 v29, v1  }
0x705: {  	s20 =	sor.u32 $0x3470, s0;
	v21 =	vld [tilespmem:s17+$0x8800];
	v27 =	vmul.f32 v27, v14;
	v31 =	vmul.f32 v31, v12  }
0x706: {  	s26 =	sor.u32 $0x3070, s0;
	v24 =	vld [tilespmem:s20+$0x8800];
	v33 =	vadd.f32 v19, v33;
	v35 =	vadd.f32 v17, v35  }
0x707: {  	s23 =	sor.u32 $0x3420, s0;
	v63 =	vmul.f32 v26, v5;
	v26 =	vld [tilespmem:s26+$0x8800];
	v29 =	vadd.f32 v23, v29;
	v27 =	vadd.f32 v27, v31  }
0x708: {  	s28 =	simm.s32 $0x1;
	s24 =	sor.u32 $0x3450, s0;
	s1 =	sor.u32 $0x3010, s1;
	v38 =	vmul.f32 v30, v11;
	v17 =	vmul.f32 v25, v12;
	v25 =	vld [tilespmem:s23+$0x8800]  }
0x709: {  	s29 =	sor.u32 $0x3460, s0;
	s30 =	sor.u32 $0x3050, s0;
	s2 =	sor.u32 $0x3430, s0;
	v19 =	vmul.f32 v18, v13;
	v18 =	vadd.f32 v33, v35;
	v27 =	vadd.f32 v29, v27;
	v29 =	vld [tilespmem:s1+$0x8800]  }
0x70a: {  	s21 =	simm.s32 $0x0;
	s25 =	sor.u32 $0x3020, s0;
	s31 =	sor.u32 $0x3060, s0;
	v32 =	vmul.f32 v32, v0;
	v36 =	vmul.f32 v36, v3;
	v23 =	vld [tilespmem:s24+$0x8800]  }
0x70b: {  	s22 =	sor.u32 $0x3030, s0;
	s26 =	simm.s32 $0x2;
	s20 =	smov.u32 s19;
	v31 =	vmul.f32 v34, v9;
	v33 =	vmul.f32 v28, v4;
	v18 =	vadd.f32 v18, v27;
	v27 =	vld [tilespmem:s31+$0x8800]  }
0x70c: {  	v30 =	vmul.f32 v37, v13;
	s23 =	simm.s32 $0x1080;
	s24 =	simm.s32 $0x1000;
	v32 =	vadd.f32 v63, v32;
	v34 =	vadd.f32 v38, v36;
	v28 =	vld [tilespmem:s25+$0x8800];
	s25 =	sadd.s32 $0x100, s19  }
.LBB2_31:
0x70d: {  	s0 =	sand.u32 $0x7, s26;
	s1 =	sand.u32 $0x3, s28;
	s21 =	sadd.s32 $0x2, s21;
	v35 =	vmul.f32 v16, v14;
	v16 =	vld [tilespmem:s29+$0x8800];
	v24 =	vmul.f32 v24, v15;
	v31 =	vadd.f32 v31, v33  }
0x70e: {  	v25 =	vmul.f32 v25, v11;
	s0 =	sshll.u32 s0, $0x7;
	s1 =	sshll.u32 s1, $0x8;
	p1 =	slt.u32 s21, $0xE;
	v33 =	vld [tilespmem:s2+$0x8800];
	v29 =	vmul.f32 v29, v2;
	v32 =	vadd.f32 v32, v34  }
0x70f: {  	v20 =	vmul.f32 v20, v9;
	s6 =	sadd.s32 s0, s23;
	s5 =	sadd.s32 s1, s24;
	v34 =	vld [tilespmem:s30+$0x8800];
	v26 =	vmul.f32 v26, v8  }
0x710: {  	v22 =	vmul.f32 v22, v4;
	s0 =	sor.u32 $0x3410, s5;
	s10 =	sor.u32 $0x3470, s5;
	s1 =	sor.u32 $0x3470, s6;
	v36 =	vld [tilespmem:s22+$0x8800];
	v27 =	vmul.f32 v27, v6;
	v29 =	vadd.f32 v30, v29  }
0x711: {  	v21 =	vmul.f32 v21, v2;
	s17 =	sor.u32 $0x3010, s5;
	s29 =	sor.u32 $0x3460, s5;
	s2 =	sor.u32 $0x3460, s6;
	v30 =	vld [tilespmem:s0+$0x8800];
	v28 =	vmul.f32 v28, v3  }
0x712: {  	v20 =	vadd.f32 v20, v22;
	s3 =	sor.u32 $0x3440, s5;
	s11 =	sor.u32 $0x3450, s5;
	s0 =	sor.u32 $0x3020, s5;
	v37 =	vld [tilespmem:s2+$0x8800];
	v22 =	vmul.f32 v16, v10;
	v29 =	vadd.f32 v29, v31  }
0x713: {  	v23 =	vmul.f32 v23, v7;
	v19 =	vadd.f32 v19, v21;
	s22 =	sor.u32 $0x3030, s5;
	s30 =	sor.u32 $0x3050, s5;
	s2 =	sor.u32 $0x3450, s6;
	v16 =	vld [tilespmem:s3+$0x8800];
	v21 =	vmul.f32 v33, v5  }
0x714: {  	s12 =	sor.u32 $0x3000, s5;
	s13 =	sor.u32 $0x3060, s5;
	s3 =	sor.u32 $0x3040, s5;
	v25 =	vadd.f32 v25, v28;
	v31 =	vld [tilespmem:s1+$0x8800];
	v33 =	vmul.f32 v34, v1;
	v22 =	vadd.f32 v22, v27  }
0x715: {  	s8 =	sor.u32 $0x3070, s5;
	s9 =	sor.u32 $0x3420, s5;
	s4 =	sor.u32 $0x3070, s6;
	v19 =	vadd.f32 v19, v20;
	v20 =	vadd.f32 v32, v29;
	v27 =	vld [tilespmem:s2+$0x8800];
	v28 =	vmul.f32 v36, v0  }
0x716: {  	v17 =	vadd.f32 v35, v17;
	s1 =	sor.u32 $0x3400, s6;
	s2 =	sor.u32 $0x3000, s6;
	v29 =	vld [tilespmem:s3+$0x8800];
	s3 =	sor.u32 $0x3010, s6;
	v23 =	vadd.f32 v23, v33  }
0x717: {  	s18 =	sor.u32 $0x3020, s6;
	s7 =	sor.u32 $0x3040, s6;
	s15 =	sor.u32 $0x3060, s6;
	v24 =	vadd.f32 v24, v26;
	v32 =	vld [tilespmem:s2+$0x8800];
	v21 =	vadd.f32 v21, v28  }
0x718: {  	s14 =	sor.u32 $0x3410, s6;
	s16 =	sor.u32 $0x3430, s6;
	v26 =	vld [tilespmem:s4+$0x8800];
	s4 =	sor.u32 $0x3420, s6;
	v23 =	vadd.f32 v23, v17  }
0x719: {  	v22 =	vadd.f32 v24, v22;
	s2 =	sor.u32 $0x3430, s5;
	v28 =	vld [tilespmem:s15+$0x8800];
	s15 =	sor.u32 $0x3440, s6;
	v21 =	vadd.f32 v21, v25  }
0x71a: {  	s31 =	sor.u32 $0x3050, s6;
	v18 =	vadd.f32 v18, v20;
	v25 =	vld [tilespmem:s16+$0x8800]  }
0x71b: {  	v20 =	vadd.f32 v22, v23;
	v17 =	vmul.f32 v29, v12;
	v24 =	vld [tilespmem:s15+$0x8800];
	v19 =	vadd.f32 v21, v19  }
0x71c: {  	s6 =	sor.u32 $0x3030, s6;
	[tilespmem:s20+$0x0] =	vst.add.f32.msk $0xffff, v18  }
0x71d: {  	v21 =	vmul.f32 v37, v10;
	v18 =	vld [tilespmem:s31+$0x8800];
	v19 =	vadd.f32 v20, v19  }
0x71e: {  	v22 =	vmul.f32 v26, v8;
	v26 =	vmul.f32 v27, v7;
	v23 =	vld [tilespmem:s4+$0x8800]  }
0x71f: {  	v27 =	vmul.f32 v31, v15;
	s4 =	sor.u32 $0x3400, s5;
	[tilespmem:s20+$0xFFFFFF80] =	vst.add.f32.msk $0xffff, v19;
	s20 =	smov.u32 s25  }
0x720: {  	v19 =	vmul.f32 v30, v13;
	v20 =	vld [tilespmem:s4+$0x8800]  }
0x721: {  	v28 =	vmul.f32 v28, v6;
	v27 =	vadd.f32 v27, v22;
	v29 =	vld [tilespmem:s7+$0x8800]  }
0x722: {  	v22 =	vld [tilespmem:s12+$0x8800];
	v18 =	vmul.f32 v18, v1  }
0x723: {  	v28 =	vadd.f32 v21, v28;
	v30 =	vld [tilespmem:s6+$0x8800]  }
0x724: {  	v21 =	vld [tilespmem:s17+$0x8800];
	v18 =	vadd.f32 v26, v18  }
0x725: {  	v27 =	vadd.f32 v27, v28;
	v34 =	vmul.f32 v23, v11;
	v23 =	vmul.f32 v24, v14;
	v26 =	vld [tilespmem:s1+$0x8800]  }
0x726: {  	v35 =	vmul.f32 v25, v5;
	v24 =	vld [tilespmem:s10+$0x8800];
	v28 =	vmul.f32 v29, v12  }
0x727: {  	v33 =	vld [tilespmem:s18+$0x8800]  }
0x728: {  	v36 =	vld [tilespmem:s14+$0x8800];
	v28 =	vadd.f32 v23, v28  }
0x729: {  	v37 =	vmul.f32 v30, v0;
	v25 =	vld [tilespmem:s9+$0x8800]  }
.Ltmp14:
0x72a: {  	v23 =	vld [tilespmem:s11+$0x8800];
	v18 =	vadd.f32 v18, v28;
	(pc) =	sbr.rel @p1 .LBB2_31-.Ltmp14, $4  }
0x72b: {  	v31 =	vmul.f32 v26, v9;
	v29 =	vld [tilespmem:s3+$0x8800]  }
0x72c: {  	v26 =	vld [tilespmem:s8+$0x8800];
	v38 =	vmul.f32 v33, v3;
	v18 =	vadd.f32 v27, v18  }
0x72d: {  	s23 =	sadd.s32 $0x1000, s23;
	s24 =	sadd.s32 $0x1000, s24;
	v33 =	vmul.f32 v32, v4;
	v32 =	vadd.f32 v35, v37;
	v27 =	vld [tilespmem:s13+$0x8800];
	v30 =	vmul.f32 v36, v13  }
0x72e: {  	s26 =	sadd.s32 $0x2, s26;
	s28 =	sadd.s32 $0x1, s28;
	s25 =	sadd.s32 $0x100, s25;
	v28 =	vld [tilespmem:s0+$0x8800];
	v34 =	vadd.f32 v34, v38  }
0x72f: {  	v12 =	vld [tilespmem:s29+$0x8800];
	v13 =	vmul.f32 v16, v14  }
0x730: {  	v14 =	vmul.f32 v24, v15;
	v15 =	vld [tilespmem:s2+$0x8800];
	v11 =	vmul.f32 v25, v11  }
0x731: {  	v25 =	vld [tilespmem:s30+$0x8800];
	v9 =	vmul.f32 v20, v9;
	v4 =	vmul.f32 v22, v4  }
0x732: {  	v16 =	vadd.f32 v31, v33;
	v20 =	vld [tilespmem:s22+$0x8800];
	v7 =	vmul.f32 v23, v7;
	v24 =	vmul.f32 v29, v2  }
0x733: {  	v29 =	vadd.f32 v32, v34;
	v2 =	vmul.f32 v21, v2;
	v8 =	vmul.f32 v26, v8  }
0x734: {  	v4 =	vadd.f32 v9, v4;
	v6 =	vmul.f32 v27, v6;
	v22 =	vadd.f32 v30, v24  }
0x735: {  	v2 =	vadd.f32 v19, v2;
	v3 =	vmul.f32 v28, v3;
	v9 =	vmul.f32 v12, v10  }
0x736: {  	v10 =	vadd.f32 v22, v16;
	v5 =	vmul.f32 v15, v5;
	v1 =	vmul.f32 v25, v1  }
0x737: {  	v0 =	vmul.f32 v20, v0;
	v3 =	vadd.f32 v11, v3;
	v6 =	vadd.f32 v9, v6  }
0x738: {  	v9 =	vadd.f32 v13, v17;
	v1 =	vadd.f32 v7, v1  }
0x739: {  	v0 =	vadd.f32 v5, v0;
	v5 =	vadd.f32 v14, v8  }
0x73a: {  	v2 =	vadd.f32 v2, v4;
	v1 =	vadd.f32 v1, v9  }
0x73b: {  	v0 =	vadd.f32 v0, v3;
	v3 =	vadd.f32 v5, v6  }
0x73c: {  	v4 =	vadd.f32 v29, v10  }
0x73d: {  	v0 =	vadd.f32 v0, v2;
	v1 =	vadd.f32 v3, v1  }
0x73e: {  	v2 =	vadd.f32 v18, v4  }
0x73f: {  	v0 =	vadd.f32 v1, v0  }
0x740: {  	[tilespmem:s20+$0x0] =	vst.add.f32.msk $0xffff, v2  }
0x741: {  	[tilespmem:s20+$0xFFFFFF80] =	vst.add.f32.msk $0xffff, v0  }
0x742: {  	v4 =	vld [tilespmem:$0x700]  }
0x743: {  	v2 =	vld [tilespmem:$0x710]  }
0x744: {  	v3 =	vld [tilespmem:$0x720]  }
0x745: {  	v0 =	vld [tilespmem:$0x730]  }
0x746: {  	v12 =	vld [tilespmem:$0x740]  }
0x747: {  	v1 =	vld [tilespmem:$0x750]  }
0x748: {  	v6 =	vld [tilespmem:$0x760]  }
0x749: {  	v8 =	vld [tilespmem:$0x770]  }
0x74a: {  	v9 =	vld [tilespmem:$0x780]  }
0x74b: {  	v13 =	vld [tilespmem:$0x790]  }
0x74c: {  	v11 =	vld [tilespmem:$0x7A0]  }
0x74d: {  	s0 =	simm.s32 $0x0;
	v5 =	vld [tilespmem:$0x7B0]  }
0x74e: {  	s1 =	sand.u32 $0x3, s0;
	v14 =	vld [tilespmem:$0x7C0]  }
0x74f: {  	s0 =	sand.u32 $0x7, s0;
	s1 =	sshll.u32 s1, $0x8;
	v7 =	vld [tilespmem:$0x7D0]  }
0x750: {  	s25 =	sshll.u32 s0, $0x7;
	s0 =	sadd.s32 $0x0, s1;
	v10 =	vld [tilespmem:$0x7E0]  }
0x751: {  	s26 =	sadd.s32 $0x80, s25;
	s30 =	sor.u32 $0x3C10, s0;
	v15 =	vld [tilespmem:$0x7F0]  }
0x752: {  	s31 =	sor.u32 $0x3C60, s26;
	v18 =	vld [tilespmem:s30+$0x8800]  }
0x753: {  	s3 =	sor.u32 $0x3C40, s0;
	v17 =	vld [tilespmem:s31+$0x8800]  }
0x754: {  	s4 =	sor.u32 $0x3C70, s26;
	v16 =	vld [tilespmem:s3+$0x8800]  }
0x755: {  	s5 =	sor.u32 $0x3C50, s26;
	v19 =	vld [tilespmem:s4+$0x8800]  }
0x756: {  	s6 =	sor.u32 $0x3840, s0;
	v23 =	vld [tilespmem:s5+$0x8800]  }
0x757: {  	s7 =	sor.u32 $0x3800, s26;
	v25 =	vld [tilespmem:s6+$0x8800]  }
0x758: {  	s8 =	sor.u32 $0x3870, s26;
	v28 =	vld [tilespmem:s7+$0x8800]  }
0x759: {  	s9 =	sor.u32 $0x3860, s26;
	v21 =	vld [tilespmem:s8+$0x8800]  }
0x75a: {  	s10 =	sor.u32 $0x3C30, s26;
	v24 =	vld [tilespmem:s9+$0x8800]  }
0x75b: {  	s11 =	sor.u32 $0x3C40, s26;
	v26 =	vld [tilespmem:s10+$0x8800]  }
0x75c: {  	s12 =	sor.u32 $0x3850, s26;
	v27 =	vld [tilespmem:s11+$0x8800]  }
0x75d: {  	s13 =	sor.u32 $0x3C20, s26;
	v29 =	vld [tilespmem:s12+$0x8800]  }
0x75e: {  	s14 =	sor.u32 $0x3C00, s0;
	v30 =	vld [tilespmem:s13+$0x8800]  }
0x75f: {  	s15 =	sor.u32 $0x3840, s26;
	v20 =	vld [tilespmem:s14+$0x8800]  }
0x760: {  	s16 =	sor.u32 $0x3800, s0;
	v31 =	vld [tilespmem:s15+$0x8800]  }
0x761: {  	s17 =	sor.u32 $0x3830, s26;
	v22 =	vld [tilespmem:s16+$0x8800]  }
0x762: {  	s20 =	sor.u32 $0x3C00, s26;
	v60 =	vld [tilespmem:s17+$0x8800]  }
0x763: {  	s22 =	sor.u32 $0x3820, s26;
	v62 =	vld [tilespmem:s20+$0x8800];
	v17 =	vmul.f32 v17, v10;
	v61 =	vmul.f32 v21, v8  }
0x764: {  	s23 =	sor.u32 $0x3C10, s26;
	v36 =	vld [tilespmem:s22+$0x8800];
	v23 =	vmul.f32 v23, v7;
	v19 =	vmul.f32 v19, v15  }
0x765: {  	s18 =	sor.u32 $0x3810, s0;
	v37 =	vld [tilespmem:s23+$0x8800];
	v35 =	vmul.f32 v24, v6;
	v29 =	vmul.f32 v29, v1  }
0x766: {  	s21 =	sor.u32 $0x3C70, s0;
	v21 =	vld [tilespmem:s18+$0x8800];
	v27 =	vmul.f32 v27, v14;
	v31 =	vmul.f32 v31, v12  }
0x767: {  	s30 =	sor.u32 $0x3870, s0;
	v24 =	vld [tilespmem:s21+$0x8800];
	v33 =	vadd.f32 v19, v61;
	v35 =	vadd.f32 v17, v35  }
0x768: {  	s24 =	sor.u32 $0x3C20, s0;
	v63 =	vmul.f32 v26, v5;
	v26 =	vld [tilespmem:s30+$0x8800];
	v29 =	vadd.f32 v23, v29;
	v27 =	vadd.f32 v27, v31  }
0x769: {  	s25 =	sor.u32 $0x3C50, s0;
	s1 =	sor.u32 $0x3810, s26;
	v38 =	vmul.f32 v30, v11;
	v17 =	vmul.f32 v25, v12;
	v25 =	vld [tilespmem:s24+$0x8800]  }
0x76a: {  	s28 =	sor.u32 $0x3C60, s0;
	s29 =	sor.u32 $0x3850, s0;
	s2 =	sor.u32 $0x3C30, s0;
	v19 =	vmul.f32 v18, v13;
	v18 =	vadd.f32 v33, v35;
	v27 =	vadd.f32 v29, v27;
	v29 =	vld [tilespmem:s1+$0x8800]  }
0x76b: {  	s26 =	sor.u32 $0x3820, s0;
	s20 =	simm.s32 $0x0;
	s31 =	sor.u32 $0x3860, s0;
	v32 =	vmul.f32 v60, v0;
	v36 =	vmul.f32 v36, v3;
	v23 =	vld [tilespmem:s25+$0x8800]  }
0x76c: {  	s22 =	simm.s32 $0x1080;
	s23 =	simm.s32 $0x1000;
	s21 =	sor.u32 $0x3830, s0;
	v31 =	vmul.f32 v62, v9;
	v33 =	vmul.f32 v28, v4;
	v18 =	vadd.f32 v18, v27;
	v27 =	vld [tilespmem:s31+$0x8800]  }
0x76d: {  	v30 =	vmul.f32 v37, v13;
	v32 =	vadd.f32 v63, v32;
	v34 =	vadd.f32 v38, v36;
	s24 =	sadd.s32 $0x100, s19;
	s25 =	simm.s32 $0x2;
	v28 =	vld [tilespmem:s26+$0x8800];
	s26 =	simm.s32 $0x1  }
.LBB2_33:
0x76e: {  	s0 =	sand.u32 $0x7, s25;
	s1 =	sand.u32 $0x3, s26;
	s20 =	sadd.s32 $0x2, s20;
	v35 =	vmul.f32 v16, v14;
	v16 =	vld [tilespmem:s28+$0x8800];
	v24 =	vmul.f32 v24, v15;
	v31 =	vadd.f32 v31, v33  }
0x76f: {  	v25 =	vmul.f32 v25, v11;
	s0 =	sshll.u32 s0, $0x7;
	s1 =	sshll.u32 s1, $0x8;
	p1 =	slt.u32 s20, $0xE;
	v33 =	vld [tilespmem:s2+$0x8800];
	v29 =	vmul.f32 v29, v2;
	v32 =	vadd.f32 v32, v34  }
0x770: {  	v20 =	vmul.f32 v20, v9;
	s6 =	sadd.s32 s0, s22;
	s5 =	sadd.s32 s1, s23;
	v34 =	vld [tilespmem:s29+$0x8800];
	v26 =	vmul.f32 v26, v8  }
0x771: {  	v22 =	vmul.f32 v22, v4;
	s0 =	sor.u32 $0x3C10, s5;
	s10 =	sor.u32 $0x3C70, s5;
	s1 =	sor.u32 $0x3C70, s6;
	v36 =	vld [tilespmem:s21+$0x8800];
	v27 =	vmul.f32 v27, v6;
	v29 =	vadd.f32 v30, v29  }
0x772: {  	v21 =	vmul.f32 v21, v2;
	s17 =	sor.u32 $0x3810, s5;
	s28 =	sor.u32 $0x3C60, s5;
	s2 =	sor.u32 $0x3C60, s6;
	v30 =	vld [tilespmem:s0+$0x8800];
	v28 =	vmul.f32 v28, v3  }
0x773: {  	v20 =	vadd.f32 v20, v22;
	s3 =	sor.u32 $0x3C40, s5;
	s11 =	sor.u32 $0x3C50, s5;
	s0 =	sor.u32 $0x3820, s5;
	v37 =	vld [tilespmem:s2+$0x8800];
	v22 =	vmul.f32 v16, v10;
	v29 =	vadd.f32 v29, v31  }
0x774: {  	v23 =	vmul.f32 v23, v7;
	v19 =	vadd.f32 v19, v21;
	s21 =	sor.u32 $0x3830, s5;
	s29 =	sor.u32 $0x3850, s5;
	s2 =	sor.u32 $0x3C50, s6;
	v16 =	vld [tilespmem:s3+$0x8800];
	v21 =	vmul.f32 v33, v5  }
0x775: {  	s12 =	sor.u32 $0x3800, s5;
	s13 =	sor.u32 $0x3860, s5;
	s3 =	sor.u32 $0x3840, s5;
	v25 =	vadd.f32 v25, v28;
	v31 =	vld [tilespmem:s1+$0x8800];
	v33 =	vmul.f32 v34, v1;
	v22 =	vadd.f32 v22, v27  }
0x776: {  	s8 =	sor.u32 $0x3870, s5;
	s9 =	sor.u32 $0x3C20, s5;
	s4 =	sor.u32 $0x3870, s6;
	v19 =	vadd.f32 v19, v20;
	v20 =	vadd.f32 v32, v29;
	v27 =	vld [tilespmem:s2+$0x8800];
	v28 =	vmul.f32 v36, v0  }
0x777: {  	v17 =	vadd.f32 v35, v17;
	s1 =	sor.u32 $0x3C00, s6;
	s2 =	sor.u32 $0x3800, s6;
	v29 =	vld [tilespmem:s3+$0x8800];
	s3 =	sor.u32 $0x3810, s6;
	v23 =	vadd.f32 v23, v33  }
0x778: {  	s18 =	sor.u32 $0x3820, s6;
	s7 =	sor.u32 $0x3840, s6;
	s15 =	sor.u32 $0x3860, s6;
	v24 =	vadd.f32 v24, v26;
	v32 =	vld [tilespmem:s2+$0x8800];
	v21 =	vadd.f32 v21, v28  }
0x779: {  	s14 =	sor.u32 $0x3C10, s6;
	s16 =	sor.u32 $0x3C30, s6;
	v26 =	vld [tilespmem:s4+$0x8800];
	s4 =	sor.u32 $0x3C20, s6;
	v23 =	vadd.f32 v23, v17  }
0x77a: {  	v22 =	vadd.f32 v24, v22;
	s2 =	sor.u32 $0x3C30, s5;
	v28 =	vld [tilespmem:s15+$0x8800];
	s15 =	sor.u32 $0x3C40, s6;
	v21 =	vadd.f32 v21, v25  }
0x77b: {  	s30 =	sor.u32 $0x3850, s6;
	v18 =	vadd.f32 v18, v20;
	v25 =	vld [tilespmem:s16+$0x8800]  }
0x77c: {  	v20 =	vadd.f32 v22, v23;
	v17 =	vmul.f32 v29, v12;
	v24 =	vld [tilespmem:s15+$0x8800];
	v19 =	vadd.f32 v21, v19  }
0x77d: {  	s6 =	sor.u32 $0x3830, s6;
	[tilespmem:s19+$0x0] =	vst.add.f32.msk $0xffff, v18  }
0x77e: {  	v21 =	vmul.f32 v37, v10;
	v18 =	vld [tilespmem:s30+$0x8800];
	v19 =	vadd.f32 v20, v19  }
0x77f: {  	v22 =	vmul.f32 v26, v8;
	v26 =	vmul.f32 v27, v7;
	v23 =	vld [tilespmem:s4+$0x8800]  }
0x780: {  	v27 =	vmul.f32 v31, v15;
	s4 =	sor.u32 $0x3C00, s5;
	[tilespmem:s19+$0xFFFFFF80] =	vst.add.f32.msk $0xffff, v19;
	s19 =	smov.u32 s24  }
0x781: {  	v19 =	vmul.f32 v30, v13;
	v20 =	vld [tilespmem:s4+$0x8800]  }
0x782: {  	v28 =	vmul.f32 v28, v6;
	v27 =	vadd.f32 v27, v22;
	v29 =	vld [tilespmem:s7+$0x8800]  }
0x783: {  	v22 =	vld [tilespmem:s12+$0x8800];
	v18 =	vmul.f32 v18, v1  }
0x784: {  	v28 =	vadd.f32 v21, v28;
	v30 =	vld [tilespmem:s6+$0x8800]  }
0x785: {  	v21 =	vld [tilespmem:s17+$0x8800];
	v18 =	vadd.f32 v26, v18  }
0x786: {  	v27 =	vadd.f32 v27, v28;
	v34 =	vmul.f32 v23, v11;
	v23 =	vmul.f32 v24, v14;
	v26 =	vld [tilespmem:s1+$0x8800]  }
0x787: {  	v35 =	vmul.f32 v25, v5;
	v24 =	vld [tilespmem:s10+$0x8800];
	v28 =	vmul.f32 v29, v12  }
0x788: {  	v33 =	vld [tilespmem:s18+$0x8800]  }
0x789: {  	v36 =	vld [tilespmem:s14+$0x8800];
	v28 =	vadd.f32 v23, v28  }
0x78a: {  	v37 =	vmul.f32 v30, v0;
	v25 =	vld [tilespmem:s9+$0x8800]  }
.Ltmp15:
0x78b: {  	v23 =	vld [tilespmem:s11+$0x8800];
	v18 =	vadd.f32 v18, v28;
	(pc) =	sbr.rel @p1 .LBB2_33-.Ltmp15, $4  }
0x78c: {  	v31 =	vmul.f32 v26, v9;
	v29 =	vld [tilespmem:s3+$0x8800]  }
0x78d: {  	v26 =	vld [tilespmem:s8+$0x8800];
	v38 =	vmul.f32 v33, v3;
	v18 =	vadd.f32 v27, v18  }
0x78e: {  	s22 =	sadd.s32 $0x1000, s22;
	s23 =	sadd.s32 $0x1000, s23;
	v33 =	vmul.f32 v32, v4;
	v32 =	vadd.f32 v35, v37;
	v27 =	vld [tilespmem:s13+$0x8800];
	v30 =	vmul.f32 v36, v13  }
0x78f: {  	s25 =	sadd.s32 $0x2, s25;
	s26 =	sadd.s32 $0x1, s26;
	s24 =	sadd.s32 $0x100, s24;
	v28 =	vld [tilespmem:s0+$0x8800];
	v34 =	vadd.f32 v34, v38  }
0x790: {  	v12 =	vld [tilespmem:s28+$0x8800];
	v13 =	vmul.f32 v16, v14  }
0x791: {  	v48 =	vmul.f32 v24, v15;
	v49 =	vld [tilespmem:s2+$0x8800];
	v11 =	vmul.f32 v25, v11  }
0x792: {  	v52 =	vld [tilespmem:s29+$0x8800];
	v9 =	vmul.f32 v20, v9;
	v4 =	vmul.f32 v22, v4  }
0x793: {  	v50 =	vadd.f32 v31, v33;
	v54 =	vld [tilespmem:s21+$0x8800];
	v56 =	vmul.f32 v21, v2;
	v7 =	vmul.f32 v23, v7  }
0x794: {  	v51 =	vmul.f32 v29, v2;
	v53 =	vadd.f32 v32, v34;
	v4 =	vadd.f32 v9, v4  }
0x795: {  	v8 =	vmul.f32 v26, v8;
	v2 =	vadd.f32 v19, v56;
	v59 =	vadd.f32 v13, v17  }
0x796: {  	v6 =	vmul.f32 v27, v6;
	v55 =	vadd.f32 v30, v51;
	v3 =	vmul.f32 v28, v3  }
0x797: {  	v60 =	vadd.f32 v48, v8;
	v57 =	vmul.f32 v12, v10;
	v1 =	vmul.f32 v52, v1  }
0x798: {  	v2 =	vadd.f32 v2, v4;
	v5 =	vmul.f32 v49, v5;
	v0 =	vmul.f32 v54, v0  }
0x799: {  	v3 =	vadd.f32 v11, v3;
	v1 =	vadd.f32 v7, v1  }
0x79a: {  	v6 =	vadd.f32 v57, v6;
	v0 =	vadd.f32 v5, v0  }
0x79b: {  	v58 =	vadd.f32 v55, v50;
	v1 =	vadd.f32 v1, v59  }
0x79c: {  	v0 =	vadd.f32 v0, v3;
	v61 =	vadd.f32 v60, v6  }
0x79d: {  	v62 =	vadd.f32 v53, v58  }
.Ltmp16:
0x79e: {  	v0 =	vadd.f32 v0, v2;
	v1 =	vadd.f32 v61, v1;
	(pc) =	sbr.rel @p0 .LBB2_2-.Ltmp16, $4  }
0x79f: {  	v63 =	vadd.f32 v18, v62  }
0x7a0: {  	v0 =	vadd.f32 v1, v0  }
0x7a1: {  	[tilespmem:s19+$0x0] =	vst.add.f32.msk $0xffff, v63  }
0x7a2: {  	p1 =	por $0x0, $0x0;
	[tilespmem:s19+$0xFFFFFF80] =	vst.add.f32.msk $0xffff, v0;
	s19 =	simm.s32 $0x20  }
0x7a3: {  	s10 =	simm.s32 $0x0  }
0x7a4: {  	s0 =	rddreg [dreg:$0x8];
	s1 =	simm.s32 $0x10800;
	s3 =	simm.s32 $0x3  }
0x7a5: {  	[hbm4b:s0+s10] =	stream.linear.scatter [tilespmem:s1], [sflag:$0x3], $0x2000, $0x38;
	[tilespmem:$0x12800] =	vst v63  }
0x7a6: {  	_ =	swait.ge [sflag:s3], $0x2000  }
0x7a7: {  	s30 =	rddreg [dreg:$0xa]  }
0x7a8: {  	s31 =	rddreg [dreg:$0x9];
	s1 =	sadd.s32 $0x1, s30  }
0x7a9: {  	p0 =	sne.s32 s1, s31  }
.Ltmp17:
0x7aa: {  	_ = 	snop;
	(pc) =	sbr.rel @p0 .LBB2_1-.Ltmp17, $3  }
0x7ab: {  	_ =	sdelay $0x1  }
0x7ac: {  	[sflag:s3] =	ssyncset.done $0x0  }
0x7ad: {  	[sflag:s3] =	ssyncadd.s32 $0xFFFFE000  }
0x7ae: {  	_ =	sfence.sel $0x180000  }
0x7af: {  	[bflag:$0x0] =	sbarrier.arrive $0xFFFF  }
0x7b0: {  	_ =	strace $0x90000047  }
0x7b1: {  	s0 =	stileid.u32;
	[bflag:$0x2] =	sbarrier.arrive $0xFFFF  }
0x7b2: {  	p0 =	sne.s32 s0, $0x0;
	s0 =	rddreg [dreg:$0x3]  }
0x7b3: {  	s0 =	sadd.s32 @!p0 $0x100000, s0  }
0x7b4: {  	[sflag:s0] =	ssyncadd.tile.s32 @!p0 $0x1;
	_ =	shalt  }
.Lfunc_end2:
_tile_overlayer_lowered:
.L_overlay_start_2:
0x7b5: {  	(tag) =	ssettag $0x2  }
0x7b6: {  	s0 =	rddreg [dreg:$0x0];
	s2 =	stileid.u32  }
0x7b7: {  	s1 =	rddreg [dreg:$0x1];
	p0 =	sne.s32 s2, $0x0  }
0x7b8: {  	s3 =	rddreg [dreg:$0x2];
	[bflag:$0x3] =	sbarrier.arrive $0xFFFF;
	s2 =	simm.s32 @!p0 $0x1C03  }
0x7b9: {  	[timem:s3], [sflag:s2] =	dma.local @!p0 [hbm:s0], s1  }
0x7ba: {  	s0 =	simm.s32 @!p0 $0x3  }
0x7bb: {  	_ =	swait.ge @!p0 [sflag:s0], s1  }
0x7bc: {  	s1 =	ssub.s32 @!p0 $0x0, s1;
	[sflag:s0] =	ssyncset.done @!p0 $0x0  }
0x7bd: {  	[sflag:s0] =	ssyncadd.s32 @!p0 s1  }
0x7be: {  	[bflag:$0x3] =	sbarrier.arrive $0xFFFF  }
0x7bf: {  	_ =	shalt  }

</sc_bundles>
